<compile_context>
chip_gen: v7x
topology: tpu7x:2x2x1
jax: 0.10.2.dev20260603
libtpu: 0.0.44.dev20260713+nightly
codegen_flags: <defaults>
</compile_context>

<pallas_src>
import dataclasses
import functools

import jax
import jax.numpy as jnp
from jax import lax
from jax.experimental import pallas as pl
from jax.experimental.pallas import tpu as pltpu
from jax.experimental.pallas import tpu_sc as plsc

def _sc_compiler_params():
    cp = pltpu.CompilerParams()
    if "needs_layout_passes" in pltpu.CompilerParams.__dataclass_fields__:
        cp = dataclasses.replace(cp, needs_layout_passes=False)
    return cp


NC = 2
NS = 16
NW = NC * NS
K = 112


def _sc_aggregate(y, ei_flat):
    n, d = y.shape
    e = ei_flat.shape[0] // 2
    e_per_w = e // NW
    chunks = e_per_w // K
    kt = e_per_w - chunks * K
    assert chunks % 4 == 1 and chunks >= 5
    assert 0 < kt <= 128 and kt % 8 == 0
    quads = (chunks - 1) // 4
    rps = (n // NS) // 8 * 8
    rlast = n - (NS - 1) * rps

    mesh = plsc.VectorSubcoreMesh(core_axis_name="c", subcore_axis_name="s")

    @functools.partial(
        pl.kernel,
        out_type=jax.ShapeDtypeStruct((NC, n, d), jnp.float32),
        mesh=mesh,
        scratch_types=[
            pltpu.VMEM((4, K), jnp.int32),
            pltpu.VMEM((4, K), jnp.int32),
            pltpu.VMEM((2, K, d), jnp.float32),
            pltpu.VMEM((kt,), jnp.int32),
            pltpu.VMEM((kt,), jnp.int32),
            pltpu.VMEM((kt, d), jnp.float32),
            pltpu.VMEM_SHARED((n, d), jnp.float32),
            pltpu.SemaphoreType.DMA,
            pltpu.SemaphoreType.DMA,
            pltpu.SemaphoreType.DMA,
            pltpu.SemaphoreType.DMA,
            pltpu.SemaphoreType.DMA,
            pltpu.SemaphoreType.DMA,
            pltpu.SemaphoreType.DMA,
            pltpu.SemaphoreType.DMA,
            pltpu.SemaphoreType.DMA,
            pltpu.SemaphoreType.DMA,
        ],
    )
    def k(y_hbm, ei_hbm, out_hbm, src_v, dst_v, rows_v, src_t, dst_t, rows_t,
          z_sh, si0, si1, si2, si3, sg0, sg1, ss0, ss1, sit, sgt):
        cid = lax.axis_index("c")
        sid = lax.axis_index("s")
        wid = cid * NS + sid
        r0 = sid * rps
        base = wid * e_per_w
        s_i = (si0, si1, si2, si3)
        s_g = (sg0, sg1)
        s_s = (ss0, ss1)

        def start_idx(c, q):
            off = base + c * K
            pltpu.async_copy(ei_hbm.at[pl.ds(off, K)], src_v.at[q], s_i[q])
            pltpu.async_copy(ei_hbm.at[pl.ds(e + off, K)], dst_v.at[q],
                             s_i[q])

        def wait_idx(c, q):
            off = base + c * K
            pltpu.make_async_copy(ei_hbm.at[pl.ds(off, K)], src_v.at[q],
                                  s_i[q]).wait()
            pltpu.make_async_copy(ei_hbm.at[pl.ds(e + off, K)], dst_v.at[q],
                                  s_i[q]).wait()

        def start_gather(q, b):
            pltpu.async_copy(y_hbm.at[src_v.at[q]], rows_v.at[b], s_g[b])

        def wait_gather(q, b):
            pltpu.make_async_copy(y_hbm.at[src_v.at[q]], rows_v.at[b],
                                  s_g[b]).wait()

        def start_scatter(q, b):
            pltpu.async_copy(rows_v.at[b], z_sh.at[dst_v.at[q]], s_s[b],
                             add=True)

        def wait_scatter(q, b):
            pltpu.make_async_copy(rows_v.at[b], z_sh.at[dst_v.at[q]],
                                  s_s[b]).wait()

        for q in range(4):
            start_idx(q, q)
        toff = base + chunks * K
        pltpu.async_copy(ei_hbm.at[pl.ds(toff, kt)], src_t, sit)
        pltpu.async_copy(ei_hbm.at[pl.ds(e + toff, kt)], dst_t, sit)

        @pl.when(sid < NS - 1)
        def _():
            pltpu.sync_copy(y_hbm.at[pl.ds(r0, rps)],
                            z_sh.at[pl.ds(r0, rps)])

        @pl.when(sid == NS - 1)
        def _():
            pltpu.sync_copy(y_hbm.at[pl.ds((NS - 1) * rps, rlast)],
                            z_sh.at[pl.ds((NS - 1) * rps, rlast)])

        wait_idx(0, 0)
        start_gather(0, 0)
        pltpu.make_async_copy(ei_hbm.at[pl.ds(toff, kt)], src_t, sit).wait()
        pltpu.make_async_copy(ei_hbm.at[pl.ds(e + toff, kt)], dst_t,
                              sit).wait()
        pltpu.async_copy(y_hbm.at[src_t], rows_t, sgt)
        plsc.subcore_barrier()

        @pl.loop(0, quads)
        def _(j):
            for q in range(4):
                c = 4 * j + q
                b = q % 2
                nb = 1 - b
                nq = (q + 1) % 4
                pq = (q + 3) % 4
                if q == 0:
                    @pl.when(j > 0)
                    def _():
                        wait_scatter(pq, nb)
                        start_idx(c + 3, pq)
                else:
                    wait_scatter(pq, nb)
                    if q <= 1:
                        start_idx(c + 3, pq)
                    else:
                        @pl.when(j < quads - 1)
                        def _():
                            start_idx(c + 3, pq)
                wait_idx(c + 1, nq)
                start_gather(nq, nb)
                wait_gather(q, b)
                start_scatter(q, b)

        wait_scatter(3, 1)
        wait_gather(0, 0)
        pltpu.sync_copy(rows_v.at[0], z_sh.at[dst_v.at[0]], add=True)
        pltpu.make_async_copy(y_hbm.at[src_t], rows_t, sgt).wait()
        pltpu.sync_copy(rows_t, z_sh.at[dst_t], add=True)

        plsc.subcore_barrier()

        @pl.when(sid < NS - 1)
        def _():
            pltpu.sync_copy(z_sh.at[pl.ds(r0, rps)],
                            out_hbm.at[cid, pl.ds(r0, rps)])

        @pl.when(sid == NS - 1)
        def _():
            pltpu.sync_copy(z_sh.at[pl.ds((NS - 1) * rps, rlast)],
                            out_hbm.at[cid, pl.ds((NS - 1) * rps, rlast)])

    return k(y, ei_flat)


def _sc_degree(ei_flat, n):
    e = ei_flat.shape[0] // 2
    e_per_w = e // NW

    mesh = plsc.VectorSubcoreMesh(core_axis_name="c", subcore_axis_name="s")

    @functools.partial(
        pl.kernel,
        out_type=jax.ShapeDtypeStruct((NW * n,), jnp.float32),
        mesh=mesh,
        scratch_types=[
            pltpu.VMEM((e_per_w,), jnp.int32),
            pltpu.VMEM((n,), jnp.float32),
        ],
        compiler_params=_sc_compiler_params(),
    )
    def k(ei_hbm, out_hbm, dst_v, deg_v):
        cid = lax.axis_index("c")
        sid = lax.axis_index("s")
        wid = cid * NS + sid
        pltpu.sync_copy(ei_hbm.at[pl.ds(e + wid * e_per_w, e_per_w)], dst_v)

        zeros = jnp.zeros((16,), jnp.float32)
        n_main = n // 128 * 128

        @pl.loop(0, n_main, step=128)
        def _(i):
            for u in range(8):
                deg_v[pl.ds(i + u * 16, 16)] = zeros

        for t in range(n_main, n, 16):
            deg_v[pl.ds(t, 16)] = zeros

        ones = jnp.ones((16,), jnp.float32)
        e_main = e_per_w // 128 * 128

        @pl.loop(0, e_main, step=128)
        def _(i):
            for u in range(8):
                plsc.addupdate_scatter(deg_v, [dst_v[pl.ds(i + u * 16, 16)]],
                                       ones)

        for t in range(e_main, e_per_w, 16):
            plsc.addupdate_scatter(deg_v, [dst_v[pl.ds(t, 16)]], ones)

        pltpu.sync_copy(deg_v, out_hbm.at[pl.ds(wid * n, n)])

    return k(ei_flat)


def _prescale_body(degp_ref, x_ref, dinv_ref, y1_ref):
    deg = jnp.sum(degp_ref[...], axis=1, keepdims=True) + 1.0
    dinv = lax.rsqrt(deg)
    dinv_ref[...] = dinv
    y1_ref[...] = x_ref[...] * dinv


def _tc_prescale(degp, x):
    n = x.shape[0]
    bn = 2000
    g = n // bn
    return pl.pallas_call(
        _prescale_body,
        grid=(g,),
        in_specs=[
            pl.BlockSpec((bn, NW), lambda i: (i, 0)),
            pl.BlockSpec((bn, 128), lambda i: (i, 0)),
        ],
        out_specs=[
            pl.BlockSpec((bn, 1), lambda i: (i, 0)),
            pl.BlockSpec((bn, 128), lambda i: (i, 0)),
        ],
        out_shape=[
            jax.ShapeDtypeStruct((n, 1), jnp.float32),
            jax.ShapeDtypeStruct((n, 128), jnp.float32),
        ],
    )(degp, x)


def _mid_body(z1p_ref, y1_ref, dinv_ref, w1_ref, b1_ref, w2_ref, y2_ref):
    dinv = dinv_ref[...]
    a = (z1p_ref[0] + z1p_ref[1] - y1_ref[...]) * dinv
    pre = jnp.dot(a.astype(jnp.bfloat16), w1_ref[...].astype(jnp.bfloat16),
                  preferred_element_type=jnp.float32)
    pre = pre + b1_ref[...][None, :]
    h = jnp.where(pre > 0, pre, 0.01 * pre)
    hw = jnp.dot(h.astype(jnp.bfloat16), w2_ref[...].astype(jnp.bfloat16),
                 preferred_element_type=jnp.float32)
    y2_ref[...] = hw * dinv


def _tc_mid(z1p, y1, dinv, W1, b1, W2):
    n = y1.shape[0]
    bn = 2000
    g = n // bn
    dh = W1.shape[1]
    return pl.pallas_call(
        _mid_body,
        grid=(g,),
        in_specs=[
            pl.BlockSpec((NC, bn, 128), lambda i: (0, i, 0)),
            pl.BlockSpec((bn, 128), lambda i: (i, 0)),
            pl.BlockSpec((bn, 1), lambda i: (i, 0)),
            pl.BlockSpec((128, dh), lambda i: (0, 0)),
            pl.BlockSpec((dh,), lambda i: (0,)),
            pl.BlockSpec((dh, 128), lambda i: (0, 0)),
        ],
        out_specs=pl.BlockSpec((bn, 128), lambda i: (i, 0)),
        out_shape=jax.ShapeDtypeStruct((n, 128), jnp.float32),
    )(z1p, y1, dinv, W1, b1, W2)


def _final_body(z2p_ref, y2_ref, dinv_ref, b2_ref, batch_ref, out_ref,
                sums_ref, cnt_ref, ng):
    i = pl.program_id(0)
    bn = y2_ref.shape[0]
    ne = (z2p_ref[0] + z2p_ref[1] - y2_ref[...]) * dinv_ref[...]
    ne = ne + b2_ref[...][None, :]
    seg = batch_ref[0]
    oh = (seg == lax.broadcasted_iota(jnp.int32, (ng, bn), 0))
    oh = oh.astype(jnp.float32)
    dn = (((1,), (0,)), ((), ()))
    sums = lax.dot_general(oh, ne, dn, preferred_element_type=jnp.float32)
    cnt = lax.dot_general(oh, jnp.ones((bn, 1), jnp.float32), dn,
                          preferred_element_type=jnp.float32)

    @pl.when(i == 0)
    def _():
        sums_ref[...] = jnp.zeros_like(sums_ref)
        cnt_ref[...] = jnp.zeros_like(cnt_ref)

    sums_ref[...] += sums
    cnt_ref[...] += cnt

    @pl.when(i == pl.num_programs(0) - 1)
    def _():
        out_ref[...] = sums_ref[...] / jnp.maximum(cnt_ref[...], 1.0)


def _tc_final(z2p, y2, dinv, b2, batch_rows, ng):
    n = y2.shape[0]
    bn = 2000
    g = n // bn
    return pl.pallas_call(
        functools.partial(_final_body, ng=ng),
        grid=(g,),
        in_specs=[
            pl.BlockSpec((NC, bn, 128), lambda i: (0, i, 0)),
            pl.BlockSpec((bn, 128), lambda i: (i, 0)),
            pl.BlockSpec((bn, 1), lambda i: (i, 0)),
            pl.BlockSpec((128,), lambda i: (0,)),
            pl.BlockSpec((1, 1, bn), lambda i: (i, 0, 0)),
        ],
        out_specs=pl.BlockSpec((ng, 128), lambda i: (0, 0)),
        out_shape=jax.ShapeDtypeStruct((ng, 128), jnp.float32),
        scratch_shapes=[
            pltpu.VMEM((ng, 128), jnp.float32),
            pltpu.VMEM((ng, 1), jnp.float32),
        ],
    )(z2p, y2, dinv, b2, batch_rows)


def kernel(x, edge_index, batch, W1, b1, W2, b2):
    n = x.shape[0]
    ng = 64
    ei_flat = edge_index.astype(jnp.int32).reshape(-1)
    batch_rows = batch.astype(jnp.int32).reshape(n // 2000, 1, 2000)

    degp = _sc_degree(ei_flat, n)
    degp = degp.reshape(NW, n).T
    dinv, y1 = _tc_prescale(degp, x)
    z1p = _sc_aggregate(y1, ei_flat)
    y2 = _tc_mid(z1p, y1, dinv, W1, b1, W2)
    z2p = _sc_aggregate(y2, ei_flat)
    return _tc_final(z2p, y2, dinv, b2, batch_rows, ng)

# --- scband reference (transcript-rebuilt; emitter-appended) ---
"""Pipeline reference for scband-gcn-6433861009524 (READ-ONLY COPY).

The authoritative reference and input builder live on the scoring server;
editing this copy changes nothing except your own understanding.
"""

import jax, jax.numpy as jnp
import numpy as np

N_NODES = 10000
N_EDGES = 320000
D_IN = 128
D_HID = 256
D_OUT = 128
N_GRAPHS = 64


def setup_inputs(seed: int = 0) -> dict:
    key = jax.random.key(seed)
    k1, k2, k3, k4, k5, k6, k7 = jax.random.split(key, 7)
    x = jax.random.normal(k1, (N_NODES, D_IN), dtype=jnp.float32)
    edge_index = jax.random.randint(k2, (2, N_EDGES), 0, N_NODES, dtype=jnp.int64)
    batch = jnp.sort(jax.random.randint(k3, (N_NODES,), 0, N_GRAPHS, dtype=jnp.int64))
    # GCNConv parameters (glorot-ish init)
    W1 = jax.random.normal(k4, (D_IN, D_HID), dtype=jnp.float32) * (1.0 / np.sqrt(D_IN))
    b1 = jnp.zeros((D_HID,), dtype=jnp.float32)
    W2 = jax.random.normal(k5, (D_HID, D_OUT), dtype=jnp.float32) * (1.0 / np.sqrt(D_HID))
    b2 = jnp.zeros((D_OUT,), dtype=jnp.float32)
    return {"x": x, "edge_index": edge_index, "batch": batch, "W1": W1, "b1": b1, "W2": W2, "b2": b2}


def _gcn_conv(x, edge_index, W, b):
    # PyG GCNConv: out = D^{-1/2} (A + I) D^{-1/2} X W + b, self-loops added, edge weight 1
    n = x.shape[0]
    loop = jnp.arange(n, dtype=edge_index.dtype)
    src = jnp.concatenate([edge_index[0], loop])
    dst = jnp.concatenate([edge_index[1], loop])
    deg = jnp.zeros((n,), dtype=x.dtype).at[dst].add(1.0)
    dinv = jnp.where(deg > 0, deg ** -0.5, 0.0)
    xw = x @ W
    norm = dinv[src] * dinv[dst]
    msg = xw[src] * norm[:, None]
    out = jnp.zeros((n, W.shape[1]), dtype=x.dtype).at[dst].add(msg)
    return out + b


def reference(x, edge_index, batch, W1, b1, W2, b2):
    # layer 1 + leaky_relu (act_type='leakyrelu'); dropout is identity in eval mode
    h = _gcn_conv(x, edge_index, W1, b1)
    h = jax.nn.leaky_relu(h, negative_slope=0.01)
    # final layer (no activation)
    node_emb = _gcn_conv(h, edge_index, W2, b2)
    # global_mean_pool over batch ids
    sums = jax.ops.segment_sum(node_emb, batch, num_segments=N_GRAPHS)
    counts = jax.ops.segment_sum(jnp.ones((node_emb.shape[0],), dtype=node_emb.dtype), batch, num_segments=N_GRAPHS)
    graph_emb = sums / jnp.clip(counts, 1.0)[:, None]
    return graph_emb

if __name__ == "__main__":
    import jax
    _d = setup_inputs()
    print(jax.jit(kernel)(*tuple(_d.values())))

</pallas_src>

<mosaic_0001>
#map = affine_map<(d0, d1) -> (0, 0)>
#map1 = affine_map<(d0, d1) -> (0)>
#map2 = affine_map<(d0, d1) -> (0, 0, 0)>
module attributes {stable_mosaic.version = 14 : i64} {
  func.func @k(%arg0: i32, %arg1: i32, %arg2: memref<10000x128xf32, #tpu.memory_space<hbm>>, %arg3: memref<640000xi32, #tpu.memory_space<hbm>>, %arg4: memref<2x10000x128xf32, #tpu.memory_space<hbm>>, %arg5: memref<4x112xi32, #tpu.memory_space<vmem>>, %arg6: memref<4x112xi32, #tpu.memory_space<vmem>>, %arg7: memref<2x112x128xf32, #tpu.memory_space<vmem>>, %arg8: memref<32xi32, #tpu.memory_space<vmem>>, %arg9: memref<32xi32, #tpu.memory_space<vmem>>, %arg10: memref<32x128xf32, #tpu.memory_space<vmem>>, %arg11: memref<10000x128xf32, #tpu.memory_space<vmem_shared>>, %arg12: memref<!tpu.dma_semaphore, #tpu.memory_space<semaphore_mem>>, %arg13: memref<!tpu.dma_semaphore, #tpu.memory_space<semaphore_mem>>, %arg14: memref<!tpu.dma_semaphore, #tpu.memory_space<semaphore_mem>>, %arg15: memref<!tpu.dma_semaphore, #tpu.memory_space<semaphore_mem>>, %arg16: memref<!tpu.dma_semaphore, #tpu.memory_space<semaphore_mem>>, %arg17: memref<!tpu.dma_semaphore, #tpu.memory_space<semaphore_mem>>, %arg18: memref<!tpu.dma_semaphore, #tpu.memory_space<semaphore_mem>>, %arg19: memref<!tpu.dma_semaphore, #tpu.memory_space<semaphore_mem>>, %arg20: memref<!tpu.dma_semaphore, #tpu.memory_space<semaphore_mem>>, %arg21: memref<!tpu.dma_semaphore, #tpu.memory_space<semaphore_mem>>) attributes {dimension_semantics = [#tpu.dimension_semantics<core_parallel>, #tpu.dimension_semantics<subcore_parallel>], iteration_bounds = array<i64: 2, 16>, scalar_prefetch = 0 : i64, scratch_operands = 17 : i64, tpu.core_type = #tpu.core_type<sc_vector_subcore>, window_params = [{transform_indices = #map}, {transform_indices = #map1}, {transform_indices = #map2}]} {
    %mul3A = arith.constant 16 : i32
    %mul3A_0 = arith.muli %arg0, %mul3A : i32
    %add3A = arith.addi %mul3A_0, %arg1 : i32
    %mul3A_1 = arith.constant 624 : i32
    %mul3A_2 = arith.muli %arg1, %mul3A_1 : i32
    %mul3A_3 = arith.constant 10000 : i32
    %mul3A_4 = arith.muli %add3A, %mul3A_3 : i32
    %add3A_5 = arith.constant 0 : i32
    %add3A_6 = arith.addi %mul3A_4, %add3A_5 : i32
    %dma_start3A = arith.constant 0 : i32
    %dma_start3A_7 = arith.constant 0 : i32
    %dma_start3A_8 = tpu.memref_slice %arg5[%dma_start3A, %dma_start3A_7] : memref<4x112xi32, #tpu.memory_space<vmem>> -> memref<1x112xi32, #tpu.memory_space<vmem>>
    %dma_start3A_9 = tpu.memref_squeeze %dma_start3A_8 : memref<1x112xi32, #tpu.memory_space<vmem>> -> memref<112xi32, #tpu.memory_space<vmem>>
    %dma_start3A_10 = tpu.memref_slice %arg3[%add3A_6] : memref<640000xi32, #tpu.memory_space<hbm>> -> memref<112xi32, #tpu.memory_space<hbm>>
    %dma_start3A_11 = arith.constant 0 : i32
    %dma_start3A_12 = tpu.memref_slice %arg5[%dma_start3A, %dma_start3A_11] : memref<4x112xi32, #tpu.memory_space<vmem>> -> memref<1x112xi32, #tpu.memory_space<vmem>>
    %dma_start3A_13 = tpu.memref_squeeze %dma_start3A_12 : memref<1x112xi32, #tpu.memory_space<vmem>> -> memref<112xi32, #tpu.memory_space<vmem>>
    %dma_start3A_14 = tpu.memref_slice %arg3[%add3A_6] : memref<640000xi32, #tpu.memory_space<hbm>> -> memref<112xi32, #tpu.memory_space<hbm>>
    tpu.enqueue_dma source(%dma_start3A_14 : memref<112xi32, #tpu.memory_space<hbm>>) target(%dma_start3A_13 : memref<112xi32, #tpu.memory_space<vmem>>) target_semaphore(%arg12 : memref<!tpu.dma_semaphore, #tpu.memory_space<semaphore_mem>>)
    %add3A_15 = arith.constant 320000 : i32
    %add3A_16 = arith.addi %add3A_15, %add3A_6 : i32
    %dma_start3A_17 = arith.constant 0 : i32
    %dma_start3A_18 = arith.constant 0 : i32
    %dma_start3A_19 = tpu.memref_slice %arg6[%dma_start3A_17, %dma_start3A_18] : memref<4x112xi32, #tpu.memory_space<vmem>> -> memref<1x112xi32, #tpu.memory_space<vmem>>
    %dma_start3A_20 = tpu.memref_squeeze %dma_start3A_19 : memref<1x112xi32, #tpu.memory_space<vmem>> -> memref<112xi32, #tpu.memory_space<vmem>>
    %dma_start3A_21 = tpu.memref_slice %arg3[%add3A_16] : memref<640000xi32, #tpu.memory_space<hbm>> -> memref<112xi32, #tpu.memory_space<hbm>>
    %dma_start3A_22 = arith.constant 0 : i32
    %dma_start3A_23 = tpu.memref_slice %arg6[%dma_start3A_17, %dma_start3A_22] : memref<4x112xi32, #tpu.memory_space<vmem>> -> memref<1x112xi32, #tpu.memory_space<vmem>>
    %dma_start3A_24 = tpu.memref_squeeze %dma_start3A_23 : memref<1x112xi32, #tpu.memory_space<vmem>> -> memref<112xi32, #tpu.memory_space<vmem>>
    %dma_start3A_25 = tpu.memref_slice %arg3[%add3A_16] : memref<640000xi32, #tpu.memory_space<hbm>> -> memref<112xi32, #tpu.memory_space<hbm>>
    tpu.enqueue_dma source(%dma_start3A_25 : memref<112xi32, #tpu.memory_space<hbm>>) target(%dma_start3A_24 : memref<112xi32, #tpu.memory_space<vmem>>) target_semaphore(%arg12 : memref<!tpu.dma_semaphore, #tpu.memory_space<semaphore_mem>>)
    %add3A_26 = arith.constant 112 : i32
    %add3A_27 = arith.addi %mul3A_4, %add3A_26 : i32
    %dma_start3A_28 = arith.constant 1 : i32
    %dma_start3A_29 = arith.constant 0 : i32
    %dma_start3A_30 = tpu.memref_slice %arg5[%dma_start3A_28, %dma_start3A_29] : memref<4x112xi32, #tpu.memory_space<vmem>> -> memref<1x112xi32, #tpu.memory_space<vmem>>
    %dma_start3A_31 = tpu.memref_squeeze %dma_start3A_30 : memref<1x112xi32, #tpu.memory_space<vmem>> -> memref<112xi32, #tpu.memory_space<vmem>>
    %dma_start3A_32 = tpu.memref_slice %arg3[%add3A_27] : memref<640000xi32, #tpu.memory_space<hbm>> -> memref<112xi32, #tpu.memory_space<hbm>>
    %dma_start3A_33 = arith.constant 0 : i32
    %dma_start3A_34 = tpu.memref_slice %arg5[%dma_start3A_28, %dma_start3A_33] : memref<4x112xi32, #tpu.memory_space<vmem>> -> memref<1x112xi32, #tpu.memory_space<vmem>>
    %dma_start3A_35 = tpu.memref_squeeze %dma_start3A_34 : memref<1x112xi32, #tpu.memory_space<vmem>> -> memref<112xi32, #tpu.memory_space<vmem>>
    %dma_start3A_36 = tpu.memref_slice %arg3[%add3A_27] : memref<640000xi32, #tpu.memory_space<hbm>> -> memref<112xi32, #tpu.memory_space<hbm>>
    tpu.enqueue_dma source(%dma_start3A_36 : memref<112xi32, #tpu.memory_space<hbm>>) target(%dma_start3A_35 : memref<112xi32, #tpu.memory_space<vmem>>) target_semaphore(%arg13 : memref<!tpu.dma_semaphore, #tpu.memory_space<semaphore_mem>>)
    %add3A_37 = arith.constant 320000 : i32
    %add3A_38 = arith.addi %add3A_37, %add3A_27 : i32
    %dma_start3A_39 = arith.constant 1 : i32
    %dma_start3A_40 = arith.constant 0 : i32
    %dma_start3A_41 = tpu.memref_slice %arg6[%dma_start3A_39, %dma_start3A_40] : memref<4x112xi32, #tpu.memory_space<vmem>> -> memref<1x112xi32, #tpu.memory_space<vmem>>
    %dma_start3A_42 = tpu.memref_squeeze %dma_start3A_41 : memref<1x112xi32, #tpu.memory_space<vmem>> -> memref<112xi32, #tpu.memory_space<vmem>>
    %dma_start3A_43 = tpu.memref_slice %arg3[%add3A_38] : memref<640000xi32, #tpu.memory_space<hbm>> -> memref<112xi32, #tpu.memory_space<hbm>>
    %dma_start3A_44 = arith.constant 0 : i32
    %dma_start3A_45 = tpu.memref_slice %arg6[%dma_start3A_39, %dma_start3A_44] : memref<4x112xi32, #tpu.memory_space<vmem>> -> memref<1x112xi32, #tpu.memory_space<vmem>>
    %dma_start3A_46 = tpu.memref_squeeze %dma_start3A_45 : memref<1x112xi32, #tpu.memory_space<vmem>> -> memref<112xi32, #tpu.memory_space<vmem>>
    %dma_start3A_47 = tpu.memref_slice %arg3[%add3A_38] : memref<640000xi32, #tpu.memory_space<hbm>> -> memref<112xi32, #tpu.memory_space<hbm>>
    tpu.enqueue_dma source(%dma_start3A_47 : memref<112xi32, #tpu.memory_space<hbm>>) target(%dma_start3A_46 : memref<112xi32, #tpu.memory_space<vmem>>) target_semaphore(%arg13 : memref<!tpu.dma_semaphore, #tpu.memory_space<semaphore_mem>>)
    %add3A_48 = arith.constant 224 : i32
    %add3A_49 = arith.addi %mul3A_4, %add3A_48 : i32
    %dma_start3A_50 = arith.constant 2 : i32
    %dma_start3A_51 = arith.constant 0 : i32
    %dma_start3A_52 = tpu.memref_slice %arg5[%dma_start3A_50, %dma_start3A_51] : memref<4x112xi32, #tpu.memory_space<vmem>> -> memref<1x112xi32, #tpu.memory_space<vmem>>
    %dma_start3A_53 = tpu.memref_squeeze %dma_start3A_52 : memref<1x112xi32, #tpu.memory_space<vmem>> -> memref<112xi32, #tpu.memory_space<vmem>>
    %dma_start3A_54 = tpu.memref_slice %arg3[%add3A_49] : memref<640000xi32, #tpu.memory_space<hbm>> -> memref<112xi32, #tpu.memory_space<hbm>>
    %dma_start3A_55 = arith.constant 0 : i32
    %dma_start3A_56 = tpu.memref_slice %arg5[%dma_start3A_50, %dma_start3A_55] : memref<4x112xi32, #tpu.memory_space<vmem>> -> memref<1x112xi32, #tpu.memory_space<vmem>>
    %dma_start3A_57 = tpu.memref_squeeze %dma_start3A_56 : memref<1x112xi32, #tpu.memory_space<vmem>> -> memref<112xi32, #tpu.memory_space<vmem>>
    %dma_start3A_58 = tpu.memref_slice %arg3[%add3A_49] : memref<640000xi32, #tpu.memory_space<hbm>> -> memref<112xi32, #tpu.memory_space<hbm>>
    tpu.enqueue_dma source(%dma_start3A_58 : memref<112xi32, #tpu.memory_space<hbm>>) target(%dma_start3A_57 : memref<112xi32, #tpu.memory_space<vmem>>) target_semaphore(%arg14 : memref<!tpu.dma_semaphore, #tpu.memory_space<semaphore_mem>>)
    %add3A_59 = arith.constant 320000 : i32
    %add3A_60 = arith.addi %add3A_59, %add3A_49 : i32
    %dma_start3A_61 = arith.constant 2 : i32
    %dma_start3A_62 = arith.constant 0 : i32
    %dma_start3A_63 = tpu.memref_slice %arg6[%dma_start3A_61, %dma_start3A_62] : memref<4x112xi32, #tpu.memory_space<vmem>> -> memref<1x112xi32, #tpu.memory_space<vmem>>
    %dma_start3A_64 = tpu.memref_squeeze %dma_start3A_63 : memref<1x112xi32, #tpu.memory_space<vmem>> -> memref<112xi32, #tpu.memory_space<vmem>>
    %dma_start3A_65 = tpu.memref_slice %arg3[%add3A_60] : memref<640000xi32, #tpu.memory_space<hbm>> -> memref<112xi32, #tpu.memory_space<hbm>>
    %dma_start3A_66 = arith.constant 0 : i32
    %dma_start3A_67 = tpu.memref_slice %arg6[%dma_start3A_61, %dma_start3A_66] : memref<4x112xi32, #tpu.memory_space<vmem>> -> memref<1x112xi32, #tpu.memory_space<vmem>>
    %dma_start3A_68 = tpu.memref_squeeze %dma_start3A_67 : memref<1x112xi32, #tpu.memory_space<vmem>> -> memref<112xi32, #tpu.memory_space<vmem>>
    %dma_start3A_69 = tpu.memref_slice %arg3[%add3A_60] : memref<640000xi32, #tpu.memory_space<hbm>> -> memref<112xi32, #tpu.memory_space<hbm>>
    tpu.enqueue_dma source(%dma_start3A_69 : memref<112xi32, #tpu.memory_space<hbm>>) target(%dma_start3A_68 : memref<112xi32, #tpu.memory_space<vmem>>) target_semaphore(%arg14 : memref<!tpu.dma_semaphore, #tpu.memory_space<semaphore_mem>>)
    %add3A_70 = arith.constant 336 : i32
    %add3A_71 = arith.addi %mul3A_4, %add3A_70 : i32
    %dma_start3A_72 = arith.constant 3 : i32
    %dma_start3A_73 = arith.constant 0 : i32
    %dma_start3A_74 = tpu.memref_slice %arg5[%dma_start3A_72, %dma_start3A_73] : memref<4x112xi32, #tpu.memory_space<vmem>> -> memref<1x112xi32, #tpu.memory_space<vmem>>
    %dma_start3A_75 = tpu.memref_squeeze %dma_start3A_74 : memref<1x112xi32, #tpu.memory_space<vmem>> -> memref<112xi32, #tpu.memory_space<vmem>>
    %dma_start3A_76 = tpu.memref_slice %arg3[%add3A_71] : memref<640000xi32, #tpu.memory_space<hbm>> -> memref<112xi32, #tpu.memory_space<hbm>>
    %dma_start3A_77 = arith.constant 0 : i32
    %dma_start3A_78 = tpu.memref_slice %arg5[%dma_start3A_72, %dma_start3A_77] : memref<4x112xi32, #tpu.memory_space<vmem>> -> memref<1x112xi32, #tpu.memory_space<vmem>>
    %dma_start3A_79 = tpu.memref_squeeze %dma_start3A_78 : memref<1x112xi32, #tpu.memory_space<vmem>> -> memref<112xi32, #tpu.memory_space<vmem>>
    %dma_start3A_80 = tpu.memref_slice %arg3[%add3A_71] : memref<640000xi32, #tpu.memory_space<hbm>> -> memref<112xi32, #tpu.memory_space<hbm>>
    tpu.enqueue_dma source(%dma_start3A_80 : memref<112xi32, #tpu.memory_space<hbm>>) target(%dma_start3A_79 : memref<112xi32, #tpu.memory_space<vmem>>) target_semaphore(%arg15 : memref<!tpu.dma_semaphore, #tpu.memory_space<semaphore_mem>>)
    %add3A_81 = arith.constant 320000 : i32
    %add3A_82 = arith.addi %add3A_81, %add3A_71 : i32
    %dma_start3A_83 = arith.constant 3 : i32
    %dma_start3A_84 = arith.constant 0 : i32
    %dma_start3A_85 = tpu.memref_slice %arg6[%dma_start3A_83, %dma_start3A_84] : memref<4x112xi32, #tpu.memory_space<vmem>> -> memref<1x112xi32, #tpu.memory_space<vmem>>
    %dma_start3A_86 = tpu.memref_squeeze %dma_start3A_85 : memref<1x112xi32, #tpu.memory_space<vmem>> -> memref<112xi32, #tpu.memory_space<vmem>>
    %dma_start3A_87 = tpu.memref_slice %arg3[%add3A_82] : memref<640000xi32, #tpu.memory_space<hbm>> -> memref<112xi32, #tpu.memory_space<hbm>>
    %dma_start3A_88 = arith.constant 0 : i32
    %dma_start3A_89 = tpu.memref_slice %arg6[%dma_start3A_83, %dma_start3A_88] : memref<4x112xi32, #tpu.memory_space<vmem>> -> memref<1x112xi32, #tpu.memory_space<vmem>>
    %dma_start3A_90 = tpu.memref_squeeze %dma_start3A_89 : memref<1x112xi32, #tpu.memory_space<vmem>> -> memref<112xi32, #tpu.memory_space<vmem>>
    %dma_start3A_91 = tpu.memref_slice %arg3[%add3A_82] : memref<640000xi32, #tpu.memory_space<hbm>> -> memref<112xi32, #tpu.memory_space<hbm>>
    tpu.enqueue_dma source(%dma_start3A_91 : memref<112xi32, #tpu.memory_space<hbm>>) target(%dma_start3A_90 : memref<112xi32, #tpu.memory_space<vmem>>) target_semaphore(%arg15 : memref<!tpu.dma_semaphore, #tpu.memory_space<semaphore_mem>>)
    %add3A_92 = arith.constant 9968 : i32
    %add3A_93 = arith.addi %mul3A_4, %add3A_92 : i32
    %dma_start3A_94 = tpu.memref_slice %arg3[%add3A_93] : memref<640000xi32, #tpu.memory_space<hbm>> -> memref<32xi32, #tpu.memory_space<hbm>>
    %dma_start3A_95 = tpu.memref_slice %arg3[%add3A_93] : memref<640000xi32, #tpu.memory_space<hbm>> -> memref<32xi32, #tpu.memory_space<hbm>>
    tpu.enqueue_dma source(%dma_start3A_95 : memref<32xi32, #tpu.memory_space<hbm>>) target(%arg8 : memref<32xi32, #tpu.memory_space<vmem>>) target_semaphore(%arg20 : memref<!tpu.dma_semaphore, #tpu.memory_space<semaphore_mem>>)
    %add3A_96 = arith.constant 320000 : i32
    %add3A_97 = arith.addi %add3A_96, %add3A_93 : i32
    %dma_start3A_98 = tpu.memref_slice %arg3[%add3A_97] : memref<640000xi32, #tpu.memory_space<hbm>> -> memref<32xi32, #tpu.memory_space<hbm>>
    %dma_start3A_99 = tpu.memref_slice %arg3[%add3A_97] : memref<640000xi32, #tpu.memory_space<hbm>> -> memref<32xi32, #tpu.memory_space<hbm>>
    tpu.enqueue_dma source(%dma_start3A_99 : memref<32xi32, #tpu.memory_space<hbm>>) target(%arg9 : memref<32xi32, #tpu.memory_space<vmem>>) target_semaphore(%arg20 : memref<!tpu.dma_semaphore, #tpu.memory_space<semaphore_mem>>)
    %lt3A = arith.constant 15 : i32
    %lt3A_100 = arith.cmpi slt, %arg1, %lt3A : i32
    %convert_element_type3A = arith.extui %lt3A_100 : i1 to i32
    %cond3A = arith.constant 0 : i32
    %cond3A_101 = arith.cmpi ne, %convert_element_type3A, %cond3A : i32
    scf.if %cond3A_101 {
      "tpu.region"() ({
        %run_scoped3A_191 = tpu.sem_alloc : memref<!tpu.dma_semaphore, #tpu.memory_space<semaphore_mem>>
        %dma_start3A_192 = arith.constant 0 : i32
        %dma_start3A_193 = tpu.memref_slice %arg11[%mul3A_2, %dma_start3A_192] : memref<10000x128xf32, #tpu.memory_space<vmem_shared>> -> memref<624x128xf32, #tpu.memory_space<vmem_shared>>
        %dma_start3A_194 = arith.constant 0 : i32
        %dma_start3A_195 = tpu.memref_slice %arg2[%mul3A_2, %dma_start3A_194] : memref<10000x128xf32, #tpu.memory_space<hbm>> -> memref<624x128xf32, #tpu.memory_space<hbm>>
        tpu.enqueue_dma source(%dma_start3A_195 : memref<624x128xf32, #tpu.memory_space<hbm>>) target(%dma_start3A_193 : memref<624x128xf32, #tpu.memory_space<vmem_shared>>) target_semaphore(%run_scoped3A_191 : memref<!tpu.dma_semaphore, #tpu.memory_space<semaphore_mem>>)
        %dma_wait3A_196 = arith.constant 0 : i32
        %dma_wait3A_197 = tpu.memref_slice %arg11[%mul3A_2, %dma_wait3A_196] : memref<10000x128xf32, #tpu.memory_space<vmem_shared>> -> memref<624x128xf32, #tpu.memory_space<vmem_shared>>
        %dma_wait3A_198 = arith.constant 0 : i32
        %dma_wait3A_199 = tpu.memref_slice %arg2[%mul3A_2, %dma_wait3A_198] : memref<10000x128xf32, #tpu.memory_space<hbm>> -> memref<624x128xf32, #tpu.memory_space<hbm>>
        tpu.wait_dma2 semaphore(%run_scoped3A_191 : memref<!tpu.dma_semaphore, #tpu.memory_space<semaphore_mem>>) src(%dma_wait3A_199 : memref<624x128xf32, #tpu.memory_space<hbm>>) dst(%dma_wait3A_197 : memref<624x128xf32, #tpu.memory_space<vmem_shared>>)
        tpu.yield
      }) : () -> ()
    } else {
    }
    %eq3A = arith.constant 15 : i32
    %eq3A_102 = arith.cmpi eq, %arg1, %eq3A : i32
    %convert_element_type3A_103 = arith.extui %eq3A_102 : i1 to i32
    %cond3A_104 = arith.constant 0 : i32
    %cond3A_105 = arith.cmpi ne, %convert_element_type3A_103, %cond3A_104 : i32
    scf.if %cond3A_105 {
      "tpu.region"() ({
        %run_scoped3A_191 = tpu.sem_alloc : memref<!tpu.dma_semaphore, #tpu.memory_space<semaphore_mem>>
        %dma_start3A_192 = arith.constant 9360 : i32
        %dma_start3A_193 = arith.constant 0 : i32
        %dma_start3A_194 = tpu.memref_slice %arg11[%dma_start3A_192, %dma_start3A_193] : memref<10000x128xf32, #tpu.memory_space<vmem_shared>> -> memref<640x128xf32, #tpu.memory_space<vmem_shared>>
        %dma_start3A_195 = arith.constant 9360 : i32
        %dma_start3A_196 = arith.constant 0 : i32
        %dma_start3A_197 = tpu.memref_slice %arg2[%dma_start3A_195, %dma_start3A_196] : memref<10000x128xf32, #tpu.memory_space<hbm>> -> memref<640x128xf32, #tpu.memory_space<hbm>>
        tpu.enqueue_dma source(%dma_start3A_197 : memref<640x128xf32, #tpu.memory_space<hbm>>) target(%dma_start3A_194 : memref<640x128xf32, #tpu.memory_space<vmem_shared>>) target_semaphore(%run_scoped3A_191 : memref<!tpu.dma_semaphore, #tpu.memory_space<semaphore_mem>>)
        %dma_wait3A_198 = arith.constant 9360 : i32
        %dma_wait3A_199 = arith.constant 0 : i32
        %dma_wait3A_200 = tpu.memref_slice %arg11[%dma_wait3A_198, %dma_wait3A_199] : memref<10000x128xf32, #tpu.memory_space<vmem_shared>> -> memref<640x128xf32, #tpu.memory_space<vmem_shared>>
        %dma_wait3A_201 = arith.constant 9360 : i32
        %dma_wait3A_202 = arith.constant 0 : i32
        %dma_wait3A_203 = tpu.memref_slice %arg2[%dma_wait3A_201, %dma_wait3A_202] : memref<10000x128xf32, #tpu.memory_space<hbm>> -> memref<640x128xf32, #tpu.memory_space<hbm>>
        tpu.wait_dma2 semaphore(%run_scoped3A_191 : memref<!tpu.dma_semaphore, #tpu.memory_space<semaphore_mem>>) src(%dma_wait3A_203 : memref<640x128xf32, #tpu.memory_space<hbm>>) dst(%dma_wait3A_200 : memref<640x128xf32, #tpu.memory_space<vmem_shared>>)
        tpu.yield
      }) : () -> ()
    } else {
    }
    %add3A_106 = arith.constant 0 : i32
    %add3A_107 = arith.addi %mul3A_4, %add3A_106 : i32
    %dma_wait3A = arith.constant 0 : i32
    %dma_wait3A_108 = arith.constant 0 : i32
    %dma_wait3A_109 = tpu.memref_slice %arg5[%dma_wait3A, %dma_wait3A_108] : memref<4x112xi32, #tpu.memory_space<vmem>> -> memref<1x112xi32, #tpu.memory_space<vmem>>
    %dma_wait3A_110 = tpu.memref_squeeze %dma_wait3A_109 : memref<1x112xi32, #tpu.memory_space<vmem>> -> memref<112xi32, #tpu.memory_space<vmem>>
    %dma_wait3A_111 = tpu.memref_slice %arg3[%add3A_107] : memref<640000xi32, #tpu.memory_space<hbm>> -> memref<112xi32, #tpu.memory_space<hbm>>
    %dma_wait3A_112 = arith.constant 0 : i32
    %dma_wait3A_113 = tpu.memref_slice %arg5[%dma_wait3A, %dma_wait3A_112] : memref<4x112xi32, #tpu.memory_space<vmem>> -> memref<1x112xi32, #tpu.memory_space<vmem>>
    %dma_wait3A_114 = tpu.memref_squeeze %dma_wait3A_113 : memref<1x112xi32, #tpu.memory_space<vmem>> -> memref<112xi32, #tpu.memory_space<vmem>>
    %dma_wait3A_115 = tpu.memref_slice %arg3[%add3A_107] : memref<640000xi32, #tpu.memory_space<hbm>> -> memref<112xi32, #tpu.memory_space<hbm>>
    tpu.wait_dma2 semaphore(%arg12 : memref<!tpu.dma_semaphore, #tpu.memory_space<semaphore_mem>>) src(%dma_wait3A_115 : memref<112xi32, #tpu.memory_space<hbm>>) dst(%dma_wait3A_114 : memref<112xi32, #tpu.memory_space<vmem>>)
    %add3A_116 = arith.constant 320000 : i32
    %add3A_117 = arith.addi %add3A_116, %add3A_107 : i32
    %dma_wait3A_118 = arith.constant 0 : i32
    %dma_wait3A_119 = arith.constant 0 : i32
    %dma_wait3A_120 = tpu.memref_slice %arg6[%dma_wait3A_118, %dma_wait3A_119] : memref<4x112xi32, #tpu.memory_space<vmem>> -> memref<1x112xi32, #tpu.memory_space<vmem>>
    %dma_wait3A_121 = tpu.memref_squeeze %dma_wait3A_120 : memref<1x112xi32, #tpu.memory_space<vmem>> -> memref<112xi32, #tpu.memory_space<vmem>>
    %dma_wait3A_122 = tpu.memref_slice %arg3[%add3A_117] : memref<640000xi32, #tpu.memory_space<hbm>> -> memref<112xi32, #tpu.memory_space<hbm>>
    %dma_wait3A_123 = arith.constant 0 : i32
    %dma_wait3A_124 = tpu.memref_slice %arg6[%dma_wait3A_118, %dma_wait3A_123] : memref<4x112xi32, #tpu.memory_space<vmem>> -> memref<1x112xi32, #tpu.memory_space<vmem>>
    %dma_wait3A_125 = tpu.memref_squeeze %dma_wait3A_124 : memref<1x112xi32, #tpu.memory_space<vmem>> -> memref<112xi32, #tpu.memory_space<vmem>>
    %dma_wait3A_126 = tpu.memref_slice %arg3[%add3A_117] : memref<640000xi32, #tpu.memory_space<hbm>> -> memref<112xi32, #tpu.memory_space<hbm>>
    tpu.wait_dma2 semaphore(%arg12 : memref<!tpu.dma_semaphore, #tpu.memory_space<semaphore_mem>>) src(%dma_wait3A_126 : memref<112xi32, #tpu.memory_space<hbm>>) dst(%dma_wait3A_125 : memref<112xi32, #tpu.memory_space<vmem>>)
    %dma_start3A_127 = arith.constant 0 : i32
    %dma_start3A_128 = arith.constant 0 : i32
    %dma_start3A_129 = arith.constant 0 : i32
    %dma_start3A_130 = arith.constant 0 : i32
    %dma_start3A_131 = tpu.memref_slice %arg7[%dma_start3A_128, %dma_start3A_129, %dma_start3A_130] : memref<2x112x128xf32, #tpu.memory_space<vmem>> -> memref<1x112x128xf32, #tpu.memory_space<vmem>>
    %dma_start3A_132 = tpu.memref_squeeze %dma_start3A_131 : memref<1x112x128xf32, #tpu.memory_space<vmem>> -> memref<112x128xf32, #tpu.memory_space<vmem>>
    %dma_start3A_133 = arith.constant 0 : i32
    %dma_start3A_134 = tpu.memref_slice %arg5[%dma_start3A_127, %dma_start3A_133] : memref<4x112xi32, #tpu.memory_space<vmem>> -> memref<1x112xi32, #tpu.memory_space<vmem>>
    %dma_start3A_135 = tpu.memref_squeeze %dma_start3A_134 : memref<1x112xi32, #tpu.memory_space<vmem>> -> memref<112xi32, #tpu.memory_space<vmem>>
    %dma_start3A_136 = arith.constant 0 : i32
    %dma_start3A_137 = arith.constant 0 : i32
    %dma_start3A_138 = tpu.memref_slice %arg2[%dma_start3A_136, %dma_start3A_137] : memref<10000x128xf32, #tpu.memory_space<hbm>> -> memref<10000x128xf32, #tpu.memory_space<hbm>>
    tpu.enqueue_indirect_dma source(%dma_start3A_138 : memref<10000x128xf32, #tpu.memory_space<hbm>>) target(%dma_start3A_132 : memref<112x128xf32, #tpu.memory_space<vmem>>) offsets(%dma_start3A_135 : memref<112xi32, #tpu.memory_space<vmem>>) semaphore(%arg16 : memref<!tpu.dma_semaphore, #tpu.memory_space<semaphore_mem>>)
    %dma_wait3A_139 = tpu.memref_slice %arg3[%add3A_93] : memref<640000xi32, #tpu.memory_space<hbm>> -> memref<32xi32, #tpu.memory_space<hbm>>
    %dma_wait3A_140 = tpu.memref_slice %arg3[%add3A_93] : memref<640000xi32, #tpu.memory_space<hbm>> -> memref<32xi32, #tpu.memory_space<hbm>>
    tpu.wait_dma2 semaphore(%arg20 : memref<!tpu.dma_semaphore, #tpu.memory_space<semaphore_mem>>) src(%dma_wait3A_140 : memref<32xi32, #tpu.memory_space<hbm>>) dst(%arg8 : memref<32xi32, #tpu.memory_space<vmem>>)
    %add3A_141 = arith.constant 320000 : i32
    %add3A_142 = arith.addi %add3A_141, %add3A_93 : i32
    %dma_wait3A_143 = tpu.memref_slice %arg3[%add3A_142] : memref<640000xi32, #tpu.memory_space<hbm>> -> memref<32xi32, #tpu.memory_space<hbm>>
    %dma_wait3A_144 = tpu.memref_slice %arg3[%add3A_142] : memref<640000xi32, #tpu.memory_space<hbm>> -> memref<32xi32, #tpu.memory_space<hbm>>
    tpu.wait_dma2 semaphore(%arg20 : memref<!tpu.dma_semaphore, #tpu.memory_space<semaphore_mem>>) src(%dma_wait3A_144 : memref<32xi32, #tpu.memory_space<hbm>>) dst(%arg9 : memref<32xi32, #tpu.memory_space<vmem>>)
    %dma_start3A_145 = arith.constant 0 : i32
    %dma_start3A_146 = arith.constant 0 : i32
    %dma_start3A_147 = tpu.memref_slice %arg2[%dma_start3A_145, %dma_start3A_146] : memref<10000x128xf32, #tpu.memory_space<hbm>> -> memref<10000x128xf32, #tpu.memory_space<hbm>>
    tpu.enqueue_indirect_dma source(%dma_start3A_147 : memref<10000x128xf32, #tpu.memory_space<hbm>>) target(%arg10 : memref<32x128xf32, #tpu.memory_space<vmem>>) offsets(%arg8 : memref<32xi32, #tpu.memory_space<vmem>>) semaphore(%arg21 : memref<!tpu.dma_semaphore, #tpu.memory_space<semaphore_mem>>)
    %barrier3A = arith.constant 0 : index
    tpu.barrier barrier_id(%barrier3A)
    %scan3A = arith.constant 0 : i32
    %scan3A_148 = arith.constant 22 : i32
    %scan3A_149 = arith.addi %scan3A, %scan3A_148 : i32
    %scan3A_150 = arith.constant 1 : i32
    scf.for %scan3A_191 = %scan3A to %scan3A_149 step %scan3A_150  : i32 {
      %mul3A_192 = arith.constant 1 : i32
      %mul3A_193 = arith.muli %scan3A_191, %mul3A_192 : i32
      %add3A_194 = arith.constant 0 : i32
      %add3A_195 = arith.addi %add3A_194, %mul3A_193 : i32
      %mul3A_196 = arith.constant 4 : i32
      %mul3A_197 = arith.muli %mul3A_196, %add3A_195 : i32
      %add3A_198 = arith.constant 0 : i32
      %add3A_199 = arith.addi %mul3A_197, %add3A_198 : i32
      %gt3A = arith.constant 0 : i32
      %gt3A_200 = arith.cmpi sgt, %add3A_195, %gt3A : i32
      %convert_element_type3A_201 = arith.extui %gt3A_200 : i1 to i32
      %cond3A_202 = arith.constant 0 : i32
      %cond3A_203 = arith.cmpi ne, %convert_element_type3A_201, %cond3A_202 : i32
      scf.if %cond3A_203 {
        %dma_wait3A_531 = arith.constant 1 : i32
        %dma_wait3A_532 = arith.constant 3 : i32
        %dma_wait3A_533 = arith.constant 0 : i32
        %dma_wait3A_534 = arith.constant 0 : i32
        %dma_wait3A_535 = tpu.memref_slice %arg7[%dma_wait3A_531, %dma_wait3A_533, %dma_wait3A_534] : memref<2x112x128xf32, #tpu.memory_space<vmem>> -> memref<1x112x128xf32, #tpu.memory_space<vmem>>
        %dma_wait3A_536 = tpu.memref_squeeze %dma_wait3A_535 : memref<1x112x128xf32, #tpu.memory_space<vmem>> -> memref<112x128xf32, #tpu.memory_space<vmem>>
        %dma_wait3A_537 = arith.constant 0 : i32
        %dma_wait3A_538 = tpu.memref_slice %arg6[%dma_wait3A_532, %dma_wait3A_537] : memref<4x112xi32, #tpu.memory_space<vmem>> -> memref<1x112xi32, #tpu.memory_space<vmem>>
        %dma_wait3A_539 = tpu.memref_squeeze %dma_wait3A_538 : memref<1x112xi32, #tpu.memory_space<vmem>> -> memref<112xi32, #tpu.memory_space<vmem>>
        %dma_wait3A_540 = arith.constant 0 : i32
        %dma_wait3A_541 = arith.constant 0 : i32
        %dma_wait3A_542 = tpu.memref_slice %arg11[%dma_wait3A_540, %dma_wait3A_541] : memref<10000x128xf32, #tpu.memory_space<vmem_shared>> -> memref<10000x128xf32, #tpu.memory_space<vmem_shared>>
        tpu.wait_indirect_dma semaphore(%arg19 : memref<!tpu.dma_semaphore, #tpu.memory_space<semaphore_mem>>) src(%dma_wait3A_536 : memref<112x128xf32, #tpu.memory_space<vmem>>) dst(%dma_wait3A_542 : memref<10000x128xf32, #tpu.memory_space<vmem_shared>>)
        %add3A_543 = arith.constant 3 : i32
        %add3A_544 = arith.addi %add3A_199, %add3A_543 : i32
        %mul3A_545 = arith.constant 112 : i32
        %mul3A_546 = arith.muli %add3A_544, %mul3A_545 : i32
        %add3A_547 = arith.addi %mul3A_4, %mul3A_546 : i32
        %dma_start3A_548 = arith.constant 3 : i32
        %dma_start3A_549 = arith.constant 0 : i32
        %dma_start3A_550 = tpu.memref_slice %arg5[%dma_start3A_548, %dma_start3A_549] : memref<4x112xi32, #tpu.memory_space<vmem>> -> memref<1x112xi32, #tpu.memory_space<vmem>>
        %dma_start3A_551 = tpu.memref_squeeze %dma_start3A_550 : memref<1x112xi32, #tpu.memory_space<vmem>> -> memref<112xi32, #tpu.memory_space<vmem>>
        %dma_start3A_552 = tpu.memref_slice %arg3[%add3A_547] : memref<640000xi32, #tpu.memory_space<hbm>> -> memref<112xi32, #tpu.memory_space<hbm>>
        %dma_start3A_553 = arith.constant 0 : i32
        %dma_start3A_554 = tpu.memref_slice %arg5[%dma_start3A_548, %dma_start3A_553] : memref<4x112xi32, #tpu.memory_space<vmem>> -> memref<1x112xi32, #tpu.memory_space<vmem>>
        %dma_start3A_555 = tpu.memref_squeeze %dma_start3A_554 : memref<1x112xi32, #tpu.memory_space<vmem>> -> memref<112xi32, #tpu.memory_space<vmem>>
        %dma_start3A_556 = tpu.memref_slice %arg3[%add3A_547] : memref<640000xi32, #tpu.memory_space<hbm>> -> memref<112xi32, #tpu.memory_space<hbm>>
        tpu.enqueue_dma source(%dma_start3A_556 : memref<112xi32, #tpu.memory_space<hbm>>) target(%dma_start3A_555 : memref<112xi32, #tpu.memory_space<vmem>>) target_semaphore(%arg15 : memref<!tpu.dma_semaphore, #tpu.memory_space<semaphore_mem>>)
        %add3A_557 = arith.constant 320000 : i32
        %add3A_558 = arith.addi %add3A_557, %add3A_547 : i32
        %dma_start3A_559 = arith.constant 3 : i32
        %dma_start3A_560 = arith.constant 0 : i32
        %dma_start3A_561 = tpu.memref_slice %arg6[%dma_start3A_559, %dma_start3A_560] : memref<4x112xi32, #tpu.memory_space<vmem>> -> memref<1x112xi32, #tpu.memory_space<vmem>>
        %dma_start3A_562 = tpu.memref_squeeze %dma_start3A_561 : memref<1x112xi32, #tpu.memory_space<vmem>> -> memref<112xi32, #tpu.memory_space<vmem>>
        %dma_start3A_563 = tpu.memref_slice %arg3[%add3A_558] : memref<640000xi32, #tpu.memory_space<hbm>> -> memref<112xi32, #tpu.memory_space<hbm>>
        %dma_start3A_564 = arith.constant 0 : i32
        %dma_start3A_565 = tpu.memref_slice %arg6[%dma_start3A_559, %dma_start3A_564] : memref<4x112xi32, #tpu.memory_space<vmem>> -> memref<1x112xi32, #tpu.memory_space<vmem>>
        %dma_start3A_566 = tpu.memref_squeeze %dma_start3A_565 : memref<1x112xi32, #tpu.memory_space<vmem>> -> memref<112xi32, #tpu.memory_space<vmem>>
        %dma_start3A_567 = tpu.memref_slice %arg3[%add3A_558] : memref<640000xi32, #tpu.memory_space<hbm>> -> memref<112xi32, #tpu.memory_space<hbm>>
        tpu.enqueue_dma source(%dma_start3A_567 : memref<112xi32, #tpu.memory_space<hbm>>) target(%dma_start3A_566 : memref<112xi32, #tpu.memory_space<vmem>>) target_semaphore(%arg15 : memref<!tpu.dma_semaphore, #tpu.memory_space<semaphore_mem>>)
      } else {
      }
      %add3A_204 = arith.constant 1 : i32
      %add3A_205 = arith.addi %add3A_199, %add3A_204 : i32
      %mul3A_206 = arith.constant 112 : i32
      %mul3A_207 = arith.muli %add3A_205, %mul3A_206 : i32
      %add3A_208 = arith.addi %mul3A_4, %mul3A_207 : i32
      %dma_wait3A_209 = arith.constant 1 : i32
      %dma_wait3A_210 = arith.constant 0 : i32
      %dma_wait3A_211 = tpu.memref_slice %arg5[%dma_wait3A_209, %dma_wait3A_210] : memref<4x112xi32, #tpu.memory_space<vmem>> -> memref<1x112xi32, #tpu.memory_space<vmem>>
      %dma_wait3A_212 = tpu.memref_squeeze %dma_wait3A_211 : memref<1x112xi32, #tpu.memory_space<vmem>> -> memref<112xi32, #tpu.memory_space<vmem>>
      %dma_wait3A_213 = tpu.memref_slice %arg3[%add3A_208] : memref<640000xi32, #tpu.memory_space<hbm>> -> memref<112xi32, #tpu.memory_space<hbm>>
      %dma_wait3A_214 = arith.constant 0 : i32
      %dma_wait3A_215 = tpu.memref_slice %arg5[%dma_wait3A_209, %dma_wait3A_214] : memref<4x112xi32, #tpu.memory_space<vmem>> -> memref<1x112xi32, #tpu.memory_space<vmem>>
      %dma_wait3A_216 = tpu.memref_squeeze %dma_wait3A_215 : memref<1x112xi32, #tpu.memory_space<vmem>> -> memref<112xi32, #tpu.memory_space<vmem>>
      %dma_wait3A_217 = tpu.memref_slice %arg3[%add3A_208] : memref<640000xi32, #tpu.memory_space<hbm>> -> memref<112xi32, #tpu.memory_space<hbm>>
      tpu.wait_dma2 semaphore(%arg13 : memref<!tpu.dma_semaphore, #tpu.memory_space<semaphore_mem>>) src(%dma_wait3A_217 : memref<112xi32, #tpu.memory_space<hbm>>) dst(%dma_wait3A_216 : memref<112xi32, #tpu.memory_space<vmem>>)
      %add3A_218 = arith.constant 320000 : i32
      %add3A_219 = arith.addi %add3A_218, %add3A_208 : i32
      %dma_wait3A_220 = arith.constant 1 : i32
      %dma_wait3A_221 = arith.constant 0 : i32
      %dma_wait3A_222 = tpu.memref_slice %arg6[%dma_wait3A_220, %dma_wait3A_221] : memref<4x112xi32, #tpu.memory_space<vmem>> -> memref<1x112xi32, #tpu.memory_space<vmem>>
      %dma_wait3A_223 = tpu.memref_squeeze %dma_wait3A_222 : memref<1x112xi32, #tpu.memory_space<vmem>> -> memref<112xi32, #tpu.memory_space<vmem>>
      %dma_wait3A_224 = tpu.memref_slice %arg3[%add3A_219] : memref<640000xi32, #tpu.memory_space<hbm>> -> memref<112xi32, #tpu.memory_space<hbm>>
      %dma_wait3A_225 = arith.constant 0 : i32
      %dma_wait3A_226 = tpu.memref_slice %arg6[%dma_wait3A_220, %dma_wait3A_225] : memref<4x112xi32, #tpu.memory_space<vmem>> -> memref<1x112xi32, #tpu.memory_space<vmem>>
      %dma_wait3A_227 = tpu.memref_squeeze %dma_wait3A_226 : memref<1x112xi32, #tpu.memory_space<vmem>> -> memref<112xi32, #tpu.memory_space<vmem>>
      %dma_wait3A_228 = tpu.memref_slice %arg3[%add3A_219] : memref<640000xi32, #tpu.memory_space<hbm>> -> memref<112xi32, #tpu.memory_space<hbm>>
      tpu.wait_dma2 semaphore(%arg13 : memref<!tpu.dma_semaphore, #tpu.memory_space<semaphore_mem>>) src(%dma_wait3A_228 : memref<112xi32, #tpu.memory_space<hbm>>) dst(%dma_wait3A_227 : memref<112xi32, #tpu.memory_space<vmem>>)
      %dma_start3A_229 = arith.constant 1 : i32
      %dma_start3A_230 = arith.constant 1 : i32
      %dma_start3A_231 = arith.constant 0 : i32
      %dma_start3A_232 = arith.constant 0 : i32
      %dma_start3A_233 = tpu.memref_slice %arg7[%dma_start3A_230, %dma_start3A_231, %dma_start3A_232] : memref<2x112x128xf32, #tpu.memory_space<vmem>> -> memref<1x112x128xf32, #tpu.memory_space<vmem>>
      %dma_start3A_234 = tpu.memref_squeeze %dma_start3A_233 : memref<1x112x128xf32, #tpu.memory_space<vmem>> -> memref<112x128xf32, #tpu.memory_space<vmem>>
      %dma_start3A_235 = arith.constant 0 : i32
      %dma_start3A_236 = tpu.memref_slice %arg5[%dma_start3A_229, %dma_start3A_235] : memref<4x112xi32, #tpu.memory_space<vmem>> -> memref<1x112xi32, #tpu.memory_space<vmem>>
      %dma_start3A_237 = tpu.memref_squeeze %dma_start3A_236 : memref<1x112xi32, #tpu.memory_space<vmem>> -> memref<112xi32, #tpu.memory_space<vmem>>
      %dma_start3A_238 = arith.constant 0 : i32
      %dma_start3A_239 = arith.constant 0 : i32
      %dma_start3A_240 = tpu.memref_slice %arg2[%dma_start3A_238, %dma_start3A_239] : memref<10000x128xf32, #tpu.memory_space<hbm>> -> memref<10000x128xf32, #tpu.memory_space<hbm>>
      tpu.enqueue_indirect_dma source(%dma_start3A_240 : memref<10000x128xf32, #tpu.memory_space<hbm>>) target(%dma_start3A_234 : memref<112x128xf32, #tpu.memory_space<vmem>>) offsets(%dma_start3A_237 : memref<112xi32, #tpu.memory_space<vmem>>) semaphore(%arg17 : memref<!tpu.dma_semaphore, #tpu.memory_space<semaphore_mem>>)
      %dma_wait3A_241 = arith.constant 0 : i32
      %dma_wait3A_242 = arith.constant 0 : i32
      %dma_wait3A_243 = arith.constant 0 : i32
      %dma_wait3A_244 = arith.constant 0 : i32
      %dma_wait3A_245 = tpu.memref_slice %arg7[%dma_wait3A_242, %dma_wait3A_243, %dma_wait3A_244] : memref<2x112x128xf32, #tpu.memory_space<vmem>> -> memref<1x112x128xf32, #tpu.memory_space<vmem>>
      %dma_wait3A_246 = tpu.memref_squeeze %dma_wait3A_245 : memref<1x112x128xf32, #tpu.memory_space<vmem>> -> memref<112x128xf32, #tpu.memory_space<vmem>>
      %dma_wait3A_247 = arith.constant 0 : i32
      %dma_wait3A_248 = tpu.memref_slice %arg5[%dma_wait3A_241, %dma_wait3A_247] : memref<4x112xi32, #tpu.memory_space<vmem>> -> memref<1x112xi32, #tpu.memory_space<vmem>>
      %dma_wait3A_249 = tpu.memref_squeeze %dma_wait3A_248 : memref<1x112xi32, #tpu.memory_space<vmem>> -> memref<112xi32, #tpu.memory_space<vmem>>
      %dma_wait3A_250 = arith.constant 0 : i32
      %dma_wait3A_251 = arith.constant 0 : i32
      %dma_wait3A_252 = tpu.memref_slice %arg2[%dma_wait3A_250, %dma_wait3A_251] : memref<10000x128xf32, #tpu.memory_space<hbm>> -> memref<10000x128xf32, #tpu.memory_space<hbm>>
      tpu.wait_indirect_dma semaphore(%arg16 : memref<!tpu.dma_semaphore, #tpu.memory_space<semaphore_mem>>) src(%dma_wait3A_252 : memref<10000x128xf32, #tpu.memory_space<hbm>>) dst(%dma_wait3A_246 : memref<112x128xf32, #tpu.memory_space<vmem>>)
      %dma_start3A_253 = arith.constant 0 : i32
      %dma_start3A_254 = arith.constant 0 : i32
      %dma_start3A_255 = arith.constant 0 : i32
      %dma_start3A_256 = arith.constant 0 : i32
      %dma_start3A_257 = tpu.memref_slice %arg7[%dma_start3A_253, %dma_start3A_255, %dma_start3A_256] : memref<2x112x128xf32, #tpu.memory_space<vmem>> -> memref<1x112x128xf32, #tpu.memory_space<vmem>>
      %dma_start3A_258 = tpu.memref_squeeze %dma_start3A_257 : memref<1x112x128xf32, #tpu.memory_space<vmem>> -> memref<112x128xf32, #tpu.memory_space<vmem>>
      %dma_start3A_259 = arith.constant 0 : i32
      %dma_start3A_260 = tpu.memref_slice %arg6[%dma_start3A_254, %dma_start3A_259] : memref<4x112xi32, #tpu.memory_space<vmem>> -> memref<1x112xi32, #tpu.memory_space<vmem>>
      %dma_start3A_261 = tpu.memref_squeeze %dma_start3A_260 : memref<1x112xi32, #tpu.memory_space<vmem>> -> memref<112xi32, #tpu.memory_space<vmem>>
      %dma_start3A_262 = arith.constant 0 : i32
      %dma_start3A_263 = arith.constant 0 : i32
      %dma_start3A_264 = tpu.memref_slice %arg11[%dma_start3A_262, %dma_start3A_263] : memref<10000x128xf32, #tpu.memory_space<vmem_shared>> -> memref<10000x128xf32, #tpu.memory_space<vmem_shared>>
      tpu.enqueue_indirect_dma source(%dma_start3A_258 : memref<112x128xf32, #tpu.memory_space<vmem>>) target(%dma_start3A_264 : memref<10000x128xf32, #tpu.memory_space<vmem_shared>>) offsets(%dma_start3A_261 : memref<112xi32, #tpu.memory_space<vmem>>) semaphore(%arg18 : memref<!tpu.dma_semaphore, #tpu.memory_space<semaphore_mem>>) {add = true}
      %mul3A_265 = arith.constant 4 : i32
      %mul3A_266 = arith.muli %mul3A_265, %add3A_195 : i32
      %add3A_267 = arith.constant 1 : i32
      %add3A_268 = arith.addi %mul3A_266, %add3A_267 : i32
      %dma_wait3A_269 = arith.constant 0 : i32
      %dma_wait3A_270 = arith.constant 0 : i32
      %dma_wait3A_271 = arith.constant 0 : i32
      %dma_wait3A_272 = arith.constant 0 : i32
      %dma_wait3A_273 = tpu.memref_slice %arg7[%dma_wait3A_269, %dma_wait3A_271, %dma_wait3A_272] : memref<2x112x128xf32, #tpu.memory_space<vmem>> -> memref<1x112x128xf32, #tpu.memory_space<vmem>>
      %dma_wait3A_274 = tpu.memref_squeeze %dma_wait3A_273 : memref<1x112x128xf32, #tpu.memory_space<vmem>> -> memref<112x128xf32, #tpu.memory_space<vmem>>
      %dma_wait3A_275 = arith.constant 0 : i32
      %dma_wait3A_276 = tpu.memref_slice %arg6[%dma_wait3A_270, %dma_wait3A_275] : memref<4x112xi32, #tpu.memory_space<vmem>> -> memref<1x112xi32, #tpu.memory_space<vmem>>
      %dma_wait3A_277 = tpu.memref_squeeze %dma_wait3A_276 : memref<1x112xi32, #tpu.memory_space<vmem>> -> memref<112xi32, #tpu.memory_space<vmem>>
      %dma_wait3A_278 = arith.constant 0 : i32
      %dma_wait3A_279 = arith.constant 0 : i32
      %dma_wait3A_280 = tpu.memref_slice %arg11[%dma_wait3A_278, %dma_wait3A_279] : memref<10000x128xf32, #tpu.memory_space<vmem_shared>> -> memref<10000x128xf32, #tpu.memory_space<vmem_shared>>
      tpu.wait_indirect_dma semaphore(%arg18 : memref<!tpu.dma_semaphore, #tpu.memory_space<semaphore_mem>>) src(%dma_wait3A_274 : memref<112x128xf32, #tpu.memory_space<vmem>>) dst(%dma_wait3A_280 : memref<10000x128xf32, #tpu.memory_space<vmem_shared>>)
      %add3A_281 = arith.constant 3 : i32
      %add3A_282 = arith.addi %add3A_268, %add3A_281 : i32
      %mul3A_283 = arith.constant 112 : i32
      %mul3A_284 = arith.muli %add3A_282, %mul3A_283 : i32
      %add3A_285 = arith.addi %mul3A_4, %mul3A_284 : i32
      %dma_start3A_286 = arith.constant 0 : i32
      %dma_start3A_287 = arith.constant 0 : i32
      %dma_start3A_288 = tpu.memref_slice %arg5[%dma_start3A_286, %dma_start3A_287] : memref<4x112xi32, #tpu.memory_space<vmem>> -> memref<1x112xi32, #tpu.memory_space<vmem>>
      %dma_start3A_289 = tpu.memref_squeeze %dma_start3A_288 : memref<1x112xi32, #tpu.memory_space<vmem>> -> memref<112xi32, #tpu.memory_space<vmem>>
      %dma_start3A_290 = tpu.memref_slice %arg3[%add3A_285] : memref<640000xi32, #tpu.memory_space<hbm>> -> memref<112xi32, #tpu.memory_space<hbm>>
      %dma_start3A_291 = arith.constant 0 : i32
      %dma_start3A_292 = tpu.memref_slice %arg5[%dma_start3A_286, %dma_start3A_291] : memref<4x112xi32, #tpu.memory_space<vmem>> -> memref<1x112xi32, #tpu.memory_space<vmem>>
      %dma_start3A_293 = tpu.memref_squeeze %dma_start3A_292 : memref<1x112xi32, #tpu.memory_space<vmem>> -> memref<112xi32, #tpu.memory_space<vmem>>
      %dma_start3A_294 = tpu.memref_slice %arg3[%add3A_285] : memref<640000xi32, #tpu.memory_space<hbm>> -> memref<112xi32, #tpu.memory_space<hbm>>
      tpu.enqueue_dma source(%dma_start3A_294 : memref<112xi32, #tpu.memory_space<hbm>>) target(%dma_start3A_293 : memref<112xi32, #tpu.memory_space<vmem>>) target_semaphore(%arg12 : memref<!tpu.dma_semaphore, #tpu.memory_space<semaphore_mem>>)
      %add3A_295 = arith.constant 320000 : i32
      %add3A_296 = arith.addi %add3A_295, %add3A_285 : i32
      %dma_start3A_297 = arith.constant 0 : i32
      %dma_start3A_298 = arith.constant 0 : i32
      %dma_start3A_299 = tpu.memref_slice %arg6[%dma_start3A_297, %dma_start3A_298] : memref<4x112xi32, #tpu.memory_space<vmem>> -> memref<1x112xi32, #tpu.memory_space<vmem>>
      %dma_start3A_300 = tpu.memref_squeeze %dma_start3A_299 : memref<1x112xi32, #tpu.memory_space<vmem>> -> memref<112xi32, #tpu.memory_space<vmem>>
      %dma_start3A_301 = tpu.memref_slice %arg3[%add3A_296] : memref<640000xi32, #tpu.memory_space<hbm>> -> memref<112xi32, #tpu.memory_space<hbm>>
      %dma_start3A_302 = arith.constant 0 : i32
      %dma_start3A_303 = tpu.memref_slice %arg6[%dma_start3A_297, %dma_start3A_302] : memref<4x112xi32, #tpu.memory_space<vmem>> -> memref<1x112xi32, #tpu.memory_space<vmem>>
      %dma_start3A_304 = tpu.memref_squeeze %dma_start3A_303 : memref<1x112xi32, #tpu.memory_space<vmem>> -> memref<112xi32, #tpu.memory_space<vmem>>
      %dma_start3A_305 = tpu.memref_slice %arg3[%add3A_296] : memref<640000xi32, #tpu.memory_space<hbm>> -> memref<112xi32, #tpu.memory_space<hbm>>
      tpu.enqueue_dma source(%dma_start3A_305 : memref<112xi32, #tpu.memory_space<hbm>>) target(%dma_start3A_304 : memref<112xi32, #tpu.memory_space<vmem>>) target_semaphore(%arg12 : memref<!tpu.dma_semaphore, #tpu.memory_space<semaphore_mem>>)
      %add3A_306 = arith.constant 1 : i32
      %add3A_307 = arith.addi %add3A_268, %add3A_306 : i32
      %mul3A_308 = arith.constant 112 : i32
      %mul3A_309 = arith.muli %add3A_307, %mul3A_308 : i32
      %add3A_310 = arith.addi %mul3A_4, %mul3A_309 : i32
      %dma_wait3A_311 = arith.constant 2 : i32
      %dma_wait3A_312 = arith.constant 0 : i32
      %dma_wait3A_313 = tpu.memref_slice %arg5[%dma_wait3A_311, %dma_wait3A_312] : memref<4x112xi32, #tpu.memory_space<vmem>> -> memref<1x112xi32, #tpu.memory_space<vmem>>
      %dma_wait3A_314 = tpu.memref_squeeze %dma_wait3A_313 : memref<1x112xi32, #tpu.memory_space<vmem>> -> memref<112xi32, #tpu.memory_space<vmem>>
      %dma_wait3A_315 = tpu.memref_slice %arg3[%add3A_310] : memref<640000xi32, #tpu.memory_space<hbm>> -> memref<112xi32, #tpu.memory_space<hbm>>
      %dma_wait3A_316 = arith.constant 0 : i32
      %dma_wait3A_317 = tpu.memref_slice %arg5[%dma_wait3A_311, %dma_wait3A_316] : memref<4x112xi32, #tpu.memory_space<vmem>> -> memref<1x112xi32, #tpu.memory_space<vmem>>
      %dma_wait3A_318 = tpu.memref_squeeze %dma_wait3A_317 : memref<1x112xi32, #tpu.memory_space<vmem>> -> memref<112xi32, #tpu.memory_space<vmem>>
      %dma_wait3A_319 = tpu.memref_slice %arg3[%add3A_310] : memref<640000xi32, #tpu.memory_space<hbm>> -> memref<112xi32, #tpu.memory_space<hbm>>
      tpu.wait_dma2 semaphore(%arg14 : memref<!tpu.dma_semaphore, #tpu.memory_space<semaphore_mem>>) src(%dma_wait3A_319 : memref<112xi32, #tpu.memory_space<hbm>>) dst(%dma_wait3A_318 : memref<112xi32, #tpu.memory_space<vmem>>)
      %add3A_320 = arith.constant 320000 : i32
      %add3A_321 = arith.addi %add3A_320, %add3A_310 : i32
      %dma_wait3A_322 = arith.constant 2 : i32
      %dma_wait3A_323 = arith.constant 0 : i32
      %dma_wait3A_324 = tpu.memref_slice %arg6[%dma_wait3A_322, %dma_wait3A_323] : memref<4x112xi32, #tpu.memory_space<vmem>> -> memref<1x112xi32, #tpu.memory_space<vmem>>
      %dma_wait3A_325 = tpu.memref_squeeze %dma_wait3A_324 : memref<1x112xi32, #tpu.memory_space<vmem>> -> memref<112xi32, #tpu.memory_space<vmem>>
      %dma_wait3A_326 = tpu.memref_slice %arg3[%add3A_321] : memref<640000xi32, #tpu.memory_space<hbm>> -> memref<112xi32, #tpu.memory_space<hbm>>
      %dma_wait3A_327 = arith.constant 0 : i32
      %dma_wait3A_328 = tpu.memref_slice %arg6[%dma_wait3A_322, %dma_wait3A_327] : memref<4x112xi32, #tpu.memory_space<vmem>> -> memref<1x112xi32, #tpu.memory_space<vmem>>
      %dma_wait3A_329 = tpu.memref_squeeze %dma_wait3A_328 : memref<1x112xi32, #tpu.memory_space<vmem>> -> memref<112xi32, #tpu.memory_space<vmem>>
      %dma_wait3A_330 = tpu.memref_slice %arg3[%add3A_321] : memref<640000xi32, #tpu.memory_space<hbm>> -> memref<112xi32, #tpu.memory_space<hbm>>
      tpu.wait_dma2 semaphore(%arg14 : memref<!tpu.dma_semaphore, #tpu.memory_space<semaphore_mem>>) src(%dma_wait3A_330 : memref<112xi32, #tpu.memory_space<hbm>>) dst(%dma_wait3A_329 : memref<112xi32, #tpu.memory_space<vmem>>)
      %dma_start3A_331 = arith.constant 2 : i32
      %dma_start3A_332 = arith.constant 0 : i32
      %dma_start3A_333 = arith.constant 0 : i32
      %dma_start3A_334 = arith.constant 0 : i32
      %dma_start3A_335 = tpu.memref_slice %arg7[%dma_start3A_332, %dma_start3A_333, %dma_start3A_334] : memref<2x112x128xf32, #tpu.memory_space<vmem>> -> memref<1x112x128xf32, #tpu.memory_space<vmem>>
      %dma_start3A_336 = tpu.memref_squeeze %dma_start3A_335 : memref<1x112x128xf32, #tpu.memory_space<vmem>> -> memref<112x128xf32, #tpu.memory_space<vmem>>
      %dma_start3A_337 = arith.constant 0 : i32
      %dma_start3A_338 = tpu.memref_slice %arg5[%dma_start3A_331, %dma_start3A_337] : memref<4x112xi32, #tpu.memory_space<vmem>> -> memref<1x112xi32, #tpu.memory_space<vmem>>
      %dma_start3A_339 = tpu.memref_squeeze %dma_start3A_338 : memref<1x112xi32, #tpu.memory_space<vmem>> -> memref<112xi32, #tpu.memory_space<vmem>>
      %dma_start3A_340 = arith.constant 0 : i32
      %dma_start3A_341 = arith.constant 0 : i32
      %dma_start3A_342 = tpu.memref_slice %arg2[%dma_start3A_340, %dma_start3A_341] : memref<10000x128xf32, #tpu.memory_space<hbm>> -> memref<10000x128xf32, #tpu.memory_space<hbm>>
      tpu.enqueue_indirect_dma source(%dma_start3A_342 : memref<10000x128xf32, #tpu.memory_space<hbm>>) target(%dma_start3A_336 : memref<112x128xf32, #tpu.memory_space<vmem>>) offsets(%dma_start3A_339 : memref<112xi32, #tpu.memory_space<vmem>>) semaphore(%arg16 : memref<!tpu.dma_semaphore, #tpu.memory_space<semaphore_mem>>)
      %dma_wait3A_343 = arith.constant 1 : i32
      %dma_wait3A_344 = arith.constant 1 : i32
      %dma_wait3A_345 = arith.constant 0 : i32
      %dma_wait3A_346 = arith.constant 0 : i32
      %dma_wait3A_347 = tpu.memref_slice %arg7[%dma_wait3A_344, %dma_wait3A_345, %dma_wait3A_346] : memref<2x112x128xf32, #tpu.memory_space<vmem>> -> memref<1x112x128xf32, #tpu.memory_space<vmem>>
      %dma_wait3A_348 = tpu.memref_squeeze %dma_wait3A_347 : memref<1x112x128xf32, #tpu.memory_space<vmem>> -> memref<112x128xf32, #tpu.memory_space<vmem>>
      %dma_wait3A_349 = arith.constant 0 : i32
      %dma_wait3A_350 = tpu.memref_slice %arg5[%dma_wait3A_343, %dma_wait3A_349] : memref<4x112xi32, #tpu.memory_space<vmem>> -> memref<1x112xi32, #tpu.memory_space<vmem>>
      %dma_wait3A_351 = tpu.memref_squeeze %dma_wait3A_350 : memref<1x112xi32, #tpu.memory_space<vmem>> -> memref<112xi32, #tpu.memory_space<vmem>>
      %dma_wait3A_352 = arith.constant 0 : i32
      %dma_wait3A_353 = arith.constant 0 : i32
      %dma_wait3A_354 = tpu.memref_slice %arg2[%dma_wait3A_352, %dma_wait3A_353] : memref<10000x128xf32, #tpu.memory_space<hbm>> -> memref<10000x128xf32, #tpu.memory_space<hbm>>
      tpu.wait_indirect_dma semaphore(%arg17 : memref<!tpu.dma_semaphore, #tpu.memory_space<semaphore_mem>>) src(%dma_wait3A_354 : memref<10000x128xf32, #tpu.memory_space<hbm>>) dst(%dma_wait3A_348 : memref<112x128xf32, #tpu.memory_space<vmem>>)
      %dma_start3A_355 = arith.constant 1 : i32
      %dma_start3A_356 = arith.constant 1 : i32
      %dma_start3A_357 = arith.constant 0 : i32
      %dma_start3A_358 = arith.constant 0 : i32
      %dma_start3A_359 = tpu.memref_slice %arg7[%dma_start3A_355, %dma_start3A_357, %dma_start3A_358] : memref<2x112x128xf32, #tpu.memory_space<vmem>> -> memref<1x112x128xf32, #tpu.memory_space<vmem>>
      %dma_start3A_360 = tpu.memref_squeeze %dma_start3A_359 : memref<1x112x128xf32, #tpu.memory_space<vmem>> -> memref<112x128xf32, #tpu.memory_space<vmem>>
      %dma_start3A_361 = arith.constant 0 : i32
      %dma_start3A_362 = tpu.memref_slice %arg6[%dma_start3A_356, %dma_start3A_361] : memref<4x112xi32, #tpu.memory_space<vmem>> -> memref<1x112xi32, #tpu.memory_space<vmem>>
      %dma_start3A_363 = tpu.memref_squeeze %dma_start3A_362 : memref<1x112xi32, #tpu.memory_space<vmem>> -> memref<112xi32, #tpu.memory_space<vmem>>
      %dma_start3A_364 = arith.constant 0 : i32
      %dma_start3A_365 = arith.constant 0 : i32
      %dma_start3A_366 = tpu.memref_slice %arg11[%dma_start3A_364, %dma_start3A_365] : memref<10000x128xf32, #tpu.memory_space<vmem_shared>> -> memref<10000x128xf32, #tpu.memory_space<vmem_shared>>
      tpu.enqueue_indirect_dma source(%dma_start3A_360 : memref<112x128xf32, #tpu.memory_space<vmem>>) target(%dma_start3A_366 : memref<10000x128xf32, #tpu.memory_space<vmem_shared>>) offsets(%dma_start3A_363 : memref<112xi32, #tpu.memory_space<vmem>>) semaphore(%arg19 : memref<!tpu.dma_semaphore, #tpu.memory_space<semaphore_mem>>) {add = true}
      %mul3A_367 = arith.constant 4 : i32
      %mul3A_368 = arith.muli %mul3A_367, %add3A_195 : i32
      %add3A_369 = arith.constant 2 : i32
      %add3A_370 = arith.addi %mul3A_368, %add3A_369 : i32
      %dma_wait3A_371 = arith.constant 1 : i32
      %dma_wait3A_372 = arith.constant 1 : i32
      %dma_wait3A_373 = arith.constant 0 : i32
      %dma_wait3A_374 = arith.constant 0 : i32
      %dma_wait3A_375 = tpu.memref_slice %arg7[%dma_wait3A_371, %dma_wait3A_373, %dma_wait3A_374] : memref<2x112x128xf32, #tpu.memory_space<vmem>> -> memref<1x112x128xf32, #tpu.memory_space<vmem>>
      %dma_wait3A_376 = tpu.memref_squeeze %dma_wait3A_375 : memref<1x112x128xf32, #tpu.memory_space<vmem>> -> memref<112x128xf32, #tpu.memory_space<vmem>>
      %dma_wait3A_377 = arith.constant 0 : i32
      %dma_wait3A_378 = tpu.memref_slice %arg6[%dma_wait3A_372, %dma_wait3A_377] : memref<4x112xi32, #tpu.memory_space<vmem>> -> memref<1x112xi32, #tpu.memory_space<vmem>>
      %dma_wait3A_379 = tpu.memref_squeeze %dma_wait3A_378 : memref<1x112xi32, #tpu.memory_space<vmem>> -> memref<112xi32, #tpu.memory_space<vmem>>
      %dma_wait3A_380 = arith.constant 0 : i32
      %dma_wait3A_381 = arith.constant 0 : i32
      %dma_wait3A_382 = tpu.memref_slice %arg11[%dma_wait3A_380, %dma_wait3A_381] : memref<10000x128xf32, #tpu.memory_space<vmem_shared>> -> memref<10000x128xf32, #tpu.memory_space<vmem_shared>>
      tpu.wait_indirect_dma semaphore(%arg19 : memref<!tpu.dma_semaphore, #tpu.memory_space<semaphore_mem>>) src(%dma_wait3A_376 : memref<112x128xf32, #tpu.memory_space<vmem>>) dst(%dma_wait3A_382 : memref<10000x128xf32, #tpu.memory_space<vmem_shared>>)
      %lt3A_383 = arith.constant 21 : i32
      %lt3A_384 = arith.cmpi slt, %add3A_195, %lt3A_383 : i32
      %convert_element_type3A_385 = arith.extui %lt3A_384 : i1 to i32
      %cond3A_386 = arith.constant 0 : i32
      %cond3A_387 = arith.cmpi ne, %convert_element_type3A_385, %cond3A_386 : i32
      scf.if %cond3A_387 {
        %add3A_531 = arith.constant 3 : i32
        %add3A_532 = arith.addi %add3A_370, %add3A_531 : i32
        %mul3A_533 = arith.constant 112 : i32
        %mul3A_534 = arith.muli %add3A_532, %mul3A_533 : i32
        %add3A_535 = arith.addi %mul3A_4, %mul3A_534 : i32
        %dma_start3A_536 = arith.constant 1 : i32
        %dma_start3A_537 = arith.constant 0 : i32
        %dma_start3A_538 = tpu.memref_slice %arg5[%dma_start3A_536, %dma_start3A_537] : memref<4x112xi32, #tpu.memory_space<vmem>> -> memref<1x112xi32, #tpu.memory_space<vmem>>
        %dma_start3A_539 = tpu.memref_squeeze %dma_start3A_538 : memref<1x112xi32, #tpu.memory_space<vmem>> -> memref<112xi32, #tpu.memory_space<vmem>>
        %dma_start3A_540 = tpu.memref_slice %arg3[%add3A_535] : memref<640000xi32, #tpu.memory_space<hbm>> -> memref<112xi32, #tpu.memory_space<hbm>>
        %dma_start3A_541 = arith.constant 0 : i32
        %dma_start3A_542 = tpu.memref_slice %arg5[%dma_start3A_536, %dma_start3A_541] : memref<4x112xi32, #tpu.memory_space<vmem>> -> memref<1x112xi32, #tpu.memory_space<vmem>>
        %dma_start3A_543 = tpu.memref_squeeze %dma_start3A_542 : memref<1x112xi32, #tpu.memory_space<vmem>> -> memref<112xi32, #tpu.memory_space<vmem>>
        %dma_start3A_544 = tpu.memref_slice %arg3[%add3A_535] : memref<640000xi32, #tpu.memory_space<hbm>> -> memref<112xi32, #tpu.memory_space<hbm>>
        tpu.enqueue_dma source(%dma_start3A_544 : memref<112xi32, #tpu.memory_space<hbm>>) target(%dma_start3A_543 : memref<112xi32, #tpu.memory_space<vmem>>) target_semaphore(%arg13 : memref<!tpu.dma_semaphore, #tpu.memory_space<semaphore_mem>>)
        %add3A_545 = arith.constant 320000 : i32
        %add3A_546 = arith.addi %add3A_545, %add3A_535 : i32
        %dma_start3A_547 = arith.constant 1 : i32
        %dma_start3A_548 = arith.constant 0 : i32
        %dma_start3A_549 = tpu.memref_slice %arg6[%dma_start3A_547, %dma_start3A_548] : memref<4x112xi32, #tpu.memory_space<vmem>> -> memref<1x112xi32, #tpu.memory_space<vmem>>
        %dma_start3A_550 = tpu.memref_squeeze %dma_start3A_549 : memref<1x112xi32, #tpu.memory_space<vmem>> -> memref<112xi32, #tpu.memory_space<vmem>>
        %dma_start3A_551 = tpu.memref_slice %arg3[%add3A_546] : memref<640000xi32, #tpu.memory_space<hbm>> -> memref<112xi32, #tpu.memory_space<hbm>>
        %dma_start3A_552 = arith.constant 0 : i32
        %dma_start3A_553 = tpu.memref_slice %arg6[%dma_start3A_547, %dma_start3A_552] : memref<4x112xi32, #tpu.memory_space<vmem>> -> memref<1x112xi32, #tpu.memory_space<vmem>>
        %dma_start3A_554 = tpu.memref_squeeze %dma_start3A_553 : memref<1x112xi32, #tpu.memory_space<vmem>> -> memref<112xi32, #tpu.memory_space<vmem>>
        %dma_start3A_555 = tpu.memref_slice %arg3[%add3A_546] : memref<640000xi32, #tpu.memory_space<hbm>> -> memref<112xi32, #tpu.memory_space<hbm>>
        tpu.enqueue_dma source(%dma_start3A_555 : memref<112xi32, #tpu.memory_space<hbm>>) target(%dma_start3A_554 : memref<112xi32, #tpu.memory_space<vmem>>) target_semaphore(%arg13 : memref<!tpu.dma_semaphore, #tpu.memory_space<semaphore_mem>>)
      } else {
      }
      %add3A_388 = arith.constant 1 : i32
      %add3A_389 = arith.addi %add3A_370, %add3A_388 : i32
      %mul3A_390 = arith.constant 112 : i32
      %mul3A_391 = arith.muli %add3A_389, %mul3A_390 : i32
      %add3A_392 = arith.addi %mul3A_4, %mul3A_391 : i32
      %dma_wait3A_393 = arith.constant 3 : i32
      %dma_wait3A_394 = arith.constant 0 : i32
      %dma_wait3A_395 = tpu.memref_slice %arg5[%dma_wait3A_393, %dma_wait3A_394] : memref<4x112xi32, #tpu.memory_space<vmem>> -> memref<1x112xi32, #tpu.memory_space<vmem>>
      %dma_wait3A_396 = tpu.memref_squeeze %dma_wait3A_395 : memref<1x112xi32, #tpu.memory_space<vmem>> -> memref<112xi32, #tpu.memory_space<vmem>>
      %dma_wait3A_397 = tpu.memref_slice %arg3[%add3A_392] : memref<640000xi32, #tpu.memory_space<hbm>> -> memref<112xi32, #tpu.memory_space<hbm>>
      %dma_wait3A_398 = arith.constant 0 : i32
      %dma_wait3A_399 = tpu.memref_slice %arg5[%dma_wait3A_393, %dma_wait3A_398] : memref<4x112xi32, #tpu.memory_space<vmem>> -> memref<1x112xi32, #tpu.memory_space<vmem>>
      %dma_wait3A_400 = tpu.memref_squeeze %dma_wait3A_399 : memref<1x112xi32, #tpu.memory_space<vmem>> -> memref<112xi32, #tpu.memory_space<vmem>>
      %dma_wait3A_401 = tpu.memref_slice %arg3[%add3A_392] : memref<640000xi32, #tpu.memory_space<hbm>> -> memref<112xi32, #tpu.memory_space<hbm>>
      tpu.wait_dma2 semaphore(%arg15 : memref<!tpu.dma_semaphore, #tpu.memory_space<semaphore_mem>>) src(%dma_wait3A_401 : memref<112xi32, #tpu.memory_space<hbm>>) dst(%dma_wait3A_400 : memref<112xi32, #tpu.memory_space<vmem>>)
      %add3A_402 = arith.constant 320000 : i32
      %add3A_403 = arith.addi %add3A_402, %add3A_392 : i32
      %dma_wait3A_404 = arith.constant 3 : i32
      %dma_wait3A_405 = arith.constant 0 : i32
      %dma_wait3A_406 = tpu.memref_slice %arg6[%dma_wait3A_404, %dma_wait3A_405] : memref<4x112xi32, #tpu.memory_space<vmem>> -> memref<1x112xi32, #tpu.memory_space<vmem>>
      %dma_wait3A_407 = tpu.memref_squeeze %dma_wait3A_406 : memref<1x112xi32, #tpu.memory_space<vmem>> -> memref<112xi32, #tpu.memory_space<vmem>>
      %dma_wait3A_408 = tpu.memref_slice %arg3[%add3A_403] : memref<640000xi32, #tpu.memory_space<hbm>> -> memref<112xi32, #tpu.memory_space<hbm>>
      %dma_wait3A_409 = arith.constant 0 : i32
      %dma_wait3A_410 = tpu.memref_slice %arg6[%dma_wait3A_404, %dma_wait3A_409] : memref<4x112xi32, #tpu.memory_space<vmem>> -> memref<1x112xi32, #tpu.memory_space<vmem>>
      %dma_wait3A_411 = tpu.memref_squeeze %dma_wait3A_410 : memref<1x112xi32, #tpu.memory_space<vmem>> -> memref<112xi32, #tpu.memory_space<vmem>>
      %dma_wait3A_412 = tpu.memref_slice %arg3[%add3A_403] : memref<640000xi32, #tpu.memory_space<hbm>> -> memref<112xi32, #tpu.memory_space<hbm>>
      tpu.wait_dma2 semaphore(%arg15 : memref<!tpu.dma_semaphore, #tpu.memory_space<semaphore_mem>>) src(%dma_wait3A_412 : memref<112xi32, #tpu.memory_space<hbm>>) dst(%dma_wait3A_411 : memref<112xi32, #tpu.memory_space<vmem>>)
      %dma_start3A_413 = arith.constant 3 : i32
      %dma_start3A_414 = arith.constant 1 : i32
      %dma_start3A_415 = arith.constant 0 : i32
      %dma_start3A_416 = arith.constant 0 : i32
      %dma_start3A_417 = tpu.memref_slice %arg7[%dma_start3A_414, %dma_start3A_415, %dma_start3A_416] : memref<2x112x128xf32, #tpu.memory_space<vmem>> -> memref<1x112x128xf32, #tpu.memory_space<vmem>>
      %dma_start3A_418 = tpu.memref_squeeze %dma_start3A_417 : memref<1x112x128xf32, #tpu.memory_space<vmem>> -> memref<112x128xf32, #tpu.memory_space<vmem>>
      %dma_start3A_419 = arith.constant 0 : i32
      %dma_start3A_420 = tpu.memref_slice %arg5[%dma_start3A_413, %dma_start3A_419] : memref<4x112xi32, #tpu.memory_space<vmem>> -> memref<1x112xi32, #tpu.memory_space<vmem>>
      %dma_start3A_421 = tpu.memref_squeeze %dma_start3A_420 : memref<1x112xi32, #tpu.memory_space<vmem>> -> memref<112xi32, #tpu.memory_space<vmem>>
      %dma_start3A_422 = arith.constant 0 : i32
      %dma_start3A_423 = arith.constant 0 : i32
      %dma_start3A_424 = tpu.memref_slice %arg2[%dma_start3A_422, %dma_start3A_423] : memref<10000x128xf32, #tpu.memory_space<hbm>> -> memref<10000x128xf32, #tpu.memory_space<hbm>>
      tpu.enqueue_indirect_dma source(%dma_start3A_424 : memref<10000x128xf32, #tpu.memory_space<hbm>>) target(%dma_start3A_418 : memref<112x128xf32, #tpu.memory_space<vmem>>) offsets(%dma_start3A_421 : memref<112xi32, #tpu.memory_space<vmem>>) semaphore(%arg17 : memref<!tpu.dma_semaphore, #tpu.memory_space<semaphore_mem>>)
      %dma_wait3A_425 = arith.constant 2 : i32
      %dma_wait3A_426 = arith.constant 0 : i32
      %dma_wait3A_427 = arith.constant 0 : i32
      %dma_wait3A_428 = arith.constant 0 : i32
      %dma_wait3A_429 = tpu.memref_slice %arg7[%dma_wait3A_426, %dma_wait3A_427, %dma_wait3A_428] : memref<2x112x128xf32, #tpu.memory_space<vmem>> -> memref<1x112x128xf32, #tpu.memory_space<vmem>>
      %dma_wait3A_430 = tpu.memref_squeeze %dma_wait3A_429 : memref<1x112x128xf32, #tpu.memory_space<vmem>> -> memref<112x128xf32, #tpu.memory_space<vmem>>
      %dma_wait3A_431 = arith.constant 0 : i32
      %dma_wait3A_432 = tpu.memref_slice %arg5[%dma_wait3A_425, %dma_wait3A_431] : memref<4x112xi32, #tpu.memory_space<vmem>> -> memref<1x112xi32, #tpu.memory_space<vmem>>
      %dma_wait3A_433 = tpu.memref_squeeze %dma_wait3A_432 : memref<1x112xi32, #tpu.memory_space<vmem>> -> memref<112xi32, #tpu.memory_space<vmem>>
      %dma_wait3A_434 = arith.constant 0 : i32
      %dma_wait3A_435 = arith.constant 0 : i32
      %dma_wait3A_436 = tpu.memref_slice %arg2[%dma_wait3A_434, %dma_wait3A_435] : memref<10000x128xf32, #tpu.memory_space<hbm>> -> memref<10000x128xf32, #tpu.memory_space<hbm>>
      tpu.wait_indirect_dma semaphore(%arg16 : memref<!tpu.dma_semaphore, #tpu.memory_space<semaphore_mem>>) src(%dma_wait3A_436 : memref<10000x128xf32, #tpu.memory_space<hbm>>) dst(%dma_wait3A_430 : memref<112x128xf32, #tpu.memory_space<vmem>>)
      %dma_start3A_437 = arith.constant 0 : i32
      %dma_start3A_438 = arith.constant 2 : i32
      %dma_start3A_439 = arith.constant 0 : i32
      %dma_start3A_440 = arith.constant 0 : i32
      %dma_start3A_441 = tpu.memref_slice %arg7[%dma_start3A_437, %dma_start3A_439, %dma_start3A_440] : memref<2x112x128xf32, #tpu.memory_space<vmem>> -> memref<1x112x128xf32, #tpu.memory_space<vmem>>
      %dma_start3A_442 = tpu.memref_squeeze %dma_start3A_441 : memref<1x112x128xf32, #tpu.memory_space<vmem>> -> memref<112x128xf32, #tpu.memory_space<vmem>>
      %dma_start3A_443 = arith.constant 0 : i32
      %dma_start3A_444 = tpu.memref_slice %arg6[%dma_start3A_438, %dma_start3A_443] : memref<4x112xi32, #tpu.memory_space<vmem>> -> memref<1x112xi32, #tpu.memory_space<vmem>>
      %dma_start3A_445 = tpu.memref_squeeze %dma_start3A_444 : memref<1x112xi32, #tpu.memory_space<vmem>> -> memref<112xi32, #tpu.memory_space<vmem>>
      %dma_start3A_446 = arith.constant 0 : i32
      %dma_start3A_447 = arith.constant 0 : i32
      %dma_start3A_448 = tpu.memref_slice %arg11[%dma_start3A_446, %dma_start3A_447] : memref<10000x128xf32, #tpu.memory_space<vmem_shared>> -> memref<10000x128xf32, #tpu.memory_space<vmem_shared>>
      tpu.enqueue_indirect_dma source(%dma_start3A_442 : memref<112x128xf32, #tpu.memory_space<vmem>>) target(%dma_start3A_448 : memref<10000x128xf32, #tpu.memory_space<vmem_shared>>) offsets(%dma_start3A_445 : memref<112xi32, #tpu.memory_space<vmem>>) semaphore(%arg18 : memref<!tpu.dma_semaphore, #tpu.memory_space<semaphore_mem>>) {add = true}
      %mul3A_449 = arith.constant 4 : i32
      %mul3A_450 = arith.muli %mul3A_449, %add3A_195 : i32
      %add3A_451 = arith.constant 3 : i32
      %add3A_452 = arith.addi %mul3A_450, %add3A_451 : i32
      %dma_wait3A_453 = arith.constant 0 : i32
      %dma_wait3A_454 = arith.constant 2 : i32
      %dma_wait3A_455 = arith.constant 0 : i32
      %dma_wait3A_456 = arith.constant 0 : i32
      %dma_wait3A_457 = tpu.memref_slice %arg7[%dma_wait3A_453, %dma_wait3A_455, %dma_wait3A_456] : memref<2x112x128xf32, #tpu.memory_space<vmem>> -> memref<1x112x128xf32, #tpu.memory_space<vmem>>
      %dma_wait3A_458 = tpu.memref_squeeze %dma_wait3A_457 : memref<1x112x128xf32, #tpu.memory_space<vmem>> -> memref<112x128xf32, #tpu.memory_space<vmem>>
      %dma_wait3A_459 = arith.constant 0 : i32
      %dma_wait3A_460 = tpu.memref_slice %arg6[%dma_wait3A_454, %dma_wait3A_459] : memref<4x112xi32, #tpu.memory_space<vmem>> -> memref<1x112xi32, #tpu.memory_space<vmem>>
      %dma_wait3A_461 = tpu.memref_squeeze %dma_wait3A_460 : memref<1x112xi32, #tpu.memory_space<vmem>> -> memref<112xi32, #tpu.memory_space<vmem>>
      %dma_wait3A_462 = arith.constant 0 : i32
      %dma_wait3A_463 = arith.constant 0 : i32
      %dma_wait3A_464 = tpu.memref_slice %arg11[%dma_wait3A_462, %dma_wait3A_463] : memref<10000x128xf32, #tpu.memory_space<vmem_shared>> -> memref<10000x128xf32, #tpu.memory_space<vmem_shared>>
      tpu.wait_indirect_dma semaphore(%arg18 : memref<!tpu.dma_semaphore, #tpu.memory_space<semaphore_mem>>) src(%dma_wait3A_458 : memref<112x128xf32, #tpu.memory_space<vmem>>) dst(%dma_wait3A_464 : memref<10000x128xf32, #tpu.memory_space<vmem_shared>>)
      %lt3A_465 = arith.constant 21 : i32
      %lt3A_466 = arith.cmpi slt, %add3A_195, %lt3A_465 : i32
      %convert_element_type3A_467 = arith.extui %lt3A_466 : i1 to i32
      %cond3A_468 = arith.constant 0 : i32
      %cond3A_469 = arith.cmpi ne, %convert_element_type3A_467, %cond3A_468 : i32
      scf.if %cond3A_469 {
        %add3A_531 = arith.constant 3 : i32
        %add3A_532 = arith.addi %add3A_452, %add3A_531 : i32
        %mul3A_533 = arith.constant 112 : i32
        %mul3A_534 = arith.muli %add3A_532, %mul3A_533 : i32
        %add3A_535 = arith.addi %mul3A_4, %mul3A_534 : i32
        %dma_start3A_536 = arith.constant 2 : i32
        %dma_start3A_537 = arith.constant 0 : i32
        %dma_start3A_538 = tpu.memref_slice %arg5[%dma_start3A_536, %dma_start3A_537] : memref<4x112xi32, #tpu.memory_space<vmem>> -> memref<1x112xi32, #tpu.memory_space<vmem>>
        %dma_start3A_539 = tpu.memref_squeeze %dma_start3A_538 : memref<1x112xi32, #tpu.memory_space<vmem>> -> memref<112xi32, #tpu.memory_space<vmem>>
        %dma_start3A_540 = tpu.memref_slice %arg3[%add3A_535] : memref<640000xi32, #tpu.memory_space<hbm>> -> memref<112xi32, #tpu.memory_space<hbm>>
        %dma_start3A_541 = arith.constant 0 : i32
        %dma_start3A_542 = tpu.memref_slice %arg5[%dma_start3A_536, %dma_start3A_541] : memref<4x112xi32, #tpu.memory_space<vmem>> -> memref<1x112xi32, #tpu.memory_space<vmem>>
        %dma_start3A_543 = tpu.memref_squeeze %dma_start3A_542 : memref<1x112xi32, #tpu.memory_space<vmem>> -> memref<112xi32, #tpu.memory_space<vmem>>
        %dma_start3A_544 = tpu.memref_slice %arg3[%add3A_535] : memref<640000xi32, #tpu.memory_space<hbm>> -> memref<112xi32, #tpu.memory_space<hbm>>
        tpu.enqueue_dma source(%dma_start3A_544 : memref<112xi32, #tpu.memory_space<hbm>>) target(%dma_start3A_543 : memref<112xi32, #tpu.memory_space<vmem>>) target_semaphore(%arg14 : memref<!tpu.dma_semaphore, #tpu.memory_space<semaphore_mem>>)
        %add3A_545 = arith.constant 320000 : i32
        %add3A_546 = arith.addi %add3A_545, %add3A_535 : i32
        %dma_start3A_547 = arith.constant 2 : i32
        %dma_start3A_548 = arith.constant 0 : i32
        %dma_start3A_549 = tpu.memref_slice %arg6[%dma_start3A_547, %dma_start3A_548] : memref<4x112xi32, #tpu.memory_space<vmem>> -> memref<1x112xi32, #tpu.memory_space<vmem>>
        %dma_start3A_550 = tpu.memref_squeeze %dma_start3A_549 : memref<1x112xi32, #tpu.memory_space<vmem>> -> memref<112xi32, #tpu.memory_space<vmem>>
        %dma_start3A_551 = tpu.memref_slice %arg3[%add3A_546] : memref<640000xi32, #tpu.memory_space<hbm>> -> memref<112xi32, #tpu.memory_space<hbm>>
        %dma_start3A_552 = arith.constant 0 : i32
        %dma_start3A_553 = tpu.memref_slice %arg6[%dma_start3A_547, %dma_start3A_552] : memref<4x112xi32, #tpu.memory_space<vmem>> -> memref<1x112xi32, #tpu.memory_space<vmem>>
        %dma_start3A_554 = tpu.memref_squeeze %dma_start3A_553 : memref<1x112xi32, #tpu.memory_space<vmem>> -> memref<112xi32, #tpu.memory_space<vmem>>
        %dma_start3A_555 = tpu.memref_slice %arg3[%add3A_546] : memref<640000xi32, #tpu.memory_space<hbm>> -> memref<112xi32, #tpu.memory_space<hbm>>
        tpu.enqueue_dma source(%dma_start3A_555 : memref<112xi32, #tpu.memory_space<hbm>>) target(%dma_start3A_554 : memref<112xi32, #tpu.memory_space<vmem>>) target_semaphore(%arg14 : memref<!tpu.dma_semaphore, #tpu.memory_space<semaphore_mem>>)
      } else {
      }
      %add3A_470 = arith.constant 1 : i32
      %add3A_471 = arith.addi %add3A_452, %add3A_470 : i32
      %mul3A_472 = arith.constant 112 : i32
      %mul3A_473 = arith.muli %add3A_471, %mul3A_472 : i32
      %add3A_474 = arith.addi %mul3A_4, %mul3A_473 : i32
      %dma_wait3A_475 = arith.constant 0 : i32
      %dma_wait3A_476 = arith.constant 0 : i32
      %dma_wait3A_477 = tpu.memref_slice %arg5[%dma_wait3A_475, %dma_wait3A_476] : memref<4x112xi32, #tpu.memory_space<vmem>> -> memref<1x112xi32, #tpu.memory_space<vmem>>
      %dma_wait3A_478 = tpu.memref_squeeze %dma_wait3A_477 : memref<1x112xi32, #tpu.memory_space<vmem>> -> memref<112xi32, #tpu.memory_space<vmem>>
      %dma_wait3A_479 = tpu.memref_slice %arg3[%add3A_474] : memref<640000xi32, #tpu.memory_space<hbm>> -> memref<112xi32, #tpu.memory_space<hbm>>
      %dma_wait3A_480 = arith.constant 0 : i32
      %dma_wait3A_481 = tpu.memref_slice %arg5[%dma_wait3A_475, %dma_wait3A_480] : memref<4x112xi32, #tpu.memory_space<vmem>> -> memref<1x112xi32, #tpu.memory_space<vmem>>
      %dma_wait3A_482 = tpu.memref_squeeze %dma_wait3A_481 : memref<1x112xi32, #tpu.memory_space<vmem>> -> memref<112xi32, #tpu.memory_space<vmem>>
      %dma_wait3A_483 = tpu.memref_slice %arg3[%add3A_474] : memref<640000xi32, #tpu.memory_space<hbm>> -> memref<112xi32, #tpu.memory_space<hbm>>
      tpu.wait_dma2 semaphore(%arg12 : memref<!tpu.dma_semaphore, #tpu.memory_space<semaphore_mem>>) src(%dma_wait3A_483 : memref<112xi32, #tpu.memory_space<hbm>>) dst(%dma_wait3A_482 : memref<112xi32, #tpu.memory_space<vmem>>)
      %add3A_484 = arith.constant 320000 : i32
      %add3A_485 = arith.addi %add3A_484, %add3A_474 : i32
      %dma_wait3A_486 = arith.constant 0 : i32
      %dma_wait3A_487 = arith.constant 0 : i32
      %dma_wait3A_488 = tpu.memref_slice %arg6[%dma_wait3A_486, %dma_wait3A_487] : memref<4x112xi32, #tpu.memory_space<vmem>> -> memref<1x112xi32, #tpu.memory_space<vmem>>
      %dma_wait3A_489 = tpu.memref_squeeze %dma_wait3A_488 : memref<1x112xi32, #tpu.memory_space<vmem>> -> memref<112xi32, #tpu.memory_space<vmem>>
      %dma_wait3A_490 = tpu.memref_slice %arg3[%add3A_485] : memref<640000xi32, #tpu.memory_space<hbm>> -> memref<112xi32, #tpu.memory_space<hbm>>
      %dma_wait3A_491 = arith.constant 0 : i32
      %dma_wait3A_492 = tpu.memref_slice %arg6[%dma_wait3A_486, %dma_wait3A_491] : memref<4x112xi32, #tpu.memory_space<vmem>> -> memref<1x112xi32, #tpu.memory_space<vmem>>
      %dma_wait3A_493 = tpu.memref_squeeze %dma_wait3A_492 : memref<1x112xi32, #tpu.memory_space<vmem>> -> memref<112xi32, #tpu.memory_space<vmem>>
      %dma_wait3A_494 = tpu.memref_slice %arg3[%add3A_485] : memref<640000xi32, #tpu.memory_space<hbm>> -> memref<112xi32, #tpu.memory_space<hbm>>
      tpu.wait_dma2 semaphore(%arg12 : memref<!tpu.dma_semaphore, #tpu.memory_space<semaphore_mem>>) src(%dma_wait3A_494 : memref<112xi32, #tpu.memory_space<hbm>>) dst(%dma_wait3A_493 : memref<112xi32, #tpu.memory_space<vmem>>)
      %dma_start3A_495 = arith.constant 0 : i32
      %dma_start3A_496 = arith.constant 0 : i32
      %dma_start3A_497 = arith.constant 0 : i32
      %dma_start3A_498 = arith.constant 0 : i32
      %dma_start3A_499 = tpu.memref_slice %arg7[%dma_start3A_496, %dma_start3A_497, %dma_start3A_498] : memref<2x112x128xf32, #tpu.memory_space<vmem>> -> memref<1x112x128xf32, #tpu.memory_space<vmem>>
      %dma_start3A_500 = tpu.memref_squeeze %dma_start3A_499 : memref<1x112x128xf32, #tpu.memory_space<vmem>> -> memref<112x128xf32, #tpu.memory_space<vmem>>
      %dma_start3A_501 = arith.constant 0 : i32
      %dma_start3A_502 = tpu.memref_slice %arg5[%dma_start3A_495, %dma_start3A_501] : memref<4x112xi32, #tpu.memory_space<vmem>> -> memref<1x112xi32, #tpu.memory_space<vmem>>
      %dma_start3A_503 = tpu.memref_squeeze %dma_start3A_502 : memref<1x112xi32, #tpu.memory_space<vmem>> -> memref<112xi32, #tpu.memory_space<vmem>>
      %dma_start3A_504 = arith.constant 0 : i32
      %dma_start3A_505 = arith.constant 0 : i32
      %dma_start3A_506 = tpu.memref_slice %arg2[%dma_start3A_504, %dma_start3A_505] : memref<10000x128xf32, #tpu.memory_space<hbm>> -> memref<10000x128xf32, #tpu.memory_space<hbm>>
      tpu.enqueue_indirect_dma source(%dma_start3A_506 : memref<10000x128xf32, #tpu.memory_space<hbm>>) target(%dma_start3A_500 : memref<112x128xf32, #tpu.memory_space<vmem>>) offsets(%dma_start3A_503 : memref<112xi32, #tpu.memory_space<vmem>>) semaphore(%arg16 : memref<!tpu.dma_semaphore, #tpu.memory_space<semaphore_mem>>)
      %dma_wait3A_507 = arith.constant 3 : i32
      %dma_wait3A_508 = arith.constant 1 : i32
      %dma_wait3A_509 = arith.constant 0 : i32
      %dma_wait3A_510 = arith.constant 0 : i32
      %dma_wait3A_511 = tpu.memref_slice %arg7[%dma_wait3A_508, %dma_wait3A_509, %dma_wait3A_510] : memref<2x112x128xf32, #tpu.memory_space<vmem>> -> memref<1x112x128xf32, #tpu.memory_space<vmem>>
      %dma_wait3A_512 = tpu.memref_squeeze %dma_wait3A_511 : memref<1x112x128xf32, #tpu.memory_space<vmem>> -> memref<112x128xf32, #tpu.memory_space<vmem>>
      %dma_wait3A_513 = arith.constant 0 : i32
      %dma_wait3A_514 = tpu.memref_slice %arg5[%dma_wait3A_507, %dma_wait3A_513] : memref<4x112xi32, #tpu.memory_space<vmem>> -> memref<1x112xi32, #tpu.memory_space<vmem>>
      %dma_wait3A_515 = tpu.memref_squeeze %dma_wait3A_514 : memref<1x112xi32, #tpu.memory_space<vmem>> -> memref<112xi32, #tpu.memory_space<vmem>>
      %dma_wait3A_516 = arith.constant 0 : i32
      %dma_wait3A_517 = arith.constant 0 : i32
      %dma_wait3A_518 = tpu.memref_slice %arg2[%dma_wait3A_516, %dma_wait3A_517] : memref<10000x128xf32, #tpu.memory_space<hbm>> -> memref<10000x128xf32, #tpu.memory_space<hbm>>
      tpu.wait_indirect_dma semaphore(%arg17 : memref<!tpu.dma_semaphore, #tpu.memory_space<semaphore_mem>>) src(%dma_wait3A_518 : memref<10000x128xf32, #tpu.memory_space<hbm>>) dst(%dma_wait3A_512 : memref<112x128xf32, #tpu.memory_space<vmem>>)
      %dma_start3A_519 = arith.constant 1 : i32
      %dma_start3A_520 = arith.constant 3 : i32
      %dma_start3A_521 = arith.constant 0 : i32
      %dma_start3A_522 = arith.constant 0 : i32
      %dma_start3A_523 = tpu.memref_slice %arg7[%dma_start3A_519, %dma_start3A_521, %dma_start3A_522] : memref<2x112x128xf32, #tpu.memory_space<vmem>> -> memref<1x112x128xf32, #tpu.memory_space<vmem>>
      %dma_start3A_524 = tpu.memref_squeeze %dma_start3A_523 : memref<1x112x128xf32, #tpu.memory_space<vmem>> -> memref<112x128xf32, #tpu.memory_space<vmem>>
      %dma_start3A_525 = arith.constant 0 : i32
      %dma_start3A_526 = tpu.memref_slice %arg6[%dma_start3A_520, %dma_start3A_525] : memref<4x112xi32, #tpu.memory_space<vmem>> -> memref<1x112xi32, #tpu.memory_space<vmem>>
      %dma_start3A_527 = tpu.memref_squeeze %dma_start3A_526 : memref<1x112xi32, #tpu.memory_space<vmem>> -> memref<112xi32, #tpu.memory_space<vmem>>
      %dma_start3A_528 = arith.constant 0 : i32
      %dma_start3A_529 = arith.constant 0 : i32
      %dma_start3A_530 = tpu.memref_slice %arg11[%dma_start3A_528, %dma_start3A_529] : memref<10000x128xf32, #tpu.memory_space<vmem_shared>> -> memref<10000x128xf32, #tpu.memory_space<vmem_shared>>
      tpu.enqueue_indirect_dma source(%dma_start3A_524 : memref<112x128xf32, #tpu.memory_space<vmem>>) target(%dma_start3A_530 : memref<10000x128xf32, #tpu.memory_space<vmem_shared>>) offsets(%dma_start3A_527 : memref<112xi32, #tpu.memory_space<vmem>>) semaphore(%arg19 : memref<!tpu.dma_semaphore, #tpu.memory_space<semaphore_mem>>) {add = true}
    }
    %scan3A_151 = arith.constant 22 : i32
    %dma_wait3A_152 = arith.constant 1 : i32
    %dma_wait3A_153 = arith.constant 3 : i32
    %dma_wait3A_154 = arith.constant 0 : i32
    %dma_wait3A_155 = arith.constant 0 : i32
    %dma_wait3A_156 = tpu.memref_slice %arg7[%dma_wait3A_152, %dma_wait3A_154, %dma_wait3A_155] : memref<2x112x128xf32, #tpu.memory_space<vmem>> -> memref<1x112x128xf32, #tpu.memory_space<vmem>>
    %dma_wait3A_157 = tpu.memref_squeeze %dma_wait3A_156 : memref<1x112x128xf32, #tpu.memory_space<vmem>> -> memref<112x128xf32, #tpu.memory_space<vmem>>
    %dma_wait3A_158 = arith.constant 0 : i32
    %dma_wait3A_159 = tpu.memref_slice %arg6[%dma_wait3A_153, %dma_wait3A_158] : memref<4x112xi32, #tpu.memory_space<vmem>> -> memref<1x112xi32, #tpu.memory_space<vmem>>
    %dma_wait3A_160 = tpu.memref_squeeze %dma_wait3A_159 : memref<1x112xi32, #tpu.memory_space<vmem>> -> memref<112xi32, #tpu.memory_space<vmem>>
    %dma_wait3A_161 = arith.constant 0 : i32
    %dma_wait3A_162 = arith.constant 0 : i32
    %dma_wait3A_163 = tpu.memref_slice %arg11[%dma_wait3A_161, %dma_wait3A_162] : memref<10000x128xf32, #tpu.memory_space<vmem_shared>> -> memref<10000x128xf32, #tpu.memory_space<vmem_shared>>
    tpu.wait_indirect_dma semaphore(%arg19 : memref<!tpu.dma_semaphore, #tpu.memory_space<semaphore_mem>>) src(%dma_wait3A_157 : memref<112x128xf32, #tpu.memory_space<vmem>>) dst(%dma_wait3A_163 : memref<10000x128xf32, #tpu.memory_space<vmem_shared>>)
    %dma_wait3A_164 = arith.constant 0 : i32
    %dma_wait3A_165 = arith.constant 0 : i32
    %dma_wait3A_166 = arith.constant 0 : i32
    %dma_wait3A_167 = arith.constant 0 : i32
    %dma_wait3A_168 = tpu.memref_slice %arg7[%dma_wait3A_165, %dma_wait3A_166, %dma_wait3A_167] : memref<2x112x128xf32, #tpu.memory_space<vmem>> -> memref<1x112x128xf32, #tpu.memory_space<vmem>>
    %dma_wait3A_169 = tpu.memref_squeeze %dma_wait3A_168 : memref<1x112x128xf32, #tpu.memory_space<vmem>> -> memref<112x128xf32, #tpu.memory_space<vmem>>
    %dma_wait3A_170 = arith.constant 0 : i32
    %dma_wait3A_171 = tpu.memref_slice %arg5[%dma_wait3A_164, %dma_wait3A_170] : memref<4x112xi32, #tpu.memory_space<vmem>> -> memref<1x112xi32, #tpu.memory_space<vmem>>
    %dma_wait3A_172 = tpu.memref_squeeze %dma_wait3A_171 : memref<1x112xi32, #tpu.memory_space<vmem>> -> memref<112xi32, #tpu.memory_space<vmem>>
    %dma_wait3A_173 = arith.constant 0 : i32
    %dma_wait3A_174 = arith.constant 0 : i32
    %dma_wait3A_175 = tpu.memref_slice %arg2[%dma_wait3A_173, %dma_wait3A_174] : memref<10000x128xf32, #tpu.memory_space<hbm>> -> memref<10000x128xf32, #tpu.memory_space<hbm>>
    tpu.wait_indirect_dma semaphore(%arg16 : memref<!tpu.dma_semaphore, #tpu.memory_space<semaphore_mem>>) src(%dma_wait3A_175 : memref<10000x128xf32, #tpu.memory_space<hbm>>) dst(%dma_wait3A_169 : memref<112x128xf32, #tpu.memory_space<vmem>>)
    %run_scoped3A = arith.constant 0 : i32
    %run_scoped3A_176 = arith.constant 0 : i32
    "tpu.region"() ({
      %run_scoped3A_191 = tpu.sem_alloc : memref<!tpu.dma_semaphore, #tpu.memory_space<semaphore_mem>>
      %dma_start3A_192 = arith.constant 0 : i32
      %dma_start3A_193 = arith.constant 0 : i32
      %dma_start3A_194 = tpu.memref_slice %arg7[%run_scoped3A, %dma_start3A_192, %dma_start3A_193] : memref<2x112x128xf32, #tpu.memory_space<vmem>> -> memref<1x112x128xf32, #tpu.memory_space<vmem>>
      %dma_start3A_195 = tpu.memref_squeeze %dma_start3A_194 : memref<1x112x128xf32, #tpu.memory_space<vmem>> -> memref<112x128xf32, #tpu.memory_space<vmem>>
      %dma_start3A_196 = arith.constant 0 : i32
      %dma_start3A_197 = tpu.memref_slice %arg6[%run_scoped3A_176, %dma_start3A_196] : memref<4x112xi32, #tpu.memory_space<vmem>> -> memref<1x112xi32, #tpu.memory_space<vmem>>
      %dma_start3A_198 = tpu.memref_squeeze %dma_start3A_197 : memref<1x112xi32, #tpu.memory_space<vmem>> -> memref<112xi32, #tpu.memory_space<vmem>>
      %dma_start3A_199 = arith.constant 0 : i32
      %dma_start3A_200 = arith.constant 0 : i32
      %dma_start3A_201 = tpu.memref_slice %arg11[%dma_start3A_199, %dma_start3A_200] : memref<10000x128xf32, #tpu.memory_space<vmem_shared>> -> memref<10000x128xf32, #tpu.memory_space<vmem_shared>>
      tpu.enqueue_indirect_dma source(%dma_start3A_195 : memref<112x128xf32, #tpu.memory_space<vmem>>) target(%dma_start3A_201 : memref<10000x128xf32, #tpu.memory_space<vmem_shared>>) offsets(%dma_start3A_198 : memref<112xi32, #tpu.memory_space<vmem>>) semaphore(%run_scoped3A_191 : memref<!tpu.dma_semaphore, #tpu.memory_space<semaphore_mem>>) {add = true}
      %dma_wait3A_202 = arith.constant 0 : i32
      %dma_wait3A_203 = arith.constant 0 : i32
      %dma_wait3A_204 = tpu.memref_slice %arg7[%run_scoped3A, %dma_wait3A_202, %dma_wait3A_203] : memref<2x112x128xf32, #tpu.memory_space<vmem>> -> memref<1x112x128xf32, #tpu.memory_space<vmem>>
      %dma_wait3A_205 = tpu.memref_squeeze %dma_wait3A_204 : memref<1x112x128xf32, #tpu.memory_space<vmem>> -> memref<112x128xf32, #tpu.memory_space<vmem>>
      %dma_wait3A_206 = arith.constant 0 : i32
      %dma_wait3A_207 = tpu.memref_slice %arg6[%run_scoped3A_176, %dma_wait3A_206] : memref<4x112xi32, #tpu.memory_space<vmem>> -> memref<1x112xi32, #tpu.memory_space<vmem>>
      %dma_wait3A_208 = tpu.memref_squeeze %dma_wait3A_207 : memref<1x112xi32, #tpu.memory_space<vmem>> -> memref<112xi32, #tpu.memory_space<vmem>>
      %dma_wait3A_209 = arith.constant 0 : i32
      %dma_wait3A_210 = arith.constant 0 : i32
      %dma_wait3A_211 = tpu.memref_slice %arg11[%dma_wait3A_209, %dma_wait3A_210] : memref<10000x128xf32, #tpu.memory_space<vmem_shared>> -> memref<10000x128xf32, #tpu.memory_space<vmem_shared>>
      tpu.wait_indirect_dma semaphore(%run_scoped3A_191 : memref<!tpu.dma_semaphore, #tpu.memory_space<semaphore_mem>>) src(%dma_wait3A_205 : memref<112x128xf32, #tpu.memory_space<vmem>>) dst(%dma_wait3A_211 : memref<10000x128xf32, #tpu.memory_space<vmem_shared>>)
      tpu.yield
    }) : () -> ()
    %dma_wait3A_177 = arith.constant 0 : i32
    %dma_wait3A_178 = arith.constant 0 : i32
    %dma_wait3A_179 = tpu.memref_slice %arg2[%dma_wait3A_177, %dma_wait3A_178] : memref<10000x128xf32, #tpu.memory_space<hbm>> -> memref<10000x128xf32, #tpu.memory_space<hbm>>
    tpu.wait_indirect_dma semaphore(%arg21 : memref<!tpu.dma_semaphore, #tpu.memory_space<semaphore_mem>>) src(%dma_wait3A_179 : memref<10000x128xf32, #tpu.memory_space<hbm>>) dst(%arg10 : memref<32x128xf32, #tpu.memory_space<vmem>>)
    "tpu.region"() ({
      %run_scoped3A_191 = tpu.sem_alloc : memref<!tpu.dma_semaphore, #tpu.memory_space<semaphore_mem>>
      %dma_start3A_192 = arith.constant 0 : i32
      %dma_start3A_193 = arith.constant 0 : i32
      %dma_start3A_194 = tpu.memref_slice %arg11[%dma_start3A_192, %dma_start3A_193] : memref<10000x128xf32, #tpu.memory_space<vmem_shared>> -> memref<10000x128xf32, #tpu.memory_space<vmem_shared>>
      tpu.enqueue_indirect_dma source(%arg10 : memref<32x128xf32, #tpu.memory_space<vmem>>) target(%dma_start3A_194 : memref<10000x128xf32, #tpu.memory_space<vmem_shared>>) offsets(%arg9 : memref<32xi32, #tpu.memory_space<vmem>>) semaphore(%run_scoped3A_191 : memref<!tpu.dma_semaphore, #tpu.memory_space<semaphore_mem>>) {add = true}
      %dma_wait3A_195 = arith.constant 0 : i32
      %dma_wait3A_196 = arith.constant 0 : i32
      %dma_wait3A_197 = tpu.memref_slice %arg11[%dma_wait3A_195, %dma_wait3A_196] : memref<10000x128xf32, #tpu.memory_space<vmem_shared>> -> memref<10000x128xf32, #tpu.memory_space<vmem_shared>>
      tpu.wait_indirect_dma semaphore(%run_scoped3A_191 : memref<!tpu.dma_semaphore, #tpu.memory_space<semaphore_mem>>) src(%arg10 : memref<32x128xf32, #tpu.memory_space<vmem>>) dst(%dma_wait3A_197 : memref<10000x128xf32, #tpu.memory_space<vmem_shared>>)
      tpu.yield
    }) : () -> ()
    %barrier3A_180 = arith.constant 0 : index
    tpu.barrier barrier_id(%barrier3A_180)
    %lt3A_181 = arith.constant 15 : i32
    %lt3A_182 = arith.cmpi slt, %arg1, %lt3A_181 : i32
    %convert_element_type3A_183 = arith.extui %lt3A_182 : i1 to i32
    %cond3A_184 = arith.constant 0 : i32
    %cond3A_185 = arith.cmpi ne, %convert_element_type3A_183, %cond3A_184 : i32
    scf.if %cond3A_185 {
      "tpu.region"() ({
        %run_scoped3A_191 = tpu.sem_alloc : memref<!tpu.dma_semaphore, #tpu.memory_space<semaphore_mem>>
        %dma_start3A_192 = arith.constant 0 : i32
        %dma_start3A_193 = tpu.memref_slice %arg4[%arg0, %mul3A_2, %dma_start3A_192] : memref<2x10000x128xf32, #tpu.memory_space<hbm>> -> memref<1x624x128xf32, #tpu.memory_space<hbm>>
        %dma_start3A_194 = tpu.memref_squeeze %dma_start3A_193 : memref<1x624x128xf32, #tpu.memory_space<hbm>> -> memref<624x128xf32, #tpu.memory_space<hbm>>
        %dma_start3A_195 = arith.constant 0 : i32
        %dma_start3A_196 = tpu.memref_slice %arg11[%mul3A_2, %dma_start3A_195] : memref<10000x128xf32, #tpu.memory_space<vmem_shared>> -> memref<624x128xf32, #tpu.memory_space<vmem_shared>>
        tpu.enqueue_dma source(%dma_start3A_196 : memref<624x128xf32, #tpu.memory_space<vmem_shared>>) target(%dma_start3A_194 : memref<624x128xf32, #tpu.memory_space<hbm>>) target_semaphore(%run_scoped3A_191 : memref<!tpu.dma_semaphore, #tpu.memory_space<semaphore_mem>>)
        %dma_wait3A_197 = arith.constant 0 : i32
        %dma_wait3A_198 = tpu.memref_slice %arg4[%arg0, %mul3A_2, %dma_wait3A_197] : memref<2x10000x128xf32, #tpu.memory_space<hbm>> -> memref<1x624x128xf32, #tpu.memory_space<hbm>>
        %dma_wait3A_199 = tpu.memref_squeeze %dma_wait3A_198 : memref<1x624x128xf32, #tpu.memory_space<hbm>> -> memref<624x128xf32, #tpu.memory_space<hbm>>
        %dma_wait3A_200 = arith.constant 0 : i32
        %dma_wait3A_201 = tpu.memref_slice %arg11[%mul3A_2, %dma_wait3A_200] : memref<10000x128xf32, #tpu.memory_space<vmem_shared>> -> memref<624x128xf32, #tpu.memory_space<vmem_shared>>
        tpu.wait_dma2 semaphore(%run_scoped3A_191 : memref<!tpu.dma_semaphore, #tpu.memory_space<semaphore_mem>>) src(%dma_wait3A_201 : memref<624x128xf32, #tpu.memory_space<vmem_shared>>) dst(%dma_wait3A_199 : memref<624x128xf32, #tpu.memory_space<hbm>>)
        tpu.yield
      }) : () -> ()
    } else {
    }
    %eq3A_186 = arith.constant 15 : i32
    %eq3A_187 = arith.cmpi eq, %arg1, %eq3A_186 : i32
    %convert_element_type3A_188 = arith.extui %eq3A_187 : i1 to i32
    %cond3A_189 = arith.constant 0 : i32
    %cond3A_190 = arith.cmpi ne, %convert_element_type3A_188, %cond3A_189 : i32
    scf.if %cond3A_190 {
      "tpu.region"() ({
        %run_scoped3A_191 = tpu.sem_alloc : memref<!tpu.dma_semaphore, #tpu.memory_space<semaphore_mem>>
        %dma_start3A_192 = arith.constant 9360 : i32
        %dma_start3A_193 = arith.constant 0 : i32
        %dma_start3A_194 = tpu.memref_slice %arg4[%arg0, %dma_start3A_192, %dma_start3A_193] : memref<2x10000x128xf32, #tpu.memory_space<hbm>> -> memref<1x640x128xf32, #tpu.memory_space<hbm>>
        %dma_start3A_195 = tpu.memref_squeeze %dma_start3A_194 : memref<1x640x128xf32, #tpu.memory_space<hbm>> -> memref<640x128xf32, #tpu.memory_space<hbm>>
        %dma_start3A_196 = arith.constant 9360 : i32
        %dma_start3A_197 = arith.constant 0 : i32
        %dma_start3A_198 = tpu.memref_slice %arg11[%dma_start3A_196, %dma_start3A_197] : memref<10000x128xf32, #tpu.memory_space<vmem_shared>> -> memref<640x128xf32, #tpu.memory_space<vmem_shared>>
        tpu.enqueue_dma source(%dma_start3A_198 : memref<640x128xf32, #tpu.memory_space<vmem_shared>>) target(%dma_start3A_195 : memref<640x128xf32, #tpu.memory_space<hbm>>) target_semaphore(%run_scoped3A_191 : memref<!tpu.dma_semaphore, #tpu.memory_space<semaphore_mem>>)
        %dma_wait3A_199 = arith.constant 9360 : i32
        %dma_wait3A_200 = arith.constant 0 : i32
        %dma_wait3A_201 = tpu.memref_slice %arg4[%arg0, %dma_wait3A_199, %dma_wait3A_200] : memref<2x10000x128xf32, #tpu.memory_space<hbm>> -> memref<1x640x128xf32, #tpu.memory_space<hbm>>
        %dma_wait3A_202 = tpu.memref_squeeze %dma_wait3A_201 : memref<1x640x128xf32, #tpu.memory_space<hbm>> -> memref<640x128xf32, #tpu.memory_space<hbm>>
        %dma_wait3A_203 = arith.constant 9360 : i32
        %dma_wait3A_204 = arith.constant 0 : i32
        %dma_wait3A_205 = tpu.memref_slice %arg11[%dma_wait3A_203, %dma_wait3A_204] : memref<10000x128xf32, #tpu.memory_space<vmem_shared>> -> memref<640x128xf32, #tpu.memory_space<vmem_shared>>
        tpu.wait_dma2 semaphore(%run_scoped3A_191 : memref<!tpu.dma_semaphore, #tpu.memory_space<semaphore_mem>>) src(%dma_wait3A_205 : memref<640x128xf32, #tpu.memory_space<vmem_shared>>) dst(%dma_wait3A_202 : memref<640x128xf32, #tpu.memory_space<hbm>>)
        tpu.yield
      }) : () -> ()
    } else {
    }
    return
  }
}

#map = affine_map<(d0, d1) -> (0)>
module attributes {stable_mosaic.version = 14 : i64} {
  func.func @k(%arg0: i32, %arg1: i32, %arg2: memref<640000xi32, #tpu.memory_space<hbm>>, %arg3: memref<320000xf32, #tpu.memory_space<hbm>>, %arg4: memref<10000xi32, #tpu.memory_space<vmem>>, %arg5: memref<10000xf32, #tpu.memory_space<vmem>>) attributes {dimension_semantics = [#tpu.dimension_semantics<core_parallel>, #tpu.dimension_semantics<subcore_parallel>], iteration_bounds = array<i64: 2, 16>, scalar_prefetch = 0 : i64, scratch_operands = 2 : i64, tpu.core_type = #tpu.core_type<sc_vector_subcore>, window_params = [{transform_indices = #map}, {transform_indices = #map}]} {
    %mul3A = arith.constant 16 : i32
    %mul3A_0 = arith.muli %arg0, %mul3A : i32
    %add3A = arith.addi %mul3A_0, %arg1 : i32
    %mul3A_1 = arith.constant 10000 : i32
    %mul3A_2 = arith.muli %add3A, %mul3A_1 : i32
    %add3A_3 = arith.constant 320000 : i32
    %add3A_4 = arith.addi %add3A_3, %mul3A_2 : i32
    "tpu.region"() ({
      %run_scoped3A = tpu.sem_alloc : memref<!tpu.dma_semaphore, #tpu.memory_space<semaphore_mem>>
      %dma_start3A = tpu.memref_slice %arg2[%add3A_4] : memref<640000xi32, #tpu.memory_space<hbm>> -> memref<10000xi32, #tpu.memory_space<hbm>>
      %dma_start3A_21 = tpu.memref_slice %arg2[%add3A_4] : memref<640000xi32, #tpu.memory_space<hbm>> -> memref<10000xi32, #tpu.memory_space<hbm>>
      tpu.enqueue_dma source(%dma_start3A_21 : memref<10000xi32, #tpu.memory_space<hbm>>) target(%arg4 : memref<10000xi32, #tpu.memory_space<vmem>>) target_semaphore(%run_scoped3A : memref<!tpu.dma_semaphore, #tpu.memory_space<semaphore_mem>>)
      %dma_wait3A = tpu.memref_slice %arg2[%add3A_4] : memref<640000xi32, #tpu.memory_space<hbm>> -> memref<10000xi32, #tpu.memory_space<hbm>>
      %dma_wait3A_22 = tpu.memref_slice %arg2[%add3A_4] : memref<640000xi32, #tpu.memory_space<hbm>> -> memref<10000xi32, #tpu.memory_space<hbm>>
      tpu.wait_dma2 semaphore(%run_scoped3A : memref<!tpu.dma_semaphore, #tpu.memory_space<semaphore_mem>>) src(%dma_wait3A_22 : memref<10000xi32, #tpu.memory_space<hbm>>) dst(%arg4 : memref<10000xi32, #tpu.memory_space<vmem>>)
      tpu.yield
    }) : () -> ()
    %broadcast_in_dim3A = arith.constant 0.000000e+00 : f32
    %broadcast_in_dim3A_5 = vector.broadcast %broadcast_in_dim3A : f32 to vector<16xf32>
    %scan3A = arith.constant 0 : i32
    %scan3A_6 = arith.constant 78 : i32
    %scan3A_7 = arith.addi %scan3A, %scan3A_6 : i32
    %scan3A_8 = arith.constant 1 : i32
    scf.for %scan3A_21 = %scan3A to %scan3A_7 step %scan3A_8  : i32 {
      %mul3A_22 = arith.constant 128 : i32
      %mul3A_23 = arith.muli %scan3A_21, %mul3A_22 : i32
      %add3A_24 = arith.constant 0 : i32
      %add3A_25 = arith.addi %add3A_24, %mul3A_23 : i32
      %add3A_26 = arith.constant 0 : i32
      %add3A_27 = arith.addi %add3A_25, %add3A_26 : i32
      %swap3A_28 = arith.index_cast %add3A_27 : i32 to index
      %swap3A_29 = tpu.vector_load %arg5[%swap3A_28] {strides = array<i32>} : memref<10000xf32, #tpu.memory_space<vmem>>, vector<16xf32>,
      tpu.vector_store %arg5[%swap3A_28], %broadcast_in_dim3A_5 {strides = array<i32>} : memref<10000xf32, #tpu.memory_space<vmem>>, vector<16xf32>,
      %add3A_30 = arith.constant 16 : i32
      %add3A_31 = arith.addi %add3A_25, %add3A_30 : i32
      %swap3A_32 = arith.index_cast %add3A_31 : i32 to index
      %swap3A_33 = tpu.vector_load %arg5[%swap3A_32] {strides = array<i32>} : memref<10000xf32, #tpu.memory_space<vmem>>, vector<16xf32>,
      tpu.vector_store %arg5[%swap3A_32], %broadcast_in_dim3A_5 {strides = array<i32>} : memref<10000xf32, #tpu.memory_space<vmem>>, vector<16xf32>,
      %add3A_34 = arith.constant 32 : i32
      %add3A_35 = arith.addi %add3A_25, %add3A_34 : i32
      %swap3A_36 = arith.index_cast %add3A_35 : i32 to index
      %swap3A_37 = tpu.vector_load %arg5[%swap3A_36] {strides = array<i32>} : memref<10000xf32, #tpu.memory_space<vmem>>, vector<16xf32>,
      tpu.vector_store %arg5[%swap3A_36], %broadcast_in_dim3A_5 {strides = array<i32>} : memref<10000xf32, #tpu.memory_space<vmem>>, vector<16xf32>,
      %add3A_38 = arith.constant 48 : i32
      %add3A_39 = arith.addi %add3A_25, %add3A_38 : i32
      %swap3A_40 = arith.index_cast %add3A_39 : i32 to index
      %swap3A_41 = tpu.vector_load %arg5[%swap3A_40] {strides = array<i32>} : memref<10000xf32, #tpu.memory_space<vmem>>, vector<16xf32>,
      tpu.vector_store %arg5[%swap3A_40], %broadcast_in_dim3A_5 {strides = array<i32>} : memref<10000xf32, #tpu.memory_space<vmem>>, vector<16xf32>,
      %add3A_42 = arith.constant 64 : i32
      %add3A_43 = arith.addi %add3A_25, %add3A_42 : i32
      %swap3A_44 = arith.index_cast %add3A_43 : i32 to index
      %swap3A_45 = tpu.vector_load %arg5[%swap3A_44] {strides = array<i32>} : memref<10000xf32, #tpu.memory_space<vmem>>, vector<16xf32>,
      tpu.vector_store %arg5[%swap3A_44], %broadcast_in_dim3A_5 {strides = array<i32>} : memref<10000xf32, #tpu.memory_space<vmem>>, vector<16xf32>,
      %add3A_46 = arith.constant 80 : i32
      %add3A_47 = arith.addi %add3A_25, %add3A_46 : i32
      %swap3A_48 = arith.index_cast %add3A_47 : i32 to index
      %swap3A_49 = tpu.vector_load %arg5[%swap3A_48] {strides = array<i32>} : memref<10000xf32, #tpu.memory_space<vmem>>, vector<16xf32>,
      tpu.vector_store %arg5[%swap3A_48], %broadcast_in_dim3A_5 {strides = array<i32>} : memref<10000xf32, #tpu.memory_space<vmem>>, vector<16xf32>,
      %add3A_50 = arith.constant 96 : i32
      %add3A_51 = arith.addi %add3A_25, %add3A_50 : i32
      %swap3A_52 = arith.index_cast %add3A_51 : i32 to index
      %swap3A_53 = tpu.vector_load %arg5[%swap3A_52] {strides = array<i32>} : memref<10000xf32, #tpu.memory_space<vmem>>, vector<16xf32>,
      tpu.vector_store %arg5[%swap3A_52], %broadcast_in_dim3A_5 {strides = array<i32>} : memref<10000xf32, #tpu.memory_space<vmem>>, vector<16xf32>,
      %add3A_54 = arith.constant 112 : i32
      %add3A_55 = arith.addi %add3A_25, %add3A_54 : i32
      %swap3A_56 = arith.index_cast %add3A_55 : i32 to index
      %swap3A_57 = tpu.vector_load %arg5[%swap3A_56] {strides = array<i32>} : memref<10000xf32, #tpu.memory_space<vmem>>, vector<16xf32>,
      tpu.vector_store %arg5[%swap3A_56], %broadcast_in_dim3A_5 {strides = array<i32>} : memref<10000xf32, #tpu.memory_space<vmem>>, vector<16xf32>,
    }
    %scan3A_9 = arith.constant 78 : i32
    %swap3A = arith.constant 9984 : index
    %swap3A_10 = tpu.vector_load %arg5[%swap3A] {strides = array<i32>} : memref<10000xf32, #tpu.memory_space<vmem>>, vector<16xf32>,
    tpu.vector_store %arg5[%swap3A], %broadcast_in_dim3A_5 {strides = array<i32>} : memref<10000xf32, #tpu.memory_space<vmem>>, vector<16xf32>,
    %broadcast_in_dim3A_11 = arith.constant 1.000000e+00 : f32
    %broadcast_in_dim3A_12 = vector.broadcast %broadcast_in_dim3A_11 : f32 to vector<16xf32>
    %scan3A_13 = arith.constant 0 : i32
    %scan3A_14 = arith.constant 78 : i32
    %scan3A_15 = arith.addi %scan3A_13, %scan3A_14 : i32
    %scan3A_16 = arith.constant 1 : i32
    scf.for %scan3A_21 = %scan3A_13 to %scan3A_15 step %scan3A_16  : i32 {
      %mul3A_22 = arith.constant 128 : i32
      %mul3A_23 = arith.muli %scan3A_21, %mul3A_22 : i32
      %add3A_24 = arith.constant 0 : i32
      %add3A_25 = arith.addi %add3A_24, %mul3A_23 : i32
      %add3A_26 = arith.constant 0 : i32
      %add3A_27 = arith.addi %add3A_25, %add3A_26 : i32
      %get3A_28 = arith.index_cast %add3A_27 : i32 to index
      %get3A_29 = tpu.vector_load %arg4[%get3A_28] {strides = array<i32>} : memref<10000xi32, #tpu.memory_space<vmem>>, vector<16xi32>,
      tpu.vector_store_idx %arg5[%get3A_29], %broadcast_in_dim3A_12 {add = true} : memref<10000xf32, #tpu.memory_space<vmem>>[vector<16xi32>], vector<16xf32>,
      %add3A_30 = arith.constant 16 : i32
      %add3A_31 = arith.addi %add3A_25, %add3A_30 : i32
      %get3A_32 = arith.index_cast %add3A_31 : i32 to index
      %get3A_33 = tpu.vector_load %arg4[%get3A_32] {strides = array<i32>} : memref<10000xi32, #tpu.memory_space<vmem>>, vector<16xi32>,
      tpu.vector_store_idx %arg5[%get3A_33], %broadcast_in_dim3A_12 {add = true} : memref<10000xf32, #tpu.memory_space<vmem>>[vector<16xi32>], vector<16xf32>,
      %add3A_34 = arith.constant 32 : i32
      %add3A_35 = arith.addi %add3A_25, %add3A_34 : i32
      %get3A_36 = arith.index_cast %add3A_35 : i32 to index
      %get3A_37 = tpu.vector_load %arg4[%get3A_36] {strides = array<i32>} : memref<10000xi32, #tpu.memory_space<vmem>>, vector<16xi32>,
      tpu.vector_store_idx %arg5[%get3A_37], %broadcast_in_dim3A_12 {add = true} : memref<10000xf32, #tpu.memory_space<vmem>>[vector<16xi32>], vector<16xf32>,
      %add3A_38 = arith.constant 48 : i32
      %add3A_39 = arith.addi %add3A_25, %add3A_38 : i32
      %get3A_40 = arith.index_cast %add3A_39 : i32 to index
      %get3A_41 = tpu.vector_load %arg4[%get3A_40] {strides = array<i32>} : memref<10000xi32, #tpu.memory_space<vmem>>, vector<16xi32>,
      tpu.vector_store_idx %arg5[%get3A_41], %broadcast_in_dim3A_12 {add = true} : memref<10000xf32, #tpu.memory_space<vmem>>[vector<16xi32>], vector<16xf32>,
      %add3A_42 = arith.constant 64 : i32
      %add3A_43 = arith.addi %add3A_25, %add3A_42 : i32
      %get3A_44 = arith.index_cast %add3A_43 : i32 to index
      %get3A_45 = tpu.vector_load %arg4[%get3A_44] {strides = array<i32>} : memref<10000xi32, #tpu.memory_space<vmem>>, vector<16xi32>,
      tpu.vector_store_idx %arg5[%get3A_45], %broadcast_in_dim3A_12 {add = true} : memref<10000xf32, #tpu.memory_space<vmem>>[vector<16xi32>], vector<16xf32>,
      %add3A_46 = arith.constant 80 : i32
      %add3A_47 = arith.addi %add3A_25, %add3A_46 : i32
      %get3A_48 = arith.index_cast %add3A_47 : i32 to index
      %get3A_49 = tpu.vector_load %arg4[%get3A_48] {strides = array<i32>} : memref<10000xi32, #tpu.memory_space<vmem>>, vector<16xi32>,
      tpu.vector_store_idx %arg5[%get3A_49], %broadcast_in_dim3A_12 {add = true} : memref<10000xf32, #tpu.memory_space<vmem>>[vector<16xi32>], vector<16xf32>,
      %add3A_50 = arith.constant 96 : i32
      %add3A_51 = arith.addi %add3A_25, %add3A_50 : i32
      %get3A_52 = arith.index_cast %add3A_51 : i32 to index
      %get3A_53 = tpu.vector_load %arg4[%get3A_52] {strides = array<i32>} : memref<10000xi32, #tpu.memory_space<vmem>>, vector<16xi32>,
      tpu.vector_store_idx %arg5[%get3A_53], %broadcast_in_dim3A_12 {add = true} : memref<10000xf32, #tpu.memory_space<vmem>>[vector<16xi32>], vector<16xf32>,
      %add3A_54 = arith.constant 112 : i32
      %add3A_55 = arith.addi %add3A_25, %add3A_54 : i32
      %get3A_56 = arith.index_cast %add3A_55 : i32 to index
      %get3A_57 = tpu.vector_load %arg4[%get3A_56] {strides = array<i32>} : memref<10000xi32, #tpu.memory_space<vmem>>, vector<16xi32>,
      tpu.vector_store_idx %arg5[%get3A_57], %broadcast_in_dim3A_12 {add = true} : memref<10000xf32, #tpu.memory_space<vmem>>[vector<16xi32>], vector<16xf32>,
    }
    %scan3A_17 = arith.constant 78 : i32
    %get3A = arith.constant 9984 : index
    %get3A_18 = tpu.vector_load %arg4[%get3A] {strides = array<i32>} : memref<10000xi32, #tpu.memory_space<vmem>>, vector<16xi32>,
    tpu.vector_store_idx %arg5[%get3A_18], %broadcast_in_dim3A_12 {add = true} : memref<10000xf32, #tpu.memory_space<vmem>>[vector<16xi32>], vector<16xf32>,
    %mul3A_19 = arith.constant 10000 : i32
    %mul3A_20 = arith.muli %add3A, %mul3A_19 : i32
    "tpu.region"() ({
      %run_scoped3A = tpu.sem_alloc : memref<!tpu.dma_semaphore, #tpu.memory_space<semaphore_mem>>
      %dma_start3A = tpu.memref_slice %arg3[%mul3A_20] : memref<320000xf32, #tpu.memory_space<hbm>> -> memref<10000xf32, #tpu.memory_space<hbm>>
      %dma_start3A_21 = tpu.memref_slice %arg3[%mul3A_20] : memref<320000xf32, #tpu.memory_space<hbm>> -> memref<10000xf32, #tpu.memory_space<hbm>>
      tpu.enqueue_dma source(%arg5 : memref<10000xf32, #tpu.memory_space<vmem>>) target(%dma_start3A_21 : memref<10000xf32, #tpu.memory_space<hbm>>) target_semaphore(%run_scoped3A : memref<!tpu.dma_semaphore, #tpu.memory_space<semaphore_mem>>)
      %dma_wait3A = tpu.memref_slice %arg3[%mul3A_20] : memref<320000xf32, #tpu.memory_space<hbm>> -> memref<10000xf32, #tpu.memory_space<hbm>>
      %dma_wait3A_22 = tpu.memref_slice %arg3[%mul3A_20] : memref<320000xf32, #tpu.memory_space<hbm>> -> memref<10000xf32, #tpu.memory_space<hbm>>
      tpu.wait_dma2 semaphore(%run_scoped3A : memref<!tpu.dma_semaphore, #tpu.memory_space<semaphore_mem>>) src(%arg5 : memref<10000xf32, #tpu.memory_space<vmem>>) dst(%dma_wait3A_22 : memref<10000xf32, #tpu.memory_space<hbm>>)
      tpu.yield
    }) : () -> ()
    return
  }
}

#map = affine_map<(d0, d1) -> (0, 0)>
#map1 = affine_map<(d0, d1) -> (0)>
#map2 = affine_map<(d0, d1) -> (0, 0, 0)>
module attributes {stable_mosaic.version = 14 : i64} {
  func.func @k(%arg0: i32, %arg1: i32, %arg2: memref<10000x128xf32, #tpu.memory_space<hbm>>, %arg3: memref<640000xi32, #tpu.memory_space<hbm>>, %arg4: memref<2x10000x128xf32, #tpu.memory_space<hbm>>, %arg5: memref<4x112xi32, #tpu.memory_space<vmem>>, %arg6: memref<4x112xi32, #tpu.memory_space<vmem>>, %arg7: memref<2x112x128xf32, #tpu.memory_space<vmem>>, %arg8: memref<32xi32, #tpu.memory_space<vmem>>, %arg9: memref<32xi32, #tpu.memory_space<vmem>>, %arg10: memref<32x128xf32, #tpu.memory_space<vmem>>, %arg11: memref<10000x128xf32, #tpu.memory_space<vmem_shared>>, %arg12: memref<!tpu.dma_semaphore, #tpu.memory_space<semaphore_mem>>, %arg13: memref<!tpu.dma_semaphore, #tpu.memory_space<semaphore_mem>>, %arg14: memref<!tpu.dma_semaphore, #tpu.memory_space<semaphore_mem>>, %arg15: memref<!tpu.dma_semaphore, #tpu.memory_space<semaphore_mem>>, %arg16: memref<!tpu.dma_semaphore, #tpu.memory_space<semaphore_mem>>, %arg17: memref<!tpu.dma_semaphore, #tpu.memory_space<semaphore_mem>>, %arg18: memref<!tpu.dma_semaphore, #tpu.memory_space<semaphore_mem>>, %arg19: memref<!tpu.dma_semaphore, #tpu.memory_space<semaphore_mem>>, %arg20: memref<!tpu.dma_semaphore, #tpu.memory_space<semaphore_mem>>, %arg21: memref<!tpu.dma_semaphore, #tpu.memory_space<semaphore_mem>>) attributes {dimension_semantics = [#tpu.dimension_semantics<core_parallel>, #tpu.dimension_semantics<subcore_parallel>], iteration_bounds = array<i64: 2, 16>, scalar_prefetch = 0 : i64, scratch_operands = 17 : i64, tpu.core_type = #tpu.core_type<sc_vector_subcore>, window_params = [{transform_indices = #map}, {transform_indices = #map1}, {transform_indices = #map2}]} {
    %mul3A = arith.constant 16 : i32
    %mul3A_0 = arith.muli %arg0, %mul3A : i32
    %add3A = arith.addi %mul3A_0, %arg1 : i32
    %mul3A_1 = arith.constant 624 : i32
    %mul3A_2 = arith.muli %arg1, %mul3A_1 : i32
    %mul3A_3 = arith.constant 10000 : i32
    %mul3A_4 = arith.muli %add3A, %mul3A_3 : i32
    %add3A_5 = arith.constant 0 : i32
    %add3A_6 = arith.addi %mul3A_4, %add3A_5 : i32
    %dma_start3A = arith.constant 0 : i32
    %dma_start3A_7 = arith.constant 0 : i32
    %dma_start3A_8 = tpu.memref_slice %arg5[%dma_start3A, %dma_start3A_7] : memref<4x112xi32, #tpu.memory_space<vmem>> -> memref<1x112xi32, #tpu.memory_space<vmem>>
    %dma_start3A_9 = tpu.memref_squeeze %dma_start3A_8 : memref<1x112xi32, #tpu.memory_space<vmem>> -> memref<112xi32, #tpu.memory_space<vmem>>
    %dma_start3A_10 = tpu.memref_slice %arg3[%add3A_6] : memref<640000xi32, #tpu.memory_space<hbm>> -> memref<112xi32, #tpu.memory_space<hbm>>
    %dma_start3A_11 = arith.constant 0 : i32
    %dma_start3A_12 = tpu.memref_slice %arg5[%dma_start3A, %dma_start3A_11] : memref<4x112xi32, #tpu.memory_space<vmem>> -> memref<1x112xi32, #tpu.memory_space<vmem>>
    %dma_start3A_13 = tpu.memref_squeeze %dma_start3A_12 : memref<1x112xi32, #tpu.memory_space<vmem>> -> memref<112xi32, #tpu.memory_space<vmem>>
    %dma_start3A_14 = tpu.memref_slice %arg3[%add3A_6] : memref<640000xi32, #tpu.memory_space<hbm>> -> memref<112xi32, #tpu.memory_space<hbm>>
    tpu.enqueue_dma source(%dma_start3A_14 : memref<112xi32, #tpu.memory_space<hbm>>) target(%dma_start3A_13 : memref<112xi32, #tpu.memory_space<vmem>>) target_semaphore(%arg12 : memref<!tpu.dma_semaphore, #tpu.memory_space<semaphore_mem>>)
    %add3A_15 = arith.constant 320000 : i32
    %add3A_16 = arith.addi %add3A_15, %add3A_6 : i32
    %dma_start3A_17 = arith.constant 0 : i32
    %dma_start3A_18 = arith.constant 0 : i32
    %dma_start3A_19 = tpu.memref_slice %arg6[%dma_start3A_17, %dma_start3A_18] : memref<4x112xi32, #tpu.memory_space<vmem>> -> memref<1x112xi32, #tpu.memory_space<vmem>>
    %dma_start3A_20 = tpu.memref_squeeze %dma_start3A_19 : memref<1x112xi32, #tpu.memory_space<vmem>> -> memref<112xi32, #tpu.memory_space<vmem>>
    %dma_start3A_21 = tpu.memref_slice %arg3[%add3A_16] : memref<640000xi32, #tpu.memory_space<hbm>> -> memref<112xi32, #tpu.memory_space<hbm>>
    %dma_start3A_22 = arith.constant 0 : i32
    %dma_start3A_23 = tpu.memref_slice %arg6[%dma_start3A_17, %dma_start3A_22] : memref<4x112xi32, #tpu.memory_space<vmem>> -> memref<1x112xi32, #tpu.memory_space<vmem>>
    %dma_start3A_24 = tpu.memref_squeeze %dma_start3A_23 : memref<1x112xi32, #tpu.memory_space<vmem>> -> memref<112xi32, #tpu.memory_space<vmem>>
    %dma_start3A_25 = tpu.memref_slice %arg3[%add3A_16] : memref<640000xi32, #tpu.memory_space<hbm>> -> memref<112xi32, #tpu.memory_space<hbm>>
    tpu.enqueue_dma source(%dma_start3A_25 : memref<112xi32, #tpu.memory_space<hbm>>) target(%dma_start3A_24 : memref<112xi32, #tpu.memory_space<vmem>>) target_semaphore(%arg12 : memref<!tpu.dma_semaphore, #tpu.memory_space<semaphore_mem>>)
    %add3A_26 = arith.constant 112 : i32
    %add3A_27 = arith.addi %mul3A_4, %add3A_26 : i32
    %dma_start3A_28 = arith.constant 1 : i32
    %dma_start3A_29 = arith.constant 0 : i32
    %dma_start3A_30 = tpu.memref_slice %arg5[%dma_start3A_28, %dma_start3A_29] : memref<4x112xi32, #tpu.memory_space<vmem>> -> memref<1x112xi32, #tpu.memory_space<vmem>>
    %dma_start3A_31 = tpu.memref_squeeze %dma_start3A_30 : memref<1x112xi32, #tpu.memory_space<vmem>> -> memref<112xi32, #tpu.memory_space<vmem>>
    %dma_start3A_32 = tpu.memref_slice %arg3[%add3A_27] : memref<640000xi32, #tpu.memory_space<hbm>> -> memref<112xi32, #tpu.memory_space<hbm>>
    %dma_start3A_33 = arith.constant 0 : i32
    %dma_start3A_34 = tpu.memref_slice %arg5[%dma_start3A_28, %dma_start3A_33] : memref<4x112xi32, #tpu.memory_space<vmem>> -> memref<1x112xi32, #tpu.memory_space<vmem>>
    %dma_start3A_35 = tpu.memref_squeeze %dma_start3A_34 : memref<1x112xi32, #tpu.memory_space<vmem>> -> memref<112xi32, #tpu.memory_space<vmem>>
    %dma_start3A_36 = tpu.memref_slice %arg3[%add3A_27] : memref<640000xi32, #tpu.memory_space<hbm>> -> memref<112xi32, #tpu.memory_space<hbm>>
    tpu.enqueue_dma source(%dma_start3A_36 : memref<112xi32, #tpu.memory_space<hbm>>) target(%dma_start3A_35 : memref<112xi32, #tpu.memory_space<vmem>>) target_semaphore(%arg13 : memref<!tpu.dma_semaphore, #tpu.memory_space<semaphore_mem>>)
    %add3A_37 = arith.constant 320000 : i32
    %add3A_38 = arith.addi %add3A_37, %add3A_27 : i32
    %dma_start3A_39 = arith.constant 1 : i32
    %dma_start3A_40 = arith.constant 0 : i32
    %dma_start3A_41 = tpu.memref_slice %arg6[%dma_start3A_39, %dma_start3A_40] : memref<4x112xi32, #tpu.memory_space<vmem>> -> memref<1x112xi32, #tpu.memory_space<vmem>>
    %dma_start3A_42 = tpu.memref_squeeze %dma_start3A_41 : memref<1x112xi32, #tpu.memory_space<vmem>> -> memref<112xi32, #tpu.memory_space<vmem>>
    %dma_start3A_43 = tpu.memref_slice %arg3[%add3A_38] : memref<640000xi32, #tpu.memory_space<hbm>> -> memref<112xi32, #tpu.memory_space<hbm>>
    %dma_start3A_44 = arith.constant 0 : i32
    %dma_start3A_45 = tpu.memref_slice %arg6[%dma_start3A_39, %dma_start3A_44] : memref<4x112xi32, #tpu.memory_space<vmem>> -> memref<1x112xi32, #tpu.memory_space<vmem>>
    %dma_start3A_46 = tpu.memref_squeeze %dma_start3A_45 : memref<1x112xi32, #tpu.memory_space<vmem>> -> memref<112xi32, #tpu.memory_space<vmem>>
    %dma_start3A_47 = tpu.memref_slice %arg3[%add3A_38] : memref<640000xi32, #tpu.memory_space<hbm>> -> memref<112xi32, #tpu.memory_space<hbm>>
    tpu.enqueue_dma source(%dma_start3A_47 : memref<112xi32, #tpu.memory_space<hbm>>) target(%dma_start3A_46 : memref<112xi32, #tpu.memory_space<vmem>>) target_semaphore(%arg13 : memref<!tpu.dma_semaphore, #tpu.memory_space<semaphore_mem>>)
    %add3A_48 = arith.constant 224 : i32
    %add3A_49 = arith.addi %mul3A_4, %add3A_48 : i32
    %dma_start3A_50 = arith.constant 2 : i32
    %dma_start3A_51 = arith.constant 0 : i32
    %dma_start3A_52 = tpu.memref_slice %arg5[%dma_start3A_50, %dma_start3A_51] : memref<4x112xi32, #tpu.memory_space<vmem>> -> memref<1x112xi32, #tpu.memory_space<vmem>>
    %dma_start3A_53 = tpu.memref_squeeze %dma_start3A_52 : memref<1x112xi32, #tpu.memory_space<vmem>> -> memref<112xi32, #tpu.memory_space<vmem>>
    %dma_start3A_54 = tpu.memref_slice %arg3[%add3A_49] : memref<640000xi32, #tpu.memory_space<hbm>> -> memref<112xi32, #tpu.memory_space<hbm>>
    %dma_start3A_55 = arith.constant 0 : i32
    %dma_start3A_56 = tpu.memref_slice %arg5[%dma_start3A_50, %dma_start3A_55] : memref<4x112xi32, #tpu.memory_space<vmem>> -> memref<1x112xi32, #tpu.memory_space<vmem>>
    %dma_start3A_57 = tpu.memref_squeeze %dma_start3A_56 : memref<1x112xi32, #tpu.memory_space<vmem>> -> memref<112xi32, #tpu.memory_space<vmem>>
    %dma_start3A_58 = tpu.memref_slice %arg3[%add3A_49] : memref<640000xi32, #tpu.memory_space<hbm>> -> memref<112xi32, #tpu.memory_space<hbm>>
    tpu.enqueue_dma source(%dma_start3A_58 : memref<112xi32, #tpu.memory_space<hbm>>) target(%dma_start3A_57 : memref<112xi32, #tpu.memory_space<vmem>>) target_semaphore(%arg14 : memref<!tpu.dma_semaphore, #tpu.memory_space<semaphore_mem>>)
    %add3A_59 = arith.constant 320000 : i32
    %add3A_60 = arith.addi %add3A_59, %add3A_49 : i32
    %dma_start3A_61 = arith.constant 2 : i32
    %dma_start3A_62 = arith.constant 0 : i32
    %dma_start3A_63 = tpu.memref_slice %arg6[%dma_start3A_61, %dma_start3A_62] : memref<4x112xi32, #tpu.memory_space<vmem>> -> memref<1x112xi32, #tpu.memory_space<vmem>>
    %dma_start3A_64 = tpu.memref_squeeze %dma_start3A_63 : memref<1x112xi32, #tpu.memory_space<vmem>> -> memref<112xi32, #tpu.memory_space<vmem>>
    %dma_start3A_65 = tpu.memref_slice %arg3[%add3A_60] : memref<640000xi32, #tpu.memory_space<hbm>> -> memref<112xi32, #tpu.memory_space<hbm>>
    %dma_start3A_66 = arith.constant 0 : i32
    %dma_start3A_67 = tpu.memref_slice %arg6[%dma_start3A_61, %dma_start3A_66] : memref<4x112xi32, #tpu.memory_space<vmem>> -> memref<1x112xi32, #tpu.memory_space<vmem>>
    %dma_start3A_68 = tpu.memref_squeeze %dma_start3A_67 : memref<1x112xi32, #tpu.memory_space<vmem>> -> memref<112xi32, #tpu.memory_space<vmem>>
    %dma_start3A_69 = tpu.memref_slice %arg3[%add3A_60] : memref<640000xi32, #tpu.memory_space<hbm>> -> memref<112xi32, #tpu.memory_space<hbm>>
    tpu.enqueue_dma source(%dma_start3A_69 : memref<112xi32, #tpu.memory_space<hbm>>) target(%dma_start3A_68 : memref<112xi32, #tpu.memory_space<vmem>>) target_semaphore(%arg14 : memref<!tpu.dma_semaphore, #tpu.memory_space<semaphore_mem>>)
    %add3A_70 = arith.constant 336 : i32
    %add3A_71 = arith.addi %mul3A_4, %add3A_70 : i32
    %dma_start3A_72 = arith.constant 3 : i32
    %dma_start3A_73 = arith.constant 0 : i32
    %dma_start3A_74 = tpu.memref_slice %arg5[%dma_start3A_72, %dma_start3A_73] : memref<4x112xi32, #tpu.memory_space<vmem>> -> memref<1x112xi32, #tpu.memory_space<vmem>>
    %dma_start3A_75 = tpu.memref_squeeze %dma_start3A_74 : memref<1x112xi32, #tpu.memory_space<vmem>> -> memref<112xi32, #tpu.memory_space<vmem>>
    %dma_start3A_76 = tpu.memref_slice %arg3[%add3A_71] : memref<640000xi32, #tpu.memory_space<hbm>> -> memref<112xi32, #tpu.memory_space<hbm>>
    %dma_start3A_77 = arith.constant 0 : i32
    %dma_start3A_78 = tpu.memref_slice %arg5[%dma_start3A_72, %dma_start3A_77] : memref<4x112xi32, #tpu.memory_space<vmem>> -> memref<1x112xi32, #tpu.memory_space<vmem>>
    %dma_start3A_79 = tpu.memref_squeeze %dma_start3A_78 : memref<1x112xi32, #tpu.memory_space<vmem>> -> memref<112xi32, #tpu.memory_space<vmem>>
    %dma_start3A_80 = tpu.memref_slice %arg3[%add3A_71] : memref<640000xi32, #tpu.memory_space<hbm>> -> memref<112xi32, #tpu.memory_space<hbm>>
    tpu.enqueue_dma source(%dma_start3A_80 : memref<112xi32, #tpu.memory_space<hbm>>) target(%dma_start3A_79 : memref<112xi32, #tpu.memory_space<vmem>>) target_semaphore(%arg15 : memref<!tpu.dma_semaphore, #tpu.memory_space<semaphore_mem>>)
    %add3A_81 = arith.constant 320000 : i32
    %add3A_82 = arith.addi %add3A_81, %add3A_71 : i32
    %dma_start3A_83 = arith.constant 3 : i32
    %dma_start3A_84 = arith.constant 0 : i32
    %dma_start3A_85 = tpu.memref_slice %arg6[%dma_start3A_83, %dma_start3A_84] : memref<4x112xi32, #tpu.memory_space<vmem>> -> memref<1x112xi32, #tpu.memory_space<vmem>>
    %dma_start3A_86 = tpu.memref_squeeze %dma_start3A_85 : memref<1x112xi32, #tpu.memory_space<vmem>> -> memref<112xi32, #tpu.memory_space<vmem>>
    %dma_start3A_87 = tpu.memref_slice %arg3[%add3A_82] : memref<640000xi32, #tpu.memory_space<hbm>> -> memref<112xi32, #tpu.memory_space<hbm>>
    %dma_start3A_88 = arith.constant 0 : i32
    %dma_start3A_89 = tpu.memref_slice %arg6[%dma_start3A_83, %dma_start3A_88] : memref<4x112xi32, #tpu.memory_space<vmem>> -> memref<1x112xi32, #tpu.memory_space<vmem>>
    %dma_start3A_90 = tpu.memref_squeeze %dma_start3A_89 : memref<1x112xi32, #tpu.memory_space<vmem>> -> memref<112xi32, #tpu.memory_space<vmem>>
    %dma_start3A_91 = tpu.memref_slice %arg3[%add3A_82] : memref<640000xi32, #tpu.memory_space<hbm>> -> memref<112xi32, #tpu.memory_space<hbm>>
    tpu.enqueue_dma source(%dma_start3A_91 : memref<112xi32, #tpu.memory_space<hbm>>) target(%dma_start3A_90 : memref<112xi32, #tpu.memory_space<vmem>>) target_semaphore(%arg15 : memref<!tpu.dma_semaphore, #tpu.memory_space<semaphore_mem>>)
    %add3A_92 = arith.constant 9968 : i32
    %add3A_93 = arith.addi %mul3A_4, %add3A_92 : i32
    %dma_start3A_94 = tpu.memref_slice %arg3[%add3A_93] : memref<640000xi32, #tpu.memory_space<hbm>> -> memref<32xi32, #tpu.memory_space<hbm>>
    %dma_start3A_95 = tpu.memref_slice %arg3[%add3A_93] : memref<640000xi32, #tpu.memory_space<hbm>> -> memref<32xi32, #tpu.memory_space<hbm>>
    tpu.enqueue_dma source(%dma_start3A_95 : memref<32xi32, #tpu.memory_space<hbm>>) target(%arg8 : memref<32xi32, #tpu.memory_space<vmem>>) target_semaphore(%arg20 : memref<!tpu.dma_semaphore, #tpu.memory_space<semaphore_mem>>)
    %add3A_96 = arith.constant 320000 : i32
    %add3A_97 = arith.addi %add3A_96, %add3A_93 : i32
    %dma_start3A_98 = tpu.memref_slice %arg3[%add3A_97] : memref<640000xi32, #tpu.memory_space<hbm>> -> memref<32xi32, #tpu.memory_space<hbm>>
    %dma_start3A_99 = tpu.memref_slice %arg3[%add3A_97] : memref<640000xi32, #tpu.memory_space<hbm>> -> memref<32xi32, #tpu.memory_space<hbm>>
    tpu.enqueue_dma source(%dma_start3A_99 : memref<32xi32, #tpu.memory_space<hbm>>) target(%arg9 : memref<32xi32, #tpu.memory_space<vmem>>) target_semaphore(%arg20 : memref<!tpu.dma_semaphore, #tpu.memory_space<semaphore_mem>>)
    %lt3A = arith.constant 15 : i32
    %lt3A_100 = arith.cmpi slt, %arg1, %lt3A : i32
    %convert_element_type3A = arith.extui %lt3A_100 : i1 to i32
    %cond3A = arith.constant 0 : i32
    %cond3A_101 = arith.cmpi ne, %convert_element_type3A, %cond3A : i32
    scf.if %cond3A_101 {
      "tpu.region"() ({
        %run_scoped3A_191 = tpu.sem_alloc : memref<!tpu.dma_semaphore, #tpu.memory_space<semaphore_mem>>
        %dma_start3A_192 = arith.constant 0 : i32
        %dma_start3A_193 = tpu.memref_slice %arg11[%mul3A_2, %dma_start3A_192] : memref<10000x128xf32, #tpu.memory_space<vmem_shared>> -> memref<624x128xf32, #tpu.memory_space<vmem_shared>>
        %dma_start3A_194 = arith.constant 0 : i32
        %dma_start3A_195 = tpu.memref_slice %arg2[%mul3A_2, %dma_start3A_194] : memref<10000x128xf32, #tpu.memory_space<hbm>> -> memref<624x128xf32, #tpu.memory_space<hbm>>
        tpu.enqueue_dma source(%dma_start3A_195 : memref<624x128xf32, #tpu.memory_space<hbm>>) target(%dma_start3A_193 : memref<624x128xf32, #tpu.memory_space<vmem_shared>>) target_semaphore(%run_scoped3A_191 : memref<!tpu.dma_semaphore, #tpu.memory_space<semaphore_mem>>)
        %dma_wait3A_196 = arith.constant 0 : i32
        %dma_wait3A_197 = tpu.memref_slice %arg11[%mul3A_2, %dma_wait3A_196] : memref<10000x128xf32, #tpu.memory_space<vmem_shared>> -> memref<624x128xf32, #tpu.memory_space<vmem_shared>>
        %dma_wait3A_198 = arith.constant 0 : i32
        %dma_wait3A_199 = tpu.memref_slice %arg2[%mul3A_2, %dma_wait3A_198] : memref<10000x128xf32, #tpu.memory_space<hbm>> -> memref<624x128xf32, #tpu.memory_space<hbm>>
        tpu.wait_dma2 semaphore(%run_scoped3A_191 : memref<!tpu.dma_semaphore, #tpu.memory_space<semaphore_mem>>) src(%dma_wait3A_199 : memref<624x128xf32, #tpu.memory_space<hbm>>) dst(%dma_wait3A_197 : memref<624x128xf32, #tpu.memory_space<vmem_shared>>)
        tpu.yield
      }) : () -> ()
    } else {
    }
    %eq3A = arith.constant 15 : i32
    %eq3A_102 = arith.cmpi eq, %arg1, %eq3A : i32
    %convert_element_type3A_103 = arith.extui %eq3A_102 : i1 to i32
    %cond3A_104 = arith.constant 0 : i32
    %cond3A_105 = arith.cmpi ne, %convert_element_type3A_103, %cond3A_104 : i32
    scf.if %cond3A_105 {
      "tpu.region"() ({
        %run_scoped3A_191 = tpu.sem_alloc : memref<!tpu.dma_semaphore, #tpu.memory_space<semaphore_mem>>
        %dma_start3A_192 = arith.constant 9360 : i32
        %dma_start3A_193 = arith.constant 0 : i32
        %dma_start3A_194 = tpu.memref_slice %arg11[%dma_start3A_192, %dma_start3A_193] : memref<10000x128xf32, #tpu.memory_space<vmem_shared>> -> memref<640x128xf32, #tpu.memory_space<vmem_shared>>
        %dma_start3A_195 = arith.constant 9360 : i32
        %dma_start3A_196 = arith.constant 0 : i32
        %dma_start3A_197 = tpu.memref_slice %arg2[%dma_start3A_195, %dma_start3A_196] : memref<10000x128xf32, #tpu.memory_space<hbm>> -> memref<640x128xf32, #tpu.memory_space<hbm>>
        tpu.enqueue_dma source(%dma_start3A_197 : memref<640x128xf32, #tpu.memory_space<hbm>>) target(%dma_start3A_194 : memref<640x128xf32, #tpu.memory_space<vmem_shared>>) target_semaphore(%run_scoped3A_191 : memref<!tpu.dma_semaphore, #tpu.memory_space<semaphore_mem>>)
        %dma_wait3A_198 = arith.constant 9360 : i32
        %dma_wait3A_199 = arith.constant 0 : i32
        %dma_wait3A_200 = tpu.memref_slice %arg11[%dma_wait3A_198, %dma_wait3A_199] : memref<10000x128xf32, #tpu.memory_space<vmem_shared>> -> memref<640x128xf32, #tpu.memory_space<vmem_shared>>
        %dma_wait3A_201 = arith.constant 9360 : i32
        %dma_wait3A_202 = arith.constant 0 : i32
        %dma_wait3A_203 = tpu.memref_slice %arg2[%dma_wait3A_201, %dma_wait3A_202] : memref<10000x128xf32, #tpu.memory_space<hbm>> -> memref<640x128xf32, #tpu.memory_space<hbm>>
        tpu.wait_dma2 semaphore(%run_scoped3A_191 : memref<!tpu.dma_semaphore, #tpu.memory_space<semaphore_mem>>) src(%dma_wait3A_203 : memref<640x128xf32, #tpu.memory_space<hbm>>) dst(%dma_wait3A_200 : memref<640x128xf32, #tpu.memory_space<vmem_shared>>)
        tpu.yield
      }) : () -> ()
    } else {
    }
    %add3A_106 = arith.constant 0 : i32
    %add3A_107 = arith.addi %mul3A_4, %add3A_106 : i32
    %dma_wait3A = arith.constant 0 : i32
    %dma_wait3A_108 = arith.constant 0 : i32
    %dma_wait3A_109 = tpu.memref_slice %arg5[%dma_wait3A, %dma_wait3A_108] : memref<4x112xi32, #tpu.memory_space<vmem>> -> memref<1x112xi32, #tpu.memory_space<vmem>>
    %dma_wait3A_110 = tpu.memref_squeeze %dma_wait3A_109 : memref<1x112xi32, #tpu.memory_space<vmem>> -> memref<112xi32, #tpu.memory_space<vmem>>
    %dma_wait3A_111 = tpu.memref_slice %arg3[%add3A_107] : memref<640000xi32, #tpu.memory_space<hbm>> -> memref<112xi32, #tpu.memory_space<hbm>>
    %dma_wait3A_112 = arith.constant 0 : i32
    %dma_wait3A_113 = tpu.memref_slice %arg5[%dma_wait3A, %dma_wait3A_112] : memref<4x112xi32, #tpu.memory_space<vmem>> -> memref<1x112xi32, #tpu.memory_space<vmem>>
    %dma_wait3A_114 = tpu.memref_squeeze %dma_wait3A_113 : memref<1x112xi32, #tpu.memory_space<vmem>> -> memref<112xi32, #tpu.memory_space<vmem>>
    %dma_wait3A_115 = tpu.memref_slice %arg3[%add3A_107] : memref<640000xi32, #tpu.memory_space<hbm>> -> memref<112xi32, #tpu.memory_space<hbm>>
    tpu.wait_dma2 semaphore(%arg12 : memref<!tpu.dma_semaphore, #tpu.memory_space<semaphore_mem>>) src(%dma_wait3A_115 : memref<112xi32, #tpu.memory_space<hbm>>) dst(%dma_wait3A_114 : memref<112xi32, #tpu.memory_space<vmem>>)
    %add3A_116 = arith.constant 320000 : i32
    %add3A_117 = arith.addi %add3A_116, %add3A_107 : i32
    %dma_wait3A_118 = arith.constant 0 : i32
    %dma_wait3A_119 = arith.constant 0 : i32
    %dma_wait3A_120 = tpu.memref_slice %arg6[%dma_wait3A_118, %dma_wait3A_119] : memref<4x112xi32, #tpu.memory_space<vmem>> -> memref<1x112xi32, #tpu.memory_space<vmem>>
    %dma_wait3A_121 = tpu.memref_squeeze %dma_wait3A_120 : memref<1x112xi32, #tpu.memory_space<vmem>> -> memref<112xi32, #tpu.memory_space<vmem>>
    %dma_wait3A_122 = tpu.memref_slice %arg3[%add3A_117] : memref<640000xi32, #tpu.memory_space<hbm>> -> memref<112xi32, #tpu.memory_space<hbm>>
    %dma_wait3A_123 = arith.constant 0 : i32
    %dma_wait3A_124 = tpu.memref_slice %arg6[%dma_wait3A_118, %dma_wait3A_123] : memref<4x112xi32, #tpu.memory_space<vmem>> -> memref<1x112xi32, #tpu.memory_space<vmem>>
    %dma_wait3A_125 = tpu.memref_squeeze %dma_wait3A_124 : memref<1x112xi32, #tpu.memory_space<vmem>> -> memref<112xi32, #tpu.memory_space<vmem>>
    %dma_wait3A_126 = tpu.memref_slice %arg3[%add3A_117] : memref<640000xi32, #tpu.memory_space<hbm>> -> memref<112xi32, #tpu.memory_space<hbm>>
    tpu.wait_dma2 semaphore(%arg12 : memref<!tpu.dma_semaphore, #tpu.memory_space<semaphore_mem>>) src(%dma_wait3A_126 : memref<112xi32, #tpu.memory_space<hbm>>) dst(%dma_wait3A_125 : memref<112xi32, #tpu.memory_space<vmem>>)
    %dma_start3A_127 = arith.constant 0 : i32
    %dma_start3A_128 = arith.constant 0 : i32
    %dma_start3A_129 = arith.constant 0 : i32
    %dma_start3A_130 = arith.constant 0 : i32
    %dma_start3A_131 = tpu.memref_slice %arg7[%dma_start3A_128, %dma_start3A_129, %dma_start3A_130] : memref<2x112x128xf32, #tpu.memory_space<vmem>> -> memref<1x112x128xf32, #tpu.memory_space<vmem>>
    %dma_start3A_132 = tpu.memref_squeeze %dma_start3A_131 : memref<1x112x128xf32, #tpu.memory_space<vmem>> -> memref<112x128xf32, #tpu.memory_space<vmem>>
    %dma_start3A_133 = arith.constant 0 : i32
    %dma_start3A_134 = tpu.memref_slice %arg5[%dma_start3A_127, %dma_start3A_133] : memref<4x112xi32, #tpu.memory_space<vmem>> -> memref<1x112xi32, #tpu.memory_space<vmem>>
    %dma_start3A_135 = tpu.memref_squeeze %dma_start3A_134 : memref<1x112xi32, #tpu.memory_space<vmem>> -> memref<112xi32, #tpu.memory_space<vmem>>
    %dma_start3A_136 = arith.constant 0 : i32
    %dma_start3A_137 = arith.constant 0 : i32
    %dma_start3A_138 = tpu.memref_slice %arg2[%dma_start3A_136, %dma_start3A_137] : memref<10000x128xf32, #tpu.memory_space<hbm>> -> memref<10000x128xf32, #tpu.memory_space<hbm>>
    tpu.enqueue_indirect_dma source(%dma_start3A_138 : memref<10000x128xf32, #tpu.memory_space<hbm>>) target(%dma_start3A_132 : memref<112x128xf32, #tpu.memory_space<vmem>>) offsets(%dma_start3A_135 : memref<112xi32, #tpu.memory_space<vmem>>) semaphore(%arg16 : memref<!tpu.dma_semaphore, #tpu.memory_space<semaphore_mem>>)
    %dma_wait3A_139 = tpu.memref_slice %arg3[%add3A_93] : memref<640000xi32, #tpu.memory_space<hbm>> -> memref<32xi32, #tpu.memory_space<hbm>>
    %dma_wait3A_140 = tpu.memref_slice %arg3[%add3A_93] : memref<640000xi32, #tpu.memory_space<hbm>> -> memref<32xi32, #tpu.memory_space<hbm>>
    tpu.wait_dma2 semaphore(%arg20 : memref<!tpu.dma_semaphore, #tpu.memory_space<semaphore_mem>>) src(%dma_wait3A_140 : memref<32xi32, #tpu.memory_space<hbm>>) dst(%arg8 : memref<32xi32, #tpu.memory_space<vmem>>)
    %add3A_141 = arith.constant 320000 : i32
    %add3A_142 = arith.addi %add3A_141, %add3A_93 : i32
    %dma_wait3A_143 = tpu.memref_slice %arg3[%add3A_142] : memref<640000xi32, #tpu.memory_space<hbm>> -> memref<32xi32, #tpu.memory_space<hbm>>
    %dma_wait3A_144 = tpu.memref_slice %arg3[%add3A_142] : memref<640000xi32, #tpu.memory_space<hbm>> -> memref<32xi32, #tpu.memory_space<hbm>>
    tpu.wait_dma2 semaphore(%arg20 : memref<!tpu.dma_semaphore, #tpu.memory_space<semaphore_mem>>) src(%dma_wait3A_144 : memref<32xi32, #tpu.memory_space<hbm>>) dst(%arg9 : memref<32xi32, #tpu.memory_space<vmem>>)
    %dma_start3A_145 = arith.constant 0 : i32
    %dma_start3A_146 = arith.constant 0 : i32
    %dma_start3A_147 = tpu.memref_slice %arg2[%dma_start3A_145, %dma_start3A_146] : memref<10000x128xf32, #tpu.memory_space<hbm>> -> memref<10000x128xf32, #tpu.memory_space<hbm>>
    tpu.enqueue_indirect_dma source(%dma_start3A_147 : memref<10000x128xf32, #tpu.memory_space<hbm>>) target(%arg10 : memref<32x128xf32, #tpu.memory_space<vmem>>) offsets(%arg8 : memref<32xi32, #tpu.memory_space<vmem>>) semaphore(%arg21 : memref<!tpu.dma_semaphore, #tpu.memory_space<semaphore_mem>>)
    %barrier3A = arith.constant 0 : index
    tpu.barrier barrier_id(%barrier3A)
    %scan3A = arith.constant 0 : i32
    %scan3A_148 = arith.constant 22 : i32
    %scan3A_149 = arith.addi %scan3A, %scan3A_148 : i32
    %scan3A_150 = arith.constant 1 : i32
    scf.for %scan3A_191 = %scan3A to %scan3A_149 step %scan3A_150  : i32 {
      %mul3A_192 = arith.constant 1 : i32
      %mul3A_193 = arith.muli %scan3A_191, %mul3A_192 : i32
      %add3A_194 = arith.constant 0 : i32
      %add3A_195 = arith.addi %add3A_194, %mul3A_193 : i32
      %mul3A_196 = arith.constant 4 : i32
      %mul3A_197 = arith.muli %mul3A_196, %add3A_195 : i32
      %add3A_198 = arith.constant 0 : i32
      %add3A_199 = arith.addi %mul3A_197, %add3A_198 : i32
      %gt3A = arith.constant 0 : i32
      %gt3A_200 = arith.cmpi sgt, %add3A_195, %gt3A : i32
      %convert_element_type3A_201 = arith.extui %gt3A_200 : i1 to i32
      %cond3A_202 = arith.constant 0 : i32
      %cond3A_203 = arith.cmpi ne, %convert_element_type3A_201, %cond3A_202 : i32
      scf.if %cond3A_203 {
        %dma_wait3A_531 = arith.constant 1 : i32
        %dma_wait3A_532 = arith.constant 3 : i32
        %dma_wait3A_533 = arith.constant 0 : i32
        %dma_wait3A_534 = arith.constant 0 : i32
        %dma_wait3A_535 = tpu.memref_slice %arg7[%dma_wait3A_531, %dma_wait3A_533, %dma_wait3A_534] : memref<2x112x128xf32, #tpu.memory_space<vmem>> -> memref<1x112x128xf32, #tpu.memory_space<vmem>>
        %dma_wait3A_536 = tpu.memref_squeeze %dma_wait3A_535 : memref<1x112x128xf32, #tpu.memory_space<vmem>> -> memref<112x128xf32, #tpu.memory_space<vmem>>
        %dma_wait3A_537 = arith.constant 0 : i32
        %dma_wait3A_538 = tpu.memref_slice %arg6[%dma_wait3A_532, %dma_wait3A_537] : memref<4x112xi32, #tpu.memory_space<vmem>> -> memref<1x112xi32, #tpu.memory_space<vmem>>
        %dma_wait3A_539 = tpu.memref_squeeze %dma_wait3A_538 : memref<1x112xi32, #tpu.memory_space<vmem>> -> memref<112xi32, #tpu.memory_space<vmem>>
        %dma_wait3A_540 = arith.constant 0 : i32
        %dma_wait3A_541 = arith.constant 0 : i32
        %dma_wait3A_542 = tpu.memref_slice %arg11[%dma_wait3A_540, %dma_wait3A_541] : memref<10000x128xf32, #tpu.memory_space<vmem_shared>> -> memref<10000x128xf32, #tpu.memory_space<vmem_shared>>
        tpu.wait_indirect_dma semaphore(%arg19 : memref<!tpu.dma_semaphore, #tpu.memory_space<semaphore_mem>>) src(%dma_wait3A_536 : memref<112x128xf32, #tpu.memory_space<vmem>>) dst(%dma_wait3A_542 : memref<10000x128xf32, #tpu.memory_space<vmem_shared>>)
        %add3A_543 = arith.constant 3 : i32
        %add3A_544 = arith.addi %add3A_199, %add3A_543 : i32
        %mul3A_545 = arith.constant 112 : i32
        %mul3A_546 = arith.muli %add3A_544, %mul3A_545 : i32
        %add3A_547 = arith.addi %mul3A_4, %mul3A_546 : i32
        %dma_start3A_548 = arith.constant 3 : i32
        %dma_start3A_549 = arith.constant 0 : i32
        %dma_start3A_550 = tpu.memref_slice %arg5[%dma_start3A_548, %dma_start3A_549] : memref<4x112xi32, #tpu.memory_space<vmem>> -> memref<1x112xi32, #tpu.memory_space<vmem>>
        %dma_start3A_551 = tpu.memref_squeeze %dma_start3A_550 : memref<1x112xi32, #tpu.memory_space<vmem>> -> memref<112xi32, #tpu.memory_space<vmem>>
        %dma_start3A_552 = tpu.memref_slice %arg3[%add3A_547] : memref<640000xi32, #tpu.memory_space<hbm>> -> memref<112xi32, #tpu.memory_space<hbm>>
        %dma_start3A_553 = arith.constant 0 : i32
        %dma_start3A_554 = tpu.memref_slice %arg5[%dma_start3A_548, %dma_start3A_553] : memref<4x112xi32, #tpu.memory_space<vmem>> -> memref<1x112xi32, #tpu.memory_space<vmem>>
        %dma_start3A_555 = tpu.memref_squeeze %dma_start3A_554 : memref<1x112xi32, #tpu.memory_space<vmem>> -> memref<112xi32, #tpu.memory_space<vmem>>
        %dma_start3A_556 = tpu.memref_slice %arg3[%add3A_547] : memref<640000xi32, #tpu.memory_space<hbm>> -> memref<112xi32, #tpu.memory_space<hbm>>
        tpu.enqueue_dma source(%dma_start3A_556 : memref<112xi32, #tpu.memory_space<hbm>>) target(%dma_start3A_555 : memref<112xi32, #tpu.memory_space<vmem>>) target_semaphore(%arg15 : memref<!tpu.dma_semaphore, #tpu.memory_space<semaphore_mem>>)
        %add3A_557 = arith.constant 320000 : i32
        %add3A_558 = arith.addi %add3A_557, %add3A_547 : i32
        %dma_start3A_559 = arith.constant 3 : i32
        %dma_start3A_560 = arith.constant 0 : i32
        %dma_start3A_561 = tpu.memref_slice %arg6[%dma_start3A_559, %dma_start3A_560] : memref<4x112xi32, #tpu.memory_space<vmem>> -> memref<1x112xi32, #tpu.memory_space<vmem>>
        %dma_start3A_562 = tpu.memref_squeeze %dma_start3A_561 : memref<1x112xi32, #tpu.memory_space<vmem>> -> memref<112xi32, #tpu.memory_space<vmem>>
        %dma_start3A_563 = tpu.memref_slice %arg3[%add3A_558] : memref<640000xi32, #tpu.memory_space<hbm>> -> memref<112xi32, #tpu.memory_space<hbm>>
        %dma_start3A_564 = arith.constant 0 : i32
        %dma_start3A_565 = tpu.memref_slice %arg6[%dma_start3A_559, %dma_start3A_564] : memref<4x112xi32, #tpu.memory_space<vmem>> -> memref<1x112xi32, #tpu.memory_space<vmem>>
        %dma_start3A_566 = tpu.memref_squeeze %dma_start3A_565 : memref<1x112xi32, #tpu.memory_space<vmem>> -> memref<112xi32, #tpu.memory_space<vmem>>
        %dma_start3A_567 = tpu.memref_slice %arg3[%add3A_558] : memref<640000xi32, #tpu.memory_space<hbm>> -> memref<112xi32, #tpu.memory_space<hbm>>
        tpu.enqueue_dma source(%dma_start3A_567 : memref<112xi32, #tpu.memory_space<hbm>>) target(%dma_start3A_566 : memref<112xi32, #tpu.memory_space<vmem>>) target_semaphore(%arg15 : memref<!tpu.dma_semaphore, #tpu.memory_space<semaphore_mem>>)
      } else {
      }
      %add3A_204 = arith.constant 1 : i32
      %add3A_205 = arith.addi %add3A_199, %add3A_204 : i32
      %mul3A_206 = arith.constant 112 : i32
      %mul3A_207 = arith.muli %add3A_205, %mul3A_206 : i32
      %add3A_208 = arith.addi %mul3A_4, %mul3A_207 : i32
      %dma_wait3A_209 = arith.constant 1 : i32
      %dma_wait3A_210 = arith.constant 0 : i32
      %dma_wait3A_211 = tpu.memref_slice %arg5[%dma_wait3A_209, %dma_wait3A_210] : memref<4x112xi32, #tpu.memory_space<vmem>> -> memref<1x112xi32, #tpu.memory_space<vmem>>
      %dma_wait3A_212 = tpu.memref_squeeze %dma_wait3A_211 : memref<1x112xi32, #tpu.memory_space<vmem>> -> memref<112xi32, #tpu.memory_space<vmem>>
      %dma_wait3A_213 = tpu.memref_slice %arg3[%add3A_208] : memref<640000xi32, #tpu.memory_space<hbm>> -> memref<112xi32, #tpu.memory_space<hbm>>
      %dma_wait3A_214 = arith.constant 0 : i32
      %dma_wait3A_215 = tpu.memref_slice %arg5[%dma_wait3A_209, %dma_wait3A_214] : memref<4x112xi32, #tpu.memory_space<vmem>> -> memref<1x112xi32, #tpu.memory_space<vmem>>
      %dma_wait3A_216 = tpu.memref_squeeze %dma_wait3A_215 : memref<1x112xi32, #tpu.memory_space<vmem>> -> memref<112xi32, #tpu.memory_space<vmem>>
      %dma_wait3A_217 = tpu.memref_slice %arg3[%add3A_208] : memref<640000xi32, #tpu.memory_space<hbm>> -> memref<112xi32, #tpu.memory_space<hbm>>
      tpu.wait_dma2 semaphore(%arg13 : memref<!tpu.dma_semaphore, #tpu.memory_space<semaphore_mem>>) src(%dma_wait3A_217 : memref<112xi32, #tpu.memory_space<hbm>>) dst(%dma_wait3A_216 : memref<112xi32, #tpu.memory_space<vmem>>)
      %add3A_218 = arith.constant 320000 : i32
      %add3A_219 = arith.addi %add3A_218, %add3A_208 : i32
      %dma_wait3A_220 = arith.constant 1 : i32
      %dma_wait3A_221 = arith.constant 0 : i32
      %dma_wait3A_222 = tpu.memref_slice %arg6[%dma_wait3A_220, %dma_wait3A_221] : memref<4x112xi32, #tpu.memory_space<vmem>> -> memref<1x112xi32, #tpu.memory_space<vmem>>
      %dma_wait3A_223 = tpu.memref_squeeze %dma_wait3A_222 : memref<1x112xi32, #tpu.memory_space<vmem>> -> memref<112xi32, #tpu.memory_space<vmem>>
      %dma_wait3A_224 = tpu.memref_slice %arg3[%add3A_219] : memref<640000xi32, #tpu.memory_space<hbm>> -> memref<112xi32, #tpu.memory_space<hbm>>
      %dma_wait3A_225 = arith.constant 0 : i32
      %dma_wait3A_226 = tpu.memref_slice %arg6[%dma_wait3A_220, %dma_wait3A_225] : memref<4x112xi32, #tpu.memory_space<vmem>> -> memref<1x112xi32, #tpu.memory_space<vmem>>
      %dma_wait3A_227 = tpu.memref_squeeze %dma_wait3A_226 : memref<1x112xi32, #tpu.memory_space<vmem>> -> memref<112xi32, #tpu.memory_space<vmem>>
      %dma_wait3A_228 = tpu.memref_slice %arg3[%add3A_219] : memref<640000xi32, #tpu.memory_space<hbm>> -> memref<112xi32, #tpu.memory_space<hbm>>
      tpu.wait_dma2 semaphore(%arg13 : memref<!tpu.dma_semaphore, #tpu.memory_space<semaphore_mem>>) src(%dma_wait3A_228 : memref<112xi32, #tpu.memory_space<hbm>>) dst(%dma_wait3A_227 : memref<112xi32, #tpu.memory_space<vmem>>)
      %dma_start3A_229 = arith.constant 1 : i32
      %dma_start3A_230 = arith.constant 1 : i32
      %dma_start3A_231 = arith.constant 0 : i32
      %dma_start3A_232 = arith.constant 0 : i32
      %dma_start3A_233 = tpu.memref_slice %arg7[%dma_start3A_230, %dma_start3A_231, %dma_start3A_232] : memref<2x112x128xf32, #tpu.memory_space<vmem>> -> memref<1x112x128xf32, #tpu.memory_space<vmem>>
      %dma_start3A_234 = tpu.memref_squeeze %dma_start3A_233 : memref<1x112x128xf32, #tpu.memory_space<vmem>> -> memref<112x128xf32, #tpu.memory_space<vmem>>
      %dma_start3A_235 = arith.constant 0 : i32
      %dma_start3A_236 = tpu.memref_slice %arg5[%dma_start3A_229, %dma_start3A_235] : memref<4x112xi32, #tpu.memory_space<vmem>> -> memref<1x112xi32, #tpu.memory_space<vmem>>
      %dma_start3A_237 = tpu.memref_squeeze %dma_start3A_236 : memref<1x112xi32, #tpu.memory_space<vmem>> -> memref<112xi32, #tpu.memory_space<vmem>>
      %dma_start3A_238 = arith.constant 0 : i32
      %dma_start3A_239 = arith.constant 0 : i32
      %dma_start3A_240 = tpu.memref_slice %arg2[%dma_start3A_238, %dma_start3A_239] : memref<10000x128xf32, #tpu.memory_space<hbm>> -> memref<10000x128xf32, #tpu.memory_space<hbm>>
      tpu.enqueue_indirect_dma source(%dma_start3A_240 : memref<10000x128xf32, #tpu.memory_space<hbm>>) target(%dma_start3A_234 : memref<112x128xf32, #tpu.memory_space<vmem>>) offsets(%dma_start3A_237 : memref<112xi32, #tpu.memory_space<vmem>>) semaphore(%arg17 : memref<!tpu.dma_semaphore, #tpu.memory_space<semaphore_mem>>)
      %dma_wait3A_241 = arith.constant 0 : i32
      %dma_wait3A_242 = arith.constant 0 : i32
      %dma_wait3A_243 = arith.constant 0 : i32
      %dma_wait3A_244 = arith.constant 0 : i32
      %dma_wait3A_245 = tpu.memref_slice %arg7[%dma_wait3A_242, %dma_wait3A_243, %dma_wait3A_244] : memref<2x112x128xf32, #tpu.memory_space<vmem>> -> memref<1x112x128xf32, #tpu.memory_space<vmem>>
      %dma_wait3A_246 = tpu.memref_squeeze %dma_wait3A_245 : memref<1x112x128xf32, #tpu.memory_space<vmem>> -> memref<112x128xf32, #tpu.memory_space<vmem>>
      %dma_wait3A_247 = arith.constant 0 : i32
      %dma_wait3A_248 = tpu.memref_slice %arg5[%dma_wait3A_241, %dma_wait3A_247] : memref<4x112xi32, #tpu.memory_space<vmem>> -> memref<1x112xi32, #tpu.memory_space<vmem>>
      %dma_wait3A_249 = tpu.memref_squeeze %dma_wait3A_248 : memref<1x112xi32, #tpu.memory_space<vmem>> -> memref<112xi32, #tpu.memory_space<vmem>>
      %dma_wait3A_250 = arith.constant 0 : i32
      %dma_wait3A_251 = arith.constant 0 : i32
      %dma_wait3A_252 = tpu.memref_slice %arg2[%dma_wait3A_250, %dma_wait3A_251] : memref<10000x128xf32, #tpu.memory_space<hbm>> -> memref<10000x128xf32, #tpu.memory_space<hbm>>
      tpu.wait_indirect_dma semaphore(%arg16 : memref<!tpu.dma_semaphore, #tpu.memory_space<semaphore_mem>>) src(%dma_wait3A_252 : memref<10000x128xf32, #tpu.memory_space<hbm>>) dst(%dma_wait3A_246 : memref<112x128xf32, #tpu.memory_space<vmem>>)
      %dma_start3A_253 = arith.constant 0 : i32
      %dma_start3A_254 = arith.constant 0 : i32
      %dma_start3A_255 = arith.constant 0 : i32
      %dma_start3A_256 = arith.constant 0 : i32
      %dma_start3A_257 = tpu.memref_slice %arg7[%dma_start3A_253, %dma_start3A_255, %dma_start3A_256] : memref<2x112x128xf32, #tpu.memory_space<vmem>> -> memref<1x112x128xf32, #tpu.memory_space<vmem>>
      %dma_start3A_258 = tpu.memref_squeeze %dma_start3A_257 : memref<1x112x128xf32, #tpu.memory_space<vmem>> -> memref<112x128xf32, #tpu.memory_space<vmem>>
      %dma_start3A_259 = arith.constant 0 : i32
      %dma_start3A_260 = tpu.memref_slice %arg6[%dma_start3A_254, %dma_start3A_259] : memref<4x112xi32, #tpu.memory_space<vmem>> -> memref<1x112xi32, #tpu.memory_space<vmem>>
      %dma_start3A_261 = tpu.memref_squeeze %dma_start3A_260 : memref<1x112xi32, #tpu.memory_space<vmem>> -> memref<112xi32, #tpu.memory_space<vmem>>
      %dma_start3A_262 = arith.constant 0 : i32
      %dma_start3A_263 = arith.constant 0 : i32
      %dma_start3A_264 = tpu.memref_slice %arg11[%dma_start3A_262, %dma_start3A_263] : memref<10000x128xf32, #tpu.memory_space<vmem_shared>> -> memref<10000x128xf32, #tpu.memory_space<vmem_shared>>
      tpu.enqueue_indirect_dma source(%dma_start3A_258 : memref<112x128xf32, #tpu.memory_space<vmem>>) target(%dma_start3A_264 : memref<10000x128xf32, #tpu.memory_space<vmem_shared>>) offsets(%dma_start3A_261 : memref<112xi32, #tpu.memory_space<vmem>>) semaphore(%arg18 : memref<!tpu.dma_semaphore, #tpu.memory_space<semaphore_mem>>) {add = true}
      %mul3A_265 = arith.constant 4 : i32
      %mul3A_266 = arith.muli %mul3A_265, %add3A_195 : i32
      %add3A_267 = arith.constant 1 : i32
      %add3A_268 = arith.addi %mul3A_266, %add3A_267 : i32
      %dma_wait3A_269 = arith.constant 0 : i32
      %dma_wait3A_270 = arith.constant 0 : i32
      %dma_wait3A_271 = arith.constant 0 : i32
      %dma_wait3A_272 = arith.constant 0 : i32
      %dma_wait3A_273 = tpu.memref_slice %arg7[%dma_wait3A_269, %dma_wait3A_271, %dma_wait3A_272] : memref<2x112x128xf32, #tpu.memory_space<vmem>> -> memref<1x112x128xf32, #tpu.memory_space<vmem>>
      %dma_wait3A_274 = tpu.memref_squeeze %dma_wait3A_273 : memref<1x112x128xf32, #tpu.memory_space<vmem>> -> memref<112x128xf32, #tpu.memory_space<vmem>>
      %dma_wait3A_275 = arith.constant 0 : i32
      %dma_wait3A_276 = tpu.memref_slice %arg6[%dma_wait3A_270, %dma_wait3A_275] : memref<4x112xi32, #tpu.memory_space<vmem>> -> memref<1x112xi32, #tpu.memory_space<vmem>>
      %dma_wait3A_277 = tpu.memref_squeeze %dma_wait3A_276 : memref<1x112xi32, #tpu.memory_space<vmem>> -> memref<112xi32, #tpu.memory_space<vmem>>
      %dma_wait3A_278 = arith.constant 0 : i32
      %dma_wait3A_279 = arith.constant 0 : i32
      %dma_wait3A_280 = tpu.memref_slice %arg11[%dma_wait3A_278, %dma_wait3A_279] : memref<10000x128xf32, #tpu.memory_space<vmem_shared>> -> memref<10000x128xf32, #tpu.memory_space<vmem_shared>>
      tpu.wait_indirect_dma semaphore(%arg18 : memref<!tpu.dma_semaphore, #tpu.memory_space<semaphore_mem>>) src(%dma_wait3A_274 : memref<112x128xf32, #tpu.memory_space<vmem>>) dst(%dma_wait3A_280 : memref<10000x128xf32, #tpu.memory_space<vmem_shared>>)
      %add3A_281 = arith.constant 3 : i32
      %add3A_282 = arith.addi %add3A_268, %add3A_281 : i32
      %mul3A_283 = arith.constant 112 : i32
      %mul3A_284 = arith.muli %add3A_282, %mul3A_283 : i32
      %add3A_285 = arith.addi %mul3A_4, %mul3A_284 : i32
      %dma_start3A_286 = arith.constant 0 : i32
      %dma_start3A_287 = arith.constant 0 : i32
      %dma_start3A_288 = tpu.memref_slice %arg5[%dma_start3A_286, %dma_start3A_287] : memref<4x112xi32, #tpu.memory_space<vmem>> -> memref<1x112xi32, #tpu.memory_space<vmem>>
      %dma_start3A_289 = tpu.memref_squeeze %dma_start3A_288 : memref<1x112xi32, #tpu.memory_space<vmem>> -> memref<112xi32, #tpu.memory_space<vmem>>
      %dma_start3A_290 = tpu.memref_slice %arg3[%add3A_285] : memref<640000xi32, #tpu.memory_space<hbm>> -> memref<112xi32, #tpu.memory_space<hbm>>
      %dma_start3A_291 = arith.constant 0 : i32
      %dma_start3A_292 = tpu.memref_slice %arg5[%dma_start3A_286, %dma_start3A_291] : memref<4x112xi32, #tpu.memory_space<vmem>> -> memref<1x112xi32, #tpu.memory_space<vmem>>
      %dma_start3A_293 = tpu.memref_squeeze %dma_start3A_292 : memref<1x112xi32, #tpu.memory_space<vmem>> -> memref<112xi32, #tpu.memory_space<vmem>>
      %dma_start3A_294 = tpu.memref_slice %arg3[%add3A_285] : memref<640000xi32, #tpu.memory_space<hbm>> -> memref<112xi32, #tpu.memory_space<hbm>>
      tpu.enqueue_dma source(%dma_start3A_294 : memref<112xi32, #tpu.memory_space<hbm>>) target(%dma_start3A_293 : memref<112xi32, #tpu.memory_space<vmem>>) target_semaphore(%arg12 : memref<!tpu.dma_semaphore, #tpu.memory_space<semaphore_mem>>)
      %add3A_295 = arith.constant 320000 : i32
      %add3A_296 = arith.addi %add3A_295, %add3A_285 : i32
      %dma_start3A_297 = arith.constant 0 : i32
      %dma_start3A_298 = arith.constant 0 : i32
      %dma_start3A_299 = tpu.memref_slice %arg6[%dma_start3A_297, %dma_start3A_298] : memref<4x112xi32, #tpu.memory_space<vmem>> -> memref<1x112xi32, #tpu.memory_space<vmem>>
      %dma_start3A_300 = tpu.memref_squeeze %dma_start3A_299 : memref<1x112xi32, #tpu.memory_space<vmem>> -> memref<112xi32, #tpu.memory_space<vmem>>
      %dma_start3A_301 = tpu.memref_slice %arg3[%add3A_296] : memref<640000xi32, #tpu.memory_space<hbm>> -> memref<112xi32, #tpu.memory_space<hbm>>
      %dma_start3A_302 = arith.constant 0 : i32
      %dma_start3A_303 = tpu.memref_slice %arg6[%dma_start3A_297, %dma_start3A_302] : memref<4x112xi32, #tpu.memory_space<vmem>> -> memref<1x112xi32, #tpu.memory_space<vmem>>
      %dma_start3A_304 = tpu.memref_squeeze %dma_start3A_303 : memref<1x112xi32, #tpu.memory_space<vmem>> -> memref<112xi32, #tpu.memory_space<vmem>>
      %dma_start3A_305 = tpu.memref_slice %arg3[%add3A_296] : memref<640000xi32, #tpu.memory_space<hbm>> -> memref<112xi32, #tpu.memory_space<hbm>>
      tpu.enqueue_dma source(%dma_start3A_305 : memref<112xi32, #tpu.memory_space<hbm>>) target(%dma_start3A_304 : memref<112xi32, #tpu.memory_space<vmem>>) target_semaphore(%arg12 : memref<!tpu.dma_semaphore, #tpu.memory_space<semaphore_mem>>)
      %add3A_306 = arith.constant 1 : i32
      %add3A_307 = arith.addi %add3A_268, %add3A_306 : i32
      %mul3A_308 = arith.constant 112 : i32
      %mul3A_309 = arith.muli %add3A_307, %mul3A_308 : i32
      %add3A_310 = arith.addi %mul3A_4, %mul3A_309 : i32
      %dma_wait3A_311 = arith.constant 2 : i32
      %dma_wait3A_312 = arith.constant 0 : i32
      %dma_wait3A_313 = tpu.memref_slice %arg5[%dma_wait3A_311, %dma_wait3A_312] : memref<4x112xi32, #tpu.memory_space<vmem>> -> memref<1x112xi32, #tpu.memory_space<vmem>>
      %dma_wait3A_314 = tpu.memref_squeeze %dma_wait3A_313 : memref<1x112xi32, #tpu.memory_space<vmem>> -> memref<112xi32, #tpu.memory_space<vmem>>
      %dma_wait3A_315 = tpu.memref_slice %arg3[%add3A_310] : memref<640000xi32, #tpu.memory_space<hbm>> -> memref<112xi32, #tpu.memory_space<hbm>>
      %dma_wait3A_316 = arith.constant 0 : i32
      %dma_wait3A_317 = tpu.memref_slice %arg5[%dma_wait3A_311, %dma_wait3A_316] : memref<4x112xi32, #tpu.memory_space<vmem>> -> memref<1x112xi32, #tpu.memory_space<vmem>>
      %dma_wait3A_318 = tpu.memref_squeeze %dma_wait3A_317 : memref<1x112xi32, #tpu.memory_space<vmem>> -> memref<112xi32, #tpu.memory_space<vmem>>
      %dma_wait3A_319 = tpu.memref_slice %arg3[%add3A_310] : memref<640000xi32, #tpu.memory_space<hbm>> -> memref<112xi32, #tpu.memory_space<hbm>>
      tpu.wait_dma2 semaphore(%arg14 : memref<!tpu.dma_semaphore, #tpu.memory_space<semaphore_mem>>) src(%dma_wait3A_319 : memref<112xi32, #tpu.memory_space<hbm>>) dst(%dma_wait3A_318 : memref<112xi32, #tpu.memory_space<vmem>>)
      %add3A_320 = arith.constant 320000 : i32
      %add3A_321 = arith.addi %add3A_320, %add3A_310 : i32
      %dma_wait3A_322 = arith.constant 2 : i32
      %dma_wait3A_323 = arith.constant 0 : i32
      %dma_wait3A_324 = tpu.memref_slice %arg6[%dma_wait3A_322, %dma_wait3A_323] : memref<4x112xi32, #tpu.memory_space<vmem>> -> memref<1x112xi32, #tpu.memory_space<vmem>>
      %dma_wait3A_325 = tpu.memref_squeeze %dma_wait3A_324 : memref<1x112xi32, #tpu.memory_space<vmem>> -> memref<112xi32, #tpu.memory_space<vmem>>
      %dma_wait3A_326 = tpu.memref_slice %arg3[%add3A_321] : memref<640000xi32, #tpu.memory_space<hbm>> -> memref<112xi32, #tpu.memory_space<hbm>>
      %dma_wait3A_327 = arith.constant 0 : i32
      %dma_wait3A_328 = tpu.memref_slice %arg6[%dma_wait3A_322, %dma_wait3A_327] : memref<4x112xi32, #tpu.memory_space<vmem>> -> memref<1x112xi32, #tpu.memory_space<vmem>>
      %dma_wait3A_329 = tpu.memref_squeeze %dma_wait3A_328 : memref<1x112xi32, #tpu.memory_space<vmem>> -> memref<112xi32, #tpu.memory_space<vmem>>
      %dma_wait3A_330 = tpu.memref_slice %arg3[%add3A_321] : memref<640000xi32, #tpu.memory_space<hbm>> -> memref<112xi32, #tpu.memory_space<hbm>>
      tpu.wait_dma2 semaphore(%arg14 : memref<!tpu.dma_semaphore, #tpu.memory_space<semaphore_mem>>) src(%dma_wait3A_330 : memref<112xi32, #tpu.memory_space<hbm>>) dst(%dma_wait3A_329 : memref<112xi32, #tpu.memory_space<vmem>>)
      %dma_start3A_331 = arith.constant 2 : i32
      %dma_start3A_332 = arith.constant 0 : i32
      %dma_start3A_333 = arith.constant 0 : i32
      %dma_start3A_334 = arith.constant 0 : i32
      %dma_start3A_335 = tpu.memref_slice %arg7[%dma_start3A_332, %dma_start3A_333, %dma_start3A_334] : memref<2x112x128xf32, #tpu.memory_space<vmem>> -> memref<1x112x128xf32, #tpu.memory_space<vmem>>
      %dma_start3A_336 = tpu.memref_squeeze %dma_start3A_335 : memref<1x112x128xf32, #tpu.memory_space<vmem>> -> memref<112x128xf32, #tpu.memory_space<vmem>>
      %dma_start3A_337 = arith.constant 0 : i32
      %dma_start3A_338 = tpu.memref_slice %arg5[%dma_start3A_331, %dma_start3A_337] : memref<4x112xi32, #tpu.memory_space<vmem>> -> memref<1x112xi32, #tpu.memory_space<vmem>>
      %dma_start3A_339 = tpu.memref_squeeze %dma_start3A_338 : memref<1x112xi32, #tpu.memory_space<vmem>> -> memref<112xi32, #tpu.memory_space<vmem>>
      %dma_start3A_340 = arith.constant 0 : i32
      %dma_start3A_341 = arith.constant 0 : i32
      %dma_start3A_342 = tpu.memref_slice %arg2[%dma_start3A_340, %dma_start3A_341] : memref<10000x128xf32, #tpu.memory_space<hbm>> -> memref<10000x128xf32, #tpu.memory_space<hbm>>
      tpu.enqueue_indirect_dma source(%dma_start3A_342 : memref<10000x128xf32, #tpu.memory_space<hbm>>) target(%dma_start3A_336 : memref<112x128xf32, #tpu.memory_space<vmem>>) offsets(%dma_start3A_339 : memref<112xi32, #tpu.memory_space<vmem>>) semaphore(%arg16 : memref<!tpu.dma_semaphore, #tpu.memory_space<semaphore_mem>>)
      %dma_wait3A_343 = arith.constant 1 : i32
      %dma_wait3A_344 = arith.constant 1 : i32
      %dma_wait3A_345 = arith.constant 0 : i32
      %dma_wait3A_346 = arith.constant 0 : i32
      %dma_wait3A_347 = tpu.memref_slice %arg7[%dma_wait3A_344, %dma_wait3A_345, %dma_wait3A_346] : memref<2x112x128xf32, #tpu.memory_space<vmem>> -> memref<1x112x128xf32, #tpu.memory_space<vmem>>
      %dma_wait3A_348 = tpu.memref_squeeze %dma_wait3A_347 : memref<1x112x128xf32, #tpu.memory_space<vmem>> -> memref<112x128xf32, #tpu.memory_space<vmem>>
      %dma_wait3A_349 = arith.constant 0 : i32
      %dma_wait3A_350 = tpu.memref_slice %arg5[%dma_wait3A_343, %dma_wait3A_349] : memref<4x112xi32, #tpu.memory_space<vmem>> -> memref<1x112xi32, #tpu.memory_space<vmem>>
      %dma_wait3A_351 = tpu.memref_squeeze %dma_wait3A_350 : memref<1x112xi32, #tpu.memory_space<vmem>> -> memref<112xi32, #tpu.memory_space<vmem>>
      %dma_wait3A_352 = arith.constant 0 : i32
      %dma_wait3A_353 = arith.constant 0 : i32
      %dma_wait3A_354 = tpu.memref_slice %arg2[%dma_wait3A_352, %dma_wait3A_353] : memref<10000x128xf32, #tpu.memory_space<hbm>> -> memref<10000x128xf32, #tpu.memory_space<hbm>>
      tpu.wait_indirect_dma semaphore(%arg17 : memref<!tpu.dma_semaphore, #tpu.memory_space<semaphore_mem>>) src(%dma_wait3A_354 : memref<10000x128xf32, #tpu.memory_space<hbm>>) dst(%dma_wait3A_348 : memref<112x128xf32, #tpu.memory_space<vmem>>)
      %dma_start3A_355 = arith.constant 1 : i32
      %dma_start3A_356 = arith.constant 1 : i32
      %dma_start3A_357 = arith.constant 0 : i32
      %dma_start3A_358 = arith.constant 0 : i32
      %dma_start3A_359 = tpu.memref_slice %arg7[%dma_start3A_355, %dma_start3A_357, %dma_start3A_358] : memref<2x112x128xf32, #tpu.memory_space<vmem>> -> memref<1x112x128xf32, #tpu.memory_space<vmem>>
      %dma_start3A_360 = tpu.memref_squeeze %dma_start3A_359 : memref<1x112x128xf32, #tpu.memory_space<vmem>> -> memref<112x128xf32, #tpu.memory_space<vmem>>
      %dma_start3A_361 = arith.constant 0 : i32
      %dma_start3A_362 = tpu.memref_slice %arg6[%dma_start3A_356, %dma_start3A_361] : memref<4x112xi32, #tpu.memory_space<vmem>> -> memref<1x112xi32, #tpu.memory_space<vmem>>
      %dma_start3A_363 = tpu.memref_squeeze %dma_start3A_362 : memref<1x112xi32, #tpu.memory_space<vmem>> -> memref<112xi32, #tpu.memory_space<vmem>>
      %dma_start3A_364 = arith.constant 0 : i32
      %dma_start3A_365 = arith.constant 0 : i32
      %dma_start3A_366 = tpu.memref_slice %arg11[%dma_start3A_364, %dma_start3A_365] : memref<10000x128xf32, #tpu.memory_space<vmem_shared>> -> memref<10000x128xf32, #tpu.memory_space<vmem_shared>>
      tpu.enqueue_indirect_dma source(%dma_start3A_360 : memref<112x128xf32, #tpu.memory_space<vmem>>) target(%dma_start3A_366 : memref<10000x128xf32, #tpu.memory_space<vmem_shared>>) offsets(%dma_start3A_363 : memref<112xi32, #tpu.memory_space<vmem>>) semaphore(%arg19 : memref<!tpu.dma_semaphore, #tpu.memory_space<semaphore_mem>>) {add = true}
      %mul3A_367 = arith.constant 4 : i32
      %mul3A_368 = arith.muli %mul3A_367, %add3A_195 : i32
      %add3A_369 = arith.constant 2 : i32
      %add3A_370 = arith.addi %mul3A_368, %add3A_369 : i32
      %dma_wait3A_371 = arith.constant 1 : i32
      %dma_wait3A_372 = arith.constant 1 : i32
      %dma_wait3A_373 = arith.constant 0 : i32
      %dma_wait3A_374 = arith.constant 0 : i32
      %dma_wait3A_375 = tpu.memref_slice %arg7[%dma_wait3A_371, %dma_wait3A_373, %dma_wait3A_374] : memref<2x112x128xf32, #tpu.memory_space<vmem>> -> memref<1x112x128xf32, #tpu.memory_space<vmem>>
      %dma_wait3A_376 = tpu.memref_squeeze %dma_wait3A_375 : memref<1x112x128xf32, #tpu.memory_space<vmem>> -> memref<112x128xf32, #tpu.memory_space<vmem>>
      %dma_wait3A_377 = arith.constant 0 : i32
      %dma_wait3A_378 = tpu.memref_slice %arg6[%dma_wait3A_372, %dma_wait3A_377] : memref<4x112xi32, #tpu.memory_space<vmem>> -> memref<1x112xi32, #tpu.memory_space<vmem>>
      %dma_wait3A_379 = tpu.memref_squeeze %dma_wait3A_378 : memref<1x112xi32, #tpu.memory_space<vmem>> -> memref<112xi32, #tpu.memory_space<vmem>>
      %dma_wait3A_380 = arith.constant 0 : i32
      %dma_wait3A_381 = arith.constant 0 : i32
      %dma_wait3A_382 = tpu.memref_slice %arg11[%dma_wait3A_380, %dma_wait3A_381] : memref<10000x128xf32, #tpu.memory_space<vmem_shared>> -> memref<10000x128xf32, #tpu.memory_space<vmem_shared>>
      tpu.wait_indirect_dma semaphore(%arg19 : memref<!tpu.dma_semaphore, #tpu.memory_space<semaphore_mem>>) src(%dma_wait3A_376 : memref<112x128xf32, #tpu.memory_space<vmem>>) dst(%dma_wait3A_382 : memref<10000x128xf32, #tpu.memory_space<vmem_shared>>)
      %lt3A_383 = arith.constant 21 : i32
      %lt3A_384 = arith.cmpi slt, %add3A_195, %lt3A_383 : i32
      %convert_element_type3A_385 = arith.extui %lt3A_384 : i1 to i32
      %cond3A_386 = arith.constant 0 : i32
      %cond3A_387 = arith.cmpi ne, %convert_element_type3A_385, %cond3A_386 : i32
      scf.if %cond3A_387 {
        %add3A_531 = arith.constant 3 : i32
        %add3A_532 = arith.addi %add3A_370, %add3A_531 : i32
        %mul3A_533 = arith.constant 112 : i32
        %mul3A_534 = arith.muli %add3A_532, %mul3A_533 : i32
        %add3A_535 = arith.addi %mul3A_4, %mul3A_534 : i32
        %dma_start3A_536 = arith.constant 1 : i32
        %dma_start3A_537 = arith.constant 0 : i32
        %dma_start3A_538 = tpu.memref_slice %arg5[%dma_start3A_536, %dma_start3A_537] : memref<4x112xi32, #tpu.memory_space<vmem>> -> memref<1x112xi32, #tpu.memory_space<vmem>>
        %dma_start3A_539 = tpu.memref_squeeze %dma_start3A_538 : memref<1x112xi32, #tpu.memory_space<vmem>> -> memref<112xi32, #tpu.memory_space<vmem>>
        %dma_start3A_540 = tpu.memref_slice %arg3[%add3A_535] : memref<640000xi32, #tpu.memory_space<hbm>> -> memref<112xi32, #tpu.memory_space<hbm>>
        %dma_start3A_541 = arith.constant 0 : i32
        %dma_start3A_542 = tpu.memref_slice %arg5[%dma_start3A_536, %dma_start3A_541] : memref<4x112xi32, #tpu.memory_space<vmem>> -> memref<1x112xi32, #tpu.memory_space<vmem>>
        %dma_start3A_543 = tpu.memref_squeeze %dma_start3A_542 : memref<1x112xi32, #tpu.memory_space<vmem>> -> memref<112xi32, #tpu.memory_space<vmem>>
        %dma_start3A_544 = tpu.memref_slice %arg3[%add3A_535] : memref<640000xi32, #tpu.memory_space<hbm>> -> memref<112xi32, #tpu.memory_space<hbm>>
        tpu.enqueue_dma source(%dma_start3A_544 : memref<112xi32, #tpu.memory_space<hbm>>) target(%dma_start3A_543 : memref<112xi32, #tpu.memory_space<vmem>>) target_semaphore(%arg13 : memref<!tpu.dma_semaphore, #tpu.memory_space<semaphore_mem>>)
        %add3A_545 = arith.constant 320000 : i32
        %add3A_546 = arith.addi %add3A_545, %add3A_535 : i32
        %dma_start3A_547 = arith.constant 1 : i32
        %dma_start3A_548 = arith.constant 0 : i32
        %dma_start3A_549 = tpu.memref_slice %arg6[%dma_start3A_547, %dma_start3A_548] : memref<4x112xi32, #tpu.memory_space<vmem>> -> memref<1x112xi32, #tpu.memory_space<vmem>>
        %dma_start3A_550 = tpu.memref_squeeze %dma_start3A_549 : memref<1x112xi32, #tpu.memory_space<vmem>> -> memref<112xi32, #tpu.memory_space<vmem>>
        %dma_start3A_551 = tpu.memref_slice %arg3[%add3A_546] : memref<640000xi32, #tpu.memory_space<hbm>> -> memref<112xi32, #tpu.memory_space<hbm>>
        %dma_start3A_552 = arith.constant 0 : i32
        %dma_start3A_553 = tpu.memref_slice %arg6[%dma_start3A_547, %dma_start3A_552] : memref<4x112xi32, #tpu.memory_space<vmem>> -> memref<1x112xi32, #tpu.memory_space<vmem>>
        %dma_start3A_554 = tpu.memref_squeeze %dma_start3A_553 : memref<1x112xi32, #tpu.memory_space<vmem>> -> memref<112xi32, #tpu.memory_space<vmem>>
        %dma_start3A_555 = tpu.memref_slice %arg3[%add3A_546] : memref<640000xi32, #tpu.memory_space<hbm>> -> memref<112xi32, #tpu.memory_space<hbm>>
        tpu.enqueue_dma source(%dma_start3A_555 : memref<112xi32, #tpu.memory_space<hbm>>) target(%dma_start3A_554 : memref<112xi32, #tpu.memory_space<vmem>>) target_semaphore(%arg13 : memref<!tpu.dma_semaphore, #tpu.memory_space<semaphore_mem>>)
      } else {
      }
      %add3A_388 = arith.constant 1 : i32
      %add3A_389 = arith.addi %add3A_370, %add3A_388 : i32
      %mul3A_390 = arith.constant 112 : i32
      %mul3A_391 = arith.muli %add3A_389, %mul3A_390 : i32
      %add3A_392 = arith.addi %mul3A_4, %mul3A_391 : i32
      %dma_wait3A_393 = arith.constant 3 : i32
      %dma_wait3A_394 = arith.constant 0 : i32
      %dma_wait3A_395 = tpu.memref_slice %arg5[%dma_wait3A_393, %dma_wait3A_394] : memref<4x112xi32, #tpu.memory_space<vmem>> -> memref<1x112xi32, #tpu.memory_space<vmem>>
      %dma_wait3A_396 = tpu.memref_squeeze %dma_wait3A_395 : memref<1x112xi32, #tpu.memory_space<vmem>> -> memref<112xi32, #tpu.memory_space<vmem>>
      %dma_wait3A_397 = tpu.memref_slice %arg3[%add3A_392] : memref<640000xi32, #tpu.memory_space<hbm>> -> memref<112xi32, #tpu.memory_space<hbm>>
      %dma_wait3A_398 = arith.constant 0 : i32
      %dma_wait3A_399 = tpu.memref_slice %arg5[%dma_wait3A_393, %dma_wait3A_398] : memref<4x112xi32, #tpu.memory_space<vmem>> -> memref<1x112xi32, #tpu.memory_space<vmem>>
      %dma_wait3A_400 = tpu.memref_squeeze %dma_wait3A_399 : memref<1x112xi32, #tpu.memory_space<vmem>> -> memref<112xi32, #tpu.memory_space<vmem>>
      %dma_wait3A_401 = tpu.memref_slice %arg3[%add3A_392] : memref<640000xi32, #tpu.memory_space<hbm>> -> memref<112xi32, #tpu.memory_space<hbm>>
      tpu.wait_dma2 semaphore(%arg15 : memref<!tpu.dma_semaphore, #tpu.memory_space<semaphore_mem>>) src(%dma_wait3A_401 : memref<112xi32, #tpu.memory_space<hbm>>) dst(%dma_wait3A_400 : memref<112xi32, #tpu.memory_space<vmem>>)
      %add3A_402 = arith.constant 320000 : i32
      %add3A_403 = arith.addi %add3A_402, %add3A_392 : i32
      %dma_wait3A_404 = arith.constant 3 : i32
      %dma_wait3A_405 = arith.constant 0 : i32
      %dma_wait3A_406 = tpu.memref_slice %arg6[%dma_wait3A_404, %dma_wait3A_405] : memref<4x112xi32, #tpu.memory_space<vmem>> -> memref<1x112xi32, #tpu.memory_space<vmem>>
      %dma_wait3A_407 = tpu.memref_squeeze %dma_wait3A_406 : memref<1x112xi32, #tpu.memory_space<vmem>> -> memref<112xi32, #tpu.memory_space<vmem>>
      %dma_wait3A_408 = tpu.memref_slice %arg3[%add3A_403] : memref<640000xi32, #tpu.memory_space<hbm>> -> memref<112xi32, #tpu.memory_space<hbm>>
      %dma_wait3A_409 = arith.constant 0 : i32
      %dma_wait3A_410 = tpu.memref_slice %arg6[%dma_wait3A_404, %dma_wait3A_409] : memref<4x112xi32, #tpu.memory_space<vmem>> -> memref<1x112xi32, #tpu.memory_space<vmem>>
      %dma_wait3A_411 = tpu.memref_squeeze %dma_wait3A_410 : memref<1x112xi32, #tpu.memory_space<vmem>> -> memref<112xi32, #tpu.memory_space<vmem>>
      %dma_wait3A_412 = tpu.memref_slice %arg3[%add3A_403] : memref<640000xi32, #tpu.memory_space<hbm>> -> memref<112xi32, #tpu.memory_space<hbm>>
      tpu.wait_dma2 semaphore(%arg15 : memref<!tpu.dma_semaphore, #tpu.memory_space<semaphore_mem>>) src(%dma_wait3A_412 : memref<112xi32, #tpu.memory_space<hbm>>) dst(%dma_wait3A_411 : memref<112xi32, #tpu.memory_space<vmem>>)
      %dma_start3A_413 = arith.constant 3 : i32
      %dma_start3A_414 = arith.constant 1 : i32
      %dma_start3A_415 = arith.constant 0 : i32
      %dma_start3A_416 = arith.constant 0 : i32
      %dma_start3A_417 = tpu.memref_slice %arg7[%dma_start3A_414, %dma_start3A_415, %dma_start3A_416] : memref<2x112x128xf32, #tpu.memory_space<vmem>> -> memref<1x112x128xf32, #tpu.memory_space<vmem>>
      %dma_start3A_418 = tpu.memref_squeeze %dma_start3A_417 : memref<1x112x128xf32, #tpu.memory_space<vmem>> -> memref<112x128xf32, #tpu.memory_space<vmem>>
      %dma_start3A_419 = arith.constant 0 : i32
      %dma_start3A_420 = tpu.memref_slice %arg5[%dma_start3A_413, %dma_start3A_419] : memref<4x112xi32, #tpu.memory_space<vmem>> -> memref<1x112xi32, #tpu.memory_space<vmem>>
      %dma_start3A_421 = tpu.memref_squeeze %dma_start3A_420 : memref<1x112xi32, #tpu.memory_space<vmem>> -> memref<112xi32, #tpu.memory_space<vmem>>
      %dma_start3A_422 = arith.constant 0 : i32
      %dma_start3A_423 = arith.constant 0 : i32
      %dma_start3A_424 = tpu.memref_slice %arg2[%dma_start3A_422, %dma_start3A_423] : memref<10000x128xf32, #tpu.memory_space<hbm>> -> memref<10000x128xf32, #tpu.memory_space<hbm>>
      tpu.enqueue_indirect_dma source(%dma_start3A_424 : memref<10000x128xf32, #tpu.memory_space<hbm>>) target(%dma_start3A_418 : memref<112x128xf32, #tpu.memory_space<vmem>>) offsets(%dma_start3A_421 : memref<112xi32, #tpu.memory_space<vmem>>) semaphore(%arg17 : memref<!tpu.dma_semaphore, #tpu.memory_space<semaphore_mem>>)
      %dma_wait3A_425 = arith.constant 2 : i32
      %dma_wait3A_426 = arith.constant 0 : i32
      %dma_wait3A_427 = arith.constant 0 : i32
      %dma_wait3A_428 = arith.constant 0 : i32
      %dma_wait3A_429 = tpu.memref_slice %arg7[%dma_wait3A_426, %dma_wait3A_427, %dma_wait3A_428] : memref<2x112x128xf32, #tpu.memory_space<vmem>> -> memref<1x112x128xf32, #tpu.memory_space<vmem>>
      %dma_wait3A_430 = tpu.memref_squeeze %dma_wait3A_429 : memref<1x112x128xf32, #tpu.memory_space<vmem>> -> memref<112x128xf32, #tpu.memory_space<vmem>>
      %dma_wait3A_431 = arith.constant 0 : i32
      %dma_wait3A_432 = tpu.memref_slice %arg5[%dma_wait3A_425, %dma_wait3A_431] : memref<4x112xi32, #tpu.memory_space<vmem>> -> memref<1x112xi32, #tpu.memory_space<vmem>>
      %dma_wait3A_433 = tpu.memref_squeeze %dma_wait3A_432 : memref<1x112xi32, #tpu.memory_space<vmem>> -> memref<112xi32, #tpu.memory_space<vmem>>
      %dma_wait3A_434 = arith.constant 0 : i32
      %dma_wait3A_435 = arith.constant 0 : i32
      %dma_wait3A_436 = tpu.memref_slice %arg2[%dma_wait3A_434, %dma_wait3A_435] : memref<10000x128xf32, #tpu.memory_space<hbm>> -> memref<10000x128xf32, #tpu.memory_space<hbm>>
      tpu.wait_indirect_dma semaphore(%arg16 : memref<!tpu.dma_semaphore, #tpu.memory_space<semaphore_mem>>) src(%dma_wait3A_436 : memref<10000x128xf32, #tpu.memory_space<hbm>>) dst(%dma_wait3A_430 : memref<112x128xf32, #tpu.memory_space<vmem>>)
      %dma_start3A_437 = arith.constant 0 : i32
      %dma_start3A_438 = arith.constant 2 : i32
      %dma_start3A_439 = arith.constant 0 : i32
      %dma_start3A_440 = arith.constant 0 : i32
      %dma_start3A_441 = tpu.memref_slice %arg7[%dma_start3A_437, %dma_start3A_439, %dma_start3A_440] : memref<2x112x128xf32, #tpu.memory_space<vmem>> -> memref<1x112x128xf32, #tpu.memory_space<vmem>>
      %dma_start3A_442 = tpu.memref_squeeze %dma_start3A_441 : memref<1x112x128xf32, #tpu.memory_space<vmem>> -> memref<112x128xf32, #tpu.memory_space<vmem>>
      %dma_start3A_443 = arith.constant 0 : i32
      %dma_start3A_444 = tpu.memref_slice %arg6[%dma_start3A_438, %dma_start3A_443] : memref<4x112xi32, #tpu.memory_space<vmem>> -> memref<1x112xi32, #tpu.memory_space<vmem>>
      %dma_start3A_445 = tpu.memref_squeeze %dma_start3A_444 : memref<1x112xi32, #tpu.memory_space<vmem>> -> memref<112xi32, #tpu.memory_space<vmem>>
      %dma_start3A_446 = arith.constant 0 : i32
      %dma_start3A_447 = arith.constant 0 : i32
      %dma_start3A_448 = tpu.memref_slice %arg11[%dma_start3A_446, %dma_start3A_447] : memref<10000x128xf32, #tpu.memory_space<vmem_shared>> -> memref<10000x128xf32, #tpu.memory_space<vmem_shared>>
      tpu.enqueue_indirect_dma source(%dma_start3A_442 : memref<112x128xf32, #tpu.memory_space<vmem>>) target(%dma_start3A_448 : memref<10000x128xf32, #tpu.memory_space<vmem_shared>>) offsets(%dma_start3A_445 : memref<112xi32, #tpu.memory_space<vmem>>) semaphore(%arg18 : memref<!tpu.dma_semaphore, #tpu.memory_space<semaphore_mem>>) {add = true}
      %mul3A_449 = arith.constant 4 : i32
      %mul3A_450 = arith.muli %mul3A_449, %add3A_195 : i32
      %add3A_451 = arith.constant 3 : i32
      %add3A_452 = arith.addi %mul3A_450, %add3A_451 : i32
      %dma_wait3A_453 = arith.constant 0 : i32
      %dma_wait3A_454 = arith.constant 2 : i32
      %dma_wait3A_455 = arith.constant 0 : i32
      %dma_wait3A_456 = arith.constant 0 : i32
      %dma_wait3A_457 = tpu.memref_slice %arg7[%dma_wait3A_453, %dma_wait3A_455, %dma_wait3A_456] : memref<2x112x128xf32, #tpu.memory_space<vmem>> -> memref<1x112x128xf32, #tpu.memory_space<vmem>>
      %dma_wait3A_458 = tpu.memref_squeeze %dma_wait3A_457 : memref<1x112x128xf32, #tpu.memory_space<vmem>> -> memref<112x128xf32, #tpu.memory_space<vmem>>
      %dma_wait3A_459 = arith.constant 0 : i32
      %dma_wait3A_460 = tpu.memref_slice %arg6[%dma_wait3A_454, %dma_wait3A_459] : memref<4x112xi32, #tpu.memory_space<vmem>> -> memref<1x112xi32, #tpu.memory_space<vmem>>
      %dma_wait3A_461 = tpu.memref_squeeze %dma_wait3A_460 : memref<1x112xi32, #tpu.memory_space<vmem>> -> memref<112xi32, #tpu.memory_space<vmem>>
      %dma_wait3A_462 = arith.constant 0 : i32
      %dma_wait3A_463 = arith.constant 0 : i32
      %dma_wait3A_464 = tpu.memref_slice %arg11[%dma_wait3A_462, %dma_wait3A_463] : memref<10000x128xf32, #tpu.memory_space<vmem_shared>> -> memref<10000x128xf32, #tpu.memory_space<vmem_shared>>
      tpu.wait_indirect_dma semaphore(%arg18 : memref<!tpu.dma_semaphore, #tpu.memory_space<semaphore_mem>>) src(%dma_wait3A_458 : memref<112x128xf32, #tpu.memory_space<vmem>>) dst(%dma_wait3A_464 : memref<10000x128xf32, #tpu.memory_space<vmem_shared>>)
      %lt3A_465 = arith.constant 21 : i32
      %lt3A_466 = arith.cmpi slt, %add3A_195, %lt3A_465 : i32
      %convert_element_type3A_467 = arith.extui %lt3A_466 : i1 to i32
      %cond3A_468 = arith.constant 0 : i32
      %cond3A_469 = arith.cmpi ne, %convert_element_type3A_467, %cond3A_468 : i32
      scf.if %cond3A_469 {
        %add3A_531 = arith.constant 3 : i32
        %add3A_532 = arith.addi %add3A_452, %add3A_531 : i32
        %mul3A_533 = arith.constant 112 : i32
        %mul3A_534 = arith.muli %add3A_532, %mul3A_533 : i32
        %add3A_535 = arith.addi %mul3A_4, %mul3A_534 : i32
        %dma_start3A_536 = arith.constant 2 : i32
        %dma_start3A_537 = arith.constant 0 : i32
        %dma_start3A_538 = tpu.memref_slice %arg5[%dma_start3A_536, %dma_start3A_537] : memref<4x112xi32, #tpu.memory_space<vmem>> -> memref<1x112xi32, #tpu.memory_space<vmem>>
        %dma_start3A_539 = tpu.memref_squeeze %dma_start3A_538 : memref<1x112xi32, #tpu.memory_space<vmem>> -> memref<112xi32, #tpu.memory_space<vmem>>
        %dma_start3A_540 = tpu.memref_slice %arg3[%add3A_535] : memref<640000xi32, #tpu.memory_space<hbm>> -> memref<112xi32, #tpu.memory_space<hbm>>
        %dma_start3A_541 = arith.constant 0 : i32
        %dma_start3A_542 = tpu.memref_slice %arg5[%dma_start3A_536, %dma_start3A_541] : memref<4x112xi32, #tpu.memory_space<vmem>> -> memref<1x112xi32, #tpu.memory_space<vmem>>
        %dma_start3A_543 = tpu.memref_squeeze %dma_start3A_542 : memref<1x112xi32, #tpu.memory_space<vmem>> -> memref<112xi32, #tpu.memory_space<vmem>>
        %dma_start3A_544 = tpu.memref_slice %arg3[%add3A_535] : memref<640000xi32, #tpu.memory_space<hbm>> -> memref<112xi32, #tpu.memory_space<hbm>>
        tpu.enqueue_dma source(%dma_start3A_544 : memref<112xi32, #tpu.memory_space<hbm>>) target(%dma_start3A_543 : memref<112xi32, #tpu.memory_space<vmem>>) target_semaphore(%arg14 : memref<!tpu.dma_semaphore, #tpu.memory_space<semaphore_mem>>)
        %add3A_545 = arith.constant 320000 : i32
        %add3A_546 = arith.addi %add3A_545, %add3A_535 : i32
        %dma_start3A_547 = arith.constant 2 : i32
        %dma_start3A_548 = arith.constant 0 : i32
        %dma_start3A_549 = tpu.memref_slice %arg6[%dma_start3A_547, %dma_start3A_548] : memref<4x112xi32, #tpu.memory_space<vmem>> -> memref<1x112xi32, #tpu.memory_space<vmem>>
        %dma_start3A_550 = tpu.memref_squeeze %dma_start3A_549 : memref<1x112xi32, #tpu.memory_space<vmem>> -> memref<112xi32, #tpu.memory_space<vmem>>
        %dma_start3A_551 = tpu.memref_slice %arg3[%add3A_546] : memref<640000xi32, #tpu.memory_space<hbm>> -> memref<112xi32, #tpu.memory_space<hbm>>
        %dma_start3A_552 = arith.constant 0 : i32
        %dma_start3A_553 = tpu.memref_slice %arg6[%dma_start3A_547, %dma_start3A_552] : memref<4x112xi32, #tpu.memory_space<vmem>> -> memref<1x112xi32, #tpu.memory_space<vmem>>
        %dma_start3A_554 = tpu.memref_squeeze %dma_start3A_553 : memref<1x112xi32, #tpu.memory_space<vmem>> -> memref<112xi32, #tpu.memory_space<vmem>>
        %dma_start3A_555 = tpu.memref_slice %arg3[%add3A_546] : memref<640000xi32, #tpu.memory_space<hbm>> -> memref<112xi32, #tpu.memory_space<hbm>>
        tpu.enqueue_dma source(%dma_start3A_555 : memref<112xi32, #tpu.memory_space<hbm>>) target(%dma_start3A_554 : memref<112xi32, #tpu.memory_space<vmem>>) target_semaphore(%arg14 : memref<!tpu.dma_semaphore, #tpu.memory_space<semaphore_mem>>)
      } else {
      }
      %add3A_470 = arith.constant 1 : i32
      %add3A_471 = arith.addi %add3A_452, %add3A_470 : i32
      %mul3A_472 = arith.constant 112 : i32
      %mul3A_473 = arith.muli %add3A_471, %mul3A_472 : i32
      %add3A_474 = arith.addi %mul3A_4, %mul3A_473 : i32
      %dma_wait3A_475 = arith.constant 0 : i32
      %dma_wait3A_476 = arith.constant 0 : i32
      %dma_wait3A_477 = tpu.memref_slice %arg5[%dma_wait3A_475, %dma_wait3A_476] : memref<4x112xi32, #tpu.memory_space<vmem>> -> memref<1x112xi32, #tpu.memory_space<vmem>>
      %dma_wait3A_478 = tpu.memref_squeeze %dma_wait3A_477 : memref<1x112xi32, #tpu.memory_space<vmem>> -> memref<112xi32, #tpu.memory_space<vmem>>
      %dma_wait3A_479 = tpu.memref_slice %arg3[%add3A_474] : memref<640000xi32, #tpu.memory_space<hbm>> -> memref<112xi32, #tpu.memory_space<hbm>>
      %dma_wait3A_480 = arith.constant 0 : i32
      %dma_wait3A_481 = tpu.memref_slice %arg5[%dma_wait3A_475, %dma_wait3A_480] : memref<4x112xi32, #tpu.memory_space<vmem>> -> memref<1x112xi32, #tpu.memory_space<vmem>>
      %dma_wait3A_482 = tpu.memref_squeeze %dma_wait3A_481 : memref<1x112xi32, #tpu.memory_space<vmem>> -> memref<112xi32, #tpu.memory_space<vmem>>
      %dma_wait3A_483 = tpu.memref_slice %arg3[%add3A_474] : memref<640000xi32, #tpu.memory_space<hbm>> -> memref<112xi32, #tpu.memory_space<hbm>>
      tpu.wait_dma2 semaphore(%arg12 : memref<!tpu.dma_semaphore, #tpu.memory_space<semaphore_mem>>) src(%dma_wait3A_483 : memref<112xi32, #tpu.memory_space<hbm>>) dst(%dma_wait3A_482 : memref<112xi32, #tpu.memory_space<vmem>>)
      %add3A_484 = arith.constant 320000 : i32
      %add3A_485 = arith.addi %add3A_484, %add3A_474 : i32
      %dma_wait3A_486 = arith.constant 0 : i32
      %dma_wait3A_487 = arith.constant 0 : i32
      %dma_wait3A_488 = tpu.memref_slice %arg6[%dma_wait3A_486, %dma_wait3A_487] : memref<4x112xi32, #tpu.memory_space<vmem>> -> memref<1x112xi32, #tpu.memory_space<vmem>>
      %dma_wait3A_489 = tpu.memref_squeeze %dma_wait3A_488 : memref<1x112xi32, #tpu.memory_space<vmem>> -> memref<112xi32, #tpu.memory_space<vmem>>
      %dma_wait3A_490 = tpu.memref_slice %arg3[%add3A_485] : memref<640000xi32, #tpu.memory_space<hbm>> -> memref<112xi32, #tpu.memory_space<hbm>>
      %dma_wait3A_491 = arith.constant 0 : i32
      %dma_wait3A_492 = tpu.memref_slice %arg6[%dma_wait3A_486, %dma_wait3A_491] : memref<4x112xi32, #tpu.memory_space<vmem>> -> memref<1x112xi32, #tpu.memory_space<vmem>>
      %dma_wait3A_493 = tpu.memref_squeeze %dma_wait3A_492 : memref<1x112xi32, #tpu.memory_space<vmem>> -> memref<112xi32, #tpu.memory_space<vmem>>
      %dma_wait3A_494 = tpu.memref_slice %arg3[%add3A_485] : memref<640000xi32, #tpu.memory_space<hbm>> -> memref<112xi32, #tpu.memory_space<hbm>>
      tpu.wait_dma2 semaphore(%arg12 : memref<!tpu.dma_semaphore, #tpu.memory_space<semaphore_mem>>) src(%dma_wait3A_494 : memref<112xi32, #tpu.memory_space<hbm>>) dst(%dma_wait3A_493 : memref<112xi32, #tpu.memory_space<vmem>>)
      %dma_start3A_495 = arith.constant 0 : i32
      %dma_start3A_496 = arith.constant 0 : i32
      %dma_start3A_497 = arith.constant 0 : i32
      %dma_start3A_498 = arith.constant 0 : i32
      %dma_start3A_499 = tpu.memref_slice %arg7[%dma_start3A_496, %dma_start3A_497, %dma_start3A_498] : memref<2x112x128xf32, #tpu.memory_space<vmem>> -> memref<1x112x128xf32, #tpu.memory_space<vmem>>
      %dma_start3A_500 = tpu.memref_squeeze %dma_start3A_499 : memref<1x112x128xf32, #tpu.memory_space<vmem>> -> memref<112x128xf32, #tpu.memory_space<vmem>>
      %dma_start3A_501 = arith.constant 0 : i32
      %dma_start3A_502 = tpu.memref_slice %arg5[%dma_start3A_495, %dma_start3A_501] : memref<4x112xi32, #tpu.memory_space<vmem>> -> memref<1x112xi32, #tpu.memory_space<vmem>>
      %dma_start3A_503 = tpu.memref_squeeze %dma_start3A_502 : memref<1x112xi32, #tpu.memory_space<vmem>> -> memref<112xi32, #tpu.memory_space<vmem>>
      %dma_start3A_504 = arith.constant 0 : i32
      %dma_start3A_505 = arith.constant 0 : i32
      %dma_start3A_506 = tpu.memref_slice %arg2[%dma_start3A_504, %dma_start3A_505] : memref<10000x128xf32, #tpu.memory_space<hbm>> -> memref<10000x128xf32, #tpu.memory_space<hbm>>
      tpu.enqueue_indirect_dma source(%dma_start3A_506 : memref<10000x128xf32, #tpu.memory_space<hbm>>) target(%dma_start3A_500 : memref<112x128xf32, #tpu.memory_space<vmem>>) offsets(%dma_start3A_503 : memref<112xi32, #tpu.memory_space<vmem>>) semaphore(%arg16 : memref<!tpu.dma_semaphore, #tpu.memory_space<semaphore_mem>>)
      %dma_wait3A_507 = arith.constant 3 : i32
      %dma_wait3A_508 = arith.constant 1 : i32
      %dma_wait3A_509 = arith.constant 0 : i32
      %dma_wait3A_510 = arith.constant 0 : i32
      %dma_wait3A_511 = tpu.memref_slice %arg7[%dma_wait3A_508, %dma_wait3A_509, %dma_wait3A_510] : memref<2x112x128xf32, #tpu.memory_space<vmem>> -> memref<1x112x128xf32, #tpu.memory_space<vmem>>
      %dma_wait3A_512 = tpu.memref_squeeze %dma_wait3A_511 : memref<1x112x128xf32, #tpu.memory_space<vmem>> -> memref<112x128xf32, #tpu.memory_space<vmem>>
      %dma_wait3A_513 = arith.constant 0 : i32
      %dma_wait3A_514 = tpu.memref_slice %arg5[%dma_wait3A_507, %dma_wait3A_513] : memref<4x112xi32, #tpu.memory_space<vmem>> -> memref<1x112xi32, #tpu.memory_space<vmem>>
      %dma_wait3A_515 = tpu.memref_squeeze %dma_wait3A_514 : memref<1x112xi32, #tpu.memory_space<vmem>> -> memref<112xi32, #tpu.memory_space<vmem>>
      %dma_wait3A_516 = arith.constant 0 : i32
      %dma_wait3A_517 = arith.constant 0 : i32
      %dma_wait3A_518 = tpu.memref_slice %arg2[%dma_wait3A_516, %dma_wait3A_517] : memref<10000x128xf32, #tpu.memory_space<hbm>> -> memref<10000x128xf32, #tpu.memory_space<hbm>>
      tpu.wait_indirect_dma semaphore(%arg17 : memref<!tpu.dma_semaphore, #tpu.memory_space<semaphore_mem>>) src(%dma_wait3A_518 : memref<10000x128xf32, #tpu.memory_space<hbm>>) dst(%dma_wait3A_512 : memref<112x128xf32, #tpu.memory_space<vmem>>)
      %dma_start3A_519 = arith.constant 1 : i32
      %dma_start3A_520 = arith.constant 3 : i32
      %dma_start3A_521 = arith.constant 0 : i32
      %dma_start3A_522 = arith.constant 0 : i32
      %dma_start3A_523 = tpu.memref_slice %arg7[%dma_start3A_519, %dma_start3A_521, %dma_start3A_522] : memref<2x112x128xf32, #tpu.memory_space<vmem>> -> memref<1x112x128xf32, #tpu.memory_space<vmem>>
      %dma_start3A_524 = tpu.memref_squeeze %dma_start3A_523 : memref<1x112x128xf32, #tpu.memory_space<vmem>> -> memref<112x128xf32, #tpu.memory_space<vmem>>
      %dma_start3A_525 = arith.constant 0 : i32
      %dma_start3A_526 = tpu.memref_slice %arg6[%dma_start3A_520, %dma_start3A_525] : memref<4x112xi32, #tpu.memory_space<vmem>> -> memref<1x112xi32, #tpu.memory_space<vmem>>
      %dma_start3A_527 = tpu.memref_squeeze %dma_start3A_526 : memref<1x112xi32, #tpu.memory_space<vmem>> -> memref<112xi32, #tpu.memory_space<vmem>>
      %dma_start3A_528 = arith.constant 0 : i32
      %dma_start3A_529 = arith.constant 0 : i32
      %dma_start3A_530 = tpu.memref_slice %arg11[%dma_start3A_528, %dma_start3A_529] : memref<10000x128xf32, #tpu.memory_space<vmem_shared>> -> memref<10000x128xf32, #tpu.memory_space<vmem_shared>>
      tpu.enqueue_indirect_dma source(%dma_start3A_524 : memref<112x128xf32, #tpu.memory_space<vmem>>) target(%dma_start3A_530 : memref<10000x128xf32, #tpu.memory_space<vmem_shared>>) offsets(%dma_start3A_527 : memref<112xi32, #tpu.memory_space<vmem>>) semaphore(%arg19 : memref<!tpu.dma_semaphore, #tpu.memory_space<semaphore_mem>>) {add = true}
    }
    %scan3A_151 = arith.constant 22 : i32
    %dma_wait3A_152 = arith.constant 1 : i32
    %dma_wait3A_153 = arith.constant 3 : i32
    %dma_wait3A_154 = arith.constant 0 : i32
    %dma_wait3A_155 = arith.constant 0 : i32
    %dma_wait3A_156 = tpu.memref_slice %arg7[%dma_wait3A_152, %dma_wait3A_154, %dma_wait3A_155] : memref<2x112x128xf32, #tpu.memory_space<vmem>> -> memref<1x112x128xf32, #tpu.memory_space<vmem>>
    %dma_wait3A_157 = tpu.memref_squeeze %dma_wait3A_156 : memref<1x112x128xf32, #tpu.memory_space<vmem>> -> memref<112x128xf32, #tpu.memory_space<vmem>>
    %dma_wait3A_158 = arith.constant 0 : i32
    %dma_wait3A_159 = tpu.memref_slice %arg6[%dma_wait3A_153, %dma_wait3A_158] : memref<4x112xi32, #tpu.memory_space<vmem>> -> memref<1x112xi32, #tpu.memory_space<vmem>>
    %dma_wait3A_160 = tpu.memref_squeeze %dma_wait3A_159 : memref<1x112xi32, #tpu.memory_space<vmem>> -> memref<112xi32, #tpu.memory_space<vmem>>
    %dma_wait3A_161 = arith.constant 0 : i32
    %dma_wait3A_162 = arith.constant 0 : i32
    %dma_wait3A_163 = tpu.memref_slice %arg11[%dma_wait3A_161, %dma_wait3A_162] : memref<10000x128xf32, #tpu.memory_space<vmem_shared>> -> memref<10000x128xf32, #tpu.memory_space<vmem_shared>>
    tpu.wait_indirect_dma semaphore(%arg19 : memref<!tpu.dma_semaphore, #tpu.memory_space<semaphore_mem>>) src(%dma_wait3A_157 : memref<112x128xf32, #tpu.memory_space<vmem>>) dst(%dma_wait3A_163 : memref<10000x128xf32, #tpu.memory_space<vmem_shared>>)
    %dma_wait3A_164 = arith.constant 0 : i32
    %dma_wait3A_165 = arith.constant 0 : i32
    %dma_wait3A_166 = arith.constant 0 : i32
    %dma_wait3A_167 = arith.constant 0 : i32
    %dma_wait3A_168 = tpu.memref_slice %arg7[%dma_wait3A_165, %dma_wait3A_166, %dma_wait3A_167] : memref<2x112x128xf32, #tpu.memory_space<vmem>> -> memref<1x112x128xf32, #tpu.memory_space<vmem>>
    %dma_wait3A_169 = tpu.memref_squeeze %dma_wait3A_168 : memref<1x112x128xf32, #tpu.memory_space<vmem>> -> memref<112x128xf32, #tpu.memory_space<vmem>>
    %dma_wait3A_170 = arith.constant 0 : i32
    %dma_wait3A_171 = tpu.memref_slice %arg5[%dma_wait3A_164, %dma_wait3A_170] : memref<4x112xi32, #tpu.memory_space<vmem>> -> memref<1x112xi32, #tpu.memory_space<vmem>>
    %dma_wait3A_172 = tpu.memref_squeeze %dma_wait3A_171 : memref<1x112xi32, #tpu.memory_space<vmem>> -> memref<112xi32, #tpu.memory_space<vmem>>
    %dma_wait3A_173 = arith.constant 0 : i32
    %dma_wait3A_174 = arith.constant 0 : i32
    %dma_wait3A_175 = tpu.memref_slice %arg2[%dma_wait3A_173, %dma_wait3A_174] : memref<10000x128xf32, #tpu.memory_space<hbm>> -> memref<10000x128xf32, #tpu.memory_space<hbm>>
    tpu.wait_indirect_dma semaphore(%arg16 : memref<!tpu.dma_semaphore, #tpu.memory_space<semaphore_mem>>) src(%dma_wait3A_175 : memref<10000x128xf32, #tpu.memory_space<hbm>>) dst(%dma_wait3A_169 : memref<112x128xf32, #tpu.memory_space<vmem>>)
    %run_scoped3A = arith.constant 0 : i32
    %run_scoped3A_176 = arith.constant 0 : i32
    "tpu.region"() ({
      %run_scoped3A_191 = tpu.sem_alloc : memref<!tpu.dma_semaphore, #tpu.memory_space<semaphore_mem>>
      %dma_start3A_192 = arith.constant 0 : i32
      %dma_start3A_193 = arith.constant 0 : i32
      %dma_start3A_194 = tpu.memref_slice %arg7[%run_scoped3A, %dma_start3A_192, %dma_start3A_193] : memref<2x112x128xf32, #tpu.memory_space<vmem>> -> memref<1x112x128xf32, #tpu.memory_space<vmem>>
      %dma_start3A_195 = tpu.memref_squeeze %dma_start3A_194 : memref<1x112x128xf32, #tpu.memory_space<vmem>> -> memref<112x128xf32, #tpu.memory_space<vmem>>
      %dma_start3A_196 = arith.constant 0 : i32
      %dma_start3A_197 = tpu.memref_slice %arg6[%run_scoped3A_176, %dma_start3A_196] : memref<4x112xi32, #tpu.memory_space<vmem>> -> memref<1x112xi32, #tpu.memory_space<vmem>>
      %dma_start3A_198 = tpu.memref_squeeze %dma_start3A_197 : memref<1x112xi32, #tpu.memory_space<vmem>> -> memref<112xi32, #tpu.memory_space<vmem>>
      %dma_start3A_199 = arith.constant 0 : i32
      %dma_start3A_200 = arith.constant 0 : i32
      %dma_start3A_201 = tpu.memref_slice %arg11[%dma_start3A_199, %dma_start3A_200] : memref<10000x128xf32, #tpu.memory_space<vmem_shared>> -> memref<10000x128xf32, #tpu.memory_space<vmem_shared>>
      tpu.enqueue_indirect_dma source(%dma_start3A_195 : memref<112x128xf32, #tpu.memory_space<vmem>>) target(%dma_start3A_201 : memref<10000x128xf32, #tpu.memory_space<vmem_shared>>) offsets(%dma_start3A_198 : memref<112xi32, #tpu.memory_space<vmem>>) semaphore(%run_scoped3A_191 : memref<!tpu.dma_semaphore, #tpu.memory_space<semaphore_mem>>) {add = true}
      %dma_wait3A_202 = arith.constant 0 : i32
      %dma_wait3A_203 = arith.constant 0 : i32
      %dma_wait3A_204 = tpu.memref_slice %arg7[%run_scoped3A, %dma_wait3A_202, %dma_wait3A_203] : memref<2x112x128xf32, #tpu.memory_space<vmem>> -> memref<1x112x128xf32, #tpu.memory_space<vmem>>
      %dma_wait3A_205 = tpu.memref_squeeze %dma_wait3A_204 : memref<1x112x128xf32, #tpu.memory_space<vmem>> -> memref<112x128xf32, #tpu.memory_space<vmem>>
      %dma_wait3A_206 = arith.constant 0 : i32
      %dma_wait3A_207 = tpu.memref_slice %arg6[%run_scoped3A_176, %dma_wait3A_206] : memref<4x112xi32, #tpu.memory_space<vmem>> -> memref<1x112xi32, #tpu.memory_space<vmem>>
      %dma_wait3A_208 = tpu.memref_squeeze %dma_wait3A_207 : memref<1x112xi32, #tpu.memory_space<vmem>> -> memref<112xi32, #tpu.memory_space<vmem>>
      %dma_wait3A_209 = arith.constant 0 : i32
      %dma_wait3A_210 = arith.constant 0 : i32
      %dma_wait3A_211 = tpu.memref_slice %arg11[%dma_wait3A_209, %dma_wait3A_210] : memref<10000x128xf32, #tpu.memory_space<vmem_shared>> -> memref<10000x128xf32, #tpu.memory_space<vmem_shared>>
      tpu.wait_indirect_dma semaphore(%run_scoped3A_191 : memref<!tpu.dma_semaphore, #tpu.memory_space<semaphore_mem>>) src(%dma_wait3A_205 : memref<112x128xf32, #tpu.memory_space<vmem>>) dst(%dma_wait3A_211 : memref<10000x128xf32, #tpu.memory_space<vmem_shared>>)
      tpu.yield
    }) : () -> ()
    %dma_wait3A_177 = arith.constant 0 : i32
    %dma_wait3A_178 = arith.constant 0 : i32
    %dma_wait3A_179 = tpu.memref_slice %arg2[%dma_wait3A_177, %dma_wait3A_178] : memref<10000x128xf32, #tpu.memory_space<hbm>> -> memref<10000x128xf32, #tpu.memory_space<hbm>>
    tpu.wait_indirect_dma semaphore(%arg21 : memref<!tpu.dma_semaphore, #tpu.memory_space<semaphore_mem>>) src(%dma_wait3A_179 : memref<10000x128xf32, #tpu.memory_space<hbm>>) dst(%arg10 : memref<32x128xf32, #tpu.memory_space<vmem>>)
    "tpu.region"() ({
      %run_scoped3A_191 = tpu.sem_alloc : memref<!tpu.dma_semaphore, #tpu.memory_space<semaphore_mem>>
      %dma_start3A_192 = arith.constant 0 : i32
      %dma_start3A_193 = arith.constant 0 : i32
      %dma_start3A_194 = tpu.memref_slice %arg11[%dma_start3A_192, %dma_start3A_193] : memref<10000x128xf32, #tpu.memory_space<vmem_shared>> -> memref<10000x128xf32, #tpu.memory_space<vmem_shared>>
      tpu.enqueue_indirect_dma source(%arg10 : memref<32x128xf32, #tpu.memory_space<vmem>>) target(%dma_start3A_194 : memref<10000x128xf32, #tpu.memory_space<vmem_shared>>) offsets(%arg9 : memref<32xi32, #tpu.memory_space<vmem>>) semaphore(%run_scoped3A_191 : memref<!tpu.dma_semaphore, #tpu.memory_space<semaphore_mem>>) {add = true}
      %dma_wait3A_195 = arith.constant 0 : i32
      %dma_wait3A_196 = arith.constant 0 : i32
      %dma_wait3A_197 = tpu.memref_slice %arg11[%dma_wait3A_195, %dma_wait3A_196] : memref<10000x128xf32, #tpu.memory_space<vmem_shared>> -> memref<10000x128xf32, #tpu.memory_space<vmem_shared>>
      tpu.wait_indirect_dma semaphore(%run_scoped3A_191 : memref<!tpu.dma_semaphore, #tpu.memory_space<semaphore_mem>>) src(%arg10 : memref<32x128xf32, #tpu.memory_space<vmem>>) dst(%dma_wait3A_197 : memref<10000x128xf32, #tpu.memory_space<vmem_shared>>)
      tpu.yield
    }) : () -> ()
    %barrier3A_180 = arith.constant 0 : index
    tpu.barrier barrier_id(%barrier3A_180)
    %lt3A_181 = arith.constant 15 : i32
    %lt3A_182 = arith.cmpi slt, %arg1, %lt3A_181 : i32
    %convert_element_type3A_183 = arith.extui %lt3A_182 : i1 to i32
    %cond3A_184 = arith.constant 0 : i32
    %cond3A_185 = arith.cmpi ne, %convert_element_type3A_183, %cond3A_184 : i32
    scf.if %cond3A_185 {
      "tpu.region"() ({
        %run_scoped3A_191 = tpu.sem_alloc : memref<!tpu.dma_semaphore, #tpu.memory_space<semaphore_mem>>
        %dma_start3A_192 = arith.constant 0 : i32
        %dma_start3A_193 = tpu.memref_slice %arg4[%arg0, %mul3A_2, %dma_start3A_192] : memref<2x10000x128xf32, #tpu.memory_space<hbm>> -> memref<1x624x128xf32, #tpu.memory_space<hbm>>
        %dma_start3A_194 = tpu.memref_squeeze %dma_start3A_193 : memref<1x624x128xf32, #tpu.memory_space<hbm>> -> memref<624x128xf32, #tpu.memory_space<hbm>>
        %dma_start3A_195 = arith.constant 0 : i32
        %dma_start3A_196 = tpu.memref_slice %arg11[%mul3A_2, %dma_start3A_195] : memref<10000x128xf32, #tpu.memory_space<vmem_shared>> -> memref<624x128xf32, #tpu.memory_space<vmem_shared>>
        tpu.enqueue_dma source(%dma_start3A_196 : memref<624x128xf32, #tpu.memory_space<vmem_shared>>) target(%dma_start3A_194 : memref<624x128xf32, #tpu.memory_space<hbm>>) target_semaphore(%run_scoped3A_191 : memref<!tpu.dma_semaphore, #tpu.memory_space<semaphore_mem>>)
        %dma_wait3A_197 = arith.constant 0 : i32
        %dma_wait3A_198 = tpu.memref_slice %arg4[%arg0, %mul3A_2, %dma_wait3A_197] : memref<2x10000x128xf32, #tpu.memory_space<hbm>> -> memref<1x624x128xf32, #tpu.memory_space<hbm>>
        %dma_wait3A_199 = tpu.memref_squeeze %dma_wait3A_198 : memref<1x624x128xf32, #tpu.memory_space<hbm>> -> memref<624x128xf32, #tpu.memory_space<hbm>>
        %dma_wait3A_200 = arith.constant 0 : i32
        %dma_wait3A_201 = tpu.memref_slice %arg11[%mul3A_2, %dma_wait3A_200] : memref<10000x128xf32, #tpu.memory_space<vmem_shared>> -> memref<624x128xf32, #tpu.memory_space<vmem_shared>>
        tpu.wait_dma2 semaphore(%run_scoped3A_191 : memref<!tpu.dma_semaphore, #tpu.memory_space<semaphore_mem>>) src(%dma_wait3A_201 : memref<624x128xf32, #tpu.memory_space<vmem_shared>>) dst(%dma_wait3A_199 : memref<624x128xf32, #tpu.memory_space<hbm>>)
        tpu.yield
      }) : () -> ()
    } else {
    }
    %eq3A_186 = arith.constant 15 : i32
    %eq3A_187 = arith.cmpi eq, %arg1, %eq3A_186 : i32
    %convert_element_type3A_188 = arith.extui %eq3A_187 : i1 to i32
    %cond3A_189 = arith.constant 0 : i32
    %cond3A_190 = arith.cmpi ne, %convert_element_type3A_188, %cond3A_189 : i32
    scf.if %cond3A_190 {
      "tpu.region"() ({
        %run_scoped3A_191 = tpu.sem_alloc : memref<!tpu.dma_semaphore, #tpu.memory_space<semaphore_mem>>
        %dma_start3A_192 = arith.constant 9360 : i32
        %dma_start3A_193 = arith.constant 0 : i32
        %dma_start3A_194 = tpu.memref_slice %arg4[%arg0, %dma_start3A_192, %dma_start3A_193] : memref<2x10000x128xf32, #tpu.memory_space<hbm>> -> memref<1x640x128xf32, #tpu.memory_space<hbm>>
        %dma_start3A_195 = tpu.memref_squeeze %dma_start3A_194 : memref<1x640x128xf32, #tpu.memory_space<hbm>> -> memref<640x128xf32, #tpu.memory_space<hbm>>
        %dma_start3A_196 = arith.constant 9360 : i32
        %dma_start3A_197 = arith.constant 0 : i32
        %dma_start3A_198 = tpu.memref_slice %arg11[%dma_start3A_196, %dma_start3A_197] : memref<10000x128xf32, #tpu.memory_space<vmem_shared>> -> memref<640x128xf32, #tpu.memory_space<vmem_shared>>
        tpu.enqueue_dma source(%dma_start3A_198 : memref<640x128xf32, #tpu.memory_space<vmem_shared>>) target(%dma_start3A_195 : memref<640x128xf32, #tpu.memory_space<hbm>>) target_semaphore(%run_scoped3A_191 : memref<!tpu.dma_semaphore, #tpu.memory_space<semaphore_mem>>)
        %dma_wait3A_199 = arith.constant 9360 : i32
        %dma_wait3A_200 = arith.constant 0 : i32
        %dma_wait3A_201 = tpu.memref_slice %arg4[%arg0, %dma_wait3A_199, %dma_wait3A_200] : memref<2x10000x128xf32, #tpu.memory_space<hbm>> -> memref<1x640x128xf32, #tpu.memory_space<hbm>>
        %dma_wait3A_202 = tpu.memref_squeeze %dma_wait3A_201 : memref<1x640x128xf32, #tpu.memory_space<hbm>> -> memref<640x128xf32, #tpu.memory_space<hbm>>
        %dma_wait3A_203 = arith.constant 9360 : i32
        %dma_wait3A_204 = arith.constant 0 : i32
        %dma_wait3A_205 = tpu.memref_slice %arg11[%dma_wait3A_203, %dma_wait3A_204] : memref<10000x128xf32, #tpu.memory_space<vmem_shared>> -> memref<640x128xf32, #tpu.memory_space<vmem_shared>>
        tpu.wait_dma2 semaphore(%run_scoped3A_191 : memref<!tpu.dma_semaphore, #tpu.memory_space<semaphore_mem>>) src(%dma_wait3A_205 : memref<640x128xf32, #tpu.memory_space<vmem_shared>>) dst(%dma_wait3A_202 : memref<640x128xf32, #tpu.memory_space<hbm>>)
        tpu.yield
      }) : () -> ()
    } else {
    }
    return
  }
}

module attributes {stable_mosaic.version = 14 : i64} {
  func.func @_prescale_body(%arg0: i32, %arg1: memref<2000x32xf32, #tpu.memory_space<vmem>>, %arg2: memref<2000x128xf32, #tpu.memory_space<vmem>>, %arg3: memref<2000x1xf32, #tpu.memory_space<vmem>>, %arg4: memref<2000x128xf32, #tpu.memory_space<vmem>>) attributes {dimension_semantics = [#tpu.dimension_semantics<arbitrary>], iteration_bounds = array<i64: 5>, scalar_prefetch = 0 : i64, scratch_operands = 0 : i64, tpu.core_type = #tpu.core_type<tc>, window_params = [{transform_indices = @transform_0, window_bounds = array<i64: 2000, 32>}, {transform_indices = @transform_1, window_bounds = array<i64: 2000, 128>}, {transform_indices = @transform_2, window_bounds = array<i64: 2000, 1>}, {transform_indices = @transform_3, window_bounds = array<i64: 2000, 128>}]} {
    %get3A = arith.constant 0 : index
    %get3A_0 = arith.constant 0 : index
    %get3A_1 = vector.load %arg1[%get3A, %get3A_0] : memref<2000x32xf32, #tpu.memory_space<vmem>>, vector<2000x32xf32>
    %reduce_sum3A = arith.constant dense<0.000000e+00> : vector<2000xf32>
    %reduce_sum3A_2 = vector.multi_reduction <add>, %get3A_1, %reduce_sum3A [1] : vector<2000x32xf32> to vector<2000xf32>
    %broadcast_in_dim3A = vector.shape_cast %reduce_sum3A_2 : vector<2000xf32> to vector<2000x1xf32>
    %add3A = arith.constant 1.000000e+00 : f32
    %add3A_3 = vector.broadcast %add3A : f32 to vector<2000x1xf32>
    %add3A_4 = arith.addf %broadcast_in_dim3A, %add3A_3 : vector<2000x1xf32>
    %rsqrt3A = math.rsqrt %add3A_4 : vector<2000x1xf32>
    %swap3A = arith.constant 0 : index
    %swap3A_5 = arith.constant 0 : index
    %swap3A_6 = vector.load %arg3[%swap3A, %swap3A_5] : memref<2000x1xf32, #tpu.memory_space<vmem>>, vector<2000x1xf32>
    tpu.vector_store %arg3[%swap3A, %swap3A_5], %rsqrt3A {strides = array<i32>} : memref<2000x1xf32, #tpu.memory_space<vmem>>, vector<2000x1xf32>,
    %get3A_7 = arith.constant 0 : index
    %get3A_8 = arith.constant 0 : index
    %get3A_9 = vector.load %arg2[%get3A_7, %get3A_8] : memref<2000x128xf32, #tpu.memory_space<vmem>>, vector<2000x128xf32>
    %mul3A = vector.broadcast %rsqrt3A : vector<2000x1xf32> to vector<2000x128xf32>
    %mul3A_10 = arith.mulf %get3A_9, %mul3A : vector<2000x128xf32>
    %swap3A_11 = arith.constant 0 : index
    %swap3A_12 = arith.constant 0 : index
    %swap3A_13 = vector.load %arg4[%swap3A_11, %swap3A_12] : memref<2000x128xf32, #tpu.memory_space<vmem>>, vector<2000x128xf32>
    tpu.vector_store %arg4[%swap3A_11, %swap3A_12], %mul3A_10 {strides = array<i32>} : memref<2000x128xf32, #tpu.memory_space<vmem>>, vector<2000x128xf32>,
    return
  }
  func.func @transform_0(%arg0: i32) -> (i32, i32) {
    %c0_i32 = arith.constant 0 : i32
    %c0_i32_0 = arith.constant 0 : i32
    return %arg0, %c0_i32 : i32, i32
  }
  func.func @transform_1(%arg0: i32) -> (i32, i32) {
    %c0_i32 = arith.constant 0 : i32
    %c0_i32_0 = arith.constant 0 : i32
    return %arg0, %c0_i32 : i32, i32
  }
  func.func @transform_2(%arg0: i32) -> (i32, i32) {
    %c0_i32 = arith.constant 0 : i32
    %c0_i32_0 = arith.constant 0 : i32
    return %arg0, %c0_i32 : i32, i32
  }
  func.func @transform_3(%arg0: i32) -> (i32, i32) {
    %c0_i32 = arith.constant 0 : i32
    %c0_i32_0 = arith.constant 0 : i32
    return %arg0, %c0_i32 : i32, i32
  }
}

module attributes {stable_mosaic.version = 14 : i64} {
  func.func @_mid_body(%arg0: i32, %arg1: memref<2x2000x128xf32, #tpu.memory_space<vmem>>, %arg2: memref<2000x128xf32, #tpu.memory_space<vmem>>, %arg3: memref<2000x1xf32, #tpu.memory_space<vmem>>, %arg4: memref<128x256xf32, #tpu.memory_space<vmem>>, %arg5: memref<256xf32, #tpu.memory_space<vmem>>, %arg6: memref<256x128xf32, #tpu.memory_space<vmem>>, %arg7: memref<2000x128xf32, #tpu.memory_space<vmem>>) attributes {dimension_semantics = [#tpu.dimension_semantics<arbitrary>], iteration_bounds = array<i64: 5>, scalar_prefetch = 0 : i64, scratch_operands = 0 : i64, tpu.core_type = #tpu.core_type<tc>, window_params = [{transform_indices = @transform_0, window_bounds = array<i64: 2, 2000, 128>}, {transform_indices = @transform_1, window_bounds = array<i64: 2000, 128>}, {transform_indices = @transform_2, window_bounds = array<i64: 2000, 1>}, {pipeline_mode = #tpu.pipeline_mode<synchronous>, transform_indices = @transform_3, window_bounds = array<i64: 128, 256>}, {pipeline_mode = #tpu.pipeline_mode<synchronous>, transform_indices = @transform_4, window_bounds = array<i64: 256>}, {pipeline_mode = #tpu.pipeline_mode<synchronous>, transform_indices = @transform_5, window_bounds = array<i64: 256, 128>}, {transform_indices = @transform_6, window_bounds = array<i64: 2000, 128>}]} {
    %get3A = arith.constant 0 : index
    %get3A_0 = arith.constant 0 : index
    %get3A_1 = vector.load %arg3[%get3A, %get3A_0] : memref<2000x1xf32, #tpu.memory_space<vmem>>, vector<2000x1xf32>
    %get3A_2 = arith.constant 0 : index
    %get3A_3 = arith.constant 0 : index
    %get3A_4 = arith.constant 0 : index
    %get3A_5 = vector.load %arg1[%get3A_2, %get3A_3, %get3A_4] : memref<2x2000x128xf32, #tpu.memory_space<vmem>>, vector<1x2000x128xf32>
    %get3A_6 = vector.shape_cast %get3A_5 : vector<1x2000x128xf32> to vector<2000x128xf32>
    %get3A_7 = arith.constant 1 : index
    %get3A_8 = arith.constant 0 : index
    %get3A_9 = arith.constant 0 : index
    %get3A_10 = vector.load %arg1[%get3A_7, %get3A_8, %get3A_9] : memref<2x2000x128xf32, #tpu.memory_space<vmem>>, vector<1x2000x128xf32>
    %get3A_11 = vector.shape_cast %get3A_10 : vector<1x2000x128xf32> to vector<2000x128xf32>
    %add3A = arith.addf %get3A_6, %get3A_11 : vector<2000x128xf32>
    %get3A_12 = arith.constant 0 : index
    %get3A_13 = arith.constant 0 : index
    %get3A_14 = vector.load %arg2[%get3A_12, %get3A_13] : memref<2000x128xf32, #tpu.memory_space<vmem>>, vector<2000x128xf32>
    %sub3A = arith.subf %add3A, %get3A_14 : vector<2000x128xf32>
    %mul3A = vector.broadcast %get3A_1 : vector<2000x1xf32> to vector<2000x128xf32>
    %mul3A_15 = arith.mulf %sub3A, %mul3A : vector<2000x128xf32>
    %convert_element_type3A = arith.truncf %mul3A_15 : vector<2000x128xf32> to vector<2000x128xbf16>
    %get3A_16 = arith.constant 0 : index
    %get3A_17 = arith.constant 0 : index
    %get3A_18 = vector.load %arg4[%get3A_16, %get3A_17] : memref<128x256xf32, #tpu.memory_space<vmem>>, vector<128x256xf32>
    %convert_element_type3A_19 = arith.truncf %get3A_18 : vector<128x256xf32> to vector<128x256xbf16>
    %dot_general3A = arith.constant dense<0.000000e+00> : vector<2000x256xf32>
    %dot_general3A_20 = tpu.matmul %convert_element_type3A, %convert_element_type3A_19, %dot_general3A {dimension_numbers = #tpu.dot_dimension_numbers<[1], [0], [0], [1], [0, 0, 1, 1], [], []>, transpose_lhs_hint = false} : vector<2000x128xbf16>, vector<128x256xbf16>, vector<2000x256xf32> -> vector<2000x256xf32>
    %get3A_21 = arith.constant 0 : index
    %get3A_22 = vector.load %arg5[%get3A_21] : memref<256xf32, #tpu.memory_space<vmem>>, vector<256xf32>
    %broadcast_in_dim3A = vector.shape_cast %get3A_22 : vector<256xf32> to vector<1x256xf32>
    %add3A_23 = vector.broadcast %broadcast_in_dim3A : vector<1x256xf32> to vector<2000x256xf32>
    %add3A_24 = arith.addf %dot_general3A_20, %add3A_23 : vector<2000x256xf32>
    %gt3A = arith.constant 0.000000e+00 : f32
    %gt3A_25 = vector.broadcast %gt3A : f32 to vector<2000x256xf32>
    %gt3A_26 = arith.cmpf ogt, %add3A_24, %gt3A_25 : vector<2000x256xf32>
    %mul3A_27 = arith.constant 0.00999999977 : f32
    %mul3A_28 = vector.broadcast %mul3A_27 : f32 to vector<2000x256xf32>
    %mul3A_29 = arith.mulf %mul3A_28, %add3A_24 : vector<2000x256xf32>
    %select_n3A = arith.select %gt3A_26, %add3A_24, %mul3A_29 : vector<2000x256xi1>, vector<2000x256xf32>
    %convert_element_type3A_30 = arith.truncf %select_n3A : vector<2000x256xf32> to vector<2000x256xbf16>
    %get3A_31 = arith.constant 0 : index
    %get3A_32 = arith.constant 0 : index
    %get3A_33 = vector.load %arg6[%get3A_31, %get3A_32] : memref<256x128xf32, #tpu.memory_space<vmem>>, vector<256x128xf32>
    %convert_element_type3A_34 = arith.truncf %get3A_33 : vector<256x128xf32> to vector<256x128xbf16>
    %dot_general3A_35 = arith.constant dense<0.000000e+00> : vector<2000x128xf32>
    %dot_general3A_36 = tpu.matmul %convert_element_type3A_30, %convert_element_type3A_34, %dot_general3A_35 {dimension_numbers = #tpu.dot_dimension_numbers<[1], [0], [0], [1], [0, 0, 1, 1], [], []>, transpose_lhs_hint = false} : vector<2000x256xbf16>, vector<256x128xbf16>, vector<2000x128xf32> -> vector<2000x128xf32>
    %mul3A_37 = vector.broadcast %get3A_1 : vector<2000x1xf32> to vector<2000x128xf32>
    %mul3A_38 = arith.mulf %dot_general3A_36, %mul3A_37 : vector<2000x128xf32>
    %swap3A = arith.constant 0 : index
    %swap3A_39 = arith.constant 0 : index
    %swap3A_40 = vector.load %arg7[%swap3A, %swap3A_39] : memref<2000x128xf32, #tpu.memory_space<vmem>>, vector<2000x128xf32>
    tpu.vector_store %arg7[%swap3A, %swap3A_39], %mul3A_38 {strides = array<i32>} : memref<2000x128xf32, #tpu.memory_space<vmem>>, vector<2000x128xf32>,
    return
  }
  func.func @transform_0(%arg0: i32) -> (i32, i32, i32) {
    %c0_i32 = arith.constant 0 : i32
    %c0_i32_0 = arith.constant 0 : i32
    %c0_i32_1 = arith.constant 0 : i32
    return %c0_i32, %arg0, %c0_i32_0 : i32, i32, i32
  }
  func.func @transform_1(%arg0: i32) -> (i32, i32) {
    %c0_i32 = arith.constant 0 : i32
    %c0_i32_0 = arith.constant 0 : i32
    return %arg0, %c0_i32 : i32, i32
  }
  func.func @transform_2(%arg0: i32) -> (i32, i32) {
    %c0_i32 = arith.constant 0 : i32
    %c0_i32_0 = arith.constant 0 : i32
    return %arg0, %c0_i32 : i32, i32
  }
  func.func @transform_3(%arg0: i32) -> (i32, i32) {
    %c0_i32 = arith.constant 0 : i32
    %c0_i32_0 = arith.constant 0 : i32
    %c0_i32_1 = arith.constant 0 : i32
    return %c0_i32, %c0_i32_0 : i32, i32
  }
  func.func @transform_4(%arg0: i32) -> i32 {
    %c0_i32 = arith.constant 0 : i32
    %c0_i32_0 = arith.constant 0 : i32
    return %c0_i32 : i32
  }
  func.func @transform_5(%arg0: i32) -> (i32, i32) {
    %c0_i32 = arith.constant 0 : i32
    %c0_i32_0 = arith.constant 0 : i32
    %c0_i32_1 = arith.constant 0 : i32
    return %c0_i32, %c0_i32_0 : i32, i32
  }
  func.func @transform_6(%arg0: i32) -> (i32, i32) {
    %c0_i32 = arith.constant 0 : i32
    %c0_i32_0 = arith.constant 0 : i32
    return %arg0, %c0_i32 : i32, i32
  }
}

module attributes {stable_mosaic.version = 14 : i64} {
  func.func @_final_body(%arg0: i32, %arg1: memref<2x2000x128xf32, #tpu.memory_space<vmem>>, %arg2: memref<2000x128xf32, #tpu.memory_space<vmem>>, %arg3: memref<2000x1xf32, #tpu.memory_space<vmem>>, %arg4: memref<128xf32, #tpu.memory_space<vmem>>, %arg5: memref<1x1x2000xi32, #tpu.memory_space<vmem>>, %arg6: memref<64x128xf32, #tpu.memory_space<vmem>>, %arg7: memref<64x128xf32, #tpu.memory_space<vmem>>, %arg8: memref<64x1xf32, #tpu.memory_space<vmem>>) attributes {dimension_semantics = [#tpu.dimension_semantics<arbitrary>], iteration_bounds = array<i64: 5>, scalar_prefetch = 0 : i64, scratch_operands = 2 : i64, tpu.core_type = #tpu.core_type<tc>, window_params = [{transform_indices = @transform_0, window_bounds = array<i64: 2, 2000, 128>}, {transform_indices = @transform_1, window_bounds = array<i64: 2000, 128>}, {transform_indices = @transform_2, window_bounds = array<i64: 2000, 1>}, {pipeline_mode = #tpu.pipeline_mode<synchronous>, transform_indices = @transform_3, window_bounds = array<i64: 128>}, {transform_indices = @transform_4, window_bounds = array<i64: 1, 1, 2000>}, {pipeline_mode = #tpu.pipeline_mode<synchronous>, transform_indices = @transform_5, window_bounds = array<i64: 64, 128>}]} {
    %get3A = arith.constant 0 : index
    %get3A_0 = arith.constant 0 : index
    %get3A_1 = arith.constant 0 : index
    %get3A_2 = vector.load %arg1[%get3A, %get3A_0, %get3A_1] : memref<2x2000x128xf32, #tpu.memory_space<vmem>>, vector<1x2000x128xf32>
    %get3A_3 = vector.shape_cast %get3A_2 : vector<1x2000x128xf32> to vector<2000x128xf32>
    %get3A_4 = arith.constant 1 : index
    %get3A_5 = arith.constant 0 : index
    %get3A_6 = arith.constant 0 : index
    %get3A_7 = vector.load %arg1[%get3A_4, %get3A_5, %get3A_6] : memref<2x2000x128xf32, #tpu.memory_space<vmem>>, vector<1x2000x128xf32>
    %get3A_8 = vector.shape_cast %get3A_7 : vector<1x2000x128xf32> to vector<2000x128xf32>
    %add3A = arith.addf %get3A_3, %get3A_8 : vector<2000x128xf32>
    %get3A_9 = arith.constant 0 : index
    %get3A_10 = arith.constant 0 : index
    %get3A_11 = vector.load %arg2[%get3A_9, %get3A_10] : memref<2000x128xf32, #tpu.memory_space<vmem>>, vector<2000x128xf32>
    %sub3A = arith.subf %add3A, %get3A_11 : vector<2000x128xf32>
    %get3A_12 = arith.constant 0 : index
    %get3A_13 = arith.constant 0 : index
    %get3A_14 = vector.load %arg3[%get3A_12, %get3A_13] : memref<2000x1xf32, #tpu.memory_space<vmem>>, vector<2000x1xf32>
    %mul3A = vector.broadcast %get3A_14 : vector<2000x1xf32> to vector<2000x128xf32>
    %mul3A_15 = arith.mulf %sub3A, %mul3A : vector<2000x128xf32>
    %get3A_16 = arith.constant 0 : index
    %get3A_17 = vector.load %arg4[%get3A_16] : memref<128xf32, #tpu.memory_space<vmem>>, vector<128xf32>
    %broadcast_in_dim3A = vector.shape_cast %get3A_17 : vector<128xf32> to vector<1x128xf32>
    %add3A_18 = vector.broadcast %broadcast_in_dim3A : vector<1x128xf32> to vector<2000x128xf32>
    %add3A_19 = arith.addf %mul3A_15, %add3A_18 : vector<2000x128xf32>
    %get3A_20 = arith.constant 0 : index
    %get3A_21 = arith.constant 0 : index
    %get3A_22 = arith.constant 0 : index
    %get3A_23 = vector.load %arg5[%get3A_20, %get3A_21, %get3A_22] : memref<1x1x2000xi32, #tpu.memory_space<vmem>>, vector<1x1x2000xi32>
    %get3A_24 = vector.shape_cast %get3A_23 : vector<1x1x2000xi32> to vector<1x2000xi32>
    %iota3A = tpu.iota {dimensions = array<i32: 0>} : vector<64x2000xi32>
    %eq3A = vector.broadcast %get3A_24 : vector<1x2000xi32> to vector<64x2000xi32>
    %eq3A_25 = arith.cmpi eq, %eq3A, %iota3A : vector<64x2000xi32>
    %convert_element_type3A = arith.extui %eq3A_25 : vector<64x2000xi1> to vector<64x2000xi32>
    %convert_element_type3A_26 = arith.sitofp %convert_element_type3A : vector<64x2000xi32> to vector<64x2000xf32>
    %dot_general3A = arith.constant dense<0.000000e+00> : vector<64x128xf32>
    %dot_general3A_27 = tpu.matmul %convert_element_type3A_26, %add3A_19, %dot_general3A {dimension_numbers = #tpu.dot_dimension_numbers<[1], [0], [0], [1], [0, 0, 1, 1], [], []>, transpose_lhs_hint = false} : vector<64x2000xf32>, vector<2000x128xf32>, vector<64x128xf32> -> vector<64x128xf32>
    %broadcast_in_dim3A_28 = arith.constant 1.000000e+00 : f32
    %broadcast_in_dim3A_29 = vector.broadcast %broadcast_in_dim3A_28 : f32 to vector<2000x1xf32>
    %dot_general3A_30 = arith.constant dense<0.000000e+00> : vector<64x1xf32>
    %dot_general3A_31 = tpu.matmul %convert_element_type3A_26, %broadcast_in_dim3A_29, %dot_general3A_30 {dimension_numbers = #tpu.dot_dimension_numbers<[1], [0], [0], [1], [0, 0, 1, 1], [], []>, transpose_lhs_hint = false} : vector<64x2000xf32>, vector<2000x1xf32>, vector<64x1xf32> -> vector<64x1xf32>
    %eq3A_32 = arith.constant 0 : i32
    %eq3A_33 = arith.cmpi eq, %arg0, %eq3A_32 : i32
    %convert_element_type3A_34 = arith.extui %eq3A_33 : i1 to i32
    %cond3A = arith.constant 0 : i32
    %cond3A_35 = arith.cmpi ne, %convert_element_type3A_34, %cond3A : i32
    scf.if %cond3A_35 {
      %broadcast_in_dim3A_54 = arith.constant 0.000000e+00 : f32
      %broadcast_in_dim3A_55 = vector.broadcast %broadcast_in_dim3A_54 : f32 to vector<64x128xf32>
      %swap3A_56 = arith.constant 0 : index
      %swap3A_57 = arith.constant 0 : index
      %swap3A_58 = vector.load %arg7[%swap3A_56, %swap3A_57] : memref<64x128xf32, #tpu.memory_space<vmem>>, vector<64x128xf32>
      tpu.vector_store %arg7[%swap3A_56, %swap3A_57], %broadcast_in_dim3A_55 {strides = array<i32>} : memref<64x128xf32, #tpu.memory_space<vmem>>, vector<64x128xf32>,
      %broadcast_in_dim3A_59 = arith.constant 0.000000e+00 : f32
      %broadcast_in_dim3A_60 = vector.broadcast %broadcast_in_dim3A_59 : f32 to vector<64x1xf32>
      %swap3A_61 = arith.constant 0 : index
      %swap3A_62 = arith.constant 0 : index
      %swap3A_63 = vector.load %arg8[%swap3A_61, %swap3A_62] : memref<64x1xf32, #tpu.memory_space<vmem>>, vector<64x1xf32>
      tpu.vector_store %arg8[%swap3A_61, %swap3A_62], %broadcast_in_dim3A_60 {strides = array<i32>} : memref<64x1xf32, #tpu.memory_space<vmem>>, vector<64x1xf32>,
    } else {
    }
    %get3A_36 = arith.constant 0 : index
    %get3A_37 = arith.constant 0 : index
    %get3A_38 = vector.load %arg7[%get3A_36, %get3A_37] : memref<64x128xf32, #tpu.memory_space<vmem>>, vector<64x128xf32>
    %add3A_39 = arith.addf %get3A_38, %dot_general3A_27 : vector<64x128xf32>
    %swap3A = arith.constant 0 : index
    %swap3A_40 = arith.constant 0 : index
    %swap3A_41 = vector.load %arg7[%swap3A, %swap3A_40] : memref<64x128xf32, #tpu.memory_space<vmem>>, vector<64x128xf32>
    tpu.vector_store %arg7[%swap3A, %swap3A_40], %add3A_39 {strides = array<i32>} : memref<64x128xf32, #tpu.memory_space<vmem>>, vector<64x128xf32>,
    %get3A_42 = arith.constant 0 : index
    %get3A_43 = arith.constant 0 : index
    %get3A_44 = vector.load %arg8[%get3A_42, %get3A_43] : memref<64x1xf32, #tpu.memory_space<vmem>>, vector<64x1xf32>
    %add3A_45 = arith.addf %get3A_44, %dot_general3A_31 : vector<64x1xf32>
    %swap3A_46 = arith.constant 0 : index
    %swap3A_47 = arith.constant 0 : index
    %swap3A_48 = vector.load %arg8[%swap3A_46, %swap3A_47] : memref<64x1xf32, #tpu.memory_space<vmem>>, vector<64x1xf32>
    tpu.vector_store %arg8[%swap3A_46, %swap3A_47], %add3A_45 {strides = array<i32>} : memref<64x1xf32, #tpu.memory_space<vmem>>, vector<64x1xf32>,
    %eq3A_49 = arith.constant 4 : i32
    %eq3A_50 = arith.cmpi eq, %arg0, %eq3A_49 : i32
    %convert_element_type3A_51 = arith.extui %eq3A_50 : i1 to i32
    %cond3A_52 = arith.constant 0 : i32
    %cond3A_53 = arith.cmpi ne, %convert_element_type3A_51, %cond3A_52 : i32
    scf.if %cond3A_53 {
      %get3A_54 = arith.constant 0 : index
      %get3A_55 = arith.constant 0 : index
      %get3A_56 = vector.load %arg7[%get3A_54, %get3A_55] : memref<64x128xf32, #tpu.memory_space<vmem>>, vector<64x128xf32>
      %get3A_57 = arith.constant 0 : index
      %get3A_58 = arith.constant 0 : index
      %get3A_59 = vector.load %arg8[%get3A_57, %get3A_58] : memref<64x1xf32, #tpu.memory_space<vmem>>, vector<64x1xf32>
      %max3A = arith.constant 1.000000e+00 : f32
      %max3A_60 = vector.broadcast %max3A : f32 to vector<64x1xf32>
      %max3A_61 = arith.maximumf %get3A_59, %max3A_60 : vector<64x1xf32>
      %div3A = vector.broadcast %max3A_61 : vector<64x1xf32> to vector<64x128xf32>
      %div3A_62 = arith.divf %get3A_56, %div3A : vector<64x128xf32>
      %swap3A_63 = arith.constant 0 : index
      %swap3A_64 = arith.constant 0 : index
      %swap3A_65 = vector.load %arg6[%swap3A_63, %swap3A_64] : memref<64x128xf32, #tpu.memory_space<vmem>>, vector<64x128xf32>
      tpu.vector_store %arg6[%swap3A_63, %swap3A_64], %div3A_62 {strides = array<i32>} : memref<64x128xf32, #tpu.memory_space<vmem>>, vector<64x128xf32>,
    } else {
    }
    return
  }
  func.func @transform_0(%arg0: i32) -> (i32, i32, i32) {
    %c0_i32 = arith.constant 0 : i32
    %c0_i32_0 = arith.constant 0 : i32
    %c0_i32_1 = arith.constant 0 : i32
    return %c0_i32, %arg0, %c0_i32_0 : i32, i32, i32
  }
  func.func @transform_1(%arg0: i32) -> (i32, i32) {
    %c0_i32 = arith.constant 0 : i32
    %c0_i32_0 = arith.constant 0 : i32
    return %arg0, %c0_i32 : i32, i32
  }
  func.func @transform_2(%arg0: i32) -> (i32, i32) {
    %c0_i32 = arith.constant 0 : i32
    %c0_i32_0 = arith.constant 0 : i32
    return %arg0, %c0_i32 : i32, i32
  }
  func.func @transform_3(%arg0: i32) -> i32 {
    %c0_i32 = arith.constant 0 : i32
    %c0_i32_0 = arith.constant 0 : i32
    return %c0_i32 : i32
  }
  func.func @transform_4(%arg0: i32) -> (i32, i32, i32) {
    %c0_i32 = arith.constant 0 : i32
    %c0_i32_0 = arith.constant 0 : i32
    %c0_i32_1 = arith.constant 0 : i32
    return %arg0, %c0_i32, %c0_i32_0 : i32, i32, i32
  }
  func.func @transform_5(%arg0: i32) -> (i32, i32) {
    %c0_i32 = arith.constant 0 : i32
    %c0_i32_0 = arith.constant 0 : i32
    %c0_i32_1 = arith.constant 0 : i32
    return %c0_i32, %c0_i32_0 : i32, i32
  }
}

</mosaic_0001>

<sc_bundles>
// kernel: kernel.11.cloned.1.call-start
scs
__scs_entry_jumppad:
0x0: {  	(pc) =	sbr.rel $0x88, $3  }
0x1: {  	(tag) =	ssettag $0x0;
	lr =	simm.s32 $0x1  }
0x2: {  	[smem:$0x3F9A] =	sst lr;
	_ =	strace $0xD0000000  }
0x3: {  	_ = 	snop  }
0x4: {  	_ = 	snop  }
0x5: {  	_ = 	snop  }
0x6: {  	_ = 	snop  }
0x7: {  	_ = 	snop  }
__scs_overlays_trampoline_lowered:
0x8: {  	[smem:$0x3FA9] =	sst s0  }
0x9: {  	[smem:$0x3FAA] =	sst s1  }
0xa: {  	[smem:$0x3FAB] =	sst s2  }
0xb: {  	[smem:$0x3FAC] =	sst s3  }
0xc: {  	[smem:$0x3FAD] =	sst s4  }
0xd: {  	[smem:$0x3FAE] =	sst s5  }
0xe: {  	[smem:$0x3FAF] =	sst s6  }
0xf: {  	[smem:$0x3FB0] =	sst s7  }
0x10: {  	[smem:$0x3FB1] =	sst s8  }
0x11: {  	[smem:$0x3FB2] =	sst s9;
	s0 =	simm.s32 @!p0 $0x0  }
0x12: {  	s1 =	sld [smem:$0x3F98];
	s0 =	simm.s32 @p0 $0x1  }
0x13: {  	[smem:$0x3FB3] =	sst s0;
	s0 =	simm.s32 @!p1 $0x0  }
0x14: {  	s2 =	sld [smem:$0x3F97];
	s0 =	simm.s32 @p1 $0x1  }
0x15: {  	[smem:$0x3FB4] =	sst s0;
	s0 =	simm.s32 @!p2 $0x0  }
0x16: {  	s3 =	sld [smem:$0x3FDB];
	s0 =	simm.s32 @p2 $0x1  }
0x17: {  	s4 =	simm.s32 $0x1BF5;
	[smem:$0x3FB6] =	sst s0  }
0x18: {  	s0 =	sld [smem:$0x3F99];
	_ =	swait.ge [sflag:s4], $0x0  }
0x19: {  	s7 =	sld [smem:$0x3F9A]  }
0x1a: {  	s8 =	sadd.s32 $0xFFFFE003, lr  }
0x1b: {  	s9 =	sadd.s32 $0xFFFFFEF7, lr;
	s5 =	simm.s32 $0xFFFFFFFF;
	p2 =	slt.u32 s8, $0xFFFFF086  }
0x1c: {  	p1 =	slt.u32 s9, $0xF7A;
	s5 =	simm.s32 @!p2 $0x0  }
0x1d: {  	s5 =	simm.s32 @p1 $0x1;
	p0 =	seq.s32 s7, s2  }
0x1e: {  	s7 =	smul.u32 @!p0 $0xF7A, s2;
	p2 =	seq.s32 @!p0 s5, $0x0  }
0x1f: {  	s9 =	smul.u32 $0xF7A, s1;
	s8 =	simm.s32 @!p0 $0x1BF5;
	p2 =	por !p2, p0  }
0x20: {  	[sflag:s8] =	ssyncset.s32 @!p0 $0xFFFFF086;
	s6 =	sadd.s32 @!p0 s3, s7;
	s7 =	simm.s32 @!p0 $0x108  }
0x21: {  	s3 =	sadd.s32 s3, s9;
	s6 =	sadd.s32 @!p0 $0x88, s6;
	s7 =	simm.s32 @p2 $0x1082  }
0x22: {  	[simem:s7], [sflag:s8] =	dma.local @!p0 [hbm:s6], $0xF7A  }
0x23: {  	s9 =	sor.u32 $0xD0000000, s2;
	s6 =	simm.s32 $0x108;
	_ =	swait.ge @!p0 [sflag:s8], $0x0  }
0x24: {  	s3 =	sadd.s32 $0x88, s3;
	s6 =	simm.s32 @!p1 $0x1082;
	[sflag:s4] =	ssyncset.s32 $0xFFFFF086  }
0x25: {  	[simem:s6], [sflag:s4] =	dma.local [hbm:s3], $0xF7A  }
0x26: {  	[smem:$0x3F9A] =	sst s1;
	(tag) =	ssettag s2;
	_ =	strace s9  }
0x27: {  	s1 =	sld [smem:$0x3FAA]  }
0x28: {  	s2 =	sld [smem:$0x3FAB]  }
0x29: {  	s4 =	sld [smem:$0x3FAD]  }
0x2a: {  	p0 =	seq.s32 s5, $0x0;
	s5 =	sld [smem:$0x3FAE]  }
0x2b: {  	s6 =	sld [smem:$0x3FAF]  }
0x2c: {  	s7 =	sld [smem:$0x3FB0]  }
0x2d: {  	s3 =	simm.s32 $0x108;
	s8 =	sld [smem:$0x3FB1]  }
0x2e: {  	s3 =	simm.s32 @!p0 $0x1082;
	s9 =	sld [smem:$0x3FB2]  }
0x2f: {  	lr =	sadd.s32 s0, s3;
	s0 =	sld [smem:$0x3FA9]  }
0x30: {  	s3 =	sld [smem:$0x3FAC]  }
0x31: {  	[smem:$0x3FB5] =	sst s10  }
0x32: {  	s10 =	sld [smem:$0x3FB3];
	_ =	sdelay $0x3  }
0x33: {  	p0 =	seq.s32 s10, $0x1;
	s10 =	sld [smem:$0x3FB5];
	_ =	sdelay $0x3  }
0x34: {  	[smem:$0x3FB5] =	sst s10  }
0x35: {  	s10 =	sld [smem:$0x3FB4];
	_ =	sdelay $0x3  }
0x36: {  	p1 =	seq.s32 s10, $0x1;
	s10 =	sld [smem:$0x3FB5];
	_ =	sdelay $0x3  }
0x37: {  	[smem:$0x3FB5] =	sst s10  }
0x38: {  	s10 =	sld [smem:$0x3FB6]  }
0x39: {  	_ = 	snop;
	(pc) =	sbr.ind lr, $3  }
0x3a: {  	_ = 	snop  }
0x3b: {  	_ = 	snop  }
0x3c: {  	p2 =	seq.s32 s10, $0x1;
	s10 =	sld [smem:$0x3FB5]  }
0x3d: {  	_ =	shalt  }
0x3e: {  	_ =	shalt  }
0x3f: {  	_ =	shalt  }
0x40: {  	_ =	shalt  }
0x41: {  	_ =	shalt  }
0x42: {  	_ =	shalt  }
0x43: {  	_ =	shalt  }
0x44: {  	_ =	shalt  }
0x45: {  	_ =	shalt  }
0x46: {  	_ =	shalt  }
0x47: {  	_ =	shalt  }
0x48: {  	_ =	shalt  }
0x49: {  	_ =	shalt  }
0x4a: {  	_ =	shalt  }
0x4b: {  	_ =	shalt  }
0x4c: {  	_ =	shalt  }
0x4d: {  	_ =	shalt  }
0x4e: {  	_ =	shalt  }
0x4f: {  	_ =	shalt  }
0x50: {  	_ =	shalt  }
0x51: {  	_ =	shalt  }
0x52: {  	_ =	shalt  }
0x53: {  	_ =	shalt  }
0x54: {  	_ =	shalt  }
0x55: {  	_ =	shalt  }
0x56: {  	_ =	shalt  }
0x57: {  	_ =	shalt  }
0x58: {  	_ =	shalt  }
0x59: {  	_ =	shalt  }
0x5a: {  	_ =	shalt  }
0x5b: {  	_ =	shalt  }
0x5c: {  	_ =	shalt  }
0x5d: {  	_ =	shalt  }
0x5e: {  	_ =	shalt  }
0x5f: {  	_ =	shalt  }
0x60: {  	_ =	shalt  }
0x61: {  	_ =	shalt  }
0x62: {  	_ =	shalt  }
0x63: {  	_ =	shalt  }
0x64: {  	_ =	shalt  }
0x65: {  	_ =	shalt  }
0x66: {  	_ =	shalt  }
0x67: {  	_ =	shalt  }
0x68: {  	_ =	shalt  }
0x69: {  	_ =	shalt  }
0x6a: {  	_ =	shalt  }
0x6b: {  	_ =	shalt  }
0x6c: {  	_ =	shalt  }
0x6d: {  	_ =	shalt  }
0x6e: {  	_ =	shalt  }
0x6f: {  	_ =	shalt  }
0x70: {  	_ =	shalt  }
0x71: {  	_ =	shalt  }
0x72: {  	_ =	shalt  }
0x73: {  	_ =	shalt  }
0x74: {  	_ =	shalt  }
0x75: {  	_ =	shalt  }
0x76: {  	_ =	shalt  }
0x77: {  	_ =	shalt  }
0x78: {  	_ =	shalt  }
0x79: {  	_ =	shalt  }
0x7a: {  	_ =	shalt  }
0x7b: {  	_ =	shalt  }
0x7c: {  	_ =	shalt  }
0x7d: {  	_ =	shalt  }
0x7e: {  	_ =	shalt  }
0x7f: {  	_ =	shalt  }
0x80: {  	_ =	shalt  }
0x81: {  	_ =	shalt  }
0x82: {  	_ =	shalt  }
0x83: {  	_ =	shalt  }
0x84: {  	_ =	shalt  }
0x85: {  	_ =	shalt  }
0x86: {  	_ =	shalt  }
0x87: {  	_ =	shalt  }
.Lfunc_end0:
.L_simem_size_0:
called_computation.1_lowered:
.L_overlay_start_0:
0x88: {  	s2 =	sld [smem:$0x3FD9]  }
0x89: {  	s3 =	sld [smem:$0x3FFE];
	_ =	sdelay $0x1  }
0x8a: {  	s1 =	srdreg.scid  }
0x8b: {  	s0 =	sand.u32 $0x1, s1  }
0x8c: {  	s16 =	sshll.u32 s0, $0xA;
	s2 =	sadd.s32 s3, s2  }
0x8d: {  	s2 =	sadd.s32 s2, s16  }
0x8e: {  	[smem:$0x3FC1] =	sst s2  }
0x8f: {  	_ = 	snop  }
0x90: {  	(tm) =	ssettm $0x1  }
0x91: {  	s17 =	sld [smem:$0x3FFB];
	_ =	sdelay $0x3  }
0x92: {  	_ =	strace s17  }
0x93: {  	s2 =	sld [smem:$0x3FFC];
	_ =	sdelay $0x3  }
0x94: {  	_ =	strace s2  }
0x95: {  	s2 =	sld [smem:$0x3FFD];
	_ =	sdelay $0x3  }
0x96: {  	_ =	strace s2  }
0x97: {  	_ =	strace $0x8FFFFFFF  }
0x98: {  	s18 =	sld [smem:$0x3FDB];
	_ =	sdelay $0x1  }
0x99: {  	s19 =	simm.s32 $_scs_section_size  }
0x9a: {  	s4 =	simm.s32 $_size__tile_overlayer_lowered;
	s5 =	simm.s32 $_tile_overlayer_lowered  }
0x9b: {  	s22 =	simm.s32 $0x1BFF;
	s21 =	sshll.u32 s5, $0x1;
	s2 =	sadd.s32 s19, s18  }
0x9c: {  	s6 =	simm.s32 $0x0;
	s20 =	sshll.u32 s4, $0x1;
	s4 =	sadd.s32 s21, s2  }
0x9d: {  	[timem:s6], [sflag:s22] =	dma.local [hbm:s4], s20  }
0x9e: {  	_ =	swait.ge [sflag:s22], s20  }
0x9f: {  	s3 =	ssub.s32 $0x0, s20;
	[sflag:s22] =	ssyncset.done $0x0  }
0xa0: {  	[sflag:s22] =	ssyncadd.s32 s3;
	_ =	sdelay $0x1  }
0xa1: {  	s23 =	simm.s32 $0x1B8B  }
0xa2: {  	_ =	swait.ge [sflag:s23], $0x1  }
0xa3: {  	[sflag:s23] =	ssyncset.done $0x0  }
0xa4: {  	s25 =	simm.s32 $0x1B8E;
	s24 =	sld [smem:$0x3FFE];
	[sflag:s23] =	ssyncadd.s32 $0xFFFFFFFF  }
0xa5: {  	s26 =	simm.s32 $execute0_lowered;
	[smem:$0x3FD2] =	sst s25  }
0xa6: {  	s4 =	sshll.u32 s26, $0x1;
	_ =	strace $0x80000049;
	[dreg:$0x1] =	wrdreg $0xFFFFFFFF  }
0xa7: {  	s28 =	simm.s32 $_size_execute0_lowered;
	s2 =	sadd.s32 s2, s4;
	[dreg:$0x0] =	wrdreg $0x0  }
0xa8: {  	s4 =	sshll.u32 s28, $0x1;
	[dreg:$0x2] =	wrdreg s2  }
0xa9: {  	[dreg:$0x3] =	wrdreg s4  }
0xaa: {  	[dreg:$0x4] =	wrdreg $0xC0  }
0xab: {  	_ =	task [dreg:s6], $0x5FFFF  }
0xac: {  	[dreg:$0x1] =	wrdreg $0xFFFFFFFF  }
0xad: {  	[dreg:$0x0] =	wrdreg $0x60  }
0xae: {  	[dreg:$0x2] =	wrdreg s24  }
0xaf: {  	[dreg:$0x3] =	wrdreg $0x85000  }
0xb0: {  	[dreg:$0x4] =	wrdreg $0x9  }
0xb1: {  	_ =	task.clear_ibuf [dreg:s6], $0x5FFFF;
	_ =	strace $0x90000049  }
0xb2: {  	s29 =	simm.s32 $0x9;
	_ =	strace $0x8000004B  }
0xb3: {  	_ =	swait.ge [sflag:s29], $0x1  }
0xb4: {  	[sflag:s29] =	ssyncadd.s32 $0xFFFFFFFF  }
0xb5: {  	_ =	strace $0x9000004B  }
0xb6: {  	_ =	sfence  }
0xb7: {  	s30 =	sld [smem:$0x0];
	_ =	sdelay $0x2  }
0xb8: {  	s31 =	sshll.u32 s1, $0xD;
	s1 =	sshrl.u32 s1, $0x2  }
0xb9: {  	s3 =	sand.u32 $0x4000, s31;
	s1 =	sadd.s32 s1, s30  }
0xba: {  	s0 =	sor.u32 s3, s0;
	s1 =	sshll.u32 s1, $0x11  }
0xbb: {  	s0 =	sor.u32 s1, s0  }
0xbc: {  	s0 =	sadd.s32 $0x8F2B, s0  }
0xbd: {  	[sflag:s0] =	ssyncadd.remote.s32 $0x1  }
0xbe: {  	_ =	sfence.sel $0xFFFF  }
0xbf: {  	[dreg:$0x0] =	wrdreg $0xFFFFFFFF;
	(pc) =	sbr.abs _section_cstart, $3  }
0xc0: {  	[dreg:$0x1] =	wrdreg $0xFFFFFFFF  }
0xc1: {  	_ =	task.clear_ibuf [dreg:s6], $0x2FFFF;
	_ =	strace $0x9FFFFFFF  }
0xc2: {  	(tm) =	ssettm $0x7FFFFFFF  }
0xc3: {  	_ =	shalt  }
tec
execute0_lowered:
.L_overlay_start_1:
0x0: {  	(tag) =	ssettag $0x1  }
0x1: {  	s0 =	srdreg.scid;
	s1 =	rddreg [dreg:$0x0]  }
0x2: {  	s2 =	rddreg [dreg:$0x1];
	s14 =	stileid.u32;
	s3 =	simm.s32 $0x0  }
0x3: {  	s28 =	simm.s32 $0x300;
	s29 =	simm.s32 $0x180;
	s30 =	simm.s32 $0x380  }
0x4: {  	s0 =	sand.u32 $0x1, s0;
	[smem:$0x7FF] =	sst s3;
	s25 =	smul.u32 $0x4E000, s14  }
0x5: {  	s5 =	sadd.s32 $0x2A00, s1;
	s10 =	sadd.s32 $0x3D600, s1;
	s31 =	smul.u32 $0x2700, s14  }
0x6: {  	s19 =	sadd.s32 $0x124800, s2;
	s4 =	sshll.u32 s0, $0x4;
	_ =	strace $0x8000004A  }
0x7: {  	s7 =	ssub.s32 $0x2, s0;
	[dreg:$0x14] =	wrdreg s19;
	s4 =	sor.u32 s14, s4  }
0x8: {  	s8 =	sshrl.u32 s7, $0x1;
	s6 =	smul.u32 $0x2710, s4;
	s4 =	sadd.s32 $0x16400, s1  }
0x9: {  	s7 =	ssub.s32 s7, s8;
	s8 =	sshrl.u32 s25, $0x2;
	s1 =	sadd.s32 $0x3AD00, s1  }
0xa: {  	s13 =	smul.u32 $0x2710, s14;
	s8 =	sadd.s32 s8, s2;
	[dreg:$0x15] =	wrdreg s1  }
0xb: {  	s18 =	smul.u32 $0x13800, s14;
	s16 =	sadd.s32 $0x1C0, s6;
	[dreg:$0x12] =	wrdreg s8  }
0xc: {  	s9 =	sshrl.u32 s6, $0x3;
	s17 =	sadd.s32 $0x230, s6;
	[dreg:$0x3] =	wrdreg s16  }
0xd: {  	p0 =	seq.s32 s14, $0xF;
	s11 =	sadd.s32 s5, s9;
	[dreg:$0x4] =	wrdreg s17  }
0xe: {  	s15 =	smul.u32 $0x138800, s0;
	s20 =	sadd.s32 $0x9C40, s11;
	[dreg:$0x8] =	wrdreg s11  }
0xf: {  	s0 =	smul.u32 $0x27100, s0;
	s21 =	sadd.s32 $0xE, s11;
	[dreg:$0x9] =	wrdreg s20  }
0x10: {  	s19 =	simm.s32 $0x4;
	s22 =	sadd.s32 $0x9C4E, s11;
	[dreg:$0xa] =	wrdreg s21  }
0x11: {  	s14 =	simm.s32 $0x5;
	s23 =	sadd.s32 $0x1C, s11;
	[dreg:$0xb] =	wrdreg s22  }
0x12: {  	s0 =	sadd.s32 s13, s0;
	s24 =	sadd.s32 $0x9C5C, s11;
	[dreg:$0xc] =	wrdreg s23  }
0x13: {  	s25 =	sshrl.u32 s15, $0x3;
	s9 =	sadd.s32 $0x2A, s11;
	[dreg:$0xd] =	wrdreg s24  }
0x14: {  	s13 =	simm.s32 $0x3C00;
	s26 =	sadd.s32 $0x9C6A, s11;
	[dreg:$0xe] =	wrdreg s9  }
0x15: {  	s8 =	simm.s32 $0x400;
	s12 =	sadd.s32 $0x4DE, s11;
	[dreg:$0xf] =	wrdreg s26  }
0x16: {  	s16 =	simm.s32 $0x3;
	s11 =	sadd.s32 $0xA11E, s11;
	[dreg:$0x10] =	wrdreg s12  }
0x17: {  	s17 =	simm.s32 $0x6;
	[dreg:$0x11] =	wrdreg s11;
	s9 =	sadd.s32 s4, s31  }
0x18: {  	s20 =	sadd.s32 $0x2A0, s6;
	s21 =	sadd.s32 s18, s15;
	s23 =	sadd.s32 $0x150, s0  }
0x19: {  	s0 =	sadd.s32 $0x4E350, s0;
	s6 =	sadd.s32 s10, s25;
	s31 =	smax.u32 s7, $0x1  }
0x1a: {  	s25 =	simm.s32 $0x280;
	s7 =	simm.s32 $0x70;
	s11 =	simm.s32 $0x20  }
0x1b: {  	s12 =	simm.s32 $0x2;
	s15 =	simm.s32 $0x7;
	[dreg:$0x13] =	wrdreg s9  }
0x1c: {  	s18 =	simm.s32 $0x8;
	[dreg:$0x5] =	wrdreg s20;
	s22 =	sshrl.u32 s21, $0x3  }
0x1d: {  	s24 =	sshrl.u32 s23, $0x3;
	s0 =	sshrl.u32 s0, $0x3;
	s26 =	sadd.s32 $0x24900, s6  }
0x1e: {  	[dreg:$0x18] =	wrdreg s31;
	s23 =	simm.s32 $0x200;
	s20 =	simm.s32 $0x7500  }
0x1f: {  	s1 =	sadd.s32 s10, s22;
	s0 =	sadd.s32 s0, s5;
	[dreg:$0x17] =	wrdreg s26  }
0x20: {  	s26 =	simm.s32 $0x100;
	s10 =	simm.s32 $0x7480;
	[dreg:$0x16] =	wrdreg s1  }
0x21: {  	s22 =	simm.s32 $0x0;
	s1 =	sadd.s32 s24, s5;
	[dreg:$0x7] =	wrdreg s0  }
0x22: {  	s24 =	simm.s32 $0x80;
	[dreg:$0x6] =	wrdreg s1;
	s1 =	simm.s32 $0x1  }
.LBB2_1:
0x23: {  	s0 =	rddreg [dreg:$0x8]  }
0x24: {  	s6 =	rddreg [dreg:$0x9]  }
0x25: {  	[tilespmem:s3], [sflag:$0x1] =	stream.linear.gather [hbm4b:s0+s3], $0x70, $0x38;
	[tilespmem:$0x1BD80] =	vst v63  }
0x26: {  	s9 =	rddreg [dreg:$0xa]  }
0x27: {  	[tilespmem:s23], [sflag:$0x1] =	stream.linear.gather [hbm4b:s6+s3], $0x70, $0x38;
	[tilespmem:$0x1BD80] =	vst v63  }
0x28: {  	s21 =	rddreg [dreg:$0xb]  }
0x29: {  	[tilespmem:s24], [sflag:$0x2] =	stream.linear.gather [hbm4b:s9+s3], $0x70, $0x38;
	[tilespmem:$0x1BD80] =	vst v63  }
0x2a: {  	s31 =	rddreg [dreg:$0xc]  }
0x2b: {  	[tilespmem:s25], [sflag:$0x2] =	stream.linear.gather [hbm4b:s21+s3], $0x70, $0x38;
	[tilespmem:$0x1BD80] =	vst v63  }
0x2c: {  	s0 =	rddreg [dreg:$0x14]  }
0x2d: {  	[tilespmem:s26], [sflag:$0x3] =	stream.linear.gather [hbm4b:s31+s3], $0x70, $0x38;
	[tilespmem:$0x1BD80] =	vst v63  }
0x2e: {  	s6 =	rddreg [dreg:$0xd]  }
0x2f: {  	[tilespmem:s28], [sflag:$0x3] =	stream.linear.gather [hbm4b:s6+s3], $0x70, $0x38;
	[tilespmem:$0x1BD80] =	vst v63  }
0x30: {  	s9 =	rddreg [dreg:$0xe]  }
0x31: {  	[tilespmem:s29], [sflag:$0x4] =	stream.linear.gather [hbm4b:s9+s3], $0x70, $0x38;
	[tilespmem:$0x1BD80] =	vst v63  }
0x32: {  	s21 =	rddreg [dreg:$0xf]  }
0x33: {  	[tilespmem:s30], [sflag:$0x4] =	stream.linear.gather [hbm4b:s21+s3], $0x70, $0x38;
	[tilespmem:$0x1BD80] =	vst v63  }
0x34: {  	s31 =	rddreg [dreg:$0x10];
	s9 =	simm.s32 $0x7400  }
0x35: {  	[tilespmem:s9], [sflag:$0x9] =	stream.linear.gather [hbm4b:s31+s3], $0x20, $0x38;
	[tilespmem:$0x1BD80] =	vst v63  }
0x36: {  	s6 =	rddreg [dreg:$0x11]  }
0x37: {  	[tilespmem:s10], [sflag:$0x9] =	stream.linear.gather [hbm4b:s6+s3], $0x20, $0x38;
	[tilespmem:$0x1BD80] =	vst v63  }
0x38: {  	s10 =	sshrl.u32 @p0 s0, $0x3;
	s6 =	rddreg [dreg:$0x15]  }
0x39: {  	s0 =	simm.s32 @p0 $0x1FCB;
	[dreg:$0x19] =	wrdreg s10  }
0x3a: {  	[spmem:s10], [sflag:s0] =	dma.local @p0 [hbm:s6], $0x2800  }
0x3b: {  	s0 =	simm.s32 @p0 $0xB  }
0x3c: {  	s6 =	stileid.u32;
	_ =	swait.ge @p0 [sflag:s0], $0x2800  }
0x3d: {  	s6 =	sshll.u32 @!p0 s6, $0x6;
	[sflag:s0] =	ssyncset.done @p0 $0x0  }
0x3e: {  	s6 =	sor.u32 @!p0 $0x1C0B, s6;
	[sflag:s0] =	ssyncadd.s32 @p0 $0xFFFFD800;
	s0 =	rddreg [dreg:$0x12]  }
0x3f: {  	[dreg:$0x1a] =	wrdreg s6  }
0x40: {  	s10 =	sshrl.u32 @!p0 s0, $0x3;
	s0 =	rddreg [dreg:$0x13]  }
0x41: {  	[dreg:$0x1b] =	wrdreg s10  }
0x42: {  	[spmem:s10], [sflag:s6] =	dma.local @!p0 [hbm:s0], $0x2700  }
0x43: {  	s6 =	simm.s32 @!p0 $0xB  }
0x44: {  	_ =	swait.ge @!p0 [sflag:s6], $0x2700  }
0x45: {  	[sflag:s6] =	ssyncset.done @!p0 $0x0  }
0x46: {  	[sflag:s6] =	ssyncadd.s32 @!p0 $0xFFFFD900  }
0x47: {  	_ =	swait.ge [sflag:s1], $0x70  }
0x48: {  	[sflag:s1] =	ssyncset.done $0x0  }
0x49: {  	[sflag:s1] =	ssyncadd.s32 $0xFFFFFF90  }
0x4a: {  	_ =	swait.ge [sflag:s1], $0x70  }
0x4b: {  	[sflag:s1] =	ssyncset.done $0x0  }
0x4c: {  	s21 =	simm.s32 $0x9;
	[sflag:s1] =	ssyncadd.s32 $0xFFFFFF90  }
0x4d: {  	[tilespmem:s8], [sflag:$0x5] =	stream.indirect.gather [hbm4b:s4+s7], $0x80, s3, s7, $0xb8;
	[tilespmem:$0x1BD80] =	vst v63  }
0x4e: {  	_ =	swait.ge [sflag:s21], $0x20  }
0x4f: {  	[sflag:s21] =	ssyncset.done $0x0  }
0x50: {  	[sflag:s21] =	ssyncadd.s32 $0xFFFFFFE0  }
0x51: {  	_ =	swait.ge [sflag:s21], $0x20  }
0x52: {  	[sflag:s21] =	ssyncset.done $0x0  }
0x53: {  	p1 =	por $0x1, $0x1;
	[sflag:s21] =	ssyncadd.s32 $0xFFFFFFE0  }
0x54: {  	[tilespmem:s20], [sflag:$0xA] =	stream.indirect.gather [hbm4b:s4+s11], $0x80, s9, s11, $0xb8;
	[tilespmem:$0x1BD80] =	vst v63  }
0x55: {  	s6 =	simm.s32 @!p1 $0x8;
	[bflag:$0x0] =	sbarrier.arrive $0xFFFF  }
0x56: {  	s11 =	simm.s32 @!p1 $0x0;
	_ =	swait.ge @!p1 [sflag:s6], $0x3800  }
0x57: {  	s20 =	simm.s32 @!p1 $0x180;
	s9 =	rddreg [dreg:$0x6];
	[sflag:s6] =	ssyncset.done @!p1 $0x0  }
0x58: {  	[sflag:s6] =	ssyncadd.s32 @!p1 $0xFFFFC800;
	s6 =	rddreg [dreg:$0x7];
	s9 =	sadd.s32 @!p1 $0x0, s9  }
0x59: {  	[tilespmem:s20], [sflag:$0x4] =	stream.linear.gather @!p1 [hbm4b:s9+s11], $0x70, $0x38;
	[tilespmem:$0x1BD80] =	vst v63  }
0x5a: {  	s6 =	sadd.s32 @!p1 $0x0, s6;
	s9 =	simm.s32 @!p1 $0x380  }
0x5b: {  	[tilespmem:s9], [sflag:$0x4] =	stream.linear.gather @!p1 [hbm4b:s6+s11], $0x70, $0x38;
	[tilespmem:$0x1BD80] =	vst v63  }
0x5c: {  	_ =	swait.ge [sflag:s12], $0x70  }
0x5d: {  	[sflag:s12] =	ssyncset.done $0x0  }
0x5e: {  	[sflag:s12] =	ssyncadd.s32 $0xFFFFFF90  }
0x5f: {  	_ =	swait.ge [sflag:s12], $0x70  }
0x60: {  	[sflag:s12] =	ssyncset.done $0x0  }
0x61: {  	[sflag:s12] =	ssyncadd.s32 $0xFFFFFF90  }
0x62: {  	[tilespmem:s13], [sflag:$0x6] =	stream.indirect.gather [hbm4b:s4+s7], $0x80, s24, s7, $0xb8;
	[tilespmem:$0x1BD80] =	vst v63  }
0x63: {  	_ =	swait.ge [sflag:s14], $0x3800  }
0x64: {  	[sflag:s14] =	ssyncset.done $0x0  }
0x65: {  	[sflag:s14] =	ssyncadd.s32 $0xFFFFC800  }
0x66: {  	[spmem:s2] =	stream.indirect.scatter.add.f32 [tilespmem:s8], [sflag:$0x7], $0x80, s23, s7, $0xb8;
	[tilespmem:$0x1BD80] =	vst v63  }
0x67: {  	s9 =	simm.s32 $0x0;
	_ =	swait.ge [sflag:s15], $0x3800  }
0x68: {  	s9 =	simm.s32 @p1 $0x0;
	s31 =	rddreg [dreg:$0x3]  }
0x69: {  	s6 =	sadd.s32 s9, s31  }
0x6a: {  	[sflag:s15] =	ssyncset.done $0x0;
	s6 =	sshrl.u32 s6, $0x3  }
0x6b: {  	[sflag:s15] =	ssyncadd.s32 $0xFFFFC800;
	s6 =	sadd.s32 s5, s6  }
0x6c: {  	[tilespmem:s3], [sflag:$0x1] =	stream.linear.gather [hbm4b:s6+s3], $0x70, $0x38;
	[tilespmem:$0x1BD80] =	vst v63  }
0x6d: {  	s6 =	sadd.s32 $0x9C40, s6  }
0x6e: {  	[tilespmem:s23], [sflag:$0x1] =	stream.linear.gather [hbm4b:s6+s3], $0x70, $0x38;
	[tilespmem:$0x1BD80] =	vst v63  }
0x6f: {  	_ =	swait.ge [sflag:s16], $0x70  }
0x70: {  	[sflag:s16] =	ssyncset.done $0x0  }
0x71: {  	[sflag:s16] =	ssyncadd.s32 $0xFFFFFF90  }
0x72: {  	_ =	swait.ge [sflag:s16], $0x70  }
0x73: {  	[sflag:s16] =	ssyncset.done $0x0  }
0x74: {  	[sflag:s16] =	ssyncadd.s32 $0xFFFFFF90  }
0x75: {  	[tilespmem:s8], [sflag:$0x5] =	stream.indirect.gather [hbm4b:s4+s7], $0x80, s26, s7, $0xb8;
	[tilespmem:$0x1BD80] =	vst v63  }
0x76: {  	_ =	swait.ge [sflag:s17], $0x3800  }
0x77: {  	[sflag:s17] =	ssyncset.done $0x0  }
0x78: {  	[sflag:s17] =	ssyncadd.s32 $0xFFFFC800  }
0x79: {  	[spmem:s2] =	stream.indirect.scatter.add.f32 [tilespmem:s13], [sflag:$0x8], $0x80, s25, s7, $0xb8;
	[tilespmem:$0x1BD80] =	vst v63  }
0x7a: {  	_ =	swait.ge [sflag:s18], $0x3800  }
0x7b: {  	p1 =	por $0x0, $0x0;
	s6 =	rddreg [dreg:$0x4]  }
0x7c: {  	s6 =	sadd.s32 @!p1 s9, s6  }
0x7d: {  	s11 =	simm.s32 @!p1 $0x80;
	[sflag:s18] =	ssyncset.done $0x0;
	s6 =	sshrl.u32 @!p1 s6, $0x3  }
0x7e: {  	s20 =	simm.s32 @!p1 $0x0;
	[sflag:s18] =	ssyncadd.s32 $0xFFFFC800;
	s6 =	sadd.s32 @!p1 s5, s6  }
0x7f: {  	[tilespmem:s11], [sflag:$0x2] =	stream.linear.gather @!p1 [hbm4b:s6+s20], $0x70, $0x38;
	[tilespmem:$0x1BD80] =	vst v63  }
0x80: {  	s6 =	sadd.s32 @!p1 $0x9C40, s6;
	s11 =	simm.s32 @!p1 $0x280  }
0x81: {  	[tilespmem:s11], [sflag:$0x2] =	stream.linear.gather @!p1 [hbm4b:s6+s20], $0x70, $0x38;
	[tilespmem:$0x1BD80] =	vst v63  }
0x82: {  	_ =	swait.ge [sflag:s19], $0x70  }
0x83: {  	[sflag:s19] =	ssyncset.done $0x0  }
0x84: {  	[sflag:s19] =	ssyncadd.s32 $0xFFFFFF90  }
0x85: {  	_ =	swait.ge [sflag:s19], $0x70  }
0x86: {  	[sflag:s19] =	ssyncset.done $0x0  }
0x87: {  	[sflag:s19] =	ssyncadd.s32 $0xFFFFFF90  }
0x88: {  	[tilespmem:s13], [sflag:$0x6] =	stream.indirect.gather [hbm4b:s4+s7], $0x80, s29, s7, $0xb8;
	[tilespmem:$0x1BD80] =	vst v63  }
0x89: {  	_ =	swait.ge [sflag:s14], $0x3800  }
0x8a: {  	[sflag:s14] =	ssyncset.done $0x0  }
0x8b: {  	[sflag:s14] =	ssyncadd.s32 $0xFFFFC800  }
0x8c: {  	[spmem:s2] =	stream.indirect.scatter.add.f32 [tilespmem:s8], [sflag:$0x7], $0x80, s28, s7, $0xb8;
	[tilespmem:$0x1BD80] =	vst v63  }
0x8d: {  	_ =	swait.ge [sflag:s15], $0x3800  }
0x8e: {  	s6 =	rddreg [dreg:$0x5]  }
0x8f: {  	s6 =	sadd.s32 @!p1 s9, s6  }
0x90: {  	[sflag:s15] =	ssyncset.done $0x0;
	s6 =	sshrl.u32 @!p1 s6, $0x3  }
0x91: {  	[sflag:s15] =	ssyncadd.s32 $0xFFFFC800;
	s9 =	simm.s32 @!p1 $0x100;
	s6 =	sadd.s32 @!p1 s5, s6  }
0x92: {  	[tilespmem:s9], [sflag:$0x3] =	stream.linear.gather @!p1 [hbm4b:s6+s20], $0x70, $0x38;
	[tilespmem:$0x1BD80] =	vst v63  }
0x93: {  	s6 =	sadd.s32 @!p1 $0x9C40, s6;
	s9 =	simm.s32 @!p1 $0x300  }
0x94: {  	[tilespmem:s9], [sflag:$0x3] =	stream.linear.gather @!p1 [hbm4b:s6+s20], $0x70, $0x38;
	[tilespmem:$0x1BD80] =	vst v63  }
0x95: {  	_ =	swait.ge [sflag:s1], $0x70  }
0x96: {  	[sflag:s1] =	ssyncset.done $0x0  }
0x97: {  	[sflag:s1] =	ssyncadd.s32 $0xFFFFFF90  }
0x98: {  	_ =	swait.ge [sflag:s1], $0x70  }
0x99: {  	[sflag:s1] =	ssyncset.done $0x0  }
0x9a: {  	[sflag:s1] =	ssyncadd.s32 $0xFFFFFF90  }
0x9b: {  	[tilespmem:s8], [sflag:$0x5] =	stream.indirect.gather [hbm4b:s4+s7], $0x80, s3, s7, $0xb8;
	[tilespmem:$0x1BD80] =	vst v63  }
0x9c: {  	p2 =	por $0x0, $0x0;
	s21 =	simm.s32 $0x70;
	_ =	swait.ge [sflag:s17], $0x3800  }
0x9d: {  	s6 =	simm.s32 $0x38;
	s20 =	simm.s32 $0x1C0;
	[sflag:s17] =	ssyncset.done $0x0  }
.LBB2_2:
0x9e: {  	s11 =	simm.s32 @!p2 $0x8;
	[sflag:s17] =	ssyncadd.s32 $0xFFFFC800  }
0x9f: {  	[spmem:s2] =	stream.indirect.scatter.add.f32 [tilespmem:s13], [sflag:$0x8], $0x80, s30, s7, $0xb8;
	[tilespmem:$0x1BD80] =	vst v63  }
0xa0: {  	s0 =	simm.s32 @!p2 $0x0;
	_ =	swait.ge @!p2 [sflag:s11], $0x3800  }
0xa1: {  	s10 =	simm.s32 @!p2 $0x180;
	[sflag:s11] =	ssyncset.done @!p2 $0x0;
	s31 =	rddreg [dreg:$0x6]  }
0xa2: {  	[sflag:s11] =	ssyncadd.s32 @!p2 $0xFFFFC800;
	s11 =	rddreg [dreg:$0x7];
	s31 =	sadd.s32 @!p2 s6, s31  }
0xa3: {  	[tilespmem:s10], [sflag:$0x4] =	stream.linear.gather @!p2 [hbm4b:s31+s0], $0x70, $0x38;
	[tilespmem:$0x1BD80] =	vst v63  }
0xa4: {  	s10 =	sadd.s32 @!p2 s6, s11;
	s11 =	simm.s32 @!p2 $0x380  }
0xa5: {  	[tilespmem:s11], [sflag:$0x4] =	stream.linear.gather @!p2 [hbm4b:s10+s0], $0x70, $0x38;
	[tilespmem:$0x1BD80] =	vst v63  }
0xa6: {  	_ =	swait.ge [sflag:s12], $0x70  }
0xa7: {  	[sflag:s12] =	ssyncset.done $0x0  }
0xa8: {  	[sflag:s12] =	ssyncadd.s32 $0xFFFFFF90  }
0xa9: {  	_ =	swait.ge [sflag:s12], $0x70  }
0xaa: {  	[sflag:s12] =	ssyncset.done $0x0  }
0xab: {  	[sflag:s12] =	ssyncadd.s32 $0xFFFFFF90  }
0xac: {  	[tilespmem:s13], [sflag:$0x6] =	stream.indirect.gather [hbm4b:s4+s7], $0x80, s24, s7, $0xb8;
	[tilespmem:$0x1BD80] =	vst v63  }
0xad: {  	_ =	swait.ge [sflag:s14], $0x3800  }
0xae: {  	[sflag:s14] =	ssyncset.done $0x0  }
0xaf: {  	[sflag:s14] =	ssyncadd.s32 $0xFFFFC800  }
0xb0: {  	[spmem:s2] =	stream.indirect.scatter.add.f32 [tilespmem:s8], [sflag:$0x7], $0x80, s23, s7, $0xb8;
	[tilespmem:$0x1BD80] =	vst v63  }
0xb1: {  	s11 =	smov.u32 s20;
	_ =	swait.ge [sflag:s15], $0x3800  }
0xb2: {  	s11 =	simm.s32 @p2 $0x0;
	s31 =	rddreg [dreg:$0x3]  }
0xb3: {  	s0 =	sadd.s32 s11, s31  }
0xb4: {  	[sflag:s15] =	ssyncset.done $0x0;
	s0 =	sshrl.u32 s0, $0x3  }
0xb5: {  	[sflag:s15] =	ssyncadd.s32 $0xFFFFC800;
	s0 =	sadd.s32 s5, s0  }
0xb6: {  	[tilespmem:s3], [sflag:$0x1] =	stream.linear.gather [hbm4b:s0+s3], $0x70, $0x38;
	[tilespmem:$0x1BD80] =	vst v63  }
0xb7: {  	s0 =	sadd.s32 $0x9C40, s0  }
0xb8: {  	[tilespmem:s23], [sflag:$0x1] =	stream.linear.gather [hbm4b:s0+s3], $0x70, $0x38;
	[tilespmem:$0x1BD80] =	vst v63  }
0xb9: {  	_ =	swait.ge [sflag:s16], $0x70  }
0xba: {  	[sflag:s16] =	ssyncset.done $0x0  }
0xbb: {  	[sflag:s16] =	ssyncadd.s32 $0xFFFFFF90  }
0xbc: {  	_ =	swait.ge [sflag:s16], $0x70  }
0xbd: {  	[sflag:s16] =	ssyncset.done $0x0  }
0xbe: {  	[sflag:s16] =	ssyncadd.s32 $0xFFFFFF90  }
0xbf: {  	[tilespmem:s8], [sflag:$0x5] =	stream.indirect.gather [hbm4b:s4+s7], $0x80, s26, s7, $0xb8;
	[tilespmem:$0x1BD80] =	vst v63  }
0xc0: {  	_ =	swait.ge [sflag:s17], $0x3800  }
0xc1: {  	[sflag:s17] =	ssyncset.done $0x0  }
0xc2: {  	[sflag:s17] =	ssyncadd.s32 $0xFFFFC800  }
0xc3: {  	[spmem:s2] =	stream.indirect.scatter.add.f32 [tilespmem:s13], [sflag:$0x8], $0x80, s25, s7, $0xb8;
	[tilespmem:$0x1BD80] =	vst v63  }
0xc4: {  	_ =	swait.ge [sflag:s18], $0x3800  }
0xc5: {  	s9 =	smov.u32 s21;
	p2 =	seq.s32 s6, $0x498;
	s0 =	rddreg [dreg:$0x4]  }
0xc6: {  	s6 =	smov.u32 s9;
	s0 =	sadd.s32 @!p2 s11, s0  }
0xc7: {  	s9 =	simm.s32 @!p2 $0x80;
	[sflag:s18] =	ssyncset.done $0x0;
	s0 =	sshrl.u32 @!p2 s0, $0x3  }
0xc8: {  	s10 =	simm.s32 @!p2 $0x0;
	[sflag:s18] =	ssyncadd.s32 $0xFFFFC800;
	s0 =	sadd.s32 @!p2 s5, s0  }
0xc9: {  	[tilespmem:s9], [sflag:$0x2] =	stream.linear.gather @!p2 [hbm4b:s0+s10], $0x70, $0x38;
	[tilespmem:$0x1BD80] =	vst v63  }
0xca: {  	s0 =	sadd.s32 @!p2 $0x9C40, s0;
	s9 =	simm.s32 @!p2 $0x280  }
0xcb: {  	[tilespmem:s9], [sflag:$0x2] =	stream.linear.gather @!p2 [hbm4b:s0+s10], $0x70, $0x38;
	[tilespmem:$0x1BD80] =	vst v63  }
0xcc: {  	_ =	swait.ge [sflag:s19], $0x70  }
0xcd: {  	[sflag:s19] =	ssyncset.done $0x0  }
0xce: {  	[sflag:s19] =	ssyncadd.s32 $0xFFFFFF90  }
0xcf: {  	_ =	swait.ge [sflag:s19], $0x70  }
0xd0: {  	[sflag:s19] =	ssyncset.done $0x0  }
0xd1: {  	[sflag:s19] =	ssyncadd.s32 $0xFFFFFF90  }
0xd2: {  	[tilespmem:s13], [sflag:$0x6] =	stream.indirect.gather [hbm4b:s4+s7], $0x80, s29, s7, $0xb8;
	[tilespmem:$0x1BD80] =	vst v63  }
0xd3: {  	_ =	swait.ge [sflag:s14], $0x3800  }
0xd4: {  	[sflag:s14] =	ssyncset.done $0x0  }
0xd5: {  	[sflag:s14] =	ssyncadd.s32 $0xFFFFC800  }
0xd6: {  	[spmem:s2] =	stream.indirect.scatter.add.f32 [tilespmem:s8], [sflag:$0x7], $0x80, s28, s7, $0xb8;
	[tilespmem:$0x1BD80] =	vst v63  }
0xd7: {  	_ =	swait.ge [sflag:s15], $0x3800  }
0xd8: {  	s0 =	rddreg [dreg:$0x5]  }
0xd9: {  	s0 =	sadd.s32 @!p2 s11, s0  }
0xda: {  	[sflag:s15] =	ssyncset.done $0x0;
	s0 =	sshrl.u32 @!p2 s0, $0x3  }
0xdb: {  	s9 =	simm.s32 @!p2 $0x100;
	[sflag:s15] =	ssyncadd.s32 $0xFFFFC800;
	s0 =	sadd.s32 @!p2 s5, s0  }
0xdc: {  	[tilespmem:s9], [sflag:$0x3] =	stream.linear.gather @!p2 [hbm4b:s0+s10], $0x70, $0x38;
	[tilespmem:$0x1BD80] =	vst v63  }
0xdd: {  	s0 =	sadd.s32 @!p2 $0x9C40, s0;
	s9 =	simm.s32 @!p2 $0x300  }
0xde: {  	[tilespmem:s9], [sflag:$0x3] =	stream.linear.gather @!p2 [hbm4b:s0+s10], $0x70, $0x38;
	[tilespmem:$0x1BD80] =	vst v63  }
0xdf: {  	_ =	swait.ge [sflag:s1], $0x70  }
0xe0: {  	[sflag:s1] =	ssyncset.done $0x0  }
0xe1: {  	s21 =	sadd.s32 $0x38, s21;
	[sflag:s1] =	ssyncadd.s32 $0xFFFFFF90  }
0xe2: {  	p1 =	sne.s32 s21, $0x4D0;
	_ =	swait.ge [sflag:s1], $0x70  }
.Ltmp0:
0xe3: {  	[sflag:s1] =	ssyncset.done $0x0;
	(pc) =	sbr.rel @p1 .LBB2_2-.Ltmp0, $4  }
0xe4: {  	[sflag:s1] =	ssyncadd.s32 $0xFFFFFF90  }
0xe5: {  	[tilespmem:s8], [sflag:$0x5] =	stream.indirect.gather [hbm4b:s4+s7], $0x80, s3, s7, $0xb8;
	[tilespmem:$0x1BD80] =	vst v63  }
0xe6: {  	_ =	swait.ge [sflag:s17], $0x3800  }
0xe7: {  	s20 =	sadd.s32 $0x1C0, s20;
	p2 =	seq.s32 s6, $0x0;
	[sflag:s17] =	ssyncset.done $0x0  }
0xe8: {  	s0 =	simm.s32 @!p2 $0x8;
	[sflag:s17] =	ssyncadd.s32 $0xFFFFC800  }
0xe9: {  	[spmem:s2] =	stream.indirect.scatter.add.f32 [tilespmem:s13], [sflag:$0x8], $0x80, s30, s7, $0xb8;
	[tilespmem:$0x1BD80] =	vst v63  }
0xea: {  	s10 =	simm.s32 @!p2 $0x0;
	_ =	swait.ge @!p2 [sflag:s0], $0x3800  }
0xeb: {  	s11 =	simm.s32 @!p2 $0x180;
	s9 =	rddreg [dreg:$0x6];
	[sflag:s0] =	ssyncset.done @!p2 $0x0  }
0xec: {  	[sflag:s0] =	ssyncadd.s32 @!p2 $0xFFFFC800;
	s0 =	rddreg [dreg:$0x7];
	s9 =	sadd.s32 @!p2 s6, s9  }
0xed: {  	[tilespmem:s11], [sflag:$0x4] =	stream.linear.gather @!p2 [hbm4b:s9+s10], $0x70, $0x38;
	[tilespmem:$0x1BD80] =	vst v63  }
0xee: {  	s0 =	sadd.s32 @!p2 s6, s0;
	s9 =	simm.s32 @!p2 $0x380  }
0xef: {  	[tilespmem:s9], [sflag:$0x4] =	stream.linear.gather @!p2 [hbm4b:s0+s10], $0x70, $0x38;
	[tilespmem:$0x1BD80] =	vst v63  }
0xf0: {  	_ =	swait.ge [sflag:s12], $0x70  }
0xf1: {  	[sflag:s12] =	ssyncset.done $0x0  }
0xf2: {  	[sflag:s12] =	ssyncadd.s32 $0xFFFFFF90  }
0xf3: {  	_ =	swait.ge [sflag:s12], $0x70  }
0xf4: {  	[sflag:s12] =	ssyncset.done $0x0  }
0xf5: {  	[sflag:s12] =	ssyncadd.s32 $0xFFFFFF90  }
0xf6: {  	[tilespmem:s13], [sflag:$0x6] =	stream.indirect.gather [hbm4b:s4+s7], $0x80, s24, s7, $0xb8;
	[tilespmem:$0x1BD80] =	vst v63  }
0xf7: {  	_ =	swait.ge [sflag:s14], $0x3800  }
0xf8: {  	[sflag:s14] =	ssyncset.done $0x0  }
0xf9: {  	[sflag:s14] =	ssyncadd.s32 $0xFFFFC800  }
0xfa: {  	[spmem:s2] =	stream.indirect.scatter.add.f32 [tilespmem:s8], [sflag:$0x7], $0x80, s23, s7, $0xb8;
	[tilespmem:$0x1BD80] =	vst v63  }
0xfb: {  	_ =	swait.ge [sflag:s15], $0x3800  }
0xfc: {  	s20 =	simm.s32 @p2 $0x0;
	s31 =	rddreg [dreg:$0x3]  }
0xfd: {  	s0 =	sadd.s32 s20, s31  }
0xfe: {  	[sflag:s15] =	ssyncset.done $0x0;
	s0 =	sshrl.u32 s0, $0x3  }
0xff: {  	[sflag:s15] =	ssyncadd.s32 $0xFFFFC800;
	s0 =	sadd.s32 s5, s0  }
0x100: {  	[tilespmem:s3], [sflag:$0x1] =	stream.linear.gather [hbm4b:s0+s3], $0x70, $0x38;
	[tilespmem:$0x1BD80] =	vst v63  }
0x101: {  	s0 =	sadd.s32 $0x9C40, s0  }
0x102: {  	[tilespmem:s23], [sflag:$0x1] =	stream.linear.gather [hbm4b:s0+s3], $0x70, $0x38;
	[tilespmem:$0x1BD80] =	vst v63  }
0x103: {  	_ =	swait.ge [sflag:s16], $0x70  }
0x104: {  	[sflag:s16] =	ssyncset.done $0x0  }
0x105: {  	[sflag:s16] =	ssyncadd.s32 $0xFFFFFF90  }
0x106: {  	_ =	swait.ge [sflag:s16], $0x70  }
0x107: {  	[sflag:s16] =	ssyncset.done $0x0  }
0x108: {  	[sflag:s16] =	ssyncadd.s32 $0xFFFFFF90  }
0x109: {  	[tilespmem:s8], [sflag:$0x5] =	stream.indirect.gather [hbm4b:s4+s7], $0x80, s26, s7, $0xb8;
	[tilespmem:$0x1BD80] =	vst v63  }
0x10a: {  	_ =	swait.ge [sflag:s17], $0x3800  }
0x10b: {  	[sflag:s17] =	ssyncset.done $0x0  }
0x10c: {  	[sflag:s17] =	ssyncadd.s32 $0xFFFFC800  }
0x10d: {  	[spmem:s2] =	stream.indirect.scatter.add.f32 [tilespmem:s13], [sflag:$0x8], $0x80, s25, s7, $0xb8;
	[tilespmem:$0x1BD80] =	vst v63  }
0x10e: {  	_ =	swait.ge [sflag:s18], $0x3800  }
0x10f: {  	p1 =	seq.s32 s6, $0x498;
	s0 =	rddreg [dreg:$0x4]  }
0x110: {  	s0 =	sadd.s32 @!p1 s20, s0  }
0x111: {  	s6 =	simm.s32 @!p1 $0x80;
	[sflag:s18] =	ssyncset.done $0x0;
	s0 =	sshrl.u32 @!p1 s0, $0x3  }
0x112: {  	s9 =	simm.s32 @!p1 $0x0;
	[sflag:s18] =	ssyncadd.s32 $0xFFFFC800;
	s0 =	sadd.s32 @!p1 s5, s0  }
0x113: {  	[tilespmem:s6], [sflag:$0x2] =	stream.linear.gather @!p1 [hbm4b:s0+s9], $0x70, $0x38;
	[tilespmem:$0x1BD80] =	vst v63  }
0x114: {  	s0 =	sadd.s32 @!p1 $0x9C40, s0;
	s6 =	simm.s32 @!p1 $0x280  }
0x115: {  	[tilespmem:s6], [sflag:$0x2] =	stream.linear.gather @!p1 [hbm4b:s0+s9], $0x70, $0x38;
	[tilespmem:$0x1BD80] =	vst v63  }
0x116: {  	_ =	swait.ge [sflag:s19], $0x70  }
0x117: {  	[sflag:s19] =	ssyncset.done $0x0  }
0x118: {  	[sflag:s19] =	ssyncadd.s32 $0xFFFFFF90  }
0x119: {  	_ =	swait.ge [sflag:s19], $0x70  }
0x11a: {  	[sflag:s19] =	ssyncset.done $0x0  }
0x11b: {  	[sflag:s19] =	ssyncadd.s32 $0xFFFFFF90  }
0x11c: {  	[tilespmem:s13], [sflag:$0x6] =	stream.indirect.gather [hbm4b:s4+s7], $0x80, s29, s7, $0xb8;
	[tilespmem:$0x1BD80] =	vst v63  }
0x11d: {  	_ =	swait.ge [sflag:s14], $0x3800  }
0x11e: {  	[sflag:s14] =	ssyncset.done $0x0  }
0x11f: {  	[sflag:s14] =	ssyncadd.s32 $0xFFFFC800  }
0x120: {  	[spmem:s2] =	stream.indirect.scatter.add.f32 [tilespmem:s8], [sflag:$0x7], $0x80, s28, s7, $0xb8;
	[tilespmem:$0x1BD80] =	vst v63  }
0x121: {  	_ =	swait.ge [sflag:s15], $0x3800  }
0x122: {  	s0 =	rddreg [dreg:$0x5]  }
0x123: {  	s0 =	sadd.s32 @!p1 s20, s0  }
0x124: {  	[sflag:s15] =	ssyncset.done $0x0;
	s0 =	sshrl.u32 @!p1 s0, $0x3  }
0x125: {  	s6 =	simm.s32 @!p1 $0x100;
	[sflag:s15] =	ssyncadd.s32 $0xFFFFC800;
	s0 =	sadd.s32 @!p1 s5, s0  }
0x126: {  	[tilespmem:s6], [sflag:$0x3] =	stream.linear.gather @!p1 [hbm4b:s0+s9], $0x70, $0x38;
	[tilespmem:$0x1BD80] =	vst v63  }
0x127: {  	s0 =	sadd.s32 @!p1 $0x9C40, s0;
	s6 =	simm.s32 @!p1 $0x300  }
0x128: {  	[tilespmem:s6], [sflag:$0x3] =	stream.linear.gather @!p1 [hbm4b:s0+s9], $0x70, $0x38;
	[tilespmem:$0x1BD80] =	vst v63  }
0x129: {  	_ =	swait.ge [sflag:s1], $0x70  }
0x12a: {  	[sflag:s1] =	ssyncset.done $0x0  }
0x12b: {  	[sflag:s1] =	ssyncadd.s32 $0xFFFFFF90  }
0x12c: {  	_ =	swait.ge [sflag:s1], $0x70  }
0x12d: {  	[sflag:s1] =	ssyncset.done $0x0  }
0x12e: {  	[sflag:s1] =	ssyncadd.s32 $0xFFFFFF90  }
0x12f: {  	[tilespmem:s8], [sflag:$0x5] =	stream.indirect.gather [hbm4b:s4+s7], $0x80, s3, s7, $0xb8;
	[tilespmem:$0x1BD80] =	vst v63  }
0x130: {  	_ =	swait.ge [sflag:s17], $0x3800  }
0x131: {  	[sflag:s17] =	ssyncset.done $0x0  }
0x132: {  	[sflag:s17] =	ssyncadd.s32 $0xFFFFC800  }
0x133: {  	[spmem:s2] =	stream.indirect.scatter.add.f32 [tilespmem:s13], [sflag:$0x8], $0x80, s30, s7, $0xb8;
	[tilespmem:$0x1BD80] =	vst v63  }
0x134: {  	_ =	swait.ge [sflag:s18], $0x3800  }
0x135: {  	[sflag:s18] =	ssyncset.done $0x0  }
0x136: {  	[sflag:s18] =	ssyncadd.s32 $0xFFFFC800  }
0x137: {  	_ =	swait.ge [sflag:s14], $0x3800  }
0x138: {  	[sflag:s14] =	ssyncset.done $0x0  }
0x139: {  	s9 =	simm.s32 $0xB;
	[sflag:s14] =	ssyncadd.s32 $0xFFFFC800  }
0x13a: {  	[spmem:s2] =	stream.indirect.scatter.add.f32 [tilespmem:s8], [sflag:$0xB], $0x80, s23, s7, $0xb8;
	[tilespmem:$0x1BD80] =	vst v63  }
0x13b: {  	_ =	swait.ge [sflag:s9], $0x3800  }
0x13c: {  	[sflag:s9] =	ssyncset.done $0x0  }
0x13d: {  	s21 =	simm.s32 $0xA;
	[sflag:s9] =	ssyncadd.s32 $0xFFFFC800  }
0x13e: {  	_ =	swait.ge [sflag:s21], $0x1000  }
0x13f: {  	s11 =	simm.s32 $0x20;
	[sflag:s21] =	ssyncset.done $0x0  }
0x140: {  	s10 =	simm.s32 $0x7480;
	s20 =	simm.s32 $0x7500;
	[sflag:s21] =	ssyncadd.s32 $0xFFFFF000  }
0x141: {  	[spmem:s2] =	stream.indirect.scatter.add.f32 [tilespmem:s20], [sflag:$0xB], $0x80, s10, s11, $0xb8;
	[tilespmem:$0x1BD80] =	vst v63  }
0x142: {  	_ =	swait.ge [sflag:s9], $0x1000  }
0x143: {  	[sflag:s9] =	ssyncset.done $0x0  }
0x144: {  	[sflag:s9] =	ssyncadd.s32 $0xFFFFF000  }
0x145: {  	[bflag:$0x0] =	sbarrier.arrive $0xFFFF  }
0x146: {  	s6 =	rddreg [dreg:$0x17]  }
0x147: {  	s0 =	simm.s32 @p0 $0x1FCB;
	s9 =	rddreg [dreg:$0x19]  }
0x148: {  	[hbm:s6], [sflag:s0] =	dma.local @p0 [spmem:s9], $0x2800  }
0x149: {  	s0 =	simm.s32 @p0 $0xB  }
0x14a: {  	_ =	swait.ge @p0 [sflag:s0], $0x2800  }
0x14b: {  	s6 =	rddreg [dreg:$0x1a]  }
0x14c: {  	[sflag:s0] =	ssyncset.done @p0 $0x0;
	s9 =	rddreg [dreg:$0x1b]  }
0x14d: {  	[sflag:s0] =	ssyncadd.s32 @p0 $0xFFFFD800;
	s0 =	rddreg [dreg:$0x16]  }
0x14e: {  	[hbm:s0], [sflag:s6] =	dma.local @!p0 [spmem:s9], $0x2700  }
0x14f: {  	s0 =	simm.s32 @!p0 $0xB  }
0x150: {  	_ =	swait.ge @!p0 [sflag:s0], $0x2700  }
0x151: {  	s22 =	sadd.s32 $0x1, s22;
	s31 =	rddreg [dreg:$0x18]  }
0x152: {  	p1 =	sne.s32 s22, s31  }
.Ltmp1:
0x153: {  	_ = 	snop;
	(pc) =	sbr.rel @p1 .LBB2_1-.Ltmp1, $3  }
0x154: {  	_ =	sdelay $0x1  }
0x155: {  	[sflag:s0] =	ssyncset.done @!p0 $0x0  }
0x156: {  	[sflag:s0] =	ssyncadd.s32 @!p0 $0xFFFFD900  }
0x157: {  	_ =	sfence.sel $0x180000  }
0x158: {  	[bflag:$0x0] =	sbarrier.arrive $0xFFFF  }
0x159: {  	_ =	strace $0x9000004A  }
0x15a: {  	s0 =	stileid.u32;
	[bflag:$0x2] =	sbarrier.arrive $0xFFFF  }
0x15b: {  	p0 =	sne.s32 s0, $0x0;
	s0 =	rddreg [dreg:$0x2]  }
0x15c: {  	s0 =	sadd.s32 @!p0 $0x100000, s0  }
0x15d: {  	[sflag:s0] =	ssyncadd.tile.s32 @!p0 $0x1;
	_ =	shalt  }
.Lfunc_end2:
_tile_overlayer_lowered:
.L_overlay_start_2:
0x15e: {  	(tag) =	ssettag $0x2  }
0x15f: {  	s0 =	rddreg [dreg:$0x0];
	s2 =	stileid.u32  }
0x160: {  	s1 =	rddreg [dreg:$0x1];
	p0 =	sne.s32 s2, $0x0  }
0x161: {  	s3 =	rddreg [dreg:$0x2];
	[bflag:$0x3] =	sbarrier.arrive $0xFFFF;
	s2 =	simm.s32 @!p0 $0x1C0B  }
0x162: {  	[timem:s3], [sflag:s2] =	dma.local @!p0 [hbm:s0], s1  }
0x163: {  	s0 =	simm.s32 @!p0 $0xB  }
0x164: {  	_ =	swait.ge @!p0 [sflag:s0], s1  }
0x165: {  	s1 =	ssub.s32 @!p0 $0x0, s1;
	[sflag:s0] =	ssyncset.done @!p0 $0x0  }
0x166: {  	[sflag:s0] =	ssyncadd.s32 @!p0 s1  }
0x167: {  	[bflag:$0x3] =	sbarrier.arrive $0xFFFF  }
0x168: {  	_ =	shalt  }

// kernel: kernel.14.cloned.1.call-start
scs
__scs_entry_jumppad:
0x0: {  	(pc) =	sbr.rel $0x88, $3  }
0x1: {  	(tag) =	ssettag $0x0;
	lr =	simm.s32 $0x1  }
0x2: {  	[smem:$0x3F9A] =	sst lr;
	_ =	strace $0xD0000000  }
0x3: {  	_ = 	snop  }
0x4: {  	_ = 	snop  }
0x5: {  	_ = 	snop  }
0x6: {  	_ = 	snop  }
0x7: {  	_ = 	snop  }
__scs_overlays_trampoline_lowered:
0x8: {  	[smem:$0x3FA9] =	sst s0  }
0x9: {  	[smem:$0x3FAA] =	sst s1  }
0xa: {  	[smem:$0x3FAB] =	sst s2  }
0xb: {  	[smem:$0x3FAC] =	sst s3  }
0xc: {  	[smem:$0x3FAD] =	sst s4  }
0xd: {  	[smem:$0x3FAE] =	sst s5  }
0xe: {  	[smem:$0x3FAF] =	sst s6  }
0xf: {  	[smem:$0x3FB0] =	sst s7  }
0x10: {  	[smem:$0x3FB1] =	sst s8  }
0x11: {  	[smem:$0x3FB2] =	sst s9;
	s0 =	simm.s32 @!p0 $0x0  }
0x12: {  	s1 =	sld [smem:$0x3F98];
	s0 =	simm.s32 @p0 $0x1  }
0x13: {  	[smem:$0x3FB3] =	sst s0;
	s0 =	simm.s32 @!p1 $0x0  }
0x14: {  	s2 =	sld [smem:$0x3F97];
	s0 =	simm.s32 @p1 $0x1  }
0x15: {  	[smem:$0x3FB4] =	sst s0;
	s0 =	simm.s32 @!p2 $0x0  }
0x16: {  	s3 =	sld [smem:$0x3FDB];
	s0 =	simm.s32 @p2 $0x1  }
0x17: {  	s4 =	simm.s32 $0x1BF5;
	[smem:$0x3FB6] =	sst s0  }
0x18: {  	s0 =	sld [smem:$0x3F99];
	_ =	swait.ge [sflag:s4], $0x0  }
0x19: {  	s7 =	sld [smem:$0x3F9A]  }
0x1a: {  	s8 =	sadd.s32 $0xFFFFE003, lr  }
0x1b: {  	s9 =	sadd.s32 $0xFFFFFEF7, lr;
	s5 =	simm.s32 $0xFFFFFFFF;
	p2 =	slt.u32 s8, $0xFFFFF086  }
0x1c: {  	p1 =	slt.u32 s9, $0xF7A;
	s5 =	simm.s32 @!p2 $0x0  }
0x1d: {  	s5 =	simm.s32 @p1 $0x1;
	p0 =	seq.s32 s7, s2  }
0x1e: {  	s7 =	smul.u32 @!p0 $0xF7A, s2;
	p2 =	seq.s32 @!p0 s5, $0x0  }
0x1f: {  	s9 =	smul.u32 $0xF7A, s1;
	s8 =	simm.s32 @!p0 $0x1BF5;
	p2 =	por !p2, p0  }
0x20: {  	[sflag:s8] =	ssyncset.s32 @!p0 $0xFFFFF086;
	s6 =	sadd.s32 @!p0 s3, s7;
	s7 =	simm.s32 @!p0 $0x108  }
0x21: {  	s3 =	sadd.s32 s3, s9;
	s6 =	sadd.s32 @!p0 $0x88, s6;
	s7 =	simm.s32 @p2 $0x1082  }
0x22: {  	[simem:s7], [sflag:s8] =	dma.local @!p0 [hbm:s6], $0xF7A  }
0x23: {  	s9 =	sor.u32 $0xD0000000, s2;
	s6 =	simm.s32 $0x108;
	_ =	swait.ge @!p0 [sflag:s8], $0x0  }
0x24: {  	s3 =	sadd.s32 $0x88, s3;
	s6 =	simm.s32 @!p1 $0x1082;
	[sflag:s4] =	ssyncset.s32 $0xFFFFF086  }
0x25: {  	[simem:s6], [sflag:s4] =	dma.local [hbm:s3], $0xF7A  }
0x26: {  	[smem:$0x3F9A] =	sst s1;
	(tag) =	ssettag s2;
	_ =	strace s9  }
0x27: {  	s1 =	sld [smem:$0x3FAA]  }
0x28: {  	s2 =	sld [smem:$0x3FAB]  }
0x29: {  	s4 =	sld [smem:$0x3FAD]  }
0x2a: {  	p0 =	seq.s32 s5, $0x0;
	s5 =	sld [smem:$0x3FAE]  }
0x2b: {  	s6 =	sld [smem:$0x3FAF]  }
0x2c: {  	s7 =	sld [smem:$0x3FB0]  }
0x2d: {  	s3 =	simm.s32 $0x108;
	s8 =	sld [smem:$0x3FB1]  }
0x2e: {  	s3 =	simm.s32 @!p0 $0x1082;
	s9 =	sld [smem:$0x3FB2]  }
0x2f: {  	lr =	sadd.s32 s0, s3;
	s0 =	sld [smem:$0x3FA9]  }
0x30: {  	s3 =	sld [smem:$0x3FAC]  }
0x31: {  	[smem:$0x3FB5] =	sst s10  }
0x32: {  	s10 =	sld [smem:$0x3FB3];
	_ =	sdelay $0x3  }
0x33: {  	p0 =	seq.s32 s10, $0x1;
	s10 =	sld [smem:$0x3FB5];
	_ =	sdelay $0x3  }
0x34: {  	[smem:$0x3FB5] =	sst s10  }
0x35: {  	s10 =	sld [smem:$0x3FB4];
	_ =	sdelay $0x3  }
0x36: {  	p1 =	seq.s32 s10, $0x1;
	s10 =	sld [smem:$0x3FB5];
	_ =	sdelay $0x3  }
0x37: {  	[smem:$0x3FB5] =	sst s10  }
0x38: {  	s10 =	sld [smem:$0x3FB6]  }
0x39: {  	_ = 	snop;
	(pc) =	sbr.ind lr, $3  }
0x3a: {  	_ = 	snop  }
0x3b: {  	_ = 	snop  }
0x3c: {  	p2 =	seq.s32 s10, $0x1;
	s10 =	sld [smem:$0x3FB5]  }
0x3d: {  	_ =	shalt  }
0x3e: {  	_ =	shalt  }
0x3f: {  	_ =	shalt  }
0x40: {  	_ =	shalt  }
0x41: {  	_ =	shalt  }
0x42: {  	_ =	shalt  }
0x43: {  	_ =	shalt  }
0x44: {  	_ =	shalt  }
0x45: {  	_ =	shalt  }
0x46: {  	_ =	shalt  }
0x47: {  	_ =	shalt  }
0x48: {  	_ =	shalt  }
0x49: {  	_ =	shalt  }
0x4a: {  	_ =	shalt  }
0x4b: {  	_ =	shalt  }
0x4c: {  	_ =	shalt  }
0x4d: {  	_ =	shalt  }
0x4e: {  	_ =	shalt  }
0x4f: {  	_ =	shalt  }
0x50: {  	_ =	shalt  }
0x51: {  	_ =	shalt  }
0x52: {  	_ =	shalt  }
0x53: {  	_ =	shalt  }
0x54: {  	_ =	shalt  }
0x55: {  	_ =	shalt  }
0x56: {  	_ =	shalt  }
0x57: {  	_ =	shalt  }
0x58: {  	_ =	shalt  }
0x59: {  	_ =	shalt  }
0x5a: {  	_ =	shalt  }
0x5b: {  	_ =	shalt  }
0x5c: {  	_ =	shalt  }
0x5d: {  	_ =	shalt  }
0x5e: {  	_ =	shalt  }
0x5f: {  	_ =	shalt  }
0x60: {  	_ =	shalt  }
0x61: {  	_ =	shalt  }
0x62: {  	_ =	shalt  }
0x63: {  	_ =	shalt  }
0x64: {  	_ =	shalt  }
0x65: {  	_ =	shalt  }
0x66: {  	_ =	shalt  }
0x67: {  	_ =	shalt  }
0x68: {  	_ =	shalt  }
0x69: {  	_ =	shalt  }
0x6a: {  	_ =	shalt  }
0x6b: {  	_ =	shalt  }
0x6c: {  	_ =	shalt  }
0x6d: {  	_ =	shalt  }
0x6e: {  	_ =	shalt  }
0x6f: {  	_ =	shalt  }
0x70: {  	_ =	shalt  }
0x71: {  	_ =	shalt  }
0x72: {  	_ =	shalt  }
0x73: {  	_ =	shalt  }
0x74: {  	_ =	shalt  }
0x75: {  	_ =	shalt  }
0x76: {  	_ =	shalt  }
0x77: {  	_ =	shalt  }
0x78: {  	_ =	shalt  }
0x79: {  	_ =	shalt  }
0x7a: {  	_ =	shalt  }
0x7b: {  	_ =	shalt  }
0x7c: {  	_ =	shalt  }
0x7d: {  	_ =	shalt  }
0x7e: {  	_ =	shalt  }
0x7f: {  	_ =	shalt  }
0x80: {  	_ =	shalt  }
0x81: {  	_ =	shalt  }
0x82: {  	_ =	shalt  }
0x83: {  	_ =	shalt  }
0x84: {  	_ =	shalt  }
0x85: {  	_ =	shalt  }
0x86: {  	_ =	shalt  }
0x87: {  	_ =	shalt  }
.Lfunc_end0:
.L_simem_size_0:
called_computation.2_lowered:
.L_overlay_start_0:
0x88: {  	s2 =	sld [smem:$0x3FD9]  }
0x89: {  	s3 =	sld [smem:$0x3FFE];
	_ =	sdelay $0x1  }
0x8a: {  	s1 =	srdreg.scid  }
0x8b: {  	s0 =	sand.u32 $0x1, s1  }
0x8c: {  	s16 =	sshll.u32 s0, $0xA;
	s2 =	sadd.s32 s3, s2  }
0x8d: {  	s2 =	sadd.s32 s2, s16  }
0x8e: {  	[smem:$0x3FC1] =	sst s2  }
0x8f: {  	_ = 	snop  }
0x90: {  	(tm) =	ssettm $0x1  }
0x91: {  	s17 =	sld [smem:$0x3FFB];
	_ =	sdelay $0x3  }
0x92: {  	_ =	strace s17  }
0x93: {  	s2 =	sld [smem:$0x3FFC];
	_ =	sdelay $0x3  }
0x94: {  	_ =	strace s2  }
0x95: {  	s2 =	sld [smem:$0x3FFD];
	_ =	sdelay $0x3  }
0x96: {  	_ =	strace s2  }
0x97: {  	_ =	strace $0x8FFFFFFF  }
0x98: {  	s18 =	sld [smem:$0x3FDB];
	_ =	sdelay $0x1  }
0x99: {  	s19 =	simm.s32 $_scs_section_size  }
0x9a: {  	s4 =	simm.s32 $_size__tile_overlayer_lowered;
	s5 =	simm.s32 $_tile_overlayer_lowered  }
0x9b: {  	s22 =	simm.s32 $0x1BFF;
	s21 =	sshll.u32 s5, $0x1;
	s2 =	sadd.s32 s19, s18  }
0x9c: {  	s6 =	simm.s32 $0x0;
	s20 =	sshll.u32 s4, $0x1;
	s4 =	sadd.s32 s21, s2  }
0x9d: {  	[timem:s6], [sflag:s22] =	dma.local [hbm:s4], s20  }
0x9e: {  	_ =	swait.ge [sflag:s22], s20  }
0x9f: {  	s3 =	ssub.s32 $0x0, s20;
	[sflag:s22] =	ssyncset.done $0x0  }
0xa0: {  	[sflag:s22] =	ssyncadd.s32 s3;
	_ =	sdelay $0x1  }
0xa1: {  	s23 =	simm.s32 $0x1B8B  }
0xa2: {  	_ =	swait.ge [sflag:s23], $0x1  }
0xa3: {  	[sflag:s23] =	ssyncset.done $0x0  }
0xa4: {  	s25 =	simm.s32 $0x1B8E;
	s24 =	sld [smem:$0x3FFE];
	[sflag:s23] =	ssyncadd.s32 $0xFFFFFFFF  }
0xa5: {  	s26 =	simm.s32 $execute0_lowered;
	[smem:$0x3FD2] =	sst s25  }
0xa6: {  	s4 =	sshll.u32 s26, $0x1;
	_ =	strace $0x8000004C;
	[dreg:$0x1] =	wrdreg $0xFFFFFFFF  }
0xa7: {  	s28 =	simm.s32 $_size_execute0_lowered;
	s2 =	sadd.s32 s2, s4;
	[dreg:$0x0] =	wrdreg $0x0  }
0xa8: {  	s4 =	sshll.u32 s28, $0x1;
	[dreg:$0x2] =	wrdreg s2  }
0xa9: {  	[dreg:$0x3] =	wrdreg s4  }
0xaa: {  	[dreg:$0x4] =	wrdreg $0xC0  }
0xab: {  	_ =	task [dreg:s6], $0x5FFFF  }
0xac: {  	[dreg:$0x1] =	wrdreg $0xFFFFFFFF  }
0xad: {  	[dreg:$0x0] =	wrdreg $0x60  }
0xae: {  	[dreg:$0x2] =	wrdreg s24  }
0xaf: {  	[dreg:$0x3] =	wrdreg $0x85000  }
0xb0: {  	[dreg:$0x4] =	wrdreg $0x9  }
0xb1: {  	_ =	task.clear_ibuf [dreg:s6], $0x5FFFF;
	_ =	strace $0x9000004C  }
0xb2: {  	s29 =	simm.s32 $0x9;
	_ =	strace $0x8000004E  }
0xb3: {  	_ =	swait.ge [sflag:s29], $0x1  }
0xb4: {  	[sflag:s29] =	ssyncadd.s32 $0xFFFFFFFF  }
0xb5: {  	_ =	strace $0x9000004E  }
0xb6: {  	_ =	sfence  }
0xb7: {  	s30 =	sld [smem:$0x0];
	_ =	sdelay $0x2  }
0xb8: {  	s31 =	sshll.u32 s1, $0xD;
	s1 =	sshrl.u32 s1, $0x2  }
0xb9: {  	s3 =	sand.u32 $0x4000, s31;
	s1 =	sadd.s32 s1, s30  }
0xba: {  	s0 =	sor.u32 s3, s0;
	s1 =	sshll.u32 s1, $0x11  }
0xbb: {  	s0 =	sor.u32 s1, s0  }
0xbc: {  	s0 =	sadd.s32 $0x8F2B, s0  }
0xbd: {  	[sflag:s0] =	ssyncadd.remote.s32 $0x1  }
0xbe: {  	_ =	sfence.sel $0xFFFF  }
0xbf: {  	[dreg:$0x0] =	wrdreg $0xFFFFFFFF;
	(pc) =	sbr.abs _section_cstart, $3  }
0xc0: {  	[dreg:$0x1] =	wrdreg $0xFFFFFFFF  }
0xc1: {  	_ =	task.clear_ibuf [dreg:s6], $0x2FFFF;
	_ =	strace $0x9FFFFFFF  }
0xc2: {  	(tm) =	ssettm $0x7FFFFFFF  }
0xc3: {  	_ =	shalt  }
tec
execute0_lowered:
.L_overlay_start_1:
0x0: {  	(tag) =	ssettag $0x1  }
0x1: {  	s0 =	srdreg.scid;
	s1 =	rddreg [dreg:$0x0]  }
0x2: {  	s2 =	rddreg [dreg:$0x1];
	s14 =	stileid.u32;
	s3 =	simm.s32 $0x0  }
0x3: {  	s28 =	simm.s32 $0x300;
	s29 =	simm.s32 $0x180;
	s30 =	simm.s32 $0x380  }
0x4: {  	s0 =	sand.u32 $0x1, s0;
	[smem:$0x7FF] =	sst s3;
	s25 =	smul.u32 $0x4E000, s14  }
0x5: {  	s5 =	sadd.s32 $0x2A00, s1;
	s10 =	sadd.s32 $0x3D600, s1;
	s31 =	smul.u32 $0x2700, s14  }
0x6: {  	s19 =	sadd.s32 $0x124800, s2;
	s4 =	sshll.u32 s0, $0x4;
	_ =	strace $0x8000004D  }
0x7: {  	s7 =	ssub.s32 $0x2, s0;
	[dreg:$0x14] =	wrdreg s19;
	s4 =	sor.u32 s14, s4  }
0x8: {  	s8 =	sshrl.u32 s7, $0x1;
	s6 =	smul.u32 $0x2710, s4;
	s4 =	sadd.s32 $0x16400, s1  }
0x9: {  	s7 =	ssub.s32 s7, s8;
	s8 =	sshrl.u32 s25, $0x2;
	s1 =	sadd.s32 $0x3AD00, s1  }
0xa: {  	s13 =	smul.u32 $0x2710, s14;
	s8 =	sadd.s32 s8, s2;
	[dreg:$0x15] =	wrdreg s1  }
0xb: {  	s18 =	smul.u32 $0x13800, s14;
	s16 =	sadd.s32 $0x1C0, s6;
	[dreg:$0x12] =	wrdreg s8  }
0xc: {  	s9 =	sshrl.u32 s6, $0x3;
	s17 =	sadd.s32 $0x230, s6;
	[dreg:$0x3] =	wrdreg s16  }
0xd: {  	p0 =	seq.s32 s14, $0xF;
	s11 =	sadd.s32 s5, s9;
	[dreg:$0x4] =	wrdreg s17  }
0xe: {  	s15 =	smul.u32 $0x138800, s0;
	s20 =	sadd.s32 $0x9C40, s11;
	[dreg:$0x8] =	wrdreg s11  }
0xf: {  	s0 =	smul.u32 $0x27100, s0;
	s21 =	sadd.s32 $0xE, s11;
	[dreg:$0x9] =	wrdreg s20  }
0x10: {  	s19 =	simm.s32 $0x4;
	s22 =	sadd.s32 $0x9C4E, s11;
	[dreg:$0xa] =	wrdreg s21  }
0x11: {  	s14 =	simm.s32 $0x5;
	s23 =	sadd.s32 $0x1C, s11;
	[dreg:$0xb] =	wrdreg s22  }
0x12: {  	s0 =	sadd.s32 s13, s0;
	s24 =	sadd.s32 $0x9C5C, s11;
	[dreg:$0xc] =	wrdreg s23  }
0x13: {  	s25 =	sshrl.u32 s15, $0x3;
	s9 =	sadd.s32 $0x2A, s11;
	[dreg:$0xd] =	wrdreg s24  }
0x14: {  	s13 =	simm.s32 $0x3C00;
	s26 =	sadd.s32 $0x9C6A, s11;
	[dreg:$0xe] =	wrdreg s9  }
0x15: {  	s8 =	simm.s32 $0x400;
	s12 =	sadd.s32 $0x4DE, s11;
	[dreg:$0xf] =	wrdreg s26  }
0x16: {  	s16 =	simm.s32 $0x3;
	s11 =	sadd.s32 $0xA11E, s11;
	[dreg:$0x10] =	wrdreg s12  }
0x17: {  	s17 =	simm.s32 $0x6;
	[dreg:$0x11] =	wrdreg s11;
	s9 =	sadd.s32 s4, s31  }
0x18: {  	s20 =	sadd.s32 $0x2A0, s6;
	s21 =	sadd.s32 s18, s15;
	s23 =	sadd.s32 $0x150, s0  }
0x19: {  	s0 =	sadd.s32 $0x4E350, s0;
	s6 =	sadd.s32 s10, s25;
	s31 =	smax.u32 s7, $0x1  }
0x1a: {  	s25 =	simm.s32 $0x280;
	s7 =	simm.s32 $0x70;
	s11 =	simm.s32 $0x20  }
0x1b: {  	s12 =	simm.s32 $0x2;
	s15 =	simm.s32 $0x7;
	[dreg:$0x13] =	wrdreg s9  }
0x1c: {  	s18 =	simm.s32 $0x8;
	[dreg:$0x5] =	wrdreg s20;
	s22 =	sshrl.u32 s21, $0x3  }
0x1d: {  	s24 =	sshrl.u32 s23, $0x3;
	s0 =	sshrl.u32 s0, $0x3;
	s26 =	sadd.s32 $0x24900, s6  }
0x1e: {  	[dreg:$0x18] =	wrdreg s31;
	s23 =	simm.s32 $0x200;
	s20 =	simm.s32 $0x7500  }
0x1f: {  	s1 =	sadd.s32 s10, s22;
	s0 =	sadd.s32 s0, s5;
	[dreg:$0x17] =	wrdreg s26  }
0x20: {  	s26 =	simm.s32 $0x100;
	s10 =	simm.s32 $0x7480;
	[dreg:$0x16] =	wrdreg s1  }
0x21: {  	s22 =	simm.s32 $0x0;
	s1 =	sadd.s32 s24, s5;
	[dreg:$0x7] =	wrdreg s0  }
0x22: {  	s24 =	simm.s32 $0x80;
	[dreg:$0x6] =	wrdreg s1;
	s1 =	simm.s32 $0x1  }
.LBB2_1:
0x23: {  	s0 =	rddreg [dreg:$0x8]  }
0x24: {  	s6 =	rddreg [dreg:$0x9]  }
0x25: {  	[tilespmem:s3], [sflag:$0x1] =	stream.linear.gather [hbm4b:s0+s3], $0x70, $0x38;
	[tilespmem:$0x1BD80] =	vst v63  }
0x26: {  	s9 =	rddreg [dreg:$0xa]  }
0x27: {  	[tilespmem:s23], [sflag:$0x1] =	stream.linear.gather [hbm4b:s6+s3], $0x70, $0x38;
	[tilespmem:$0x1BD80] =	vst v63  }
0x28: {  	s21 =	rddreg [dreg:$0xb]  }
0x29: {  	[tilespmem:s24], [sflag:$0x2] =	stream.linear.gather [hbm4b:s9+s3], $0x70, $0x38;
	[tilespmem:$0x1BD80] =	vst v63  }
0x2a: {  	s31 =	rddreg [dreg:$0xc]  }
0x2b: {  	[tilespmem:s25], [sflag:$0x2] =	stream.linear.gather [hbm4b:s21+s3], $0x70, $0x38;
	[tilespmem:$0x1BD80] =	vst v63  }
0x2c: {  	s0 =	rddreg [dreg:$0x14]  }
0x2d: {  	[tilespmem:s26], [sflag:$0x3] =	stream.linear.gather [hbm4b:s31+s3], $0x70, $0x38;
	[tilespmem:$0x1BD80] =	vst v63  }
0x2e: {  	s6 =	rddreg [dreg:$0xd]  }
0x2f: {  	[tilespmem:s28], [sflag:$0x3] =	stream.linear.gather [hbm4b:s6+s3], $0x70, $0x38;
	[tilespmem:$0x1BD80] =	vst v63  }
0x30: {  	s9 =	rddreg [dreg:$0xe]  }
0x31: {  	[tilespmem:s29], [sflag:$0x4] =	stream.linear.gather [hbm4b:s9+s3], $0x70, $0x38;
	[tilespmem:$0x1BD80] =	vst v63  }
0x32: {  	s21 =	rddreg [dreg:$0xf]  }
0x33: {  	[tilespmem:s30], [sflag:$0x4] =	stream.linear.gather [hbm4b:s21+s3], $0x70, $0x38;
	[tilespmem:$0x1BD80] =	vst v63  }
0x34: {  	s31 =	rddreg [dreg:$0x10];
	s9 =	simm.s32 $0x7400  }
0x35: {  	[tilespmem:s9], [sflag:$0x9] =	stream.linear.gather [hbm4b:s31+s3], $0x20, $0x38;
	[tilespmem:$0x1BD80] =	vst v63  }
0x36: {  	s6 =	rddreg [dreg:$0x11]  }
0x37: {  	[tilespmem:s10], [sflag:$0x9] =	stream.linear.gather [hbm4b:s6+s3], $0x20, $0x38;
	[tilespmem:$0x1BD80] =	vst v63  }
0x38: {  	s10 =	sshrl.u32 @p0 s0, $0x3;
	s6 =	rddreg [dreg:$0x15]  }
0x39: {  	s0 =	simm.s32 @p0 $0x1FCB;
	[dreg:$0x19] =	wrdreg s10  }
0x3a: {  	[spmem:s10], [sflag:s0] =	dma.local @p0 [hbm:s6], $0x2800  }
0x3b: {  	s0 =	simm.s32 @p0 $0xB  }
0x3c: {  	s6 =	stileid.u32;
	_ =	swait.ge @p0 [sflag:s0], $0x2800  }
0x3d: {  	s6 =	sshll.u32 @!p0 s6, $0x6;
	[sflag:s0] =	ssyncset.done @p0 $0x0  }
0x3e: {  	s6 =	sor.u32 @!p0 $0x1C0B, s6;
	[sflag:s0] =	ssyncadd.s32 @p0 $0xFFFFD800;
	s0 =	rddreg [dreg:$0x12]  }
0x3f: {  	[dreg:$0x1a] =	wrdreg s6  }
0x40: {  	s10 =	sshrl.u32 @!p0 s0, $0x3;
	s0 =	rddreg [dreg:$0x13]  }
0x41: {  	[dreg:$0x1b] =	wrdreg s10  }
0x42: {  	[spmem:s10], [sflag:s6] =	dma.local @!p0 [hbm:s0], $0x2700  }
0x43: {  	s6 =	simm.s32 @!p0 $0xB  }
0x44: {  	_ =	swait.ge @!p0 [sflag:s6], $0x2700  }
0x45: {  	[sflag:s6] =	ssyncset.done @!p0 $0x0  }
0x46: {  	[sflag:s6] =	ssyncadd.s32 @!p0 $0xFFFFD900  }
0x47: {  	_ =	swait.ge [sflag:s1], $0x70  }
0x48: {  	[sflag:s1] =	ssyncset.done $0x0  }
0x49: {  	[sflag:s1] =	ssyncadd.s32 $0xFFFFFF90  }
0x4a: {  	_ =	swait.ge [sflag:s1], $0x70  }
0x4b: {  	[sflag:s1] =	ssyncset.done $0x0  }
0x4c: {  	s21 =	simm.s32 $0x9;
	[sflag:s1] =	ssyncadd.s32 $0xFFFFFF90  }
0x4d: {  	[tilespmem:s8], [sflag:$0x5] =	stream.indirect.gather [hbm4b:s4+s7], $0x80, s3, s7, $0xb8;
	[tilespmem:$0x1BD80] =	vst v63  }
0x4e: {  	_ =	swait.ge [sflag:s21], $0x20  }
0x4f: {  	[sflag:s21] =	ssyncset.done $0x0  }
0x50: {  	[sflag:s21] =	ssyncadd.s32 $0xFFFFFFE0  }
0x51: {  	_ =	swait.ge [sflag:s21], $0x20  }
0x52: {  	[sflag:s21] =	ssyncset.done $0x0  }
0x53: {  	p1 =	por $0x1, $0x1;
	[sflag:s21] =	ssyncadd.s32 $0xFFFFFFE0  }
0x54: {  	[tilespmem:s20], [sflag:$0xA] =	stream.indirect.gather [hbm4b:s4+s11], $0x80, s9, s11, $0xb8;
	[tilespmem:$0x1BD80] =	vst v63  }
0x55: {  	s6 =	simm.s32 @!p1 $0x8;
	[bflag:$0x0] =	sbarrier.arrive $0xFFFF  }
0x56: {  	s11 =	simm.s32 @!p1 $0x0;
	_ =	swait.ge @!p1 [sflag:s6], $0x3800  }
0x57: {  	s20 =	simm.s32 @!p1 $0x180;
	s9 =	rddreg [dreg:$0x6];
	[sflag:s6] =	ssyncset.done @!p1 $0x0  }
0x58: {  	[sflag:s6] =	ssyncadd.s32 @!p1 $0xFFFFC800;
	s6 =	rddreg [dreg:$0x7];
	s9 =	sadd.s32 @!p1 $0x0, s9  }
0x59: {  	[tilespmem:s20], [sflag:$0x4] =	stream.linear.gather @!p1 [hbm4b:s9+s11], $0x70, $0x38;
	[tilespmem:$0x1BD80] =	vst v63  }
0x5a: {  	s6 =	sadd.s32 @!p1 $0x0, s6;
	s9 =	simm.s32 @!p1 $0x380  }
0x5b: {  	[tilespmem:s9], [sflag:$0x4] =	stream.linear.gather @!p1 [hbm4b:s6+s11], $0x70, $0x38;
	[tilespmem:$0x1BD80] =	vst v63  }
0x5c: {  	_ =	swait.ge [sflag:s12], $0x70  }
0x5d: {  	[sflag:s12] =	ssyncset.done $0x0  }
0x5e: {  	[sflag:s12] =	ssyncadd.s32 $0xFFFFFF90  }
0x5f: {  	_ =	swait.ge [sflag:s12], $0x70  }
0x60: {  	[sflag:s12] =	ssyncset.done $0x0  }
0x61: {  	[sflag:s12] =	ssyncadd.s32 $0xFFFFFF90  }
0x62: {  	[tilespmem:s13], [sflag:$0x6] =	stream.indirect.gather [hbm4b:s4+s7], $0x80, s24, s7, $0xb8;
	[tilespmem:$0x1BD80] =	vst v63  }
0x63: {  	_ =	swait.ge [sflag:s14], $0x3800  }
0x64: {  	[sflag:s14] =	ssyncset.done $0x0  }
0x65: {  	[sflag:s14] =	ssyncadd.s32 $0xFFFFC800  }
0x66: {  	[spmem:s2] =	stream.indirect.scatter.add.f32 [tilespmem:s8], [sflag:$0x7], $0x80, s23, s7, $0xb8;
	[tilespmem:$0x1BD80] =	vst v63  }
0x67: {  	s9 =	simm.s32 $0x0;
	_ =	swait.ge [sflag:s15], $0x3800  }
0x68: {  	s9 =	simm.s32 @p1 $0x0;
	s31 =	rddreg [dreg:$0x3]  }
0x69: {  	s6 =	sadd.s32 s9, s31  }
0x6a: {  	[sflag:s15] =	ssyncset.done $0x0;
	s6 =	sshrl.u32 s6, $0x3  }
0x6b: {  	[sflag:s15] =	ssyncadd.s32 $0xFFFFC800;
	s6 =	sadd.s32 s5, s6  }
0x6c: {  	[tilespmem:s3], [sflag:$0x1] =	stream.linear.gather [hbm4b:s6+s3], $0x70, $0x38;
	[tilespmem:$0x1BD80] =	vst v63  }
0x6d: {  	s6 =	sadd.s32 $0x9C40, s6  }
0x6e: {  	[tilespmem:s23], [sflag:$0x1] =	stream.linear.gather [hbm4b:s6+s3], $0x70, $0x38;
	[tilespmem:$0x1BD80] =	vst v63  }
0x6f: {  	_ =	swait.ge [sflag:s16], $0x70  }
0x70: {  	[sflag:s16] =	ssyncset.done $0x0  }
0x71: {  	[sflag:s16] =	ssyncadd.s32 $0xFFFFFF90  }
0x72: {  	_ =	swait.ge [sflag:s16], $0x70  }
0x73: {  	[sflag:s16] =	ssyncset.done $0x0  }
0x74: {  	[sflag:s16] =	ssyncadd.s32 $0xFFFFFF90  }
0x75: {  	[tilespmem:s8], [sflag:$0x5] =	stream.indirect.gather [hbm4b:s4+s7], $0x80, s26, s7, $0xb8;
	[tilespmem:$0x1BD80] =	vst v63  }
0x76: {  	_ =	swait.ge [sflag:s17], $0x3800  }
0x77: {  	[sflag:s17] =	ssyncset.done $0x0  }
0x78: {  	[sflag:s17] =	ssyncadd.s32 $0xFFFFC800  }
0x79: {  	[spmem:s2] =	stream.indirect.scatter.add.f32 [tilespmem:s13], [sflag:$0x8], $0x80, s25, s7, $0xb8;
	[tilespmem:$0x1BD80] =	vst v63  }
0x7a: {  	_ =	swait.ge [sflag:s18], $0x3800  }
0x7b: {  	p1 =	por $0x0, $0x0;
	s6 =	rddreg [dreg:$0x4]  }
0x7c: {  	s6 =	sadd.s32 @!p1 s9, s6  }
0x7d: {  	s11 =	simm.s32 @!p1 $0x80;
	[sflag:s18] =	ssyncset.done $0x0;
	s6 =	sshrl.u32 @!p1 s6, $0x3  }
0x7e: {  	s20 =	simm.s32 @!p1 $0x0;
	[sflag:s18] =	ssyncadd.s32 $0xFFFFC800;
	s6 =	sadd.s32 @!p1 s5, s6  }
0x7f: {  	[tilespmem:s11], [sflag:$0x2] =	stream.linear.gather @!p1 [hbm4b:s6+s20], $0x70, $0x38;
	[tilespmem:$0x1BD80] =	vst v63  }
0x80: {  	s6 =	sadd.s32 @!p1 $0x9C40, s6;
	s11 =	simm.s32 @!p1 $0x280  }
0x81: {  	[tilespmem:s11], [sflag:$0x2] =	stream.linear.gather @!p1 [hbm4b:s6+s20], $0x70, $0x38;
	[tilespmem:$0x1BD80] =	vst v63  }
0x82: {  	_ =	swait.ge [sflag:s19], $0x70  }
0x83: {  	[sflag:s19] =	ssyncset.done $0x0  }
0x84: {  	[sflag:s19] =	ssyncadd.s32 $0xFFFFFF90  }
0x85: {  	_ =	swait.ge [sflag:s19], $0x70  }
0x86: {  	[sflag:s19] =	ssyncset.done $0x0  }
0x87: {  	[sflag:s19] =	ssyncadd.s32 $0xFFFFFF90  }
0x88: {  	[tilespmem:s13], [sflag:$0x6] =	stream.indirect.gather [hbm4b:s4+s7], $0x80, s29, s7, $0xb8;
	[tilespmem:$0x1BD80] =	vst v63  }
0x89: {  	_ =	swait.ge [sflag:s14], $0x3800  }
0x8a: {  	[sflag:s14] =	ssyncset.done $0x0  }
0x8b: {  	[sflag:s14] =	ssyncadd.s32 $0xFFFFC800  }
0x8c: {  	[spmem:s2] =	stream.indirect.scatter.add.f32 [tilespmem:s8], [sflag:$0x7], $0x80, s28, s7, $0xb8;
	[tilespmem:$0x1BD80] =	vst v63  }
0x8d: {  	_ =	swait.ge [sflag:s15], $0x3800  }
0x8e: {  	s6 =	rddreg [dreg:$0x5]  }
0x8f: {  	s6 =	sadd.s32 @!p1 s9, s6  }
0x90: {  	[sflag:s15] =	ssyncset.done $0x0;
	s6 =	sshrl.u32 @!p1 s6, $0x3  }
0x91: {  	[sflag:s15] =	ssyncadd.s32 $0xFFFFC800;
	s9 =	simm.s32 @!p1 $0x100;
	s6 =	sadd.s32 @!p1 s5, s6  }
0x92: {  	[tilespmem:s9], [sflag:$0x3] =	stream.linear.gather @!p1 [hbm4b:s6+s20], $0x70, $0x38;
	[tilespmem:$0x1BD80] =	vst v63  }
0x93: {  	s6 =	sadd.s32 @!p1 $0x9C40, s6;
	s9 =	simm.s32 @!p1 $0x300  }
0x94: {  	[tilespmem:s9], [sflag:$0x3] =	stream.linear.gather @!p1 [hbm4b:s6+s20], $0x70, $0x38;
	[tilespmem:$0x1BD80] =	vst v63  }
0x95: {  	_ =	swait.ge [sflag:s1], $0x70  }
0x96: {  	[sflag:s1] =	ssyncset.done $0x0  }
0x97: {  	[sflag:s1] =	ssyncadd.s32 $0xFFFFFF90  }
0x98: {  	_ =	swait.ge [sflag:s1], $0x70  }
0x99: {  	[sflag:s1] =	ssyncset.done $0x0  }
0x9a: {  	[sflag:s1] =	ssyncadd.s32 $0xFFFFFF90  }
0x9b: {  	[tilespmem:s8], [sflag:$0x5] =	stream.indirect.gather [hbm4b:s4+s7], $0x80, s3, s7, $0xb8;
	[tilespmem:$0x1BD80] =	vst v63  }
0x9c: {  	p2 =	por $0x0, $0x0;
	s21 =	simm.s32 $0x70;
	_ =	swait.ge [sflag:s17], $0x3800  }
0x9d: {  	s6 =	simm.s32 $0x38;
	s20 =	simm.s32 $0x1C0;
	[sflag:s17] =	ssyncset.done $0x0  }
.LBB2_2:
0x9e: {  	s11 =	simm.s32 @!p2 $0x8;
	[sflag:s17] =	ssyncadd.s32 $0xFFFFC800  }
0x9f: {  	[spmem:s2] =	stream.indirect.scatter.add.f32 [tilespmem:s13], [sflag:$0x8], $0x80, s30, s7, $0xb8;
	[tilespmem:$0x1BD80] =	vst v63  }
0xa0: {  	s0 =	simm.s32 @!p2 $0x0;
	_ =	swait.ge @!p2 [sflag:s11], $0x3800  }
0xa1: {  	s10 =	simm.s32 @!p2 $0x180;
	[sflag:s11] =	ssyncset.done @!p2 $0x0;
	s31 =	rddreg [dreg:$0x6]  }
0xa2: {  	[sflag:s11] =	ssyncadd.s32 @!p2 $0xFFFFC800;
	s11 =	rddreg [dreg:$0x7];
	s31 =	sadd.s32 @!p2 s6, s31  }
0xa3: {  	[tilespmem:s10], [sflag:$0x4] =	stream.linear.gather @!p2 [hbm4b:s31+s0], $0x70, $0x38;
	[tilespmem:$0x1BD80] =	vst v63  }
0xa4: {  	s10 =	sadd.s32 @!p2 s6, s11;
	s11 =	simm.s32 @!p2 $0x380  }
0xa5: {  	[tilespmem:s11], [sflag:$0x4] =	stream.linear.gather @!p2 [hbm4b:s10+s0], $0x70, $0x38;
	[tilespmem:$0x1BD80] =	vst v63  }
0xa6: {  	_ =	swait.ge [sflag:s12], $0x70  }
0xa7: {  	[sflag:s12] =	ssyncset.done $0x0  }
0xa8: {  	[sflag:s12] =	ssyncadd.s32 $0xFFFFFF90  }
0xa9: {  	_ =	swait.ge [sflag:s12], $0x70  }
0xaa: {  	[sflag:s12] =	ssyncset.done $0x0  }
0xab: {  	[sflag:s12] =	ssyncadd.s32 $0xFFFFFF90  }
0xac: {  	[tilespmem:s13], [sflag:$0x6] =	stream.indirect.gather [hbm4b:s4+s7], $0x80, s24, s7, $0xb8;
	[tilespmem:$0x1BD80] =	vst v63  }
0xad: {  	_ =	swait.ge [sflag:s14], $0x3800  }
0xae: {  	[sflag:s14] =	ssyncset.done $0x0  }
0xaf: {  	[sflag:s14] =	ssyncadd.s32 $0xFFFFC800  }
0xb0: {  	[spmem:s2] =	stream.indirect.scatter.add.f32 [tilespmem:s8], [sflag:$0x7], $0x80, s23, s7, $0xb8;
	[tilespmem:$0x1BD80] =	vst v63  }
0xb1: {  	s11 =	smov.u32 s20;
	_ =	swait.ge [sflag:s15], $0x3800  }
0xb2: {  	s11 =	simm.s32 @p2 $0x0;
	s31 =	rddreg [dreg:$0x3]  }
0xb3: {  	s0 =	sadd.s32 s11, s31  }
0xb4: {  	[sflag:s15] =	ssyncset.done $0x0;
	s0 =	sshrl.u32 s0, $0x3  }
0xb5: {  	[sflag:s15] =	ssyncadd.s32 $0xFFFFC800;
	s0 =	sadd.s32 s5, s0  }
0xb6: {  	[tilespmem:s3], [sflag:$0x1] =	stream.linear.gather [hbm4b:s0+s3], $0x70, $0x38;
	[tilespmem:$0x1BD80] =	vst v63  }
0xb7: {  	s0 =	sadd.s32 $0x9C40, s0  }
0xb8: {  	[tilespmem:s23], [sflag:$0x1] =	stream.linear.gather [hbm4b:s0+s3], $0x70, $0x38;
	[tilespmem:$0x1BD80] =	vst v63  }
0xb9: {  	_ =	swait.ge [sflag:s16], $0x70  }
0xba: {  	[sflag:s16] =	ssyncset.done $0x0  }
0xbb: {  	[sflag:s16] =	ssyncadd.s32 $0xFFFFFF90  }
0xbc: {  	_ =	swait.ge [sflag:s16], $0x70  }
0xbd: {  	[sflag:s16] =	ssyncset.done $0x0  }
0xbe: {  	[sflag:s16] =	ssyncadd.s32 $0xFFFFFF90  }
0xbf: {  	[tilespmem:s8], [sflag:$0x5] =	stream.indirect.gather [hbm4b:s4+s7], $0x80, s26, s7, $0xb8;
	[tilespmem:$0x1BD80] =	vst v63  }
0xc0: {  	_ =	swait.ge [sflag:s17], $0x3800  }
0xc1: {  	[sflag:s17] =	ssyncset.done $0x0  }
0xc2: {  	[sflag:s17] =	ssyncadd.s32 $0xFFFFC800  }
0xc3: {  	[spmem:s2] =	stream.indirect.scatter.add.f32 [tilespmem:s13], [sflag:$0x8], $0x80, s25, s7, $0xb8;
	[tilespmem:$0x1BD80] =	vst v63  }
0xc4: {  	_ =	swait.ge [sflag:s18], $0x3800  }
0xc5: {  	s9 =	smov.u32 s21;
	p2 =	seq.s32 s6, $0x498;
	s0 =	rddreg [dreg:$0x4]  }
0xc6: {  	s6 =	smov.u32 s9;
	s0 =	sadd.s32 @!p2 s11, s0  }
0xc7: {  	s9 =	simm.s32 @!p2 $0x80;
	[sflag:s18] =	ssyncset.done $0x0;
	s0 =	sshrl.u32 @!p2 s0, $0x3  }
0xc8: {  	s10 =	simm.s32 @!p2 $0x0;
	[sflag:s18] =	ssyncadd.s32 $0xFFFFC800;
	s0 =	sadd.s32 @!p2 s5, s0  }
0xc9: {  	[tilespmem:s9], [sflag:$0x2] =	stream.linear.gather @!p2 [hbm4b:s0+s10], $0x70, $0x38;
	[tilespmem:$0x1BD80] =	vst v63  }
0xca: {  	s0 =	sadd.s32 @!p2 $0x9C40, s0;
	s9 =	simm.s32 @!p2 $0x280  }
0xcb: {  	[tilespmem:s9], [sflag:$0x2] =	stream.linear.gather @!p2 [hbm4b:s0+s10], $0x70, $0x38;
	[tilespmem:$0x1BD80] =	vst v63  }
0xcc: {  	_ =	swait.ge [sflag:s19], $0x70  }
0xcd: {  	[sflag:s19] =	ssyncset.done $0x0  }
0xce: {  	[sflag:s19] =	ssyncadd.s32 $0xFFFFFF90  }
0xcf: {  	_ =	swait.ge [sflag:s19], $0x70  }
0xd0: {  	[sflag:s19] =	ssyncset.done $0x0  }
0xd1: {  	[sflag:s19] =	ssyncadd.s32 $0xFFFFFF90  }
0xd2: {  	[tilespmem:s13], [sflag:$0x6] =	stream.indirect.gather [hbm4b:s4+s7], $0x80, s29, s7, $0xb8;
	[tilespmem:$0x1BD80] =	vst v63  }
0xd3: {  	_ =	swait.ge [sflag:s14], $0x3800  }
0xd4: {  	[sflag:s14] =	ssyncset.done $0x0  }
0xd5: {  	[sflag:s14] =	ssyncadd.s32 $0xFFFFC800  }
0xd6: {  	[spmem:s2] =	stream.indirect.scatter.add.f32 [tilespmem:s8], [sflag:$0x7], $0x80, s28, s7, $0xb8;
	[tilespmem:$0x1BD80] =	vst v63  }
0xd7: {  	_ =	swait.ge [sflag:s15], $0x3800  }
0xd8: {  	s0 =	rddreg [dreg:$0x5]  }
0xd9: {  	s0 =	sadd.s32 @!p2 s11, s0  }
0xda: {  	[sflag:s15] =	ssyncset.done $0x0;
	s0 =	sshrl.u32 @!p2 s0, $0x3  }
0xdb: {  	s9 =	simm.s32 @!p2 $0x100;
	[sflag:s15] =	ssyncadd.s32 $0xFFFFC800;
	s0 =	sadd.s32 @!p2 s5, s0  }
0xdc: {  	[tilespmem:s9], [sflag:$0x3] =	stream.linear.gather @!p2 [hbm4b:s0+s10], $0x70, $0x38;
	[tilespmem:$0x1BD80] =	vst v63  }
0xdd: {  	s0 =	sadd.s32 @!p2 $0x9C40, s0;
	s9 =	simm.s32 @!p2 $0x300  }
0xde: {  	[tilespmem:s9], [sflag:$0x3] =	stream.linear.gather @!p2 [hbm4b:s0+s10], $0x70, $0x38;
	[tilespmem:$0x1BD80] =	vst v63  }
0xdf: {  	_ =	swait.ge [sflag:s1], $0x70  }
0xe0: {  	[sflag:s1] =	ssyncset.done $0x0  }
0xe1: {  	s21 =	sadd.s32 $0x38, s21;
	[sflag:s1] =	ssyncadd.s32 $0xFFFFFF90  }
0xe2: {  	p1 =	sne.s32 s21, $0x4D0;
	_ =	swait.ge [sflag:s1], $0x70  }
.Ltmp0:
0xe3: {  	[sflag:s1] =	ssyncset.done $0x0;
	(pc) =	sbr.rel @p1 .LBB2_2-.Ltmp0, $4  }
0xe4: {  	[sflag:s1] =	ssyncadd.s32 $0xFFFFFF90  }
0xe5: {  	[tilespmem:s8], [sflag:$0x5] =	stream.indirect.gather [hbm4b:s4+s7], $0x80, s3, s7, $0xb8;
	[tilespmem:$0x1BD80] =	vst v63  }
0xe6: {  	_ =	swait.ge [sflag:s17], $0x3800  }
0xe7: {  	s20 =	sadd.s32 $0x1C0, s20;
	p2 =	seq.s32 s6, $0x0;
	[sflag:s17] =	ssyncset.done $0x0  }
0xe8: {  	s0 =	simm.s32 @!p2 $0x8;
	[sflag:s17] =	ssyncadd.s32 $0xFFFFC800  }
0xe9: {  	[spmem:s2] =	stream.indirect.scatter.add.f32 [tilespmem:s13], [sflag:$0x8], $0x80, s30, s7, $0xb8;
	[tilespmem:$0x1BD80] =	vst v63  }
0xea: {  	s10 =	simm.s32 @!p2 $0x0;
	_ =	swait.ge @!p2 [sflag:s0], $0x3800  }
0xeb: {  	s11 =	simm.s32 @!p2 $0x180;
	s9 =	rddreg [dreg:$0x6];
	[sflag:s0] =	ssyncset.done @!p2 $0x0  }
0xec: {  	[sflag:s0] =	ssyncadd.s32 @!p2 $0xFFFFC800;
	s0 =	rddreg [dreg:$0x7];
	s9 =	sadd.s32 @!p2 s6, s9  }
0xed: {  	[tilespmem:s11], [sflag:$0x4] =	stream.linear.gather @!p2 [hbm4b:s9+s10], $0x70, $0x38;
	[tilespmem:$0x1BD80] =	vst v63  }
0xee: {  	s0 =	sadd.s32 @!p2 s6, s0;
	s9 =	simm.s32 @!p2 $0x380  }
0xef: {  	[tilespmem:s9], [sflag:$0x4] =	stream.linear.gather @!p2 [hbm4b:s0+s10], $0x70, $0x38;
	[tilespmem:$0x1BD80] =	vst v63  }
0xf0: {  	_ =	swait.ge [sflag:s12], $0x70  }
0xf1: {  	[sflag:s12] =	ssyncset.done $0x0  }
0xf2: {  	[sflag:s12] =	ssyncadd.s32 $0xFFFFFF90  }
0xf3: {  	_ =	swait.ge [sflag:s12], $0x70  }
0xf4: {  	[sflag:s12] =	ssyncset.done $0x0  }
0xf5: {  	[sflag:s12] =	ssyncadd.s32 $0xFFFFFF90  }
0xf6: {  	[tilespmem:s13], [sflag:$0x6] =	stream.indirect.gather [hbm4b:s4+s7], $0x80, s24, s7, $0xb8;
	[tilespmem:$0x1BD80] =	vst v63  }
0xf7: {  	_ =	swait.ge [sflag:s14], $0x3800  }
0xf8: {  	[sflag:s14] =	ssyncset.done $0x0  }
0xf9: {  	[sflag:s14] =	ssyncadd.s32 $0xFFFFC800  }
0xfa: {  	[spmem:s2] =	stream.indirect.scatter.add.f32 [tilespmem:s8], [sflag:$0x7], $0x80, s23, s7, $0xb8;
	[tilespmem:$0x1BD80] =	vst v63  }
0xfb: {  	_ =	swait.ge [sflag:s15], $0x3800  }
0xfc: {  	s20 =	simm.s32 @p2 $0x0;
	s31 =	rddreg [dreg:$0x3]  }
0xfd: {  	s0 =	sadd.s32 s20, s31  }
0xfe: {  	[sflag:s15] =	ssyncset.done $0x0;
	s0 =	sshrl.u32 s0, $0x3  }
0xff: {  	[sflag:s15] =	ssyncadd.s32 $0xFFFFC800;
	s0 =	sadd.s32 s5, s0  }
0x100: {  	[tilespmem:s3], [sflag:$0x1] =	stream.linear.gather [hbm4b:s0+s3], $0x70, $0x38;
	[tilespmem:$0x1BD80] =	vst v63  }
0x101: {  	s0 =	sadd.s32 $0x9C40, s0  }
0x102: {  	[tilespmem:s23], [sflag:$0x1] =	stream.linear.gather [hbm4b:s0+s3], $0x70, $0x38;
	[tilespmem:$0x1BD80] =	vst v63  }
0x103: {  	_ =	swait.ge [sflag:s16], $0x70  }
0x104: {  	[sflag:s16] =	ssyncset.done $0x0  }
0x105: {  	[sflag:s16] =	ssyncadd.s32 $0xFFFFFF90  }
0x106: {  	_ =	swait.ge [sflag:s16], $0x70  }
0x107: {  	[sflag:s16] =	ssyncset.done $0x0  }
0x108: {  	[sflag:s16] =	ssyncadd.s32 $0xFFFFFF90  }
0x109: {  	[tilespmem:s8], [sflag:$0x5] =	stream.indirect.gather [hbm4b:s4+s7], $0x80, s26, s7, $0xb8;
	[tilespmem:$0x1BD80] =	vst v63  }
0x10a: {  	_ =	swait.ge [sflag:s17], $0x3800  }
0x10b: {  	[sflag:s17] =	ssyncset.done $0x0  }
0x10c: {  	[sflag:s17] =	ssyncadd.s32 $0xFFFFC800  }
0x10d: {  	[spmem:s2] =	stream.indirect.scatter.add.f32 [tilespmem:s13], [sflag:$0x8], $0x80, s25, s7, $0xb8;
	[tilespmem:$0x1BD80] =	vst v63  }
0x10e: {  	_ =	swait.ge [sflag:s18], $0x3800  }
0x10f: {  	p1 =	seq.s32 s6, $0x498;
	s0 =	rddreg [dreg:$0x4]  }
0x110: {  	s0 =	sadd.s32 @!p1 s20, s0  }
0x111: {  	s6 =	simm.s32 @!p1 $0x80;
	[sflag:s18] =	ssyncset.done $0x0;
	s0 =	sshrl.u32 @!p1 s0, $0x3  }
0x112: {  	s9 =	simm.s32 @!p1 $0x0;
	[sflag:s18] =	ssyncadd.s32 $0xFFFFC800;
	s0 =	sadd.s32 @!p1 s5, s0  }
0x113: {  	[tilespmem:s6], [sflag:$0x2] =	stream.linear.gather @!p1 [hbm4b:s0+s9], $0x70, $0x38;
	[tilespmem:$0x1BD80] =	vst v63  }
0x114: {  	s0 =	sadd.s32 @!p1 $0x9C40, s0;
	s6 =	simm.s32 @!p1 $0x280  }
0x115: {  	[tilespmem:s6], [sflag:$0x2] =	stream.linear.gather @!p1 [hbm4b:s0+s9], $0x70, $0x38;
	[tilespmem:$0x1BD80] =	vst v63  }
0x116: {  	_ =	swait.ge [sflag:s19], $0x70  }
0x117: {  	[sflag:s19] =	ssyncset.done $0x0  }
0x118: {  	[sflag:s19] =	ssyncadd.s32 $0xFFFFFF90  }
0x119: {  	_ =	swait.ge [sflag:s19], $0x70  }
0x11a: {  	[sflag:s19] =	ssyncset.done $0x0  }
0x11b: {  	[sflag:s19] =	ssyncadd.s32 $0xFFFFFF90  }
0x11c: {  	[tilespmem:s13], [sflag:$0x6] =	stream.indirect.gather [hbm4b:s4+s7], $0x80, s29, s7, $0xb8;
	[tilespmem:$0x1BD80] =	vst v63  }
0x11d: {  	_ =	swait.ge [sflag:s14], $0x3800  }
0x11e: {  	[sflag:s14] =	ssyncset.done $0x0  }
0x11f: {  	[sflag:s14] =	ssyncadd.s32 $0xFFFFC800  }
0x120: {  	[spmem:s2] =	stream.indirect.scatter.add.f32 [tilespmem:s8], [sflag:$0x7], $0x80, s28, s7, $0xb8;
	[tilespmem:$0x1BD80] =	vst v63  }
0x121: {  	_ =	swait.ge [sflag:s15], $0x3800  }
0x122: {  	s0 =	rddreg [dreg:$0x5]  }
0x123: {  	s0 =	sadd.s32 @!p1 s20, s0  }
0x124: {  	[sflag:s15] =	ssyncset.done $0x0;
	s0 =	sshrl.u32 @!p1 s0, $0x3  }
0x125: {  	s6 =	simm.s32 @!p1 $0x100;
	[sflag:s15] =	ssyncadd.s32 $0xFFFFC800;
	s0 =	sadd.s32 @!p1 s5, s0  }
0x126: {  	[tilespmem:s6], [sflag:$0x3] =	stream.linear.gather @!p1 [hbm4b:s0+s9], $0x70, $0x38;
	[tilespmem:$0x1BD80] =	vst v63  }
0x127: {  	s0 =	sadd.s32 @!p1 $0x9C40, s0;
	s6 =	simm.s32 @!p1 $0x300  }
0x128: {  	[tilespmem:s6], [sflag:$0x3] =	stream.linear.gather @!p1 [hbm4b:s0+s9], $0x70, $0x38;
	[tilespmem:$0x1BD80] =	vst v63  }
0x129: {  	_ =	swait.ge [sflag:s1], $0x70  }
0x12a: {  	[sflag:s1] =	ssyncset.done $0x0  }
0x12b: {  	[sflag:s1] =	ssyncadd.s32 $0xFFFFFF90  }
0x12c: {  	_ =	swait.ge [sflag:s1], $0x70  }
0x12d: {  	[sflag:s1] =	ssyncset.done $0x0  }
0x12e: {  	[sflag:s1] =	ssyncadd.s32 $0xFFFFFF90  }
0x12f: {  	[tilespmem:s8], [sflag:$0x5] =	stream.indirect.gather [hbm4b:s4+s7], $0x80, s3, s7, $0xb8;
	[tilespmem:$0x1BD80] =	vst v63  }
0x130: {  	_ =	swait.ge [sflag:s17], $0x3800  }
0x131: {  	[sflag:s17] =	ssyncset.done $0x0  }
0x132: {  	[sflag:s17] =	ssyncadd.s32 $0xFFFFC800  }
0x133: {  	[spmem:s2] =	stream.indirect.scatter.add.f32 [tilespmem:s13], [sflag:$0x8], $0x80, s30, s7, $0xb8;
	[tilespmem:$0x1BD80] =	vst v63  }
0x134: {  	_ =	swait.ge [sflag:s18], $0x3800  }
0x135: {  	[sflag:s18] =	ssyncset.done $0x0  }
0x136: {  	[sflag:s18] =	ssyncadd.s32 $0xFFFFC800  }
0x137: {  	_ =	swait.ge [sflag:s14], $0x3800  }
0x138: {  	[sflag:s14] =	ssyncset.done $0x0  }
0x139: {  	s9 =	simm.s32 $0xB;
	[sflag:s14] =	ssyncadd.s32 $0xFFFFC800  }
0x13a: {  	[spmem:s2] =	stream.indirect.scatter.add.f32 [tilespmem:s8], [sflag:$0xB], $0x80, s23, s7, $0xb8;
	[tilespmem:$0x1BD80] =	vst v63  }
0x13b: {  	_ =	swait.ge [sflag:s9], $0x3800  }
0x13c: {  	[sflag:s9] =	ssyncset.done $0x0  }
0x13d: {  	s21 =	simm.s32 $0xA;
	[sflag:s9] =	ssyncadd.s32 $0xFFFFC800  }
0x13e: {  	_ =	swait.ge [sflag:s21], $0x1000  }
0x13f: {  	s11 =	simm.s32 $0x20;
	[sflag:s21] =	ssyncset.done $0x0  }
0x140: {  	s10 =	simm.s32 $0x7480;
	s20 =	simm.s32 $0x7500;
	[sflag:s21] =	ssyncadd.s32 $0xFFFFF000  }
0x141: {  	[spmem:s2] =	stream.indirect.scatter.add.f32 [tilespmem:s20], [sflag:$0xB], $0x80, s10, s11, $0xb8;
	[tilespmem:$0x1BD80] =	vst v63  }
0x142: {  	_ =	swait.ge [sflag:s9], $0x1000  }
0x143: {  	[sflag:s9] =	ssyncset.done $0x0  }
0x144: {  	[sflag:s9] =	ssyncadd.s32 $0xFFFFF000  }
0x145: {  	[bflag:$0x0] =	sbarrier.arrive $0xFFFF  }
0x146: {  	s6 =	rddreg [dreg:$0x17]  }
0x147: {  	s0 =	simm.s32 @p0 $0x1FCB;
	s9 =	rddreg [dreg:$0x19]  }
0x148: {  	[hbm:s6], [sflag:s0] =	dma.local @p0 [spmem:s9], $0x2800  }
0x149: {  	s0 =	simm.s32 @p0 $0xB  }
0x14a: {  	_ =	swait.ge @p0 [sflag:s0], $0x2800  }
0x14b: {  	s6 =	rddreg [dreg:$0x1a]  }
0x14c: {  	[sflag:s0] =	ssyncset.done @p0 $0x0;
	s9 =	rddreg [dreg:$0x1b]  }
0x14d: {  	[sflag:s0] =	ssyncadd.s32 @p0 $0xFFFFD800;
	s0 =	rddreg [dreg:$0x16]  }
0x14e: {  	[hbm:s0], [sflag:s6] =	dma.local @!p0 [spmem:s9], $0x2700  }
0x14f: {  	s0 =	simm.s32 @!p0 $0xB  }
0x150: {  	_ =	swait.ge @!p0 [sflag:s0], $0x2700  }
0x151: {  	s22 =	sadd.s32 $0x1, s22;
	s31 =	rddreg [dreg:$0x18]  }
0x152: {  	p1 =	sne.s32 s22, s31  }
.Ltmp1:
0x153: {  	_ = 	snop;
	(pc) =	sbr.rel @p1 .LBB2_1-.Ltmp1, $3  }
0x154: {  	_ =	sdelay $0x1  }
0x155: {  	[sflag:s0] =	ssyncset.done @!p0 $0x0  }
0x156: {  	[sflag:s0] =	ssyncadd.s32 @!p0 $0xFFFFD900  }
0x157: {  	_ =	sfence.sel $0x180000  }
0x158: {  	[bflag:$0x0] =	sbarrier.arrive $0xFFFF  }
0x159: {  	_ =	strace $0x9000004D  }
0x15a: {  	s0 =	stileid.u32;
	[bflag:$0x2] =	sbarrier.arrive $0xFFFF  }
0x15b: {  	p0 =	sne.s32 s0, $0x0;
	s0 =	rddreg [dreg:$0x2]  }
0x15c: {  	s0 =	sadd.s32 @!p0 $0x100000, s0  }
0x15d: {  	[sflag:s0] =	ssyncadd.tile.s32 @!p0 $0x1;
	_ =	shalt  }
.Lfunc_end2:
_tile_overlayer_lowered:
.L_overlay_start_2:
0x15e: {  	(tag) =	ssettag $0x2  }
0x15f: {  	s0 =	rddreg [dreg:$0x0];
	s2 =	stileid.u32  }
0x160: {  	s1 =	rddreg [dreg:$0x1];
	p0 =	sne.s32 s2, $0x0  }
0x161: {  	s3 =	rddreg [dreg:$0x2];
	[bflag:$0x3] =	sbarrier.arrive $0xFFFF;
	s2 =	simm.s32 @!p0 $0x1C0B  }
0x162: {  	[timem:s3], [sflag:s2] =	dma.local @!p0 [hbm:s0], s1  }
0x163: {  	s0 =	simm.s32 @!p0 $0xB  }
0x164: {  	_ =	swait.ge @!p0 [sflag:s0], s1  }
0x165: {  	s1 =	ssub.s32 @!p0 $0x0, s1;
	[sflag:s0] =	ssyncset.done @!p0 $0x0  }
0x166: {  	[sflag:s0] =	ssyncadd.s32 @!p0 s1  }
0x167: {  	[bflag:$0x3] =	sbarrier.arrive $0xFFFF  }
0x168: {  	_ =	shalt  }

// kernel: kernel.8.cloned.1.call-start
scs
__scs_entry_jumppad:
0x0: {  	(pc) =	sbr.rel $0x88, $3  }
0x1: {  	(tag) =	ssettag $0x0;
	lr =	simm.s32 $0x1  }
0x2: {  	[smem:$0x3F9A] =	sst lr;
	_ =	strace $0xD0000000  }
0x3: {  	_ = 	snop  }
0x4: {  	_ = 	snop  }
0x5: {  	_ = 	snop  }
0x6: {  	_ = 	snop  }
0x7: {  	_ = 	snop  }
__scs_overlays_trampoline_lowered:
0x8: {  	[smem:$0x3FA9] =	sst s0  }
0x9: {  	[smem:$0x3FAA] =	sst s1  }
0xa: {  	[smem:$0x3FAB] =	sst s2  }
0xb: {  	[smem:$0x3FAC] =	sst s3  }
0xc: {  	[smem:$0x3FAD] =	sst s4  }
0xd: {  	[smem:$0x3FAE] =	sst s5  }
0xe: {  	[smem:$0x3FAF] =	sst s6  }
0xf: {  	[smem:$0x3FB0] =	sst s7  }
0x10: {  	[smem:$0x3FB1] =	sst s8  }
0x11: {  	[smem:$0x3FB2] =	sst s9;
	s0 =	simm.s32 @!p0 $0x0  }
0x12: {  	s1 =	sld [smem:$0x3F98];
	s0 =	simm.s32 @p0 $0x1  }
0x13: {  	[smem:$0x3FB3] =	sst s0;
	s0 =	simm.s32 @!p1 $0x0  }
0x14: {  	s2 =	sld [smem:$0x3F97];
	s0 =	simm.s32 @p1 $0x1  }
0x15: {  	[smem:$0x3FB4] =	sst s0;
	s0 =	simm.s32 @!p2 $0x0  }
0x16: {  	s3 =	sld [smem:$0x3FDB];
	s0 =	simm.s32 @p2 $0x1  }
0x17: {  	s4 =	simm.s32 $0x1BF5;
	[smem:$0x3FB6] =	sst s0  }
0x18: {  	s0 =	sld [smem:$0x3F99];
	_ =	swait.ge [sflag:s4], $0x0  }
0x19: {  	s7 =	sld [smem:$0x3F9A]  }
0x1a: {  	s8 =	sadd.s32 $0xFFFFE003, lr  }
0x1b: {  	s9 =	sadd.s32 $0xFFFFFEF7, lr;
	s5 =	simm.s32 $0xFFFFFFFF;
	p2 =	slt.u32 s8, $0xFFFFF086  }
0x1c: {  	p1 =	slt.u32 s9, $0xF7A;
	s5 =	simm.s32 @!p2 $0x0  }
0x1d: {  	s5 =	simm.s32 @p1 $0x1;
	p0 =	seq.s32 s7, s2  }
0x1e: {  	s7 =	smul.u32 @!p0 $0xF7A, s2;
	p2 =	seq.s32 @!p0 s5, $0x0  }
0x1f: {  	s9 =	smul.u32 $0xF7A, s1;
	s8 =	simm.s32 @!p0 $0x1BF5;
	p2 =	por !p2, p0  }
0x20: {  	[sflag:s8] =	ssyncset.s32 @!p0 $0xFFFFF086;
	s6 =	sadd.s32 @!p0 s3, s7;
	s7 =	simm.s32 @!p0 $0x108  }
0x21: {  	s3 =	sadd.s32 s3, s9;
	s6 =	sadd.s32 @!p0 $0x88, s6;
	s7 =	simm.s32 @p2 $0x1082  }
0x22: {  	[simem:s7], [sflag:s8] =	dma.local @!p0 [hbm:s6], $0xF7A  }
0x23: {  	s9 =	sor.u32 $0xD0000000, s2;
	s6 =	simm.s32 $0x108;
	_ =	swait.ge @!p0 [sflag:s8], $0x0  }
0x24: {  	s3 =	sadd.s32 $0x88, s3;
	s6 =	simm.s32 @!p1 $0x1082;
	[sflag:s4] =	ssyncset.s32 $0xFFFFF086  }
0x25: {  	[simem:s6], [sflag:s4] =	dma.local [hbm:s3], $0xF7A  }
0x26: {  	[smem:$0x3F9A] =	sst s1;
	(tag) =	ssettag s2;
	_ =	strace s9  }
0x27: {  	s1 =	sld [smem:$0x3FAA]  }
0x28: {  	s2 =	sld [smem:$0x3FAB]  }
0x29: {  	s4 =	sld [smem:$0x3FAD]  }
0x2a: {  	p0 =	seq.s32 s5, $0x0;
	s5 =	sld [smem:$0x3FAE]  }
0x2b: {  	s6 =	sld [smem:$0x3FAF]  }
0x2c: {  	s7 =	sld [smem:$0x3FB0]  }
0x2d: {  	s3 =	simm.s32 $0x108;
	s8 =	sld [smem:$0x3FB1]  }
0x2e: {  	s3 =	simm.s32 @!p0 $0x1082;
	s9 =	sld [smem:$0x3FB2]  }
0x2f: {  	lr =	sadd.s32 s0, s3;
	s0 =	sld [smem:$0x3FA9]  }
0x30: {  	s3 =	sld [smem:$0x3FAC]  }
0x31: {  	[smem:$0x3FB5] =	sst s10  }
0x32: {  	s10 =	sld [smem:$0x3FB3];
	_ =	sdelay $0x3  }
0x33: {  	p0 =	seq.s32 s10, $0x1;
	s10 =	sld [smem:$0x3FB5];
	_ =	sdelay $0x3  }
0x34: {  	[smem:$0x3FB5] =	sst s10  }
0x35: {  	s10 =	sld [smem:$0x3FB4];
	_ =	sdelay $0x3  }
0x36: {  	p1 =	seq.s32 s10, $0x1;
	s10 =	sld [smem:$0x3FB5];
	_ =	sdelay $0x3  }
0x37: {  	[smem:$0x3FB5] =	sst s10  }
0x38: {  	s10 =	sld [smem:$0x3FB6]  }
0x39: {  	_ = 	snop;
	(pc) =	sbr.ind lr, $3  }
0x3a: {  	_ = 	snop  }
0x3b: {  	_ = 	snop  }
0x3c: {  	p2 =	seq.s32 s10, $0x1;
	s10 =	sld [smem:$0x3FB5]  }
0x3d: {  	_ =	shalt  }
0x3e: {  	_ =	shalt  }
0x3f: {  	_ =	shalt  }
0x40: {  	_ =	shalt  }
0x41: {  	_ =	shalt  }
0x42: {  	_ =	shalt  }
0x43: {  	_ =	shalt  }
0x44: {  	_ =	shalt  }
0x45: {  	_ =	shalt  }
0x46: {  	_ =	shalt  }
0x47: {  	_ =	shalt  }
0x48: {  	_ =	shalt  }
0x49: {  	_ =	shalt  }
0x4a: {  	_ =	shalt  }
0x4b: {  	_ =	shalt  }
0x4c: {  	_ =	shalt  }
0x4d: {  	_ =	shalt  }
0x4e: {  	_ =	shalt  }
0x4f: {  	_ =	shalt  }
0x50: {  	_ =	shalt  }
0x51: {  	_ =	shalt  }
0x52: {  	_ =	shalt  }
0x53: {  	_ =	shalt  }
0x54: {  	_ =	shalt  }
0x55: {  	_ =	shalt  }
0x56: {  	_ =	shalt  }
0x57: {  	_ =	shalt  }
0x58: {  	_ =	shalt  }
0x59: {  	_ =	shalt  }
0x5a: {  	_ =	shalt  }
0x5b: {  	_ =	shalt  }
0x5c: {  	_ =	shalt  }
0x5d: {  	_ =	shalt  }
0x5e: {  	_ =	shalt  }
0x5f: {  	_ =	shalt  }
0x60: {  	_ =	shalt  }
0x61: {  	_ =	shalt  }
0x62: {  	_ =	shalt  }
0x63: {  	_ =	shalt  }
0x64: {  	_ =	shalt  }
0x65: {  	_ =	shalt  }
0x66: {  	_ =	shalt  }
0x67: {  	_ =	shalt  }
0x68: {  	_ =	shalt  }
0x69: {  	_ =	shalt  }
0x6a: {  	_ =	shalt  }
0x6b: {  	_ =	shalt  }
0x6c: {  	_ =	shalt  }
0x6d: {  	_ =	shalt  }
0x6e: {  	_ =	shalt  }
0x6f: {  	_ =	shalt  }
0x70: {  	_ =	shalt  }
0x71: {  	_ =	shalt  }
0x72: {  	_ =	shalt  }
0x73: {  	_ =	shalt  }
0x74: {  	_ =	shalt  }
0x75: {  	_ =	shalt  }
0x76: {  	_ =	shalt  }
0x77: {  	_ =	shalt  }
0x78: {  	_ =	shalt  }
0x79: {  	_ =	shalt  }
0x7a: {  	_ =	shalt  }
0x7b: {  	_ =	shalt  }
0x7c: {  	_ =	shalt  }
0x7d: {  	_ =	shalt  }
0x7e: {  	_ =	shalt  }
0x7f: {  	_ =	shalt  }
0x80: {  	_ =	shalt  }
0x81: {  	_ =	shalt  }
0x82: {  	_ =	shalt  }
0x83: {  	_ =	shalt  }
0x84: {  	_ =	shalt  }
0x85: {  	_ =	shalt  }
0x86: {  	_ =	shalt  }
0x87: {  	_ =	shalt  }
.Lfunc_end0:
.L_simem_size_0:
called_computation_lowered:
.L_overlay_start_0:
0x88: {  	s2 =	sld [smem:$0x3FD9]  }
0x89: {  	s3 =	sld [smem:$0x3FFE];
	_ =	sdelay $0x1  }
0x8a: {  	s1 =	srdreg.scid  }
0x8b: {  	s0 =	sand.u32 $0x1, s1  }
0x8c: {  	s16 =	sshll.u32 s0, $0xA;
	s2 =	sadd.s32 s3, s2  }
0x8d: {  	s2 =	sadd.s32 s2, s16  }
0x8e: {  	[smem:$0x3FC1] =	sst s2  }
0x8f: {  	_ = 	snop  }
0x90: {  	(tm) =	ssettm $0x1  }
0x91: {  	s17 =	sld [smem:$0x3FFB];
	_ =	sdelay $0x3  }
0x92: {  	_ =	strace s17  }
0x93: {  	s2 =	sld [smem:$0x3FFC];
	_ =	sdelay $0x3  }
0x94: {  	_ =	strace s2  }
0x95: {  	s2 =	sld [smem:$0x3FFD];
	_ =	sdelay $0x3  }
0x96: {  	_ =	strace s2  }
0x97: {  	_ =	strace $0x8FFFFFFF  }
0x98: {  	s18 =	sld [smem:$0x3FDB];
	_ =	sdelay $0x1  }
0x99: {  	s19 =	simm.s32 $_scs_section_size  }
0x9a: {  	s4 =	simm.s32 $_size__tile_overlayer_lowered;
	s5 =	simm.s32 $_tile_overlayer_lowered  }
0x9b: {  	s22 =	simm.s32 $0x1BFF;
	s21 =	sshll.u32 s5, $0x1;
	s2 =	sadd.s32 s19, s18  }
0x9c: {  	s6 =	simm.s32 $0x0;
	s20 =	sshll.u32 s4, $0x1;
	s4 =	sadd.s32 s21, s2  }
0x9d: {  	[timem:s6], [sflag:s22] =	dma.local [hbm:s4], s20  }
0x9e: {  	_ =	swait.ge [sflag:s22], s20  }
0x9f: {  	s3 =	ssub.s32 $0x0, s20;
	[sflag:s22] =	ssyncset.done $0x0  }
0xa0: {  	[sflag:s22] =	ssyncadd.s32 s3;
	_ =	sdelay $0x1  }
0xa1: {  	s23 =	simm.s32 $0x1B8B  }
0xa2: {  	_ =	swait.ge [sflag:s23], $0x1  }
0xa3: {  	[sflag:s23] =	ssyncset.done $0x0  }
0xa4: {  	s25 =	simm.s32 $0x1B8E;
	s24 =	sld [smem:$0x3FFE];
	[sflag:s23] =	ssyncadd.s32 $0xFFFFFFFF  }
0xa5: {  	s26 =	simm.s32 $execute0_lowered;
	[smem:$0x3FD2] =	sst s25  }
0xa6: {  	s4 =	sshll.u32 s26, $0x1;
	_ =	strace $0x80000046;
	[dreg:$0x1] =	wrdreg $0xFFFFFFFF  }
0xa7: {  	s28 =	simm.s32 $_size_execute0_lowered;
	s2 =	sadd.s32 s2, s4;
	[dreg:$0x0] =	wrdreg $0x0  }
0xa8: {  	s4 =	sshll.u32 s28, $0x1;
	[dreg:$0x2] =	wrdreg s2  }
0xa9: {  	[dreg:$0x3] =	wrdreg s4  }
0xaa: {  	[dreg:$0x4] =	wrdreg $0xC0  }
0xab: {  	_ =	task [dreg:s6], $0x5FFFF  }
0xac: {  	[dreg:$0x1] =	wrdreg $0xFFFFFFFF  }
0xad: {  	[dreg:$0x0] =	wrdreg $0x60  }
0xae: {  	[dreg:$0x2] =	wrdreg s24  }
0xaf: {  	[dreg:$0x3] =	wrdreg $0x9  }
0xb0: {  	_ =	task.clear_ibuf [dreg:s6], $0x4FFFF;
	_ =	strace $0x90000046  }
0xb1: {  	s29 =	simm.s32 $0x9;
	_ =	strace $0x80000048  }
0xb2: {  	_ =	swait.ge [sflag:s29], $0x1  }
0xb3: {  	[sflag:s29] =	ssyncadd.s32 $0xFFFFFFFF  }
0xb4: {  	_ =	strace $0x90000048  }
0xb5: {  	_ =	sfence  }
0xb6: {  	s30 =	sld [smem:$0x0];
	_ =	sdelay $0x2  }
0xb7: {  	s31 =	sshll.u32 s1, $0xD;
	s1 =	sshrl.u32 s1, $0x2  }
0xb8: {  	s3 =	sand.u32 $0x4000, s31;
	s1 =	sadd.s32 s1, s30  }
0xb9: {  	s0 =	sor.u32 s3, s0;
	s1 =	sshll.u32 s1, $0x11  }
0xba: {  	s0 =	sor.u32 s1, s0  }
0xbb: {  	s0 =	sadd.s32 $0x8F2B, s0  }
0xbc: {  	[sflag:s0] =	ssyncadd.remote.s32 $0x1  }
0xbd: {  	_ =	sfence.sel $0xFFFF  }
0xbe: {  	[dreg:$0x0] =	wrdreg $0xFFFFFFFF;
	(pc) =	sbr.abs _section_cstart, $3  }
0xbf: {  	[dreg:$0x1] =	wrdreg $0xFFFFFFFF  }
0xc0: {  	_ =	task.clear_ibuf [dreg:s6], $0x2FFFF;
	_ =	strace $0x9FFFFFFF  }
0xc1: {  	(tm) =	ssettm $0x7FFFFFFF  }
tec
execute0_lowered:
.L_overlay_start_1:
0x0: {  	(tag) =	ssettag $0x1  }
0x1: {  	s0 =	srdreg.scid  }
0x2: {  	s3 =	sand.u32 $0x1, s0  }
0x3: {  	s0 =	stileid.u32;
	s1 =	sshll.u32 s3, $0x4  }
0x4: {  	s4 =	rddreg [dreg:$0x0];
	s2 =	simm.s32 $0x0;
	s1 =	sor.u32 s0, s1  }
0x5: {  	s7 =	simm.s32 $0x2780;
	s3 =	ssub.s32 $0x2, s3;
	s5 =	smul.u32 $0x2710, s1  }
0x6: {  	s8 =	simm.s32 $0x0;
	[smem:$0x7FF] =	sst s2;
	s6 =	sshrl.u32 s3, $0x1  }
0x7: {  	s1 =	rddreg [dreg:$0x1];
	_ =	strace $0x80000047;
	s5 =	sshrl.u32 s5, $0x3  }
0x8: {  	s31 =	ssub.s32 s3, s6;
	s6 =	simm.s32 $0x1;
	s4 =	sadd.s32 s5, s4  }
0x9: {  	v0 =	vimm.f32 $0.0e+00;
	v1 =	vimm.f32 $1.000000000e+00;
	s5 =	smax.u32 s31, $0x1;
	s3 =	sadd.s32 $0xC640, s4;
	s4 =	sadd.s32 $0x16400, s4  }
.LBB2_1:
0xa: {  	[tilespmem:s2], [sflag:$0x1] =	stream.linear.gather [hbm4b:s3+s2], $0x2710, $0x38;
	[tilespmem:$0x4F00] =	vst v63  }
0xb: {  	_ =	swait.ge [sflag:s6], $0x2710  }
0xc: {  	[sflag:s6] =	ssyncset.done $0x0  }
0xd: {  	s9 =	simm.s32 $0x0;
	s10 =	simm.s32 $0x200;
	[sflag:s6] =	ssyncadd.s32 $0xFFFFD8F0  }
.LBB2_2:
0xe: {  	p0 =	sne.s32 s10, $0x9A00;
	[tilespmem:s9+$0x27F0] =	vst v0  }
0xf: {  	[tilespmem:s9+$0x2780] =	vst v0  }
0x10: {  	[tilespmem:s9+$0x2790] =	vst v0  }
.Ltmp0:
0x11: {  	[tilespmem:s9+$0x27A0] =	vst v0;
	(pc) =	sbr.rel @p0 .LBB2_2-.Ltmp0, $4  }
0x12: {  	[tilespmem:s9+$0x27B0] =	vst v0  }
0x13: {  	[tilespmem:s9+$0x27C0] =	vst v0  }
0x14: {  	[tilespmem:s9+$0x27D0] =	vst v0  }
0x15: {  	[tilespmem:s9+$0x27E0] =	vst v0;
	s9 =	sshra.s32 s10, $0x2;
	s10 =	sadd.s32 $0x200, s10  }
0x16: {  	[tilespmem:s9+$0x27F0] =	vst v0  }
0x17: {  	[tilespmem:s9+$0x2780] =	vst v0  }
0x18: {  	[tilespmem:s9+$0x2790] =	vst v0  }
0x19: {  	[tilespmem:s9+$0x27A0] =	vst v0  }
0x1a: {  	[tilespmem:s9+$0x27B0] =	vst v0  }
0x1b: {  	[tilespmem:s9+$0x27C0] =	vst v0  }
0x1c: {  	[tilespmem:s9+$0x27D0] =	vst v0  }
0x1d: {  	[tilespmem:s9+$0x27E0] =	vst v0  }
0x1e: {  	s9 =	simm.s32 $0x0;
	[tilespmem:$0x4E80] =	vst v0  }
.LBB2_4:
0x1f: {  	s10 =	sshra.s32 s9, $0x2  }
0x20: {  	v2 =	vld [tilespmem:s10+$0x0];
	_ =	sdelay $0x7  }
0x21: {  	[tilespmem:v2+s7+$0x0] =	vst.idx.add.f32.msk $0xffff, v1  }
0x22: {  	v2 =	vld [tilespmem:s10+$0x10];
	_ =	sdelay $0x7  }
0x23: {  	[tilespmem:v2+s7+$0x0] =	vst.idx.add.f32.msk $0xffff, v1  }
0x24: {  	v2 =	vld [tilespmem:s10+$0x20];
	_ =	sdelay $0x7  }
0x25: {  	[tilespmem:v2+s7+$0x0] =	vst.idx.add.f32.msk $0xffff, v1  }
0x26: {  	v2 =	vld [tilespmem:s10+$0x30];
	_ =	sdelay $0x7  }
0x27: {  	[tilespmem:v2+s7+$0x0] =	vst.idx.add.f32.msk $0xffff, v1  }
0x28: {  	v2 =	vld [tilespmem:s10+$0x40];
	_ =	sdelay $0x7  }
0x29: {  	[tilespmem:v2+s7+$0x0] =	vst.idx.add.f32.msk $0xffff, v1  }
0x2a: {  	v2 =	vld [tilespmem:s10+$0x50];
	_ =	sdelay $0x7  }
0x2b: {  	[tilespmem:v2+s7+$0x0] =	vst.idx.add.f32.msk $0xffff, v1  }
0x2c: {  	v2 =	vld [tilespmem:s10+$0x60];
	_ =	sdelay $0x7  }
0x2d: {  	[tilespmem:v2+s7+$0x0] =	vst.idx.add.f32.msk $0xffff, v1  }
0x2e: {  	v2 =	vld [tilespmem:s10+$0x70];
	_ =	sdelay $0x2  }
0x2f: {  	p0 =	sne.s32 s9, $0x9A00  }
.Ltmp1:
0x30: {  	_ = 	snop;
	(pc) =	sbr.rel @p0 .LBB2_4-.Ltmp1, $2  }
0x31: {  	_ =	sdelay $0x2  }
0x32: {  	s9 =	sadd.s32 $0x200, s9;
	[tilespmem:v2+s7+$0x0] =	vst.idx.add.f32.msk $0xffff, v1  }
0x33: {  	v2 =	vld [tilespmem:$0x2700];
	_ =	sdelay $0x5  }
0x34: {  	s8 =	sadd.s32 $0x1, s8  }
0x35: {  	p0 =	sne.s32 s8, s5  }
.Ltmp2:
0x36: {  	[tilespmem:v2+s7+$0x0] =	vst.idx.add.f32.msk $0xffff, v1;
	(pc) =	sbr.rel @p0 .LBB2_1-.Ltmp2, $4  }
0x37: {  	[hbm4b:s4+s2] =	stream.linear.scatter [tilespmem:s7], [sflag:$0x1], $0x2710, $0x38;
	[tilespmem:$0x4F00] =	vst v63  }
0x38: {  	_ =	swait.ge [sflag:s6], $0x2710  }
0x39: {  	[sflag:s6] =	ssyncset.done $0x0  }
0x3a: {  	[sflag:s6] =	ssyncadd.s32 $0xFFFFD8F0  }
0x3b: {  	_ =	sfence.sel $0x180000  }
0x3c: {  	[bflag:$0x0] =	sbarrier.arrive $0xFFFF  }
0x3d: {  	p0 =	sne.s32 s0, $0x0;
	_ =	strace $0x90000047  }
0x3e: {  	s0 =	sadd.s32 @!p0 $0x100000, s1;
	[bflag:$0x2] =	sbarrier.arrive $0xFFFF  }
0x3f: {  	[sflag:s0] =	ssyncadd.tile.s32 @!p0 $0x1;
	_ =	shalt  }
.Lfunc_end2:
_tile_overlayer_lowered:
.L_overlay_start_2:
0x40: {  	(tag) =	ssettag $0x2  }
0x41: {  	s0 =	rddreg [dreg:$0x0];
	s2 =	stileid.u32  }
0x42: {  	s1 =	rddreg [dreg:$0x1];
	p0 =	sne.s32 s2, $0x0  }
0x43: {  	s3 =	rddreg [dreg:$0x2];
	[bflag:$0x3] =	sbarrier.arrive $0xFFFF;
	s2 =	simm.s32 @!p0 $0x1C01  }
0x44: {  	[timem:s3], [sflag:s2] =	dma.local @!p0 [hbm:s0], s1  }
0x45: {  	s0 =	simm.s32 @!p0 $0x1  }
0x46: {  	_ =	swait.ge @!p0 [sflag:s0], s1  }
0x47: {  	s1 =	ssub.s32 @!p0 $0x0, s1;
	[sflag:s0] =	ssyncset.done @!p0 $0x0  }
0x48: {  	[sflag:s0] =	ssyncadd.s32 @!p0 s1  }
0x49: {  	[bflag:$0x3] =	sbarrier.arrive $0xFFFF  }
0x4a: {  	_ =	shalt  }

</sc_bundles>
